<compile_context>
chip_gen: v7x
topology: tpu7x:2x2x1
jax: 0.10.2.dev20260603
libtpu: 0.0.44.dev20260713+nightly
codegen_flags: <defaults>
</compile_context>

<pallas_src>
import functools

import jax
import jax.numpy as jnp
from jax import lax
from jax.experimental import pallas as pl
from jax.experimental.pallas import tpu as pltpu
from jax.experimental.pallas import tpu_sc as plsc

_LANES = 16
_CHUNK = 128
_SPLIT = 24


def _dense_pre(xp, p16, W1, n_pad, blk):
    def body(x_ref, p_ref, w_ref, t0_ref, t1_ref):
        a = jnp.dot(x_ref[...], w_ref[...], preferred_element_type=jnp.float32)
        t0_ref[...] = jnp.concatenate([a[:, :_SPLIT], p_ref[...]], axis=1)
        t1_ref[...] = a[:, _SPLIT:]

    return pl.pallas_call(
        body,
        grid=(n_pad // blk,),
        in_specs=[
            pl.BlockSpec((blk, xp.shape[1]), lambda i: (i, 0)),
            pl.BlockSpec((blk, 16), lambda i: (i, 0)),
            pl.BlockSpec(W1.shape, lambda i: (0, 0)),
        ],
        out_specs=[pl.BlockSpec((blk, 40), lambda i: (i, 0))] * 2,
        out_shape=[jax.ShapeDtypeStruct((n_pad, 40), jnp.float32)] * 2,
    )(xp, p16, W1)


_IB = 14
_ECH = 64
_EIB = 4


def _edge_agg(t0, t1, src, dst, n_pad, e_pad):
    rows = n_pad // 16
    chunks = e_pad // 16 // _ECH
    blocks = chunks // _EIB
    src2 = src.reshape(-1, _ECH)
    dst2 = dst.reshape(-1, _ECH)
    mesh = plsc.VectorSubcoreMesh(core_axis_name="c", subcore_axis_name="s")

    @functools.partial(
        pl.kernel,
        out_type=[jax.ShapeDtypeStruct((n_pad, 40), jnp.float32)] * 2,
        mesh=mesh,
        compiler_params=pltpu.CompilerParams(use_tc_tiling_on_sc=False),
        scratch_types=[
            pltpu.VMEM_SHARED((n_pad, 40), jnp.float32),
            pltpu.VMEM((_EIB, _ECH), jnp.int32),
            pltpu.VMEM((_EIB, _ECH), jnp.int32),
            pltpu.VMEM((_ECH, 40), jnp.float32),
            pltpu.VMEM((_ECH, 40), jnp.float32),
            pltpu.SemaphoreType.DMA,
            pltpu.SemaphoreType.DMA,
        ],
    )
    def k(t0_hbm, t1_hbm, src_hbm, dst_hbm, o0_hbm, o1_hbm,
          acc, isrc, idst, rb0, rb1, gsem, ssem):
        c = lax.axis_index("c")
        s = lax.axis_index("s")
        rbase = s * rows
        bufs = (rb0, rb1)

        def work(tbl, out):
            pltpu.sync_copy(tbl.at[pl.ds(rbase, rows)],
                            acc.at[pl.ds(rbase, rows)])
            plsc.subcore_barrier()

            def step(b, carry):
                row0 = s * chunks + b * _EIB
                pltpu.sync_copy(src_hbm.at[pl.ds(row0, _EIB)], isrc)
                pltpu.sync_copy(dst_hbm.at[pl.ds(row0, _EIB)], idst)
                gd = [None] * _EIB
                sd = [None] * _EIB
                gd[0] = pltpu.async_copy(tbl.at[isrc.at[0]], bufs[0], gsem)
                for j in range(_EIB):
                    gd[j].wait()
                    sd[j] = pltpu.async_copy(
                        bufs[j % 2], acc.at[idst.at[j]], ssem, add=True)
                    if j + 1 < _EIB:
                        if j >= 1:
                            sd[j - 1].wait()
                        gd[j + 1] = pltpu.async_copy(
                            tbl.at[isrc.at[j + 1]], bufs[(j + 1) % 2], gsem)
                sd[_EIB - 2].wait()
                sd[_EIB - 1].wait()
                return carry

            lax.fori_loop(0, blocks, step, 0)
            plsc.subcore_barrier()
            pltpu.sync_copy(acc.at[pl.ds(rbase, rows)],
                            out.at[pl.ds(rbase, rows)])

        pl.when(c == 0)(lambda: work(t0_hbm, o0_hbm))
        pl.when(c == 1)(lambda: work(t1_hbm, o1_hbm))

    return k(t0, t1, src2, dst2)


def _dense_post(g0, g1, b1, wp16, bp, W2, n_pad, blk):
    def body(g0_ref, g1_ref, b1_ref, wp_ref, bp_ref, w2_ref, u_ref):
        g0v = g0_ref[...]
        x1 = jnp.maximum(
            jnp.concatenate([g0v[:, :_SPLIT], g1_ref[...]], axis=1)
            + b1_ref[...], 0.0)
        p1 = jnp.maximum(
            jnp.dot(g0v[:, _SPLIT:], wp_ref[...],
                    preferred_element_type=jnp.float32) + bp_ref[...], 0.0)
        h = jnp.concatenate([x1, p1], axis=1)
        u = jnp.dot(h, jnp.sum(w2_ref[...], axis=1))
        u_ref[...] = jnp.broadcast_to(u[:, None], u_ref.shape)

    return pl.pallas_call(
        body,
        grid=(n_pad // blk,),
        in_specs=[
            pl.BlockSpec((blk, 40), lambda i: (i, 0)),
            pl.BlockSpec((blk, 40), lambda i: (i, 0)),
            pl.BlockSpec((1, 64), lambda i: (0, 0)),
            pl.BlockSpec((16, 64), lambda i: (0, 0)),
            pl.BlockSpec((1, 64), lambda i: (0, 0)),
            pl.BlockSpec((128, 128), lambda i: (0, 0)),
        ],
        out_specs=pl.BlockSpec((blk, 8), lambda i: (i, 0)),
        out_shape=jax.ShapeDtypeStruct((n_pad, 8), jnp.float32),
    )(g0, g1, b1[None, :], wp16, bp[None, :], W2)


def _scalar_stage(u, src, dst, b2, n_pad, e_pad):
    rows = n_pad // 16
    chunks = e_pad // 16 // _CHUNK
    blocks = chunks // _IB
    src2 = src.reshape(-1, _CHUNK)
    dst2 = dst.reshape(-1, _CHUNK)
    mesh = plsc.VectorSubcoreMesh(core_axis_name="c", subcore_axis_name="s",
                                  num_cores=1)

    @functools.partial(
        pl.kernel,
        out_type=jax.ShapeDtypeStruct((e_pad // _CHUNK, _CHUNK), jnp.float32),
        mesh=mesh,
        compiler_params=pltpu.CompilerParams(use_tc_tiling_on_sc=False,
                                             needs_layout_passes=False),
        scratch_types=[
            pltpu.VMEM_SHARED((n_pad,), jnp.float32),
            pltpu.VMEM((n_pad,), jnp.float32),
            pltpu.VMEM((_IB, _CHUNK), jnp.int32),
            pltpu.VMEM((_IB, _CHUNK), jnp.int32),
            pltpu.VMEM((_IB, _CHUNK), jnp.float32),
            pltpu.VMEM((_IB, _CHUNK), jnp.float32),
            pltpu.VMEM((_CHUNK,), jnp.float32),
            pltpu.SemaphoreType.DMA,
        ],
    )
    def k(u_hbm, src_hbm, dst_hbm, b2_hbm, out_hbm,
          acc, uloc, isrc, idst, vals, obuf, b2v, ssem):
        s = lax.axis_index("s")
        rbase = s * rows
        pltpu.sync_copy(u_hbm.at[pl.ds(rbase, rows)],
                        acc.at[pl.ds(rbase, rows)])
        pltpu.sync_copy(u_hbm, uloc)
        pltpu.sync_copy(b2_hbm, b2v)
        plsc.subcore_barrier()

        def step(b, carry):
            row0 = s * chunks + b * _IB
            pltpu.sync_copy(src_hbm.at[pl.ds(row0, _IB)], isrc)
            pltpu.sync_copy(dst_hbm.at[pl.ds(row0, _IB)], idst)
            descs = []
            for j in range(_IB):
                for i in range(_CHUNK // _LANES):
                    iv = isrc[j, pl.ds(i * _LANES, _LANES)]
                    vals[j, pl.ds(i * _LANES, _LANES)] = (
                        plsc.load_gather(uloc, [iv]))
                descs.append(pltpu.async_copy(
                    vals.at[j], acc.at[idst.at[j]], ssem, add=True))
            for d in descs:
                d.wait()
            return carry

        lax.fori_loop(0, blocks, step, 0)
        plsc.subcore_barrier()
        pltpu.sync_copy(acc, uloc)
        t16 = b2v[pl.ds(0, _LANES)]
        for i in range(1, 8):
            t16 = t16 + b2v[pl.ds(i * _LANES, _LANES)]
        b2s = jnp.sum(t16)

        def step2(b, carry):
            row0 = s * chunks + b * _IB
            pltpu.sync_copy(dst_hbm.at[pl.ds(row0, _IB)], idst)
            for j in range(_IB):
                for i in range(_CHUNK // _LANES):
                    iv = idst[j, pl.ds(i * _LANES, _LANES)]
                    obuf[j, pl.ds(i * _LANES, _LANES)] = (
                        plsc.load_gather(uloc, [iv]) + b2s)
            pltpu.sync_copy(obuf, out_hbm.at[pl.ds(row0, _IB)])
            return carry

        lax.fori_loop(0, blocks, step2, 0)

    return k(u, src2, dst2, b2)


def kernel(x, edge_index, pos_embeddings, W1, b1, Wp, bp, W2, b2):
    N = x.shape[1]
    E = edge_index.shape[1]
    xf = x.reshape(N, x.shape[2])
    pf = pos_embeddings.reshape(N, pos_embeddings.shape[2])

    n_pad = ((N + 127) // 128) * 128
    e_pad = ((E + 4095) // 4096) * 4096
    blk = n_pad // 16

    xp = jnp.pad(xf, ((0, n_pad - N), (0, 0)))
    p16 = jnp.pad(pf, ((0, n_pad - N), (0, 16 - pf.shape[1])))
    wp16 = jnp.pad(Wp, ((0, 16 - Wp.shape[0]), (0, 0)))

    src = jnp.pad(edge_index[0], (0, e_pad - E))
    pad_dst = N + (jnp.arange(e_pad - E, dtype=jnp.int32) % (n_pad - N))
    dst = jnp.concatenate([edge_index[1], pad_dst])

    t0, t1 = _dense_pre(xp, p16, W1, n_pad, blk)
    g0, g1 = _edge_agg(t0, t1, src, dst, n_pad, e_pad)
    u = _dense_post(g0, g1, b1, wp16, bp, W2, n_pad, blk)[:, 0]
    ratings = _scalar_stage(u, src, dst, b2, n_pad, e_pad)
    return ratings.reshape(e_pad)[:E]

# --- scband reference (transcript-rebuilt; emitter-appended) ---
"""Pipeline reference for scband-ginmodel-var2-44770739093603 (READ-ONLY COPY).

The authoritative reference and input builder live on the scoring server;
editing this copy changes nothing except your own understanding.
"""

import jax, jax.numpy as jnp
import numpy as np

N = 50000
E = 800000
H = 64
D_FEAT = 100
D_POS = 5


def setup_inputs(seed: int = 0) -> dict:
    key = jax.random.key(seed)
    ks = jax.random.split(key, 9)
    x = jax.random.normal(ks[0], (1, N, D_FEAT), dtype=jnp.float32)
    pos_embeddings = jax.random.normal(ks[1], (1, N, D_POS), dtype=jnp.float32)
    edge_index = jax.random.randint(ks[2], (2, E), 0, N, dtype=jnp.int32)
    W1 = jax.random.normal(ks[3], (D_FEAT, H), dtype=jnp.float32) * 0.1
    b1 = jnp.zeros((H,), dtype=jnp.float32)
    Wp = jax.random.normal(ks[4], (D_POS, H), dtype=jnp.float32) * 0.1
    bp = jnp.zeros((H,), dtype=jnp.float32)
    W2 = jax.random.normal(ks[5], (2 * H, 2 * H), dtype=jnp.float32) * 0.05
    b2 = jnp.zeros((2 * H,), dtype=jnp.float32)
    return {"x": x, "edge_index": edge_index, "pos_embeddings": pos_embeddings,
            "W1": W1, "b1": b1, "Wp": Wp, "bp": bp, "W2": W2, "b2": b2}


def reference(x, edge_index, pos_embeddings, W1, b1, Wp, bp, W2, b2):
    # GINConv (eps=0): out = nn(x + sum_{j in N(i)} x_j)
    x = x.reshape(-1, x.shape[2])
    pos = pos_embeddings.reshape(-1, pos_embeddings.shape[2])
    src = edge_index[0]
    dst = edge_index[1]

    def gin_agg(h):
        agg = jnp.zeros_like(h).at[dst].add(h[src])
        return h + agg

    # conv1: Linear(100, H), then ReLU
    x = gin_agg(x) @ W1 + b1
    x = jax.nn.relu(x)
    # conv1_pos: Linear(5, H), then ReLU
    pos = gin_agg(pos) @ Wp + bp
    pos = jax.nn.relu(pos)
    # conv2_var2: Linear(2H, 2H) on concatenated features
    h = jnp.concatenate([x, pos], axis=1)
    h = gin_agg(h) @ W2 + b2
    # gather product embeddings at dst nodes and reduce
    product_embed = h[dst]
    ratings = jnp.sum(product_embed, axis=1)
    return ratings

if __name__ == "__main__":
    import jax
    _d = setup_inputs()
    print(jax.jit(kernel)(*tuple(_d.values())))

</pallas_src>

<mosaic_0001>
#map = affine_map<(d0, d1) -> (0, 0)>
module attributes {stable_mosaic.version = 14 : i64} {
  func.func @k(%arg0: i32, %arg1: i32, %arg2: memref<50048x40xf32, #tpu.memory_space<hbm>>, %arg3: memref<50048x40xf32, #tpu.memory_space<hbm>>, %arg4: memref<12544x64xi32, #tpu.memory_space<hbm>>, %arg5: memref<12544x64xi32, #tpu.memory_space<hbm>>, %arg6: memref<50048x40xf32, #tpu.memory_space<hbm>>, %arg7: memref<50048x40xf32, #tpu.memory_space<hbm>>, %arg8: memref<50048x40xf32, #tpu.memory_space<vmem_shared>>, %arg9: memref<4x64xi32, #tpu.memory_space<vmem>>, %arg10: memref<4x64xi32, #tpu.memory_space<vmem>>, %arg11: memref<64x40xf32, #tpu.memory_space<vmem>>, %arg12: memref<64x40xf32, #tpu.memory_space<vmem>>, %arg13: memref<!tpu.dma_semaphore, #tpu.memory_space<semaphore_mem>>, %arg14: memref<!tpu.dma_semaphore, #tpu.memory_space<semaphore_mem>>) attributes {dimension_semantics = [#tpu.dimension_semantics<core_parallel>, #tpu.dimension_semantics<subcore_parallel>], iteration_bounds = array<i64: 2, 16>, scalar_prefetch = 0 : i64, scratch_operands = 7 : i64, tpu.core_type = #tpu.core_type<sc_vector_subcore>, window_params = [{transform_indices = #map}, {transform_indices = #map}, {transform_indices = #map}, {transform_indices = #map}, {transform_indices = #map}, {transform_indices = #map}]} {
    %mul3A = arith.constant 3128 : i32
    %mul3A_0 = arith.muli %arg1, %mul3A : i32
    %eq3A = arith.constant 0 : i32
    %eq3A_1 = arith.cmpi eq, %arg0, %eq3A : i32
    %convert_element_type3A = arith.extui %eq3A_1 : i1 to i32
    %cond3A = arith.constant 0 : i32
    %cond3A_2 = arith.cmpi ne, %convert_element_type3A, %cond3A : i32
    scf.if %cond3A_2 {
      "tpu.region"() ({
        %run_scoped3A = tpu.sem_alloc : memref<!tpu.dma_semaphore, #tpu.memory_space<semaphore_mem>>
        %dma_start3A = arith.constant 0 : i32
        %dma_start3A_14 = tpu.memref_slice %arg8[%mul3A_0, %dma_start3A] : memref<50048x40xf32, #tpu.memory_space<vmem_shared>> -> memref<3128x40xf32, #tpu.memory_space<vmem_shared>>
        %dma_start3A_15 = arith.constant 0 : i32
        %dma_start3A_16 = tpu.memref_slice %arg2[%mul3A_0, %dma_start3A_15] : memref<50048x40xf32, #tpu.memory_space<hbm>> -> memref<3128x40xf32, #tpu.memory_space<hbm>>
        tpu.enqueue_dma source(%dma_start3A_16 : memref<3128x40xf32, #tpu.memory_space<hbm>>) target(%dma_start3A_14 : memref<3128x40xf32, #tpu.memory_space<vmem_shared>>) target_semaphore(%run_scoped3A : memref<!tpu.dma_semaphore, #tpu.memory_space<semaphore_mem>>)
        %dma_wait3A = arith.constant 0 : i32
        %dma_wait3A_17 = tpu.memref_slice %arg8[%mul3A_0, %dma_wait3A] : memref<50048x40xf32, #tpu.memory_space<vmem_shared>> -> memref<3128x40xf32, #tpu.memory_space<vmem_shared>>
        %dma_wait3A_18 = arith.constant 0 : i32
        %dma_wait3A_19 = tpu.memref_slice %arg2[%mul3A_0, %dma_wait3A_18] : memref<50048x40xf32, #tpu.memory_space<hbm>> -> memref<3128x40xf32, #tpu.memory_space<hbm>>
        tpu.wait_dma2 semaphore(%run_scoped3A : memref<!tpu.dma_semaphore, #tpu.memory_space<semaphore_mem>>) src(%dma_wait3A_19 : memref<3128x40xf32, #tpu.memory_space<hbm>>) dst(%dma_wait3A_17 : memref<3128x40xf32, #tpu.memory_space<vmem_shared>>)
        tpu.yield
      }) : () -> ()
      %barrier3A = arith.constant 0 : index
      tpu.barrier barrier_id(%barrier3A)
      %scan3A = arith.constant 0 : i32
      %scan3A_8 = arith.constant 0 : i32
      %scan3A_9 = arith.constant 196 : i32
      %scan3A_10 = arith.addi %scan3A_8, %scan3A_9 : i32
      %scan3A_11 = arith.constant 1 : i32
      scf.for %scan3A_14 = %scan3A_8 to %scan3A_10 step %scan3A_11  : i32 {
        %mul3A_15 = arith.constant 784 : i32
        %mul3A_16 = arith.muli %arg1, %mul3A_15 : i32
        %mul3A_17 = arith.constant 4 : i32
        %mul3A_18 = arith.muli %scan3A_14, %mul3A_17 : i32
        %add3A = arith.addi %mul3A_16, %mul3A_18 : i32
        "tpu.region"() ({
          %run_scoped3A = tpu.sem_alloc : memref<!tpu.dma_semaphore, #tpu.memory_space<semaphore_mem>>
          %dma_start3A_129 = arith.constant 0 : i32
          %dma_start3A_130 = tpu.memref_slice %arg4[%add3A, %dma_start3A_129] : memref<12544x64xi32, #tpu.memory_space<hbm>> -> memref<4x64xi32, #tpu.memory_space<hbm>>
          %dma_start3A_131 = arith.constant 0 : i32
          %dma_start3A_132 = tpu.memref_slice %arg4[%add3A, %dma_start3A_131] : memref<12544x64xi32, #tpu.memory_space<hbm>> -> memref<4x64xi32, #tpu.memory_space<hbm>>
          tpu.enqueue_dma source(%dma_start3A_132 : memref<4x64xi32, #tpu.memory_space<hbm>>) target(%arg9 : memref<4x64xi32, #tpu.memory_space<vmem>>) target_semaphore(%run_scoped3A : memref<!tpu.dma_semaphore, #tpu.memory_space<semaphore_mem>>)
          %dma_wait3A_133 = arith.constant 0 : i32
          %dma_wait3A_134 = tpu.memref_slice %arg4[%add3A, %dma_wait3A_133] : memref<12544x64xi32, #tpu.memory_space<hbm>> -> memref<4x64xi32, #tpu.memory_space<hbm>>
          %dma_wait3A_135 = arith.constant 0 : i32
          %dma_wait3A_136 = tpu.memref_slice %arg4[%add3A, %dma_wait3A_135] : memref<12544x64xi32, #tpu.memory_space<hbm>> -> memref<4x64xi32, #tpu.memory_space<hbm>>
          tpu.wait_dma2 semaphore(%run_scoped3A : memref<!tpu.dma_semaphore, #tpu.memory_space<semaphore_mem>>) src(%dma_wait3A_136 : memref<4x64xi32, #tpu.memory_space<hbm>>) dst(%arg9 : memref<4x64xi32, #tpu.memory_space<vmem>>)
          tpu.yield
        }) : () -> ()
        "tpu.region"() ({
          %run_scoped3A = tpu.sem_alloc : memref<!tpu.dma_semaphore, #tpu.memory_space<semaphore_mem>>
          %dma_start3A_129 = arith.constant 0 : i32
          %dma_start3A_130 = tpu.memref_slice %arg5[%add3A, %dma_start3A_129] : memref<12544x64xi32, #tpu.memory_space<hbm>> -> memref<4x64xi32, #tpu.memory_space<hbm>>
          %dma_start3A_131 = arith.constant 0 : i32
          %dma_start3A_132 = tpu.memref_slice %arg5[%add3A, %dma_start3A_131] : memref<12544x64xi32, #tpu.memory_space<hbm>> -> memref<4x64xi32, #tpu.memory_space<hbm>>
          tpu.enqueue_dma source(%dma_start3A_132 : memref<4x64xi32, #tpu.memory_space<hbm>>) target(%arg10 : memref<4x64xi32, #tpu.memory_space<vmem>>) target_semaphore(%run_scoped3A : memref<!tpu.dma_semaphore, #tpu.memory_space<semaphore_mem>>)
          %dma_wait3A_133 = arith.constant 0 : i32
          %dma_wait3A_134 = tpu.memref_slice %arg5[%add3A, %dma_wait3A_133] : memref<12544x64xi32, #tpu.memory_space<hbm>> -> memref<4x64xi32, #tpu.memory_space<hbm>>
          %dma_wait3A_135 = arith.constant 0 : i32
          %dma_wait3A_136 = tpu.memref_slice %arg5[%add3A, %dma_wait3A_135] : memref<12544x64xi32, #tpu.memory_space<hbm>> -> memref<4x64xi32, #tpu.memory_space<hbm>>
          tpu.wait_dma2 semaphore(%run_scoped3A : memref<!tpu.dma_semaphore, #tpu.memory_space<semaphore_mem>>) src(%dma_wait3A_136 : memref<4x64xi32, #tpu.memory_space<hbm>>) dst(%arg10 : memref<4x64xi32, #tpu.memory_space<vmem>>)
          tpu.yield
        }) : () -> ()
        %dma_start3A = arith.constant 0 : i32
        %dma_start3A_19 = arith.constant 0 : i32
        %dma_start3A_20 = tpu.memref_slice %arg9[%dma_start3A, %dma_start3A_19] : memref<4x64xi32, #tpu.memory_space<vmem>> -> memref<1x64xi32, #tpu.memory_space<vmem>>
        %dma_start3A_21 = tpu.memref_squeeze %dma_start3A_20 : memref<1x64xi32, #tpu.memory_space<vmem>> -> memref<64xi32, #tpu.memory_space<vmem>>
        %dma_start3A_22 = arith.constant 0 : i32
        %dma_start3A_23 = arith.constant 0 : i32
        %dma_start3A_24 = tpu.memref_slice %arg2[%dma_start3A_22, %dma_start3A_23] : memref<50048x40xf32, #tpu.memory_space<hbm>> -> memref<50048x40xf32, #tpu.memory_space<hbm>>
        tpu.enqueue_indirect_dma source(%dma_start3A_24 : memref<50048x40xf32, #tpu.memory_space<hbm>>) target(%arg11 : memref<64x40xf32, #tpu.memory_space<vmem>>) offsets(%dma_start3A_21 : memref<64xi32, #tpu.memory_space<vmem>>) semaphore(%arg13 : memref<!tpu.dma_semaphore, #tpu.memory_space<semaphore_mem>>)
        %dma_wait3A = arith.constant 0 : i32
        %dma_wait3A_25 = arith.constant 0 : i32
        %dma_wait3A_26 = tpu.memref_slice %arg9[%dma_wait3A, %dma_wait3A_25] : memref<4x64xi32, #tpu.memory_space<vmem>> -> memref<1x64xi32, #tpu.memory_space<vmem>>
        %dma_wait3A_27 = tpu.memref_squeeze %dma_wait3A_26 : memref<1x64xi32, #tpu.memory_space<vmem>> -> memref<64xi32, #tpu.memory_space<vmem>>
        %dma_wait3A_28 = arith.constant 0 : i32
        %dma_wait3A_29 = arith.constant 0 : i32
        %dma_wait3A_30 = tpu.memref_slice %arg2[%dma_wait3A_28, %dma_wait3A_29] : memref<50048x40xf32, #tpu.memory_space<hbm>> -> memref<50048x40xf32, #tpu.memory_space<hbm>>
        tpu.wait_indirect_dma semaphore(%arg13 : memref<!tpu.dma_semaphore, #tpu.memory_space<semaphore_mem>>) src(%dma_wait3A_30 : memref<50048x40xf32, #tpu.memory_space<hbm>>) dst(%arg11 : memref<64x40xf32, #tpu.memory_space<vmem>>)
        %dma_start3A_31 = arith.constant 0 : i32
        %dma_start3A_32 = arith.constant 0 : i32
        %dma_start3A_33 = tpu.memref_slice %arg10[%dma_start3A_31, %dma_start3A_32] : memref<4x64xi32, #tpu.memory_space<vmem>> -> memref<1x64xi32, #tpu.memory_space<vmem>>
        %dma_start3A_34 = tpu.memref_squeeze %dma_start3A_33 : memref<1x64xi32, #tpu.memory_space<vmem>> -> memref<64xi32, #tpu.memory_space<vmem>>
        %dma_start3A_35 = arith.constant 0 : i32
        %dma_start3A_36 = arith.constant 0 : i32
        %dma_start3A_37 = tpu.memref_slice %arg8[%dma_start3A_35, %dma_start3A_36] : memref<50048x40xf32, #tpu.memory_space<vmem_shared>> -> memref<50048x40xf32, #tpu.memory_space<vmem_shared>>
        tpu.enqueue_indirect_dma source(%arg11 : memref<64x40xf32, #tpu.memory_space<vmem>>) target(%dma_start3A_37 : memref<50048x40xf32, #tpu.memory_space<vmem_shared>>) offsets(%dma_start3A_34 : memref<64xi32, #tpu.memory_space<vmem>>) semaphore(%arg14 : memref<!tpu.dma_semaphore, #tpu.memory_space<semaphore_mem>>) {add = true}
        %dma_start3A_38 = arith.constant 1 : i32
        %dma_start3A_39 = arith.constant 0 : i32
        %dma_start3A_40 = tpu.memref_slice %arg9[%dma_start3A_38, %dma_start3A_39] : memref<4x64xi32, #tpu.memory_space<vmem>> -> memref<1x64xi32, #tpu.memory_space<vmem>>
        %dma_start3A_41 = tpu.memref_squeeze %dma_start3A_40 : memref<1x64xi32, #tpu.memory_space<vmem>> -> memref<64xi32, #tpu.memory_space<vmem>>
        %dma_start3A_42 = arith.constant 0 : i32
        %dma_start3A_43 = arith.constant 0 : i32
        %dma_start3A_44 = tpu.memref_slice %arg2[%dma_start3A_42, %dma_start3A_43] : memref<50048x40xf32, #tpu.memory_space<hbm>> -> memref<50048x40xf32, #tpu.memory_space<hbm>>
        tpu.enqueue_indirect_dma source(%dma_start3A_44 : memref<50048x40xf32, #tpu.memory_space<hbm>>) target(%arg12 : memref<64x40xf32, #tpu.memory_space<vmem>>) offsets(%dma_start3A_41 : memref<64xi32, #tpu.memory_space<vmem>>) semaphore(%arg13 : memref<!tpu.dma_semaphore, #tpu.memory_space<semaphore_mem>>)
        %dma_wait3A_45 = arith.constant 1 : i32
        %dma_wait3A_46 = arith.constant 0 : i32
        %dma_wait3A_47 = tpu.memref_slice %arg9[%dma_wait3A_45, %dma_wait3A_46] : memref<4x64xi32, #tpu.memory_space<vmem>> -> memref<1x64xi32, #tpu.memory_space<vmem>>
        %dma_wait3A_48 = tpu.memref_squeeze %dma_wait3A_47 : memref<1x64xi32, #tpu.memory_space<vmem>> -> memref<64xi32, #tpu.memory_space<vmem>>
        %dma_wait3A_49 = arith.constant 0 : i32
        %dma_wait3A_50 = arith.constant 0 : i32
        %dma_wait3A_51 = tpu.memref_slice %arg2[%dma_wait3A_49, %dma_wait3A_50] : memref<50048x40xf32, #tpu.memory_space<hbm>> -> memref<50048x40xf32, #tpu.memory_space<hbm>>
        tpu.wait_indirect_dma semaphore(%arg13 : memref<!tpu.dma_semaphore, #tpu.memory_space<semaphore_mem>>) src(%dma_wait3A_51 : memref<50048x40xf32, #tpu.memory_space<hbm>>) dst(%arg12 : memref<64x40xf32, #tpu.memory_space<vmem>>)
        %dma_start3A_52 = arith.constant 1 : i32
        %dma_start3A_53 = arith.constant 0 : i32
        %dma_start3A_54 = tpu.memref_slice %arg10[%dma_start3A_52, %dma_start3A_53] : memref<4x64xi32, #tpu.memory_space<vmem>> -> memref<1x64xi32, #tpu.memory_space<vmem>>
        %dma_start3A_55 = tpu.memref_squeeze %dma_start3A_54 : memref<1x64xi32, #tpu.memory_space<vmem>> -> memref<64xi32, #tpu.memory_space<vmem>>
        %dma_start3A_56 = arith.constant 0 : i32
        %dma_start3A_57 = arith.constant 0 : i32
        %dma_start3A_58 = tpu.memref_slice %arg8[%dma_start3A_56, %dma_start3A_57] : memref<50048x40xf32, #tpu.memory_space<vmem_shared>> -> memref<50048x40xf32, #tpu.memory_space<vmem_shared>>
        tpu.enqueue_indirect_dma source(%arg12 : memref<64x40xf32, #tpu.memory_space<vmem>>) target(%dma_start3A_58 : memref<50048x40xf32, #tpu.memory_space<vmem_shared>>) offsets(%dma_start3A_55 : memref<64xi32, #tpu.memory_space<vmem>>) semaphore(%arg14 : memref<!tpu.dma_semaphore, #tpu.memory_space<semaphore_mem>>) {add = true}
        %dma_wait3A_59 = arith.constant 0 : i32
        %dma_wait3A_60 = arith.constant 0 : i32
        %dma_wait3A_61 = tpu.memref_slice %arg10[%dma_wait3A_59, %dma_wait3A_60] : memref<4x64xi32, #tpu.memory_space<vmem>> -> memref<1x64xi32, #tpu.memory_space<vmem>>
        %dma_wait3A_62 = tpu.memref_squeeze %dma_wait3A_61 : memref<1x64xi32, #tpu.memory_space<vmem>> -> memref<64xi32, #tpu.memory_space<vmem>>
        %dma_wait3A_63 = arith.constant 0 : i32
        %dma_wait3A_64 = arith.constant 0 : i32
        %dma_wait3A_65 = tpu.memref_slice %arg8[%dma_wait3A_63, %dma_wait3A_64] : memref<50048x40xf32, #tpu.memory_space<vmem_shared>> -> memref<50048x40xf32, #tpu.memory_space<vmem_shared>>
        tpu.wait_indirect_dma semaphore(%arg14 : memref<!tpu.dma_semaphore, #tpu.memory_space<semaphore_mem>>) src(%arg11 : memref<64x40xf32, #tpu.memory_space<vmem>>) dst(%dma_wait3A_65 : memref<50048x40xf32, #tpu.memory_space<vmem_shared>>)
        %dma_start3A_66 = arith.constant 2 : i32
        %dma_start3A_67 = arith.constant 0 : i32
        %dma_start3A_68 = tpu.memref_slice %arg9[%dma_start3A_66, %dma_start3A_67] : memref<4x64xi32, #tpu.memory_space<vmem>> -> memref<1x64xi32, #tpu.memory_space<vmem>>
        %dma_start3A_69 = tpu.memref_squeeze %dma_start3A_68 : memref<1x64xi32, #tpu.memory_space<vmem>> -> memref<64xi32, #tpu.memory_space<vmem>>
        %dma_start3A_70 = arith.constant 0 : i32
        %dma_start3A_71 = arith.constant 0 : i32
        %dma_start3A_72 = tpu.memref_slice %arg2[%dma_start3A_70, %dma_start3A_71] : memref<50048x40xf32, #tpu.memory_space<hbm>> -> memref<50048x40xf32, #tpu.memory_space<hbm>>
        tpu.enqueue_indirect_dma source(%dma_start3A_72 : memref<50048x40xf32, #tpu.memory_space<hbm>>) target(%arg11 : memref<64x40xf32, #tpu.memory_space<vmem>>) offsets(%dma_start3A_69 : memref<64xi32, #tpu.memory_space<vmem>>) semaphore(%arg13 : memref<!tpu.dma_semaphore, #tpu.memory_space<semaphore_mem>>)
        %dma_wait3A_73 = arith.constant 2 : i32
        %dma_wait3A_74 = arith.constant 0 : i32
        %dma_wait3A_75 = tpu.memref_slice %arg9[%dma_wait3A_73, %dma_wait3A_74] : memref<4x64xi32, #tpu.memory_space<vmem>> -> memref<1x64xi32, #tpu.memory_space<vmem>>
        %dma_wait3A_76 = tpu.memref_squeeze %dma_wait3A_75 : memref<1x64xi32, #tpu.memory_space<vmem>> -> memref<64xi32, #tpu.memory_space<vmem>>
        %dma_wait3A_77 = arith.constant 0 : i32
        %dma_wait3A_78 = arith.constant 0 : i32
        %dma_wait3A_79 = tpu.memref_slice %arg2[%dma_wait3A_77, %dma_wait3A_78] : memref<50048x40xf32, #tpu.memory_space<hbm>> -> memref<50048x40xf32, #tpu.memory_space<hbm>>
        tpu.wait_indirect_dma semaphore(%arg13 : memref<!tpu.dma_semaphore, #tpu.memory_space<semaphore_mem>>) src(%dma_wait3A_79 : memref<50048x40xf32, #tpu.memory_space<hbm>>) dst(%arg11 : memref<64x40xf32, #tpu.memory_space<vmem>>)
        %dma_start3A_80 = arith.constant 2 : i32
        %dma_start3A_81 = arith.constant 0 : i32
        %dma_start3A_82 = tpu.memref_slice %arg10[%dma_start3A_80, %dma_start3A_81] : memref<4x64xi32, #tpu.memory_space<vmem>> -> memref<1x64xi32, #tpu.memory_space<vmem>>
        %dma_start3A_83 = tpu.memref_squeeze %dma_start3A_82 : memref<1x64xi32, #tpu.memory_space<vmem>> -> memref<64xi32, #tpu.memory_space<vmem>>
        %dma_start3A_84 = arith.constant 0 : i32
        %dma_start3A_85 = arith.constant 0 : i32
        %dma_start3A_86 = tpu.memref_slice %arg8[%dma_start3A_84, %dma_start3A_85] : memref<50048x40xf32, #tpu.memory_space<vmem_shared>> -> memref<50048x40xf32, #tpu.memory_space<vmem_shared>>
        tpu.enqueue_indirect_dma source(%arg11 : memref<64x40xf32, #tpu.memory_space<vmem>>) target(%dma_start3A_86 : memref<50048x40xf32, #tpu.memory_space<vmem_shared>>) offsets(%dma_start3A_83 : memref<64xi32, #tpu.memory_space<vmem>>) semaphore(%arg14 : memref<!tpu.dma_semaphore, #tpu.memory_space<semaphore_mem>>) {add = true}
        %dma_wait3A_87 = arith.constant 1 : i32
        %dma_wait3A_88 = arith.constant 0 : i32
        %dma_wait3A_89 = tpu.memref_slice %arg10[%dma_wait3A_87, %dma_wait3A_88] : memref<4x64xi32, #tpu.memory_space<vmem>> -> memref<1x64xi32, #tpu.memory_space<vmem>>
        %dma_wait3A_90 = tpu.memref_squeeze %dma_wait3A_89 : memref<1x64xi32, #tpu.memory_space<vmem>> -> memref<64xi32, #tpu.memory_space<vmem>>
        %dma_wait3A_91 = arith.constant 0 : i32
        %dma_wait3A_92 = arith.constant 0 : i32
        %dma_wait3A_93 = tpu.memref_slice %arg8[%dma_wait3A_91, %dma_wait3A_92] : memref<50048x40xf32, #tpu.memory_space<vmem_shared>> -> memref<50048x40xf32, #tpu.memory_space<vmem_shared>>
        tpu.wait_indirect_dma semaphore(%arg14 : memref<!tpu.dma_semaphore, #tpu.memory_space<semaphore_mem>>) src(%arg12 : memref<64x40xf32, #tpu.memory_space<vmem>>) dst(%dma_wait3A_93 : memref<50048x40xf32, #tpu.memory_space<vmem_shared>>)
        %dma_start3A_94 = arith.constant 3 : i32
        %dma_start3A_95 = arith.constant 0 : i32
        %dma_start3A_96 = tpu.memref_slice %arg9[%dma_start3A_94, %dma_start3A_95] : memref<4x64xi32, #tpu.memory_space<vmem>> -> memref<1x64xi32, #tpu.memory_space<vmem>>
        %dma_start3A_97 = tpu.memref_squeeze %dma_start3A_96 : memref<1x64xi32, #tpu.memory_space<vmem>> -> memref<64xi32, #tpu.memory_space<vmem>>
        %dma_start3A_98 = arith.constant 0 : i32
        %dma_start3A_99 = arith.constant 0 : i32
        %dma_start3A_100 = tpu.memref_slice %arg2[%dma_start3A_98, %dma_start3A_99] : memref<50048x40xf32, #tpu.memory_space<hbm>> -> memref<50048x40xf32, #tpu.memory_space<hbm>>
        tpu.enqueue_indirect_dma source(%dma_start3A_100 : memref<50048x40xf32, #tpu.memory_space<hbm>>) target(%arg12 : memref<64x40xf32, #tpu.memory_space<vmem>>) offsets(%dma_start3A_97 : memref<64xi32, #tpu.memory_space<vmem>>) semaphore(%arg13 : memref<!tpu.dma_semaphore, #tpu.memory_space<semaphore_mem>>)
        %dma_wait3A_101 = arith.constant 3 : i32
        %dma_wait3A_102 = arith.constant 0 : i32
        %dma_wait3A_103 = tpu.memref_slice %arg9[%dma_wait3A_101, %dma_wait3A_102] : memref<4x64xi32, #tpu.memory_space<vmem>> -> memref<1x64xi32, #tpu.memory_space<vmem>>
        %dma_wait3A_104 = tpu.memref_squeeze %dma_wait3A_103 : memref<1x64xi32, #tpu.memory_space<vmem>> -> memref<64xi32, #tpu.memory_space<vmem>>
        %dma_wait3A_105 = arith.constant 0 : i32
        %dma_wait3A_106 = arith.constant 0 : i32
        %dma_wait3A_107 = tpu.memref_slice %arg2[%dma_wait3A_105, %dma_wait3A_106] : memref<50048x40xf32, #tpu.memory_space<hbm>> -> memref<50048x40xf32, #tpu.memory_space<hbm>>
        tpu.wait_indirect_dma semaphore(%arg13 : memref<!tpu.dma_semaphore, #tpu.memory_space<semaphore_mem>>) src(%dma_wait3A_107 : memref<50048x40xf32, #tpu.memory_space<hbm>>) dst(%arg12 : memref<64x40xf32, #tpu.memory_space<vmem>>)
        %dma_start3A_108 = arith.constant 3 : i32
        %dma_start3A_109 = arith.constant 0 : i32
        %dma_start3A_110 = tpu.memref_slice %arg10[%dma_start3A_108, %dma_start3A_109] : memref<4x64xi32, #tpu.memory_space<vmem>> -> memref<1x64xi32, #tpu.memory_space<vmem>>
        %dma_start3A_111 = tpu.memref_squeeze %dma_start3A_110 : memref<1x64xi32, #tpu.memory_space<vmem>> -> memref<64xi32, #tpu.memory_space<vmem>>
        %dma_start3A_112 = arith.constant 0 : i32
        %dma_start3A_113 = arith.constant 0 : i32
        %dma_start3A_114 = tpu.memref_slice %arg8[%dma_start3A_112, %dma_start3A_113] : memref<50048x40xf32, #tpu.memory_space<vmem_shared>> -> memref<50048x40xf32, #tpu.memory_space<vmem_shared>>
        tpu.enqueue_indirect_dma source(%arg12 : memref<64x40xf32, #tpu.memory_space<vmem>>) target(%dma_start3A_114 : memref<50048x40xf32, #tpu.memory_space<vmem_shared>>) offsets(%dma_start3A_111 : memref<64xi32, #tpu.memory_space<vmem>>) semaphore(%arg14 : memref<!tpu.dma_semaphore, #tpu.memory_space<semaphore_mem>>) {add = true}
        %dma_wait3A_115 = arith.constant 2 : i32
        %dma_wait3A_116 = arith.constant 0 : i32
        %dma_wait3A_117 = tpu.memref_slice %arg10[%dma_wait3A_115, %dma_wait3A_116] : memref<4x64xi32, #tpu.memory_space<vmem>> -> memref<1x64xi32, #tpu.memory_space<vmem>>
        %dma_wait3A_118 = tpu.memref_squeeze %dma_wait3A_117 : memref<1x64xi32, #tpu.memory_space<vmem>> -> memref<64xi32, #tpu.memory_space<vmem>>
        %dma_wait3A_119 = arith.constant 0 : i32
        %dma_wait3A_120 = arith.constant 0 : i32
        %dma_wait3A_121 = tpu.memref_slice %arg8[%dma_wait3A_119, %dma_wait3A_120] : memref<50048x40xf32, #tpu.memory_space<vmem_shared>> -> memref<50048x40xf32, #tpu.memory_space<vmem_shared>>
        tpu.wait_indirect_dma semaphore(%arg14 : memref<!tpu.dma_semaphore, #tpu.memory_space<semaphore_mem>>) src(%arg11 : memref<64x40xf32, #tpu.memory_space<vmem>>) dst(%dma_wait3A_121 : memref<50048x40xf32, #tpu.memory_space<vmem_shared>>)
        %dma_wait3A_122 = arith.constant 3 : i32
        %dma_wait3A_123 = arith.constant 0 : i32
        %dma_wait3A_124 = tpu.memref_slice %arg10[%dma_wait3A_122, %dma_wait3A_123] : memref<4x64xi32, #tpu.memory_space<vmem>> -> memref<1x64xi32, #tpu.memory_space<vmem>>
        %dma_wait3A_125 = tpu.memref_squeeze %dma_wait3A_124 : memref<1x64xi32, #tpu.memory_space<vmem>> -> memref<64xi32, #tpu.memory_space<vmem>>
        %dma_wait3A_126 = arith.constant 0 : i32
        %dma_wait3A_127 = arith.constant 0 : i32
        %dma_wait3A_128 = tpu.memref_slice %arg8[%dma_wait3A_126, %dma_wait3A_127] : memref<50048x40xf32, #tpu.memory_space<vmem_shared>> -> memref<50048x40xf32, #tpu.memory_space<vmem_shared>>
        tpu.wait_indirect_dma semaphore(%arg14 : memref<!tpu.dma_semaphore, #tpu.memory_space<semaphore_mem>>) src(%arg12 : memref<64x40xf32, #tpu.memory_space<vmem>>) dst(%dma_wait3A_128 : memref<50048x40xf32, #tpu.memory_space<vmem_shared>>)
      }
      %scan3A_12 = arith.constant 196 : i32
      %barrier3A_13 = arith.constant 0 : index
      tpu.barrier barrier_id(%barrier3A_13)
      "tpu.region"() ({
        %run_scoped3A = tpu.sem_alloc : memref<!tpu.dma_semaphore, #tpu.memory_space<semaphore_mem>>
        %dma_start3A = arith.constant 0 : i32
        %dma_start3A_14 = tpu.memref_slice %arg6[%mul3A_0, %dma_start3A] : memref<50048x40xf32, #tpu.memory_space<hbm>> -> memref<3128x40xf32, #tpu.memory_space<hbm>>
        %dma_start3A_15 = arith.constant 0 : i32
        %dma_start3A_16 = tpu.memref_slice %arg8[%mul3A_0, %dma_start3A_15] : memref<50048x40xf32, #tpu.memory_space<vmem_shared>> -> memref<3128x40xf32, #tpu.memory_space<vmem_shared>>
        tpu.enqueue_dma source(%dma_start3A_16 : memref<3128x40xf32, #tpu.memory_space<vmem_shared>>) target(%dma_start3A_14 : memref<3128x40xf32, #tpu.memory_space<hbm>>) target_semaphore(%run_scoped3A : memref<!tpu.dma_semaphore, #tpu.memory_space<semaphore_mem>>)
        %dma_wait3A = arith.constant 0 : i32
        %dma_wait3A_17 = tpu.memref_slice %arg6[%mul3A_0, %dma_wait3A] : memref<50048x40xf32, #tpu.memory_space<hbm>> -> memref<3128x40xf32, #tpu.memory_space<hbm>>
        %dma_wait3A_18 = arith.constant 0 : i32
        %dma_wait3A_19 = tpu.memref_slice %arg8[%mul3A_0, %dma_wait3A_18] : memref<50048x40xf32, #tpu.memory_space<vmem_shared>> -> memref<3128x40xf32, #tpu.memory_space<vmem_shared>>
        tpu.wait_dma2 semaphore(%run_scoped3A : memref<!tpu.dma_semaphore, #tpu.memory_space<semaphore_mem>>) src(%dma_wait3A_19 : memref<3128x40xf32, #tpu.memory_space<vmem_shared>>) dst(%dma_wait3A_17 : memref<3128x40xf32, #tpu.memory_space<hbm>>)
        tpu.yield
      }) : () -> ()
    } else {
    }
    %eq3A_3 = arith.constant 1 : i32
    %eq3A_4 = arith.cmpi eq, %arg0, %eq3A_3 : i32
    %convert_element_type3A_5 = arith.extui %eq3A_4 : i1 to i32
    %cond3A_6 = arith.constant 0 : i32
    %cond3A_7 = arith.cmpi ne, %convert_element_type3A_5, %cond3A_6 : i32
    scf.if %cond3A_7 {
      "tpu.region"() ({
        %run_scoped3A = tpu.sem_alloc : memref<!tpu.dma_semaphore, #tpu.memory_space<semaphore_mem>>
        %dma_start3A = arith.constant 0 : i32
        %dma_start3A_14 = tpu.memref_slice %arg8[%mul3A_0, %dma_start3A] : memref<50048x40xf32, #tpu.memory_space<vmem_shared>> -> memref<3128x40xf32, #tpu.memory_space<vmem_shared>>
        %dma_start3A_15 = arith.constant 0 : i32
        %dma_start3A_16 = tpu.memref_slice %arg3[%mul3A_0, %dma_start3A_15] : memref<50048x40xf32, #tpu.memory_space<hbm>> -> memref<3128x40xf32, #tpu.memory_space<hbm>>
        tpu.enqueue_dma source(%dma_start3A_16 : memref<3128x40xf32, #tpu.memory_space<hbm>>) target(%dma_start3A_14 : memref<3128x40xf32, #tpu.memory_space<vmem_shared>>) target_semaphore(%run_scoped3A : memref<!tpu.dma_semaphore, #tpu.memory_space<semaphore_mem>>)
        %dma_wait3A = arith.constant 0 : i32
        %dma_wait3A_17 = tpu.memref_slice %arg8[%mul3A_0, %dma_wait3A] : memref<50048x40xf32, #tpu.memory_space<vmem_shared>> -> memref<3128x40xf32, #tpu.memory_space<vmem_shared>>
        %dma_wait3A_18 = arith.constant 0 : i32
        %dma_wait3A_19 = tpu.memref_slice %arg3[%mul3A_0, %dma_wait3A_18] : memref<50048x40xf32, #tpu.memory_space<hbm>> -> memref<3128x40xf32, #tpu.memory_space<hbm>>
        tpu.wait_dma2 semaphore(%run_scoped3A : memref<!tpu.dma_semaphore, #tpu.memory_space<semaphore_mem>>) src(%dma_wait3A_19 : memref<3128x40xf32, #tpu.memory_space<hbm>>) dst(%dma_wait3A_17 : memref<3128x40xf32, #tpu.memory_space<vmem_shared>>)
        tpu.yield
      }) : () -> ()
      %barrier3A = arith.constant 0 : index
      tpu.barrier barrier_id(%barrier3A)
      %scan3A = arith.constant 0 : i32
      %scan3A_8 = arith.constant 0 : i32
      %scan3A_9 = arith.constant 196 : i32
      %scan3A_10 = arith.addi %scan3A_8, %scan3A_9 : i32
      %scan3A_11 = arith.constant 1 : i32
      scf.for %scan3A_14 = %scan3A_8 to %scan3A_10 step %scan3A_11  : i32 {
        %mul3A_15 = arith.constant 784 : i32
        %mul3A_16 = arith.muli %arg1, %mul3A_15 : i32
        %mul3A_17 = arith.constant 4 : i32
        %mul3A_18 = arith.muli %scan3A_14, %mul3A_17 : i32
        %add3A = arith.addi %mul3A_16, %mul3A_18 : i32
        "tpu.region"() ({
          %run_scoped3A = tpu.sem_alloc : memref<!tpu.dma_semaphore, #tpu.memory_space<semaphore_mem>>
          %dma_start3A_129 = arith.constant 0 : i32
          %dma_start3A_130 = tpu.memref_slice %arg4[%add3A, %dma_start3A_129] : memref<12544x64xi32, #tpu.memory_space<hbm>> -> memref<4x64xi32, #tpu.memory_space<hbm>>
          %dma_start3A_131 = arith.constant 0 : i32
          %dma_start3A_132 = tpu.memref_slice %arg4[%add3A, %dma_start3A_131] : memref<12544x64xi32, #tpu.memory_space<hbm>> -> memref<4x64xi32, #tpu.memory_space<hbm>>
          tpu.enqueue_dma source(%dma_start3A_132 : memref<4x64xi32, #tpu.memory_space<hbm>>) target(%arg9 : memref<4x64xi32, #tpu.memory_space<vmem>>) target_semaphore(%run_scoped3A : memref<!tpu.dma_semaphore, #tpu.memory_space<semaphore_mem>>)
          %dma_wait3A_133 = arith.constant 0 : i32
          %dma_wait3A_134 = tpu.memref_slice %arg4[%add3A, %dma_wait3A_133] : memref<12544x64xi32, #tpu.memory_space<hbm>> -> memref<4x64xi32, #tpu.memory_space<hbm>>
          %dma_wait3A_135 = arith.constant 0 : i32
          %dma_wait3A_136 = tpu.memref_slice %arg4[%add3A, %dma_wait3A_135] : memref<12544x64xi32, #tpu.memory_space<hbm>> -> memref<4x64xi32, #tpu.memory_space<hbm>>
          tpu.wait_dma2 semaphore(%run_scoped3A : memref<!tpu.dma_semaphore, #tpu.memory_space<semaphore_mem>>) src(%dma_wait3A_136 : memref<4x64xi32, #tpu.memory_space<hbm>>) dst(%arg9 : memref<4x64xi32, #tpu.memory_space<vmem>>)
          tpu.yield
        }) : () -> ()
        "tpu.region"() ({
          %run_scoped3A = tpu.sem_alloc : memref<!tpu.dma_semaphore, #tpu.memory_space<semaphore_mem>>
          %dma_start3A_129 = arith.constant 0 : i32
          %dma_start3A_130 = tpu.memref_slice %arg5[%add3A, %dma_start3A_129] : memref<12544x64xi32, #tpu.memory_space<hbm>> -> memref<4x64xi32, #tpu.memory_space<hbm>>
          %dma_start3A_131 = arith.constant 0 : i32
          %dma_start3A_132 = tpu.memref_slice %arg5[%add3A, %dma_start3A_131] : memref<12544x64xi32, #tpu.memory_space<hbm>> -> memref<4x64xi32, #tpu.memory_space<hbm>>
          tpu.enqueue_dma source(%dma_start3A_132 : memref<4x64xi32, #tpu.memory_space<hbm>>) target(%arg10 : memref<4x64xi32, #tpu.memory_space<vmem>>) target_semaphore(%run_scoped3A : memref<!tpu.dma_semaphore, #tpu.memory_space<semaphore_mem>>)
          %dma_wait3A_133 = arith.constant 0 : i32
          %dma_wait3A_134 = tpu.memref_slice %arg5[%add3A, %dma_wait3A_133] : memref<12544x64xi32, #tpu.memory_space<hbm>> -> memref<4x64xi32, #tpu.memory_space<hbm>>
          %dma_wait3A_135 = arith.constant 0 : i32
          %dma_wait3A_136 = tpu.memref_slice %arg5[%add3A, %dma_wait3A_135] : memref<12544x64xi32, #tpu.memory_space<hbm>> -> memref<4x64xi32, #tpu.memory_space<hbm>>
          tpu.wait_dma2 semaphore(%run_scoped3A : memref<!tpu.dma_semaphore, #tpu.memory_space<semaphore_mem>>) src(%dma_wait3A_136 : memref<4x64xi32, #tpu.memory_space<hbm>>) dst(%arg10 : memref<4x64xi32, #tpu.memory_space<vmem>>)
          tpu.yield
        }) : () -> ()
        %dma_start3A = arith.constant 0 : i32
        %dma_start3A_19 = arith.constant 0 : i32
        %dma_start3A_20 = tpu.memref_slice %arg9[%dma_start3A, %dma_start3A_19] : memref<4x64xi32, #tpu.memory_space<vmem>> -> memref<1x64xi32, #tpu.memory_space<vmem>>
        %dma_start3A_21 = tpu.memref_squeeze %dma_start3A_20 : memref<1x64xi32, #tpu.memory_space<vmem>> -> memref<64xi32, #tpu.memory_space<vmem>>
        %dma_start3A_22 = arith.constant 0 : i32
        %dma_start3A_23 = arith.constant 0 : i32
        %dma_start3A_24 = tpu.memref_slice %arg3[%dma_start3A_22, %dma_start3A_23] : memref<50048x40xf32, #tpu.memory_space<hbm>> -> memref<50048x40xf32, #tpu.memory_space<hbm>>
        tpu.enqueue_indirect_dma source(%dma_start3A_24 : memref<50048x40xf32, #tpu.memory_space<hbm>>) target(%arg11 : memref<64x40xf32, #tpu.memory_space<vmem>>) offsets(%dma_start3A_21 : memref<64xi32, #tpu.memory_space<vmem>>) semaphore(%arg13 : memref<!tpu.dma_semaphore, #tpu.memory_space<semaphore_mem>>)
        %dma_wait3A = arith.constant 0 : i32
        %dma_wait3A_25 = arith.constant 0 : i32
        %dma_wait3A_26 = tpu.memref_slice %arg9[%dma_wait3A, %dma_wait3A_25] : memref<4x64xi32, #tpu.memory_space<vmem>> -> memref<1x64xi32, #tpu.memory_space<vmem>>
        %dma_wait3A_27 = tpu.memref_squeeze %dma_wait3A_26 : memref<1x64xi32, #tpu.memory_space<vmem>> -> memref<64xi32, #tpu.memory_space<vmem>>
        %dma_wait3A_28 = arith.constant 0 : i32
        %dma_wait3A_29 = arith.constant 0 : i32
        %dma_wait3A_30 = tpu.memref_slice %arg3[%dma_wait3A_28, %dma_wait3A_29] : memref<50048x40xf32, #tpu.memory_space<hbm>> -> memref<50048x40xf32, #tpu.memory_space<hbm>>
        tpu.wait_indirect_dma semaphore(%arg13 : memref<!tpu.dma_semaphore, #tpu.memory_space<semaphore_mem>>) src(%dma_wait3A_30 : memref<50048x40xf32, #tpu.memory_space<hbm>>) dst(%arg11 : memref<64x40xf32, #tpu.memory_space<vmem>>)
        %dma_start3A_31 = arith.constant 0 : i32
        %dma_start3A_32 = arith.constant 0 : i32
        %dma_start3A_33 = tpu.memref_slice %arg10[%dma_start3A_31, %dma_start3A_32] : memref<4x64xi32, #tpu.memory_space<vmem>> -> memref<1x64xi32, #tpu.memory_space<vmem>>
        %dma_start3A_34 = tpu.memref_squeeze %dma_start3A_33 : memref<1x64xi32, #tpu.memory_space<vmem>> -> memref<64xi32, #tpu.memory_space<vmem>>
        %dma_start3A_35 = arith.constant 0 : i32
        %dma_start3A_36 = arith.constant 0 : i32
        %dma_start3A_37 = tpu.memref_slice %arg8[%dma_start3A_35, %dma_start3A_36] : memref<50048x40xf32, #tpu.memory_space<vmem_shared>> -> memref<50048x40xf32, #tpu.memory_space<vmem_shared>>
        tpu.enqueue_indirect_dma source(%arg11 : memref<64x40xf32, #tpu.memory_space<vmem>>) target(%dma_start3A_37 : memref<50048x40xf32, #tpu.memory_space<vmem_shared>>) offsets(%dma_start3A_34 : memref<64xi32, #tpu.memory_space<vmem>>) semaphore(%arg14 : memref<!tpu.dma_semaphore, #tpu.memory_space<semaphore_mem>>) {add = true}
        %dma_start3A_38 = arith.constant 1 : i32
        %dma_start3A_39 = arith.constant 0 : i32
        %dma_start3A_40 = tpu.memref_slice %arg9[%dma_start3A_38, %dma_start3A_39] : memref<4x64xi32, #tpu.memory_space<vmem>> -> memref<1x64xi32, #tpu.memory_space<vmem>>
        %dma_start3A_41 = tpu.memref_squeeze %dma_start3A_40 : memref<1x64xi32, #tpu.memory_space<vmem>> -> memref<64xi32, #tpu.memory_space<vmem>>
        %dma_start3A_42 = arith.constant 0 : i32
        %dma_start3A_43 = arith.constant 0 : i32
        %dma_start3A_44 = tpu.memref_slice %arg3[%dma_start3A_42, %dma_start3A_43] : memref<50048x40xf32, #tpu.memory_space<hbm>> -> memref<50048x40xf32, #tpu.memory_space<hbm>>
        tpu.enqueue_indirect_dma source(%dma_start3A_44 : memref<50048x40xf32, #tpu.memory_space<hbm>>) target(%arg12 : memref<64x40xf32, #tpu.memory_space<vmem>>) offsets(%dma_start3A_41 : memref<64xi32, #tpu.memory_space<vmem>>) semaphore(%arg13 : memref<!tpu.dma_semaphore, #tpu.memory_space<semaphore_mem>>)
        %dma_wait3A_45 = arith.constant 1 : i32
        %dma_wait3A_46 = arith.constant 0 : i32
        %dma_wait3A_47 = tpu.memref_slice %arg9[%dma_wait3A_45, %dma_wait3A_46] : memref<4x64xi32, #tpu.memory_space<vmem>> -> memref<1x64xi32, #tpu.memory_space<vmem>>
        %dma_wait3A_48 = tpu.memref_squeeze %dma_wait3A_47 : memref<1x64xi32, #tpu.memory_space<vmem>> -> memref<64xi32, #tpu.memory_space<vmem>>
        %dma_wait3A_49 = arith.constant 0 : i32
        %dma_wait3A_50 = arith.constant 0 : i32
        %dma_wait3A_51 = tpu.memref_slice %arg3[%dma_wait3A_49, %dma_wait3A_50] : memref<50048x40xf32, #tpu.memory_space<hbm>> -> memref<50048x40xf32, #tpu.memory_space<hbm>>
        tpu.wait_indirect_dma semaphore(%arg13 : memref<!tpu.dma_semaphore, #tpu.memory_space<semaphore_mem>>) src(%dma_wait3A_51 : memref<50048x40xf32, #tpu.memory_space<hbm>>) dst(%arg12 : memref<64x40xf32, #tpu.memory_space<vmem>>)
        %dma_start3A_52 = arith.constant 1 : i32
        %dma_start3A_53 = arith.constant 0 : i32
        %dma_start3A_54 = tpu.memref_slice %arg10[%dma_start3A_52, %dma_start3A_53] : memref<4x64xi32, #tpu.memory_space<vmem>> -> memref<1x64xi32, #tpu.memory_space<vmem>>
        %dma_start3A_55 = tpu.memref_squeeze %dma_start3A_54 : memref<1x64xi32, #tpu.memory_space<vmem>> -> memref<64xi32, #tpu.memory_space<vmem>>
        %dma_start3A_56 = arith.constant 0 : i32
        %dma_start3A_57 = arith.constant 0 : i32
        %dma_start3A_58 = tpu.memref_slice %arg8[%dma_start3A_56, %dma_start3A_57] : memref<50048x40xf32, #tpu.memory_space<vmem_shared>> -> memref<50048x40xf32, #tpu.memory_space<vmem_shared>>
        tpu.enqueue_indirect_dma source(%arg12 : memref<64x40xf32, #tpu.memory_space<vmem>>) target(%dma_start3A_58 : memref<50048x40xf32, #tpu.memory_space<vmem_shared>>) offsets(%dma_start3A_55 : memref<64xi32, #tpu.memory_space<vmem>>) semaphore(%arg14 : memref<!tpu.dma_semaphore, #tpu.memory_space<semaphore_mem>>) {add = true}
        %dma_wait3A_59 = arith.constant 0 : i32
        %dma_wait3A_60 = arith.constant 0 : i32
        %dma_wait3A_61 = tpu.memref_slice %arg10[%dma_wait3A_59, %dma_wait3A_60] : memref<4x64xi32, #tpu.memory_space<vmem>> -> memref<1x64xi32, #tpu.memory_space<vmem>>
        %dma_wait3A_62 = tpu.memref_squeeze %dma_wait3A_61 : memref<1x64xi32, #tpu.memory_space<vmem>> -> memref<64xi32, #tpu.memory_space<vmem>>
        %dma_wait3A_63 = arith.constant 0 : i32
        %dma_wait3A_64 = arith.constant 0 : i32
        %dma_wait3A_65 = tpu.memref_slice %arg8[%dma_wait3A_63, %dma_wait3A_64] : memref<50048x40xf32, #tpu.memory_space<vmem_shared>> -> memref<50048x40xf32, #tpu.memory_space<vmem_shared>>
        tpu.wait_indirect_dma semaphore(%arg14 : memref<!tpu.dma_semaphore, #tpu.memory_space<semaphore_mem>>) src(%arg11 : memref<64x40xf32, #tpu.memory_space<vmem>>) dst(%dma_wait3A_65 : memref<50048x40xf32, #tpu.memory_space<vmem_shared>>)
        %dma_start3A_66 = arith.constant 2 : i32
        %dma_start3A_67 = arith.constant 0 : i32
        %dma_start3A_68 = tpu.memref_slice %arg9[%dma_start3A_66, %dma_start3A_67] : memref<4x64xi32, #tpu.memory_space<vmem>> -> memref<1x64xi32, #tpu.memory_space<vmem>>
        %dma_start3A_69 = tpu.memref_squeeze %dma_start3A_68 : memref<1x64xi32, #tpu.memory_space<vmem>> -> memref<64xi32, #tpu.memory_space<vmem>>
        %dma_start3A_70 = arith.constant 0 : i32
        %dma_start3A_71 = arith.constant 0 : i32
        %dma_start3A_72 = tpu.memref_slice %arg3[%dma_start3A_70, %dma_start3A_71] : memref<50048x40xf32, #tpu.memory_space<hbm>> -> memref<50048x40xf32, #tpu.memory_space<hbm>>
        tpu.enqueue_indirect_dma source(%dma_start3A_72 : memref<50048x40xf32, #tpu.memory_space<hbm>>) target(%arg11 : memref<64x40xf32, #tpu.memory_space<vmem>>) offsets(%dma_start3A_69 : memref<64xi32, #tpu.memory_space<vmem>>) semaphore(%arg13 : memref<!tpu.dma_semaphore, #tpu.memory_space<semaphore_mem>>)
        %dma_wait3A_73 = arith.constant 2 : i32
        %dma_wait3A_74 = arith.constant 0 : i32
        %dma_wait3A_75 = tpu.memref_slice %arg9[%dma_wait3A_73, %dma_wait3A_74] : memref<4x64xi32, #tpu.memory_space<vmem>> -> memref<1x64xi32, #tpu.memory_space<vmem>>
        %dma_wait3A_76 = tpu.memref_squeeze %dma_wait3A_75 : memref<1x64xi32, #tpu.memory_space<vmem>> -> memref<64xi32, #tpu.memory_space<vmem>>
        %dma_wait3A_77 = arith.constant 0 : i32
        %dma_wait3A_78 = arith.constant 0 : i32
        %dma_wait3A_79 = tpu.memref_slice %arg3[%dma_wait3A_77, %dma_wait3A_78] : memref<50048x40xf32, #tpu.memory_space<hbm>> -> memref<50048x40xf32, #tpu.memory_space<hbm>>
        tpu.wait_indirect_dma semaphore(%arg13 : memref<!tpu.dma_semaphore, #tpu.memory_space<semaphore_mem>>) src(%dma_wait3A_79 : memref<50048x40xf32, #tpu.memory_space<hbm>>) dst(%arg11 : memref<64x40xf32, #tpu.memory_space<vmem>>)
        %dma_start3A_80 = arith.constant 2 : i32
        %dma_start3A_81 = arith.constant 0 : i32
        %dma_start3A_82 = tpu.memref_slice %arg10[%dma_start3A_80, %dma_start3A_81] : memref<4x64xi32, #tpu.memory_space<vmem>> -> memref<1x64xi32, #tpu.memory_space<vmem>>
        %dma_start3A_83 = tpu.memref_squeeze %dma_start3A_82 : memref<1x64xi32, #tpu.memory_space<vmem>> -> memref<64xi32, #tpu.memory_space<vmem>>
        %dma_start3A_84 = arith.constant 0 : i32
        %dma_start3A_85 = arith.constant 0 : i32
        %dma_start3A_86 = tpu.memref_slice %arg8[%dma_start3A_84, %dma_start3A_85] : memref<50048x40xf32, #tpu.memory_space<vmem_shared>> -> memref<50048x40xf32, #tpu.memory_space<vmem_shared>>
        tpu.enqueue_indirect_dma source(%arg11 : memref<64x40xf32, #tpu.memory_space<vmem>>) target(%dma_start3A_86 : memref<50048x40xf32, #tpu.memory_space<vmem_shared>>) offsets(%dma_start3A_83 : memref<64xi32, #tpu.memory_space<vmem>>) semaphore(%arg14 : memref<!tpu.dma_semaphore, #tpu.memory_space<semaphore_mem>>) {add = true}
        %dma_wait3A_87 = arith.constant 1 : i32
        %dma_wait3A_88 = arith.constant 0 : i32
        %dma_wait3A_89 = tpu.memref_slice %arg10[%dma_wait3A_87, %dma_wait3A_88] : memref<4x64xi32, #tpu.memory_space<vmem>> -> memref<1x64xi32, #tpu.memory_space<vmem>>
        %dma_wait3A_90 = tpu.memref_squeeze %dma_wait3A_89 : memref<1x64xi32, #tpu.memory_space<vmem>> -> memref<64xi32, #tpu.memory_space<vmem>>
        %dma_wait3A_91 = arith.constant 0 : i32
        %dma_wait3A_92 = arith.constant 0 : i32
        %dma_wait3A_93 = tpu.memref_slice %arg8[%dma_wait3A_91, %dma_wait3A_92] : memref<50048x40xf32, #tpu.memory_space<vmem_shared>> -> memref<50048x40xf32, #tpu.memory_space<vmem_shared>>
        tpu.wait_indirect_dma semaphore(%arg14 : memref<!tpu.dma_semaphore, #tpu.memory_space<semaphore_mem>>) src(%arg12 : memref<64x40xf32, #tpu.memory_space<vmem>>) dst(%dma_wait3A_93 : memref<50048x40xf32, #tpu.memory_space<vmem_shared>>)
        %dma_start3A_94 = arith.constant 3 : i32
        %dma_start3A_95 = arith.constant 0 : i32
        %dma_start3A_96 = tpu.memref_slice %arg9[%dma_start3A_94, %dma_start3A_95] : memref<4x64xi32, #tpu.memory_space<vmem>> -> memref<1x64xi32, #tpu.memory_space<vmem>>
        %dma_start3A_97 = tpu.memref_squeeze %dma_start3A_96 : memref<1x64xi32, #tpu.memory_space<vmem>> -> memref<64xi32, #tpu.memory_space<vmem>>
        %dma_start3A_98 = arith.constant 0 : i32
        %dma_start3A_99 = arith.constant 0 : i32
        %dma_start3A_100 = tpu.memref_slice %arg3[%dma_start3A_98, %dma_start3A_99] : memref<50048x40xf32, #tpu.memory_space<hbm>> -> memref<50048x40xf32, #tpu.memory_space<hbm>>
        tpu.enqueue_indirect_dma source(%dma_start3A_100 : memref<50048x40xf32, #tpu.memory_space<hbm>>) target(%arg12 : memref<64x40xf32, #tpu.memory_space<vmem>>) offsets(%dma_start3A_97 : memref<64xi32, #tpu.memory_space<vmem>>) semaphore(%arg13 : memref<!tpu.dma_semaphore, #tpu.memory_space<semaphore_mem>>)
        %dma_wait3A_101 = arith.constant 3 : i32
        %dma_wait3A_102 = arith.constant 0 : i32
        %dma_wait3A_103 = tpu.memref_slice %arg9[%dma_wait3A_101, %dma_wait3A_102] : memref<4x64xi32, #tpu.memory_space<vmem>> -> memref<1x64xi32, #tpu.memory_space<vmem>>
        %dma_wait3A_104 = tpu.memref_squeeze %dma_wait3A_103 : memref<1x64xi32, #tpu.memory_space<vmem>> -> memref<64xi32, #tpu.memory_space<vmem>>
        %dma_wait3A_105 = arith.constant 0 : i32
        %dma_wait3A_106 = arith.constant 0 : i32
        %dma_wait3A_107 = tpu.memref_slice %arg3[%dma_wait3A_105, %dma_wait3A_106] : memref<50048x40xf32, #tpu.memory_space<hbm>> -> memref<50048x40xf32, #tpu.memory_space<hbm>>
        tpu.wait_indirect_dma semaphore(%arg13 : memref<!tpu.dma_semaphore, #tpu.memory_space<semaphore_mem>>) src(%dma_wait3A_107 : memref<50048x40xf32, #tpu.memory_space<hbm>>) dst(%arg12 : memref<64x40xf32, #tpu.memory_space<vmem>>)
        %dma_start3A_108 = arith.constant 3 : i32
        %dma_start3A_109 = arith.constant 0 : i32
        %dma_start3A_110 = tpu.memref_slice %arg10[%dma_start3A_108, %dma_start3A_109] : memref<4x64xi32, #tpu.memory_space<vmem>> -> memref<1x64xi32, #tpu.memory_space<vmem>>
        %dma_start3A_111 = tpu.memref_squeeze %dma_start3A_110 : memref<1x64xi32, #tpu.memory_space<vmem>> -> memref<64xi32, #tpu.memory_space<vmem>>
        %dma_start3A_112 = arith.constant 0 : i32
        %dma_start3A_113 = arith.constant 0 : i32
        %dma_start3A_114 = tpu.memref_slice %arg8[%dma_start3A_112, %dma_start3A_113] : memref<50048x40xf32, #tpu.memory_space<vmem_shared>> -> memref<50048x40xf32, #tpu.memory_space<vmem_shared>>
        tpu.enqueue_indirect_dma source(%arg12 : memref<64x40xf32, #tpu.memory_space<vmem>>) target(%dma_start3A_114 : memref<50048x40xf32, #tpu.memory_space<vmem_shared>>) offsets(%dma_start3A_111 : memref<64xi32, #tpu.memory_space<vmem>>) semaphore(%arg14 : memref<!tpu.dma_semaphore, #tpu.memory_space<semaphore_mem>>) {add = true}
        %dma_wait3A_115 = arith.constant 2 : i32
        %dma_wait3A_116 = arith.constant 0 : i32
        %dma_wait3A_117 = tpu.memref_slice %arg10[%dma_wait3A_115, %dma_wait3A_116] : memref<4x64xi32, #tpu.memory_space<vmem>> -> memref<1x64xi32, #tpu.memory_space<vmem>>
        %dma_wait3A_118 = tpu.memref_squeeze %dma_wait3A_117 : memref<1x64xi32, #tpu.memory_space<vmem>> -> memref<64xi32, #tpu.memory_space<vmem>>
        %dma_wait3A_119 = arith.constant 0 : i32
        %dma_wait3A_120 = arith.constant 0 : i32
        %dma_wait3A_121 = tpu.memref_slice %arg8[%dma_wait3A_119, %dma_wait3A_120] : memref<50048x40xf32, #tpu.memory_space<vmem_shared>> -> memref<50048x40xf32, #tpu.memory_space<vmem_shared>>
        tpu.wait_indirect_dma semaphore(%arg14 : memref<!tpu.dma_semaphore, #tpu.memory_space<semaphore_mem>>) src(%arg11 : memref<64x40xf32, #tpu.memory_space<vmem>>) dst(%dma_wait3A_121 : memref<50048x40xf32, #tpu.memory_space<vmem_shared>>)
        %dma_wait3A_122 = arith.constant 3 : i32
        %dma_wait3A_123 = arith.constant 0 : i32
        %dma_wait3A_124 = tpu.memref_slice %arg10[%dma_wait3A_122, %dma_wait3A_123] : memref<4x64xi32, #tpu.memory_space<vmem>> -> memref<1x64xi32, #tpu.memory_space<vmem>>
        %dma_wait3A_125 = tpu.memref_squeeze %dma_wait3A_124 : memref<1x64xi32, #tpu.memory_space<vmem>> -> memref<64xi32, #tpu.memory_space<vmem>>
        %dma_wait3A_126 = arith.constant 0 : i32
        %dma_wait3A_127 = arith.constant 0 : i32
        %dma_wait3A_128 = tpu.memref_slice %arg8[%dma_wait3A_126, %dma_wait3A_127] : memref<50048x40xf32, #tpu.memory_space<vmem_shared>> -> memref<50048x40xf32, #tpu.memory_space<vmem_shared>>
        tpu.wait_indirect_dma semaphore(%arg14 : memref<!tpu.dma_semaphore, #tpu.memory_space<semaphore_mem>>) src(%arg12 : memref<64x40xf32, #tpu.memory_space<vmem>>) dst(%dma_wait3A_128 : memref<50048x40xf32, #tpu.memory_space<vmem_shared>>)
      }
      %scan3A_12 = arith.constant 196 : i32
      %barrier3A_13 = arith.constant 0 : index
      tpu.barrier barrier_id(%barrier3A_13)
      "tpu.region"() ({
        %run_scoped3A = tpu.sem_alloc : memref<!tpu.dma_semaphore, #tpu.memory_space<semaphore_mem>>
        %dma_start3A = arith.constant 0 : i32
        %dma_start3A_14 = tpu.memref_slice %arg7[%mul3A_0, %dma_start3A] : memref<50048x40xf32, #tpu.memory_space<hbm>> -> memref<3128x40xf32, #tpu.memory_space<hbm>>
        %dma_start3A_15 = arith.constant 0 : i32
        %dma_start3A_16 = tpu.memref_slice %arg8[%mul3A_0, %dma_start3A_15] : memref<50048x40xf32, #tpu.memory_space<vmem_shared>> -> memref<3128x40xf32, #tpu.memory_space<vmem_shared>>
        tpu.enqueue_dma source(%dma_start3A_16 : memref<3128x40xf32, #tpu.memory_space<vmem_shared>>) target(%dma_start3A_14 : memref<3128x40xf32, #tpu.memory_space<hbm>>) target_semaphore(%run_scoped3A : memref<!tpu.dma_semaphore, #tpu.memory_space<semaphore_mem>>)
        %dma_wait3A = arith.constant 0 : i32
        %dma_wait3A_17 = tpu.memref_slice %arg7[%mul3A_0, %dma_wait3A] : memref<50048x40xf32, #tpu.memory_space<hbm>> -> memref<3128x40xf32, #tpu.memory_space<hbm>>
        %dma_wait3A_18 = arith.constant 0 : i32
        %dma_wait3A_19 = tpu.memref_slice %arg8[%mul3A_0, %dma_wait3A_18] : memref<50048x40xf32, #tpu.memory_space<vmem_shared>> -> memref<3128x40xf32, #tpu.memory_space<vmem_shared>>
        tpu.wait_dma2 semaphore(%run_scoped3A : memref<!tpu.dma_semaphore, #tpu.memory_space<semaphore_mem>>) src(%dma_wait3A_19 : memref<3128x40xf32, #tpu.memory_space<vmem_shared>>) dst(%dma_wait3A_17 : memref<3128x40xf32, #tpu.memory_space<hbm>>)
        tpu.yield
      }) : () -> ()
    } else {
    }
    return
  }
}

#map = affine_map<(d0, d1) -> (0)>
#map1 = affine_map<(d0, d1) -> (0, 0)>
module attributes {stable_mosaic.version = 14 : i64} {
  func.func @k(%arg0: i32, %arg1: i32, %arg2: memref<50048xf32, #tpu.memory_space<hbm>>, %arg3: memref<6272x128xi32, #tpu.memory_space<hbm>>, %arg4: memref<6272x128xi32, #tpu.memory_space<hbm>>, %arg5: memref<128xf32, #tpu.memory_space<hbm>>, %arg6: memref<6272x128xf32, #tpu.memory_space<hbm>>, %arg7: memref<50048xf32, #tpu.memory_space<vmem_shared>>, %arg8: memref<50048xf32, #tpu.memory_space<vmem>>, %arg9: memref<14x128xi32, #tpu.memory_space<vmem>>, %arg10: memref<14x128xi32, #tpu.memory_space<vmem>>, %arg11: memref<14x128xf32, #tpu.memory_space<vmem>>, %arg12: memref<14x128xf32, #tpu.memory_space<vmem>>, %arg13: memref<128xf32, #tpu.memory_space<vmem>>, %arg14: memref<!tpu.dma_semaphore, #tpu.memory_space<semaphore_mem>>) attributes {dimension_semantics = [#tpu.dimension_semantics<core_parallel>, #tpu.dimension_semantics<subcore_parallel>], iteration_bounds = array<i64: 1, 16>, scalar_prefetch = 0 : i64, scratch_operands = 8 : i64, tpu.core_type = #tpu.core_type<sc_vector_subcore>, window_params = [{transform_indices = #map}, {transform_indices = #map1}, {transform_indices = #map1}, {transform_indices = #map}, {transform_indices = #map1}]} {
    %mul3A = arith.constant 3128 : i32
    %mul3A_0 = arith.muli %arg1, %mul3A : i32
    "tpu.region"() ({
      %run_scoped3A = tpu.sem_alloc : memref<!tpu.dma_semaphore, #tpu.memory_space<semaphore_mem>>
      %dma_start3A = tpu.memref_slice %arg7[%mul3A_0] : memref<50048xf32, #tpu.memory_space<vmem_shared>> -> memref<3128xf32, #tpu.memory_space<vmem_shared>>
      %dma_start3A_37 = tpu.memref_slice %arg2[%mul3A_0] : memref<50048xf32, #tpu.memory_space<hbm>> -> memref<3128xf32, #tpu.memory_space<hbm>>
      tpu.enqueue_dma source(%dma_start3A_37 : memref<3128xf32, #tpu.memory_space<hbm>>) target(%dma_start3A : memref<3128xf32, #tpu.memory_space<vmem_shared>>) target_semaphore(%run_scoped3A : memref<!tpu.dma_semaphore, #tpu.memory_space<semaphore_mem>>)
      %dma_wait3A = tpu.memref_slice %arg7[%mul3A_0] : memref<50048xf32, #tpu.memory_space<vmem_shared>> -> memref<3128xf32, #tpu.memory_space<vmem_shared>>
      %dma_wait3A_38 = tpu.memref_slice %arg2[%mul3A_0] : memref<50048xf32, #tpu.memory_space<hbm>> -> memref<3128xf32, #tpu.memory_space<hbm>>
      tpu.wait_dma2 semaphore(%run_scoped3A : memref<!tpu.dma_semaphore, #tpu.memory_space<semaphore_mem>>) src(%dma_wait3A_38 : memref<3128xf32, #tpu.memory_space<hbm>>) dst(%dma_wait3A : memref<3128xf32, #tpu.memory_space<vmem_shared>>)
      tpu.yield
    }) : () -> ()
    "tpu.region"() ({
      %run_scoped3A = tpu.sem_alloc : memref<!tpu.dma_semaphore, #tpu.memory_space<semaphore_mem>>
      tpu.enqueue_dma source(%arg2 : memref<50048xf32, #tpu.memory_space<hbm>>) target(%arg8 : memref<50048xf32, #tpu.memory_space<vmem>>) target_semaphore(%run_scoped3A : memref<!tpu.dma_semaphore, #tpu.memory_space<semaphore_mem>>)
      tpu.wait_dma2 semaphore(%run_scoped3A : memref<!tpu.dma_semaphore, #tpu.memory_space<semaphore_mem>>) src(%arg2 : memref<50048xf32, #tpu.memory_space<hbm>>) dst(%arg8 : memref<50048xf32, #tpu.memory_space<vmem>>)
      tpu.yield
    }) : () -> ()
    "tpu.region"() ({
      %run_scoped3A = tpu.sem_alloc : memref<!tpu.dma_semaphore, #tpu.memory_space<semaphore_mem>>
      tpu.enqueue_dma source(%arg5 : memref<128xf32, #tpu.memory_space<hbm>>) target(%arg13 : memref<128xf32, #tpu.memory_space<vmem>>) target_semaphore(%run_scoped3A : memref<!tpu.dma_semaphore, #tpu.memory_space<semaphore_mem>>)
      tpu.wait_dma2 semaphore(%run_scoped3A : memref<!tpu.dma_semaphore, #tpu.memory_space<semaphore_mem>>) src(%arg5 : memref<128xf32, #tpu.memory_space<hbm>>) dst(%arg13 : memref<128xf32, #tpu.memory_space<vmem>>)
      tpu.yield
    }) : () -> ()
    %barrier3A = arith.constant 0 : index
    tpu.barrier barrier_id(%barrier3A)
    %scan3A = arith.constant 0 : i32
    %scan3A_1 = arith.constant 0 : i32
    %scan3A_2 = arith.constant 28 : i32
    %scan3A_3 = arith.addi %scan3A_1, %scan3A_2 : i32
    %scan3A_4 = arith.constant 1 : i32
    scf.for %scan3A_37 = %scan3A_1 to %scan3A_3 step %scan3A_4  : i32 {
      %mul3A_38 = arith.constant 392 : i32
      %mul3A_39 = arith.muli %arg1, %mul3A_38 : i32
      %mul3A_40 = arith.constant 14 : i32
      %mul3A_41 = arith.muli %scan3A_37, %mul3A_40 : i32
      %add3A_42 = arith.addi %mul3A_39, %mul3A_41 : i32
      "tpu.region"() ({
        %run_scoped3A = tpu.sem_alloc : memref<!tpu.dma_semaphore, #tpu.memory_space<semaphore_mem>>
        %dma_start3A_1327 = arith.constant 0 : i32
        %dma_start3A_1328 = tpu.memref_slice %arg3[%add3A_42, %dma_start3A_1327] : memref<6272x128xi32, #tpu.memory_space<hbm>> -> memref<14x128xi32, #tpu.memory_space<hbm>>
        %dma_start3A_1329 = arith.constant 0 : i32
        %dma_start3A_1330 = tpu.memref_slice %arg3[%add3A_42, %dma_start3A_1329] : memref<6272x128xi32, #tpu.memory_space<hbm>> -> memref<14x128xi32, #tpu.memory_space<hbm>>
        tpu.enqueue_dma source(%dma_start3A_1330 : memref<14x128xi32, #tpu.memory_space<hbm>>) target(%arg9 : memref<14x128xi32, #tpu.memory_space<vmem>>) target_semaphore(%run_scoped3A : memref<!tpu.dma_semaphore, #tpu.memory_space<semaphore_mem>>)
        %dma_wait3A_1331 = arith.constant 0 : i32
        %dma_wait3A_1332 = tpu.memref_slice %arg3[%add3A_42, %dma_wait3A_1331] : memref<6272x128xi32, #tpu.memory_space<hbm>> -> memref<14x128xi32, #tpu.memory_space<hbm>>
        %dma_wait3A_1333 = arith.constant 0 : i32
        %dma_wait3A_1334 = tpu.memref_slice %arg3[%add3A_42, %dma_wait3A_1333] : memref<6272x128xi32, #tpu.memory_space<hbm>> -> memref<14x128xi32, #tpu.memory_space<hbm>>
        tpu.wait_dma2 semaphore(%run_scoped3A : memref<!tpu.dma_semaphore, #tpu.memory_space<semaphore_mem>>) src(%dma_wait3A_1334 : memref<14x128xi32, #tpu.memory_space<hbm>>) dst(%arg9 : memref<14x128xi32, #tpu.memory_space<vmem>>)
        tpu.yield
      }) : () -> ()
      "tpu.region"() ({
        %run_scoped3A = tpu.sem_alloc : memref<!tpu.dma_semaphore, #tpu.memory_space<semaphore_mem>>
        %dma_start3A_1327 = arith.constant 0 : i32
        %dma_start3A_1328 = tpu.memref_slice %arg4[%add3A_42, %dma_start3A_1327] : memref<6272x128xi32, #tpu.memory_space<hbm>> -> memref<14x128xi32, #tpu.memory_space<hbm>>
        %dma_start3A_1329 = arith.constant 0 : i32
        %dma_start3A_1330 = tpu.memref_slice %arg4[%add3A_42, %dma_start3A_1329] : memref<6272x128xi32, #tpu.memory_space<hbm>> -> memref<14x128xi32, #tpu.memory_space<hbm>>
        tpu.enqueue_dma source(%dma_start3A_1330 : memref<14x128xi32, #tpu.memory_space<hbm>>) target(%arg10 : memref<14x128xi32, #tpu.memory_space<vmem>>) target_semaphore(%run_scoped3A : memref<!tpu.dma_semaphore, #tpu.memory_space<semaphore_mem>>)
        %dma_wait3A_1331 = arith.constant 0 : i32
        %dma_wait3A_1332 = tpu.memref_slice %arg4[%add3A_42, %dma_wait3A_1331] : memref<6272x128xi32, #tpu.memory_space<hbm>> -> memref<14x128xi32, #tpu.memory_space<hbm>>
        %dma_wait3A_1333 = arith.constant 0 : i32
        %dma_wait3A_1334 = tpu.memref_slice %arg4[%add3A_42, %dma_wait3A_1333] : memref<6272x128xi32, #tpu.memory_space<hbm>> -> memref<14x128xi32, #tpu.memory_space<hbm>>
        tpu.wait_dma2 semaphore(%run_scoped3A : memref<!tpu.dma_semaphore, #tpu.memory_space<semaphore_mem>>) src(%dma_wait3A_1334 : memref<14x128xi32, #tpu.memory_space<hbm>>) dst(%arg10 : memref<14x128xi32, #tpu.memory_space<vmem>>)
        tpu.yield
      }) : () -> ()
      %get3A_43 = arith.constant 0 : i32
      %get3A_44 = arith.index_cast %get3A_43 : i32 to index
      %get3A_45 = arith.constant 0 : index
      %get3A_46 = tpu.vector_load %arg9[%get3A_44, %get3A_45] {strides = array<i32>} : memref<14x128xi32, #tpu.memory_space<vmem>>, vector<16xi32>,
      %gather3A = tpu.vector_load_idx %arg8[%get3A_46] : memref<50048xf32, #tpu.memory_space<vmem>>[vector<16xi32>], vector<16xf32>,
      %swap3A = arith.constant 0 : i32
      %swap3A_47 = arith.index_cast %swap3A : i32 to index
      %swap3A_48 = arith.constant 0 : index
      %swap3A_49 = tpu.vector_load %arg11[%swap3A_47, %swap3A_48] {strides = array<i32>} : memref<14x128xf32, #tpu.memory_space<vmem>>, vector<16xf32>,
      tpu.vector_store %arg11[%swap3A_47, %swap3A_48], %gather3A {strides = array<i32>} : memref<14x128xf32, #tpu.memory_space<vmem>>, vector<16xf32>,
      %get3A_50 = arith.constant 0 : i32
      %get3A_51 = arith.index_cast %get3A_50 : i32 to index
      %get3A_52 = arith.constant 16 : index
      %get3A_53 = tpu.vector_load %arg9[%get3A_51, %get3A_52] {strides = array<i32>} : memref<14x128xi32, #tpu.memory_space<vmem>>, vector<16xi32>,
      %gather3A_54 = tpu.vector_load_idx %arg8[%get3A_53] : memref<50048xf32, #tpu.memory_space<vmem>>[vector<16xi32>], vector<16xf32>,
      %swap3A_55 = arith.constant 0 : i32
      %swap3A_56 = arith.index_cast %swap3A_55 : i32 to index
      %swap3A_57 = arith.constant 16 : index
      %swap3A_58 = tpu.vector_load %arg11[%swap3A_56, %swap3A_57] {strides = array<i32>} : memref<14x128xf32, #tpu.memory_space<vmem>>, vector<16xf32>,
      tpu.vector_store %arg11[%swap3A_56, %swap3A_57], %gather3A_54 {strides = array<i32>} : memref<14x128xf32, #tpu.memory_space<vmem>>, vector<16xf32>,
      %get3A_59 = arith.constant 0 : i32
      %get3A_60 = arith.index_cast %get3A_59 : i32 to index
      %get3A_61 = arith.constant 32 : index
      %get3A_62 = tpu.vector_load %arg9[%get3A_60, %get3A_61] {strides = array<i32>} : memref<14x128xi32, #tpu.memory_space<vmem>>, vector<16xi32>,
      %gather3A_63 = tpu.vector_load_idx %arg8[%get3A_62] : memref<50048xf32, #tpu.memory_space<vmem>>[vector<16xi32>], vector<16xf32>,
      %swap3A_64 = arith.constant 0 : i32
      %swap3A_65 = arith.index_cast %swap3A_64 : i32 to index
      %swap3A_66 = arith.constant 32 : index
      %swap3A_67 = tpu.vector_load %arg11[%swap3A_65, %swap3A_66] {strides = array<i32>} : memref<14x128xf32, #tpu.memory_space<vmem>>, vector<16xf32>,
      tpu.vector_store %arg11[%swap3A_65, %swap3A_66], %gather3A_63 {strides = array<i32>} : memref<14x128xf32, #tpu.memory_space<vmem>>, vector<16xf32>,
      %get3A_68 = arith.constant 0 : i32
      %get3A_69 = arith.index_cast %get3A_68 : i32 to index
      %get3A_70 = arith.constant 48 : index
      %get3A_71 = tpu.vector_load %arg9[%get3A_69, %get3A_70] {strides = array<i32>} : memref<14x128xi32, #tpu.memory_space<vmem>>, vector<16xi32>,
      %gather3A_72 = tpu.vector_load_idx %arg8[%get3A_71] : memref<50048xf32, #tpu.memory_space<vmem>>[vector<16xi32>], vector<16xf32>,
      %swap3A_73 = arith.constant 0 : i32
      %swap3A_74 = arith.index_cast %swap3A_73 : i32 to index
      %swap3A_75 = arith.constant 48 : index
      %swap3A_76 = tpu.vector_load %arg11[%swap3A_74, %swap3A_75] {strides = array<i32>} : memref<14x128xf32, #tpu.memory_space<vmem>>, vector<16xf32>,
      tpu.vector_store %arg11[%swap3A_74, %swap3A_75], %gather3A_72 {strides = array<i32>} : memref<14x128xf32, #tpu.memory_space<vmem>>, vector<16xf32>,
      %get3A_77 = arith.constant 0 : i32
      %get3A_78 = arith.index_cast %get3A_77 : i32 to index
      %get3A_79 = arith.constant 64 : index
      %get3A_80 = tpu.vector_load %arg9[%get3A_78, %get3A_79] {strides = array<i32>} : memref<14x128xi32, #tpu.memory_space<vmem>>, vector<16xi32>,
      %gather3A_81 = tpu.vector_load_idx %arg8[%get3A_80] : memref<50048xf32, #tpu.memory_space<vmem>>[vector<16xi32>], vector<16xf32>,
      %swap3A_82 = arith.constant 0 : i32
      %swap3A_83 = arith.index_cast %swap3A_82 : i32 to index
      %swap3A_84 = arith.constant 64 : index
      %swap3A_85 = tpu.vector_load %arg11[%swap3A_83, %swap3A_84] {strides = array<i32>} : memref<14x128xf32, #tpu.memory_space<vmem>>, vector<16xf32>,
      tpu.vector_store %arg11[%swap3A_83, %swap3A_84], %gather3A_81 {strides = array<i32>} : memref<14x128xf32, #tpu.memory_space<vmem>>, vector<16xf32>,
      %get3A_86 = arith.constant 0 : i32
      %get3A_87 = arith.index_cast %get3A_86 : i32 to index
      %get3A_88 = arith.constant 80 : index
      %get3A_89 = tpu.vector_load %arg9[%get3A_87, %get3A_88] {strides = array<i32>} : memref<14x128xi32, #tpu.memory_space<vmem>>, vector<16xi32>,
      %gather3A_90 = tpu.vector_load_idx %arg8[%get3A_89] : memref<50048xf32, #tpu.memory_space<vmem>>[vector<16xi32>], vector<16xf32>,
      %swap3A_91 = arith.constant 0 : i32
      %swap3A_92 = arith.index_cast %swap3A_91 : i32 to index
      %swap3A_93 = arith.constant 80 : index
      %swap3A_94 = tpu.vector_load %arg11[%swap3A_92, %swap3A_93] {strides = array<i32>} : memref<14x128xf32, #tpu.memory_space<vmem>>, vector<16xf32>,
      tpu.vector_store %arg11[%swap3A_92, %swap3A_93], %gather3A_90 {strides = array<i32>} : memref<14x128xf32, #tpu.memory_space<vmem>>, vector<16xf32>,
      %get3A_95 = arith.constant 0 : i32
      %get3A_96 = arith.index_cast %get3A_95 : i32 to index
      %get3A_97 = arith.constant 96 : index
      %get3A_98 = tpu.vector_load %arg9[%get3A_96, %get3A_97] {strides = array<i32>} : memref<14x128xi32, #tpu.memory_space<vmem>>, vector<16xi32>,
      %gather3A_99 = tpu.vector_load_idx %arg8[%get3A_98] : memref<50048xf32, #tpu.memory_space<vmem>>[vector<16xi32>], vector<16xf32>,
      %swap3A_100 = arith.constant 0 : i32
      %swap3A_101 = arith.index_cast %swap3A_100 : i32 to index
      %swap3A_102 = arith.constant 96 : index
      %swap3A_103 = tpu.vector_load %arg11[%swap3A_101, %swap3A_102] {strides = array<i32>} : memref<14x128xf32, #tpu.memory_space<vmem>>, vector<16xf32>,
      tpu.vector_store %arg11[%swap3A_101, %swap3A_102], %gather3A_99 {strides = array<i32>} : memref<14x128xf32, #tpu.memory_space<vmem>>, vector<16xf32>,
      %get3A_104 = arith.constant 0 : i32
      %get3A_105 = arith.index_cast %get3A_104 : i32 to index
      %get3A_106 = arith.constant 112 : index
      %get3A_107 = tpu.vector_load %arg9[%get3A_105, %get3A_106] {strides = array<i32>} : memref<14x128xi32, #tpu.memory_space<vmem>>, vector<16xi32>,
      %gather3A_108 = tpu.vector_load_idx %arg8[%get3A_107] : memref<50048xf32, #tpu.memory_space<vmem>>[vector<16xi32>], vector<16xf32>,
      %swap3A_109 = arith.constant 0 : i32
      %swap3A_110 = arith.index_cast %swap3A_109 : i32 to index
      %swap3A_111 = arith.constant 112 : index
      %swap3A_112 = tpu.vector_load %arg11[%swap3A_110, %swap3A_111] {strides = array<i32>} : memref<14x128xf32, #tpu.memory_space<vmem>>, vector<16xf32>,
      tpu.vector_store %arg11[%swap3A_110, %swap3A_111], %gather3A_108 {strides = array<i32>} : memref<14x128xf32, #tpu.memory_space<vmem>>, vector<16xf32>,
      %dma_start3A = arith.constant 0 : i32
      %dma_start3A_113 = arith.constant 0 : i32
      %dma_start3A_114 = arith.constant 0 : i32
      %dma_start3A_115 = tpu.memref_slice %arg11[%dma_start3A, %dma_start3A_114] : memref<14x128xf32, #tpu.memory_space<vmem>> -> memref<1x128xf32, #tpu.memory_space<vmem>>
      %dma_start3A_116 = tpu.memref_squeeze %dma_start3A_115 : memref<1x128xf32, #tpu.memory_space<vmem>> -> memref<128xf32, #tpu.memory_space<vmem>>
      %dma_start3A_117 = arith.constant 0 : i32
      %dma_start3A_118 = tpu.memref_slice %arg10[%dma_start3A_113, %dma_start3A_117] : memref<14x128xi32, #tpu.memory_space<vmem>> -> memref<1x128xi32, #tpu.memory_space<vmem>>
      %dma_start3A_119 = tpu.memref_squeeze %dma_start3A_118 : memref<1x128xi32, #tpu.memory_space<vmem>> -> memref<128xi32, #tpu.memory_space<vmem>>
      %dma_start3A_120 = arith.constant 0 : i32
      %dma_start3A_121 = tpu.memref_slice %arg7[%dma_start3A_120] : memref<50048xf32, #tpu.memory_space<vmem_shared>> -> memref<50048xf32, #tpu.memory_space<vmem_shared>>
      tpu.enqueue_indirect_dma source(%dma_start3A_116 : memref<128xf32, #tpu.memory_space<vmem>>) target(%dma_start3A_121 : memref<50048xf32, #tpu.memory_space<vmem_shared>>) offsets(%dma_start3A_119 : memref<128xi32, #tpu.memory_space<vmem>>) semaphore(%arg14 : memref<!tpu.dma_semaphore, #tpu.memory_space<semaphore_mem>>) {add = true}
      %get3A_122 = arith.constant 1 : i32
      %get3A_123 = arith.index_cast %get3A_122 : i32 to index
      %get3A_124 = arith.constant 0 : index
      %get3A_125 = tpu.vector_load %arg9[%get3A_123, %get3A_124] {strides = array<i32>} : memref<14x128xi32, #tpu.memory_space<vmem>>, vector<16xi32>,
      %gather3A_126 = tpu.vector_load_idx %arg8[%get3A_125] : memref<50048xf32, #tpu.memory_space<vmem>>[vector<16xi32>], vector<16xf32>,
      %swap3A_127 = arith.constant 1 : i32
      %swap3A_128 = arith.index_cast %swap3A_127 : i32 to index
      %swap3A_129 = arith.constant 0 : index
      %swap3A_130 = tpu.vector_load %arg11[%swap3A_128, %swap3A_129] {strides = array<i32>} : memref<14x128xf32, #tpu.memory_space<vmem>>, vector<16xf32>,
      tpu.vector_store %arg11[%swap3A_128, %swap3A_129], %gather3A_126 {strides = array<i32>} : memref<14x128xf32, #tpu.memory_space<vmem>>, vector<16xf32>,
      %get3A_131 = arith.constant 1 : i32
      %get3A_132 = arith.index_cast %get3A_131 : i32 to index
      %get3A_133 = arith.constant 16 : index
      %get3A_134 = tpu.vector_load %arg9[%get3A_132, %get3A_133] {strides = array<i32>} : memref<14x128xi32, #tpu.memory_space<vmem>>, vector<16xi32>,
      %gather3A_135 = tpu.vector_load_idx %arg8[%get3A_134] : memref<50048xf32, #tpu.memory_space<vmem>>[vector<16xi32>], vector<16xf32>,
      %swap3A_136 = arith.constant 1 : i32
      %swap3A_137 = arith.index_cast %swap3A_136 : i32 to index
      %swap3A_138 = arith.constant 16 : index
      %swap3A_139 = tpu.vector_load %arg11[%swap3A_137, %swap3A_138] {strides = array<i32>} : memref<14x128xf32, #tpu.memory_space<vmem>>, vector<16xf32>,
      tpu.vector_store %arg11[%swap3A_137, %swap3A_138], %gather3A_135 {strides = array<i32>} : memref<14x128xf32, #tpu.memory_space<vmem>>, vector<16xf32>,
      %get3A_140 = arith.constant 1 : i32
      %get3A_141 = arith.index_cast %get3A_140 : i32 to index
      %get3A_142 = arith.constant 32 : index
      %get3A_143 = tpu.vector_load %arg9[%get3A_141, %get3A_142] {strides = array<i32>} : memref<14x128xi32, #tpu.memory_space<vmem>>, vector<16xi32>,
      %gather3A_144 = tpu.vector_load_idx %arg8[%get3A_143] : memref<50048xf32, #tpu.memory_space<vmem>>[vector<16xi32>], vector<16xf32>,
      %swap3A_145 = arith.constant 1 : i32
      %swap3A_146 = arith.index_cast %swap3A_145 : i32 to index
      %swap3A_147 = arith.constant 32 : index
      %swap3A_148 = tpu.vector_load %arg11[%swap3A_146, %swap3A_147] {strides = array<i32>} : memref<14x128xf32, #tpu.memory_space<vmem>>, vector<16xf32>,
      tpu.vector_store %arg11[%swap3A_146, %swap3A_147], %gather3A_144 {strides = array<i32>} : memref<14x128xf32, #tpu.memory_space<vmem>>, vector<16xf32>,
      %get3A_149 = arith.constant 1 : i32
      %get3A_150 = arith.index_cast %get3A_149 : i32 to index
      %get3A_151 = arith.constant 48 : index
      %get3A_152 = tpu.vector_load %arg9[%get3A_150, %get3A_151] {strides = array<i32>} : memref<14x128xi32, #tpu.memory_space<vmem>>, vector<16xi32>,
      %gather3A_153 = tpu.vector_load_idx %arg8[%get3A_152] : memref<50048xf32, #tpu.memory_space<vmem>>[vector<16xi32>], vector<16xf32>,
      %swap3A_154 = arith.constant 1 : i32
      %swap3A_155 = arith.index_cast %swap3A_154 : i32 to index
      %swap3A_156 = arith.constant 48 : index
      %swap3A_157 = tpu.vector_load %arg11[%swap3A_155, %swap3A_156] {strides = array<i32>} : memref<14x128xf32, #tpu.memory_space<vmem>>, vector<16xf32>,
      tpu.vector_store %arg11[%swap3A_155, %swap3A_156], %gather3A_153 {strides = array<i32>} : memref<14x128xf32, #tpu.memory_space<vmem>>, vector<16xf32>,
      %get3A_158 = arith.constant 1 : i32
      %get3A_159 = arith.index_cast %get3A_158 : i32 to index
      %get3A_160 = arith.constant 64 : index
      %get3A_161 = tpu.vector_load %arg9[%get3A_159, %get3A_160] {strides = array<i32>} : memref<14x128xi32, #tpu.memory_space<vmem>>, vector<16xi32>,
      %gather3A_162 = tpu.vector_load_idx %arg8[%get3A_161] : memref<50048xf32, #tpu.memory_space<vmem>>[vector<16xi32>], vector<16xf32>,
      %swap3A_163 = arith.constant 1 : i32
      %swap3A_164 = arith.index_cast %swap3A_163 : i32 to index
      %swap3A_165 = arith.constant 64 : index
      %swap3A_166 = tpu.vector_load %arg11[%swap3A_164, %swap3A_165] {strides = array<i32>} : memref<14x128xf32, #tpu.memory_space<vmem>>, vector<16xf32>,
      tpu.vector_store %arg11[%swap3A_164, %swap3A_165], %gather3A_162 {strides = array<i32>} : memref<14x128xf32, #tpu.memory_space<vmem>>, vector<16xf32>,
      %get3A_167 = arith.constant 1 : i32
      %get3A_168 = arith.index_cast %get3A_167 : i32 to index
      %get3A_169 = arith.constant 80 : index
      %get3A_170 = tpu.vector_load %arg9[%get3A_168, %get3A_169] {strides = array<i32>} : memref<14x128xi32, #tpu.memory_space<vmem>>, vector<16xi32>,
      %gather3A_171 = tpu.vector_load_idx %arg8[%get3A_170] : memref<50048xf32, #tpu.memory_space<vmem>>[vector<16xi32>], vector<16xf32>,
      %swap3A_172 = arith.constant 1 : i32
      %swap3A_173 = arith.index_cast %swap3A_172 : i32 to index
      %swap3A_174 = arith.constant 80 : index
      %swap3A_175 = tpu.vector_load %arg11[%swap3A_173, %swap3A_174] {strides = array<i32>} : memref<14x128xf32, #tpu.memory_space<vmem>>, vector<16xf32>,
      tpu.vector_store %arg11[%swap3A_173, %swap3A_174], %gather3A_171 {strides = array<i32>} : memref<14x128xf32, #tpu.memory_space<vmem>>, vector<16xf32>,
      %get3A_176 = arith.constant 1 : i32
      %get3A_177 = arith.index_cast %get3A_176 : i32 to index
      %get3A_178 = arith.constant 96 : index
      %get3A_179 = tpu.vector_load %arg9[%get3A_177, %get3A_178] {strides = array<i32>} : memref<14x128xi32, #tpu.memory_space<vmem>>, vector<16xi32>,
      %gather3A_180 = tpu.vector_load_idx %arg8[%get3A_179] : memref<50048xf32, #tpu.memory_space<vmem>>[vector<16xi32>], vector<16xf32>,
      %swap3A_181 = arith.constant 1 : i32
      %swap3A_182 = arith.index_cast %swap3A_181 : i32 to index
      %swap3A_183 = arith.constant 96 : index
      %swap3A_184 = tpu.vector_load %arg11[%swap3A_182, %swap3A_183] {strides = array<i32>} : memref<14x128xf32, #tpu.memory_space<vmem>>, vector<16xf32>,
      tpu.vector_store %arg11[%swap3A_182, %swap3A_183], %gather3A_180 {strides = array<i32>} : memref<14x128xf32, #tpu.memory_space<vmem>>, vector<16xf32>,
      %get3A_185 = arith.constant 1 : i32
      %get3A_186 = arith.index_cast %get3A_185 : i32 to index
      %get3A_187 = arith.constant 112 : index
      %get3A_188 = tpu.vector_load %arg9[%get3A_186, %get3A_187] {strides = array<i32>} : memref<14x128xi32, #tpu.memory_space<vmem>>, vector<16xi32>,
      %gather3A_189 = tpu.vector_load_idx %arg8[%get3A_188] : memref<50048xf32, #tpu.memory_space<vmem>>[vector<16xi32>], vector<16xf32>,
      %swap3A_190 = arith.constant 1 : i32
      %swap3A_191 = arith.index_cast %swap3A_190 : i32 to index
      %swap3A_192 = arith.constant 112 : index
      %swap3A_193 = tpu.vector_load %arg11[%swap3A_191, %swap3A_192] {strides = array<i32>} : memref<14x128xf32, #tpu.memory_space<vmem>>, vector<16xf32>,
      tpu.vector_store %arg11[%swap3A_191, %swap3A_192], %gather3A_189 {strides = array<i32>} : memref<14x128xf32, #tpu.memory_space<vmem>>, vector<16xf32>,
      %dma_start3A_194 = arith.constant 1 : i32
      %dma_start3A_195 = arith.constant 1 : i32
      %dma_start3A_196 = arith.constant 0 : i32
      %dma_start3A_197 = tpu.memref_slice %arg11[%dma_start3A_194, %dma_start3A_196] : memref<14x128xf32, #tpu.memory_space<vmem>> -> memref<1x128xf32, #tpu.memory_space<vmem>>
      %dma_start3A_198 = tpu.memref_squeeze %dma_start3A_197 : memref<1x128xf32, #tpu.memory_space<vmem>> -> memref<128xf32, #tpu.memory_space<vmem>>
      %dma_start3A_199 = arith.constant 0 : i32
      %dma_start3A_200 = tpu.memref_slice %arg10[%dma_start3A_195, %dma_start3A_199] : memref<14x128xi32, #tpu.memory_space<vmem>> -> memref<1x128xi32, #tpu.memory_space<vmem>>
      %dma_start3A_201 = tpu.memref_squeeze %dma_start3A_200 : memref<1x128xi32, #tpu.memory_space<vmem>> -> memref<128xi32, #tpu.memory_space<vmem>>
      %dma_start3A_202 = arith.constant 0 : i32
      %dma_start3A_203 = tpu.memref_slice %arg7[%dma_start3A_202] : memref<50048xf32, #tpu.memory_space<vmem_shared>> -> memref<50048xf32, #tpu.memory_space<vmem_shared>>
      tpu.enqueue_indirect_dma source(%dma_start3A_198 : memref<128xf32, #tpu.memory_space<vmem>>) target(%dma_start3A_203 : memref<50048xf32, #tpu.memory_space<vmem_shared>>) offsets(%dma_start3A_201 : memref<128xi32, #tpu.memory_space<vmem>>) semaphore(%arg14 : memref<!tpu.dma_semaphore, #tpu.memory_space<semaphore_mem>>) {add = true}
      %get3A_204 = arith.constant 2 : i32
      %get3A_205 = arith.index_cast %get3A_204 : i32 to index
      %get3A_206 = arith.constant 0 : index
      %get3A_207 = tpu.vector_load %arg9[%get3A_205, %get3A_206] {strides = array<i32>} : memref<14x128xi32, #tpu.memory_space<vmem>>, vector<16xi32>,
      %gather3A_208 = tpu.vector_load_idx %arg8[%get3A_207] : memref<50048xf32, #tpu.memory_space<vmem>>[vector<16xi32>], vector<16xf32>,
      %swap3A_209 = arith.constant 2 : i32
      %swap3A_210 = arith.index_cast %swap3A_209 : i32 to index
      %swap3A_211 = arith.constant 0 : index
      %swap3A_212 = tpu.vector_load %arg11[%swap3A_210, %swap3A_211] {strides = array<i32>} : memref<14x128xf32, #tpu.memory_space<vmem>>, vector<16xf32>,
      tpu.vector_store %arg11[%swap3A_210, %swap3A_211], %gather3A_208 {strides = array<i32>} : memref<14x128xf32, #tpu.memory_space<vmem>>, vector<16xf32>,
      %get3A_213 = arith.constant 2 : i32
      %get3A_214 = arith.index_cast %get3A_213 : i32 to index
      %get3A_215 = arith.constant 16 : index
      %get3A_216 = tpu.vector_load %arg9[%get3A_214, %get3A_215] {strides = array<i32>} : memref<14x128xi32, #tpu.memory_space<vmem>>, vector<16xi32>,
      %gather3A_217 = tpu.vector_load_idx %arg8[%get3A_216] : memref<50048xf32, #tpu.memory_space<vmem>>[vector<16xi32>], vector<16xf32>,
      %swap3A_218 = arith.constant 2 : i32
      %swap3A_219 = arith.index_cast %swap3A_218 : i32 to index
      %swap3A_220 = arith.constant 16 : index
      %swap3A_221 = tpu.vector_load %arg11[%swap3A_219, %swap3A_220] {strides = array<i32>} : memref<14x128xf32, #tpu.memory_space<vmem>>, vector<16xf32>,
      tpu.vector_store %arg11[%swap3A_219, %swap3A_220], %gather3A_217 {strides = array<i32>} : memref<14x128xf32, #tpu.memory_space<vmem>>, vector<16xf32>,
      %get3A_222 = arith.constant 2 : i32
      %get3A_223 = arith.index_cast %get3A_222 : i32 to index
      %get3A_224 = arith.constant 32 : index
      %get3A_225 = tpu.vector_load %arg9[%get3A_223, %get3A_224] {strides = array<i32>} : memref<14x128xi32, #tpu.memory_space<vmem>>, vector<16xi32>,
      %gather3A_226 = tpu.vector_load_idx %arg8[%get3A_225] : memref<50048xf32, #tpu.memory_space<vmem>>[vector<16xi32>], vector<16xf32>,
      %swap3A_227 = arith.constant 2 : i32
      %swap3A_228 = arith.index_cast %swap3A_227 : i32 to index
      %swap3A_229 = arith.constant 32 : index
      %swap3A_230 = tpu.vector_load %arg11[%swap3A_228, %swap3A_229] {strides = array<i32>} : memref<14x128xf32, #tpu.memory_space<vmem>>, vector<16xf32>,
      tpu.vector_store %arg11[%swap3A_228, %swap3A_229], %gather3A_226 {strides = array<i32>} : memref<14x128xf32, #tpu.memory_space<vmem>>, vector<16xf32>,
      %get3A_231 = arith.constant 2 : i32
      %get3A_232 = arith.index_cast %get3A_231 : i32 to index
      %get3A_233 = arith.constant 48 : index
      %get3A_234 = tpu.vector_load %arg9[%get3A_232, %get3A_233] {strides = array<i32>} : memref<14x128xi32, #tpu.memory_space<vmem>>, vector<16xi32>,
      %gather3A_235 = tpu.vector_load_idx %arg8[%get3A_234] : memref<50048xf32, #tpu.memory_space<vmem>>[vector<16xi32>], vector<16xf32>,
      %swap3A_236 = arith.constant 2 : i32
      %swap3A_237 = arith.index_cast %swap3A_236 : i32 to index
      %swap3A_238 = arith.constant 48 : index
      %swap3A_239 = tpu.vector_load %arg11[%swap3A_237, %swap3A_238] {strides = array<i32>} : memref<14x128xf32, #tpu.memory_space<vmem>>, vector<16xf32>,
      tpu.vector_store %arg11[%swap3A_237, %swap3A_238], %gather3A_235 {strides = array<i32>} : memref<14x128xf32, #tpu.memory_space<vmem>>, vector<16xf32>,
      %get3A_240 = arith.constant 2 : i32
      %get3A_241 = arith.index_cast %get3A_240 : i32 to index
      %get3A_242 = arith.constant 64 : index
      %get3A_243 = tpu.vector_load %arg9[%get3A_241, %get3A_242] {strides = array<i32>} : memref<14x128xi32, #tpu.memory_space<vmem>>, vector<16xi32>,
      %gather3A_244 = tpu.vector_load_idx %arg8[%get3A_243] : memref<50048xf32, #tpu.memory_space<vmem>>[vector<16xi32>], vector<16xf32>,
      %swap3A_245 = arith.constant 2 : i32
      %swap3A_246 = arith.index_cast %swap3A_245 : i32 to index
      %swap3A_247 = arith.constant 64 : index
      %swap3A_248 = tpu.vector_load %arg11[%swap3A_246, %swap3A_247] {strides = array<i32>} : memref<14x128xf32, #tpu.memory_space<vmem>>, vector<16xf32>,
      tpu.vector_store %arg11[%swap3A_246, %swap3A_247], %gather3A_244 {strides = array<i32>} : memref<14x128xf32, #tpu.memory_space<vmem>>, vector<16xf32>,
      %get3A_249 = arith.constant 2 : i32
      %get3A_250 = arith.index_cast %get3A_249 : i32 to index
      %get3A_251 = arith.constant 80 : index
      %get3A_252 = tpu.vector_load %arg9[%get3A_250, %get3A_251] {strides = array<i32>} : memref<14x128xi32, #tpu.memory_space<vmem>>, vector<16xi32>,
      %gather3A_253 = tpu.vector_load_idx %arg8[%get3A_252] : memref<50048xf32, #tpu.memory_space<vmem>>[vector<16xi32>], vector<16xf32>,
      %swap3A_254 = arith.constant 2 : i32
      %swap3A_255 = arith.index_cast %swap3A_254 : i32 to index
      %swap3A_256 = arith.constant 80 : index
      %swap3A_257 = tpu.vector_load %arg11[%swap3A_255, %swap3A_256] {strides = array<i32>} : memref<14x128xf32, #tpu.memory_space<vmem>>, vector<16xf32>,
      tpu.vector_store %arg11[%swap3A_255, %swap3A_256], %gather3A_253 {strides = array<i32>} : memref<14x128xf32, #tpu.memory_space<vmem>>, vector<16xf32>,
      %get3A_258 = arith.constant 2 : i32
      %get3A_259 = arith.index_cast %get3A_258 : i32 to index
      %get3A_260 = arith.constant 96 : index
      %get3A_261 = tpu.vector_load %arg9[%get3A_259, %get3A_260] {strides = array<i32>} : memref<14x128xi32, #tpu.memory_space<vmem>>, vector<16xi32>,
      %gather3A_262 = tpu.vector_load_idx %arg8[%get3A_261] : memref<50048xf32, #tpu.memory_space<vmem>>[vector<16xi32>], vector<16xf32>,
      %swap3A_263 = arith.constant 2 : i32
      %swap3A_264 = arith.index_cast %swap3A_263 : i32 to index
      %swap3A_265 = arith.constant 96 : index
      %swap3A_266 = tpu.vector_load %arg11[%swap3A_264, %swap3A_265] {strides = array<i32>} : memref<14x128xf32, #tpu.memory_space<vmem>>, vector<16xf32>,
      tpu.vector_store %arg11[%swap3A_264, %swap3A_265], %gather3A_262 {strides = array<i32>} : memref<14x128xf32, #tpu.memory_space<vmem>>, vector<16xf32>,
      %get3A_267 = arith.constant 2 : i32
      %get3A_268 = arith.index_cast %get3A_267 : i32 to index
      %get3A_269 = arith.constant 112 : index
      %get3A_270 = tpu.vector_load %arg9[%get3A_268, %get3A_269] {strides = array<i32>} : memref<14x128xi32, #tpu.memory_space<vmem>>, vector<16xi32>,
      %gather3A_271 = tpu.vector_load_idx %arg8[%get3A_270] : memref<50048xf32, #tpu.memory_space<vmem>>[vector<16xi32>], vector<16xf32>,
      %swap3A_272 = arith.constant 2 : i32
      %swap3A_273 = arith.index_cast %swap3A_272 : i32 to index
      %swap3A_274 = arith.constant 112 : index
      %swap3A_275 = tpu.vector_load %arg11[%swap3A_273, %swap3A_274] {strides = array<i32>} : memref<14x128xf32, #tpu.memory_space<vmem>>, vector<16xf32>,
      tpu.vector_store %arg11[%swap3A_273, %swap3A_274], %gather3A_271 {strides = array<i32>} : memref<14x128xf32, #tpu.memory_space<vmem>>, vector<16xf32>,
      %dma_start3A_276 = arith.constant 2 : i32
      %dma_start3A_277 = arith.constant 2 : i32
      %dma_start3A_278 = arith.constant 0 : i32
      %dma_start3A_279 = tpu.memref_slice %arg11[%dma_start3A_276, %dma_start3A_278] : memref<14x128xf32, #tpu.memory_space<vmem>> -> memref<1x128xf32, #tpu.memory_space<vmem>>
      %dma_start3A_280 = tpu.memref_squeeze %dma_start3A_279 : memref<1x128xf32, #tpu.memory_space<vmem>> -> memref<128xf32, #tpu.memory_space<vmem>>
      %dma_start3A_281 = arith.constant 0 : i32
      %dma_start3A_282 = tpu.memref_slice %arg10[%dma_start3A_277, %dma_start3A_281] : memref<14x128xi32, #tpu.memory_space<vmem>> -> memref<1x128xi32, #tpu.memory_space<vmem>>
      %dma_start3A_283 = tpu.memref_squeeze %dma_start3A_282 : memref<1x128xi32, #tpu.memory_space<vmem>> -> memref<128xi32, #tpu.memory_space<vmem>>
      %dma_start3A_284 = arith.constant 0 : i32
      %dma_start3A_285 = tpu.memref_slice %arg7[%dma_start3A_284] : memref<50048xf32, #tpu.memory_space<vmem_shared>> -> memref<50048xf32, #tpu.memory_space<vmem_shared>>
      tpu.enqueue_indirect_dma source(%dma_start3A_280 : memref<128xf32, #tpu.memory_space<vmem>>) target(%dma_start3A_285 : memref<50048xf32, #tpu.memory_space<vmem_shared>>) offsets(%dma_start3A_283 : memref<128xi32, #tpu.memory_space<vmem>>) semaphore(%arg14 : memref<!tpu.dma_semaphore, #tpu.memory_space<semaphore_mem>>) {add = true}
      %get3A_286 = arith.constant 3 : i32
      %get3A_287 = arith.index_cast %get3A_286 : i32 to index
      %get3A_288 = arith.constant 0 : index
      %get3A_289 = tpu.vector_load %arg9[%get3A_287, %get3A_288] {strides = array<i32>} : memref<14x128xi32, #tpu.memory_space<vmem>>, vector<16xi32>,
      %gather3A_290 = tpu.vector_load_idx %arg8[%get3A_289] : memref<50048xf32, #tpu.memory_space<vmem>>[vector<16xi32>], vector<16xf32>,
      %swap3A_291 = arith.constant 3 : i32
      %swap3A_292 = arith.index_cast %swap3A_291 : i32 to index
      %swap3A_293 = arith.constant 0 : index
      %swap3A_294 = tpu.vector_load %arg11[%swap3A_292, %swap3A_293] {strides = array<i32>} : memref<14x128xf32, #tpu.memory_space<vmem>>, vector<16xf32>,
      tpu.vector_store %arg11[%swap3A_292, %swap3A_293], %gather3A_290 {strides = array<i32>} : memref<14x128xf32, #tpu.memory_space<vmem>>, vector<16xf32>,
      %get3A_295 = arith.constant 3 : i32
      %get3A_296 = arith.index_cast %get3A_295 : i32 to index
      %get3A_297 = arith.constant 16 : index
      %get3A_298 = tpu.vector_load %arg9[%get3A_296, %get3A_297] {strides = array<i32>} : memref<14x128xi32, #tpu.memory_space<vmem>>, vector<16xi32>,
      %gather3A_299 = tpu.vector_load_idx %arg8[%get3A_298] : memref<50048xf32, #tpu.memory_space<vmem>>[vector<16xi32>], vector<16xf32>,
      %swap3A_300 = arith.constant 3 : i32
      %swap3A_301 = arith.index_cast %swap3A_300 : i32 to index
      %swap3A_302 = arith.constant 16 : index
      %swap3A_303 = tpu.vector_load %arg11[%swap3A_301, %swap3A_302] {strides = array<i32>} : memref<14x128xf32, #tpu.memory_space<vmem>>, vector<16xf32>,
      tpu.vector_store %arg11[%swap3A_301, %swap3A_302], %gather3A_299 {strides = array<i32>} : memref<14x128xf32, #tpu.memory_space<vmem>>, vector<16xf32>,
      %get3A_304 = arith.constant 3 : i32
      %get3A_305 = arith.index_cast %get3A_304 : i32 to index
      %get3A_306 = arith.constant 32 : index
      %get3A_307 = tpu.vector_load %arg9[%get3A_305, %get3A_306] {strides = array<i32>} : memref<14x128xi32, #tpu.memory_space<vmem>>, vector<16xi32>,
      %gather3A_308 = tpu.vector_load_idx %arg8[%get3A_307] : memref<50048xf32, #tpu.memory_space<vmem>>[vector<16xi32>], vector<16xf32>,
      %swap3A_309 = arith.constant 3 : i32
      %swap3A_310 = arith.index_cast %swap3A_309 : i32 to index
      %swap3A_311 = arith.constant 32 : index
      %swap3A_312 = tpu.vector_load %arg11[%swap3A_310, %swap3A_311] {strides = array<i32>} : memref<14x128xf32, #tpu.memory_space<vmem>>, vector<16xf32>,
      tpu.vector_store %arg11[%swap3A_310, %swap3A_311], %gather3A_308 {strides = array<i32>} : memref<14x128xf32, #tpu.memory_space<vmem>>, vector<16xf32>,
      %get3A_313 = arith.constant 3 : i32
      %get3A_314 = arith.index_cast %get3A_313 : i32 to index
      %get3A_315 = arith.constant 48 : index
      %get3A_316 = tpu.vector_load %arg9[%get3A_314, %get3A_315] {strides = array<i32>} : memref<14x128xi32, #tpu.memory_space<vmem>>, vector<16xi32>,
      %gather3A_317 = tpu.vector_load_idx %arg8[%get3A_316] : memref<50048xf32, #tpu.memory_space<vmem>>[vector<16xi32>], vector<16xf32>,
      %swap3A_318 = arith.constant 3 : i32
      %swap3A_319 = arith.index_cast %swap3A_318 : i32 to index
      %swap3A_320 = arith.constant 48 : index
      %swap3A_321 = tpu.vector_load %arg11[%swap3A_319, %swap3A_320] {strides = array<i32>} : memref<14x128xf32, #tpu.memory_space<vmem>>, vector<16xf32>,
      tpu.vector_store %arg11[%swap3A_319, %swap3A_320], %gather3A_317 {strides = array<i32>} : memref<14x128xf32, #tpu.memory_space<vmem>>, vector<16xf32>,
      %get3A_322 = arith.constant 3 : i32
      %get3A_323 = arith.index_cast %get3A_322 : i32 to index
      %get3A_324 = arith.constant 64 : index
      %get3A_325 = tpu.vector_load %arg9[%get3A_323, %get3A_324] {strides = array<i32>} : memref<14x128xi32, #tpu.memory_space<vmem>>, vector<16xi32>,
      %gather3A_326 = tpu.vector_load_idx %arg8[%get3A_325] : memref<50048xf32, #tpu.memory_space<vmem>>[vector<16xi32>], vector<16xf32>,
      %swap3A_327 = arith.constant 3 : i32
      %swap3A_328 = arith.index_cast %swap3A_327 : i32 to index
      %swap3A_329 = arith.constant 64 : index
      %swap3A_330 = tpu.vector_load %arg11[%swap3A_328, %swap3A_329] {strides = array<i32>} : memref<14x128xf32, #tpu.memory_space<vmem>>, vector<16xf32>,
      tpu.vector_store %arg11[%swap3A_328, %swap3A_329], %gather3A_326 {strides = array<i32>} : memref<14x128xf32, #tpu.memory_space<vmem>>, vector<16xf32>,
      %get3A_331 = arith.constant 3 : i32
      %get3A_332 = arith.index_cast %get3A_331 : i32 to index
      %get3A_333 = arith.constant 80 : index
      %get3A_334 = tpu.vector_load %arg9[%get3A_332, %get3A_333] {strides = array<i32>} : memref<14x128xi32, #tpu.memory_space<vmem>>, vector<16xi32>,
      %gather3A_335 = tpu.vector_load_idx %arg8[%get3A_334] : memref<50048xf32, #tpu.memory_space<vmem>>[vector<16xi32>], vector<16xf32>,
      %swap3A_336 = arith.constant 3 : i32
      %swap3A_337 = arith.index_cast %swap3A_336 : i32 to index
      %swap3A_338 = arith.constant 80 : index
      %swap3A_339 = tpu.vector_load %arg11[%swap3A_337, %swap3A_338] {strides = array<i32>} : memref<14x128xf32, #tpu.memory_space<vmem>>, vector<16xf32>,
      tpu.vector_store %arg11[%swap3A_337, %swap3A_338], %gather3A_335 {strides = array<i32>} : memref<14x128xf32, #tpu.memory_space<vmem>>, vector<16xf32>,
      %get3A_340 = arith.constant 3 : i32
      %get3A_341 = arith.index_cast %get3A_340 : i32 to index
      %get3A_342 = arith.constant 96 : index
      %get3A_343 = tpu.vector_load %arg9[%get3A_341, %get3A_342] {strides = array<i32>} : memref<14x128xi32, #tpu.memory_space<vmem>>, vector<16xi32>,
      %gather3A_344 = tpu.vector_load_idx %arg8[%get3A_343] : memref<50048xf32, #tpu.memory_space<vmem>>[vector<16xi32>], vector<16xf32>,
      %swap3A_345 = arith.constant 3 : i32
      %swap3A_346 = arith.index_cast %swap3A_345 : i32 to index
      %swap3A_347 = arith.constant 96 : index
      %swap3A_348 = tpu.vector_load %arg11[%swap3A_346, %swap3A_347] {strides = array<i32>} : memref<14x128xf32, #tpu.memory_space<vmem>>, vector<16xf32>,
      tpu.vector_store %arg11[%swap3A_346, %swap3A_347], %gather3A_344 {strides = array<i32>} : memref<14x128xf32, #tpu.memory_space<vmem>>, vector<16xf32>,
      %get3A_349 = arith.constant 3 : i32
      %get3A_350 = arith.index_cast %get3A_349 : i32 to index
      %get3A_351 = arith.constant 112 : index
      %get3A_352 = tpu.vector_load %arg9[%get3A_350, %get3A_351] {strides = array<i32>} : memref<14x128xi32, #tpu.memory_space<vmem>>, vector<16xi32>,
      %gather3A_353 = tpu.vector_load_idx %arg8[%get3A_352] : memref<50048xf32, #tpu.memory_space<vmem>>[vector<16xi32>], vector<16xf32>,
      %swap3A_354 = arith.constant 3 : i32
      %swap3A_355 = arith.index_cast %swap3A_354 : i32 to index
      %swap3A_356 = arith.constant 112 : index
      %swap3A_357 = tpu.vector_load %arg11[%swap3A_355, %swap3A_356] {strides = array<i32>} : memref<14x128xf32, #tpu.memory_space<vmem>>, vector<16xf32>,
      tpu.vector_store %arg11[%swap3A_355, %swap3A_356], %gather3A_353 {strides = array<i32>} : memref<14x128xf32, #tpu.memory_space<vmem>>, vector<16xf32>,
      %dma_start3A_358 = arith.constant 3 : i32
      %dma_start3A_359 = arith.constant 3 : i32
      %dma_start3A_360 = arith.constant 0 : i32
      %dma_start3A_361 = tpu.memref_slice %arg11[%dma_start3A_358, %dma_start3A_360] : memref<14x128xf32, #tpu.memory_space<vmem>> -> memref<1x128xf32, #tpu.memory_space<vmem>>
      %dma_start3A_362 = tpu.memref_squeeze %dma_start3A_361 : memref<1x128xf32, #tpu.memory_space<vmem>> -> memref<128xf32, #tpu.memory_space<vmem>>
      %dma_start3A_363 = arith.constant 0 : i32
      %dma_start3A_364 = tpu.memref_slice %arg10[%dma_start3A_359, %dma_start3A_363] : memref<14x128xi32, #tpu.memory_space<vmem>> -> memref<1x128xi32, #tpu.memory_space<vmem>>
      %dma_start3A_365 = tpu.memref_squeeze %dma_start3A_364 : memref<1x128xi32, #tpu.memory_space<vmem>> -> memref<128xi32, #tpu.memory_space<vmem>>
      %dma_start3A_366 = arith.constant 0 : i32
      %dma_start3A_367 = tpu.memref_slice %arg7[%dma_start3A_366] : memref<50048xf32, #tpu.memory_space<vmem_shared>> -> memref<50048xf32, #tpu.memory_space<vmem_shared>>
      tpu.enqueue_indirect_dma source(%dma_start3A_362 : memref<128xf32, #tpu.memory_space<vmem>>) target(%dma_start3A_367 : memref<50048xf32, #tpu.memory_space<vmem_shared>>) offsets(%dma_start3A_365 : memref<128xi32, #tpu.memory_space<vmem>>) semaphore(%arg14 : memref<!tpu.dma_semaphore, #tpu.memory_space<semaphore_mem>>) {add = true}
      %get3A_368 = arith.constant 4 : i32
      %get3A_369 = arith.index_cast %get3A_368 : i32 to index
      %get3A_370 = arith.constant 0 : index
      %get3A_371 = tpu.vector_load %arg9[%get3A_369, %get3A_370] {strides = array<i32>} : memref<14x128xi32, #tpu.memory_space<vmem>>, vector<16xi32>,
      %gather3A_372 = tpu.vector_load_idx %arg8[%get3A_371] : memref<50048xf32, #tpu.memory_space<vmem>>[vector<16xi32>], vector<16xf32>,
      %swap3A_373 = arith.constant 4 : i32
      %swap3A_374 = arith.index_cast %swap3A_373 : i32 to index
      %swap3A_375 = arith.constant 0 : index
      %swap3A_376 = tpu.vector_load %arg11[%swap3A_374, %swap3A_375] {strides = array<i32>} : memref<14x128xf32, #tpu.memory_space<vmem>>, vector<16xf32>,
      tpu.vector_store %arg11[%swap3A_374, %swap3A_375], %gather3A_372 {strides = array<i32>} : memref<14x128xf32, #tpu.memory_space<vmem>>, vector<16xf32>,
      %get3A_377 = arith.constant 4 : i32
      %get3A_378 = arith.index_cast %get3A_377 : i32 to index
      %get3A_379 = arith.constant 16 : index
      %get3A_380 = tpu.vector_load %arg9[%get3A_378, %get3A_379] {strides = array<i32>} : memref<14x128xi32, #tpu.memory_space<vmem>>, vector<16xi32>,
      %gather3A_381 = tpu.vector_load_idx %arg8[%get3A_380] : memref<50048xf32, #tpu.memory_space<vmem>>[vector<16xi32>], vector<16xf32>,
      %swap3A_382 = arith.constant 4 : i32
      %swap3A_383 = arith.index_cast %swap3A_382 : i32 to index
      %swap3A_384 = arith.constant 16 : index
      %swap3A_385 = tpu.vector_load %arg11[%swap3A_383, %swap3A_384] {strides = array<i32>} : memref<14x128xf32, #tpu.memory_space<vmem>>, vector<16xf32>,
      tpu.vector_store %arg11[%swap3A_383, %swap3A_384], %gather3A_381 {strides = array<i32>} : memref<14x128xf32, #tpu.memory_space<vmem>>, vector<16xf32>,
      %get3A_386 = arith.constant 4 : i32
      %get3A_387 = arith.index_cast %get3A_386 : i32 to index
      %get3A_388 = arith.constant 32 : index
      %get3A_389 = tpu.vector_load %arg9[%get3A_387, %get3A_388] {strides = array<i32>} : memref<14x128xi32, #tpu.memory_space<vmem>>, vector<16xi32>,
      %gather3A_390 = tpu.vector_load_idx %arg8[%get3A_389] : memref<50048xf32, #tpu.memory_space<vmem>>[vector<16xi32>], vector<16xf32>,
      %swap3A_391 = arith.constant 4 : i32
      %swap3A_392 = arith.index_cast %swap3A_391 : i32 to index
      %swap3A_393 = arith.constant 32 : index
      %swap3A_394 = tpu.vector_load %arg11[%swap3A_392, %swap3A_393] {strides = array<i32>} : memref<14x128xf32, #tpu.memory_space<vmem>>, vector<16xf32>,
      tpu.vector_store %arg11[%swap3A_392, %swap3A_393], %gather3A_390 {strides = array<i32>} : memref<14x128xf32, #tpu.memory_space<vmem>>, vector<16xf32>,
      %get3A_395 = arith.constant 4 : i32
      %get3A_396 = arith.index_cast %get3A_395 : i32 to index
      %get3A_397 = arith.constant 48 : index
      %get3A_398 = tpu.vector_load %arg9[%get3A_396, %get3A_397] {strides = array<i32>} : memref<14x128xi32, #tpu.memory_space<vmem>>, vector<16xi32>,
      %gather3A_399 = tpu.vector_load_idx %arg8[%get3A_398] : memref<50048xf32, #tpu.memory_space<vmem>>[vector<16xi32>], vector<16xf32>,
      %swap3A_400 = arith.constant 4 : i32
      %swap3A_401 = arith.index_cast %swap3A_400 : i32 to index
      %swap3A_402 = arith.constant 48 : index
      %swap3A_403 = tpu.vector_load %arg11[%swap3A_401, %swap3A_402] {strides = array<i32>} : memref<14x128xf32, #tpu.memory_space<vmem>>, vector<16xf32>,
      tpu.vector_store %arg11[%swap3A_401, %swap3A_402], %gather3A_399 {strides = array<i32>} : memref<14x128xf32, #tpu.memory_space<vmem>>, vector<16xf32>,
      %get3A_404 = arith.constant 4 : i32
      %get3A_405 = arith.index_cast %get3A_404 : i32 to index
      %get3A_406 = arith.constant 64 : index
      %get3A_407 = tpu.vector_load %arg9[%get3A_405, %get3A_406] {strides = array<i32>} : memref<14x128xi32, #tpu.memory_space<vmem>>, vector<16xi32>,
      %gather3A_408 = tpu.vector_load_idx %arg8[%get3A_407] : memref<50048xf32, #tpu.memory_space<vmem>>[vector<16xi32>], vector<16xf32>,
      %swap3A_409 = arith.constant 4 : i32
      %swap3A_410 = arith.index_cast %swap3A_409 : i32 to index
      %swap3A_411 = arith.constant 64 : index
      %swap3A_412 = tpu.vector_load %arg11[%swap3A_410, %swap3A_411] {strides = array<i32>} : memref<14x128xf32, #tpu.memory_space<vmem>>, vector<16xf32>,
      tpu.vector_store %arg11[%swap3A_410, %swap3A_411], %gather3A_408 {strides = array<i32>} : memref<14x128xf32, #tpu.memory_space<vmem>>, vector<16xf32>,
      %get3A_413 = arith.constant 4 : i32
      %get3A_414 = arith.index_cast %get3A_413 : i32 to index
      %get3A_415 = arith.constant 80 : index
      %get3A_416 = tpu.vector_load %arg9[%get3A_414, %get3A_415] {strides = array<i32>} : memref<14x128xi32, #tpu.memory_space<vmem>>, vector<16xi32>,
      %gather3A_417 = tpu.vector_load_idx %arg8[%get3A_416] : memref<50048xf32, #tpu.memory_space<vmem>>[vector<16xi32>], vector<16xf32>,
      %swap3A_418 = arith.constant 4 : i32
      %swap3A_419 = arith.index_cast %swap3A_418 : i32 to index
      %swap3A_420 = arith.constant 80 : index
      %swap3A_421 = tpu.vector_load %arg11[%swap3A_419, %swap3A_420] {strides = array<i32>} : memref<14x128xf32, #tpu.memory_space<vmem>>, vector<16xf32>,
      tpu.vector_store %arg11[%swap3A_419, %swap3A_420], %gather3A_417 {strides = array<i32>} : memref<14x128xf32, #tpu.memory_space<vmem>>, vector<16xf32>,
      %get3A_422 = arith.constant 4 : i32
      %get3A_423 = arith.index_cast %get3A_422 : i32 to index
      %get3A_424 = arith.constant 96 : index
      %get3A_425 = tpu.vector_load %arg9[%get3A_423, %get3A_424] {strides = array<i32>} : memref<14x128xi32, #tpu.memory_space<vmem>>, vector<16xi32>,
      %gather3A_426 = tpu.vector_load_idx %arg8[%get3A_425] : memref<50048xf32, #tpu.memory_space<vmem>>[vector<16xi32>], vector<16xf32>,
      %swap3A_427 = arith.constant 4 : i32
      %swap3A_428 = arith.index_cast %swap3A_427 : i32 to index
      %swap3A_429 = arith.constant 96 : index
      %swap3A_430 = tpu.vector_load %arg11[%swap3A_428, %swap3A_429] {strides = array<i32>} : memref<14x128xf32, #tpu.memory_space<vmem>>, vector<16xf32>,
      tpu.vector_store %arg11[%swap3A_428, %swap3A_429], %gather3A_426 {strides = array<i32>} : memref<14x128xf32, #tpu.memory_space<vmem>>, vector<16xf32>,
      %get3A_431 = arith.constant 4 : i32
      %get3A_432 = arith.index_cast %get3A_431 : i32 to index
      %get3A_433 = arith.constant 112 : index
      %get3A_434 = tpu.vector_load %arg9[%get3A_432, %get3A_433] {strides = array<i32>} : memref<14x128xi32, #tpu.memory_space<vmem>>, vector<16xi32>,
      %gather3A_435 = tpu.vector_load_idx %arg8[%get3A_434] : memref<50048xf32, #tpu.memory_space<vmem>>[vector<16xi32>], vector<16xf32>,
      %swap3A_436 = arith.constant 4 : i32
      %swap3A_437 = arith.index_cast %swap3A_436 : i32 to index
      %swap3A_438 = arith.constant 112 : index
      %swap3A_439 = tpu.vector_load %arg11[%swap3A_437, %swap3A_438] {strides = array<i32>} : memref<14x128xf32, #tpu.memory_space<vmem>>, vector<16xf32>,
      tpu.vector_store %arg11[%swap3A_437, %swap3A_438], %gather3A_435 {strides = array<i32>} : memref<14x128xf32, #tpu.memory_space<vmem>>, vector<16xf32>,
      %dma_start3A_440 = arith.constant 4 : i32
      %dma_start3A_441 = arith.constant 4 : i32
      %dma_start3A_442 = arith.constant 0 : i32
      %dma_start3A_443 = tpu.memref_slice %arg11[%dma_start3A_440, %dma_start3A_442] : memref<14x128xf32, #tpu.memory_space<vmem>> -> memref<1x128xf32, #tpu.memory_space<vmem>>
      %dma_start3A_444 = tpu.memref_squeeze %dma_start3A_443 : memref<1x128xf32, #tpu.memory_space<vmem>> -> memref<128xf32, #tpu.memory_space<vmem>>
      %dma_start3A_445 = arith.constant 0 : i32
      %dma_start3A_446 = tpu.memref_slice %arg10[%dma_start3A_441, %dma_start3A_445] : memref<14x128xi32, #tpu.memory_space<vmem>> -> memref<1x128xi32, #tpu.memory_space<vmem>>
      %dma_start3A_447 = tpu.memref_squeeze %dma_start3A_446 : memref<1x128xi32, #tpu.memory_space<vmem>> -> memref<128xi32, #tpu.memory_space<vmem>>
      %dma_start3A_448 = arith.constant 0 : i32
      %dma_start3A_449 = tpu.memref_slice %arg7[%dma_start3A_448] : memref<50048xf32, #tpu.memory_space<vmem_shared>> -> memref<50048xf32, #tpu.memory_space<vmem_shared>>
      tpu.enqueue_indirect_dma source(%dma_start3A_444 : memref<128xf32, #tpu.memory_space<vmem>>) target(%dma_start3A_449 : memref<50048xf32, #tpu.memory_space<vmem_shared>>) offsets(%dma_start3A_447 : memref<128xi32, #tpu.memory_space<vmem>>) semaphore(%arg14 : memref<!tpu.dma_semaphore, #tpu.memory_space<semaphore_mem>>) {add = true}
      %get3A_450 = arith.constant 5 : i32
      %get3A_451 = arith.index_cast %get3A_450 : i32 to index
      %get3A_452 = arith.constant 0 : index
      %get3A_453 = tpu.vector_load %arg9[%get3A_451, %get3A_452] {strides = array<i32>} : memref<14x128xi32, #tpu.memory_space<vmem>>, vector<16xi32>,
      %gather3A_454 = tpu.vector_load_idx %arg8[%get3A_453] : memref<50048xf32, #tpu.memory_space<vmem>>[vector<16xi32>], vector<16xf32>,
      %swap3A_455 = arith.constant 5 : i32
      %swap3A_456 = arith.index_cast %swap3A_455 : i32 to index
      %swap3A_457 = arith.constant 0 : index
      %swap3A_458 = tpu.vector_load %arg11[%swap3A_456, %swap3A_457] {strides = array<i32>} : memref<14x128xf32, #tpu.memory_space<vmem>>, vector<16xf32>,
      tpu.vector_store %arg11[%swap3A_456, %swap3A_457], %gather3A_454 {strides = array<i32>} : memref<14x128xf32, #tpu.memory_space<vmem>>, vector<16xf32>,
      %get3A_459 = arith.constant 5 : i32
      %get3A_460 = arith.index_cast %get3A_459 : i32 to index
      %get3A_461 = arith.constant 16 : index
      %get3A_462 = tpu.vector_load %arg9[%get3A_460, %get3A_461] {strides = array<i32>} : memref<14x128xi32, #tpu.memory_space<vmem>>, vector<16xi32>,
      %gather3A_463 = tpu.vector_load_idx %arg8[%get3A_462] : memref<50048xf32, #tpu.memory_space<vmem>>[vector<16xi32>], vector<16xf32>,
      %swap3A_464 = arith.constant 5 : i32
      %swap3A_465 = arith.index_cast %swap3A_464 : i32 to index
      %swap3A_466 = arith.constant 16 : index
      %swap3A_467 = tpu.vector_load %arg11[%swap3A_465, %swap3A_466] {strides = array<i32>} : memref<14x128xf32, #tpu.memory_space<vmem>>, vector<16xf32>,
      tpu.vector_store %arg11[%swap3A_465, %swap3A_466], %gather3A_463 {strides = array<i32>} : memref<14x128xf32, #tpu.memory_space<vmem>>, vector<16xf32>,
      %get3A_468 = arith.constant 5 : i32
      %get3A_469 = arith.index_cast %get3A_468 : i32 to index
      %get3A_470 = arith.constant 32 : index
      %get3A_471 = tpu.vector_load %arg9[%get3A_469, %get3A_470] {strides = array<i32>} : memref<14x128xi32, #tpu.memory_space<vmem>>, vector<16xi32>,
      %gather3A_472 = tpu.vector_load_idx %arg8[%get3A_471] : memref<50048xf32, #tpu.memory_space<vmem>>[vector<16xi32>], vector<16xf32>,
      %swap3A_473 = arith.constant 5 : i32
      %swap3A_474 = arith.index_cast %swap3A_473 : i32 to index
      %swap3A_475 = arith.constant 32 : index
      %swap3A_476 = tpu.vector_load %arg11[%swap3A_474, %swap3A_475] {strides = array<i32>} : memref<14x128xf32, #tpu.memory_space<vmem>>, vector<16xf32>,
      tpu.vector_store %arg11[%swap3A_474, %swap3A_475], %gather3A_472 {strides = array<i32>} : memref<14x128xf32, #tpu.memory_space<vmem>>, vector<16xf32>,
      %get3A_477 = arith.constant 5 : i32
      %get3A_478 = arith.index_cast %get3A_477 : i32 to index
      %get3A_479 = arith.constant 48 : index
      %get3A_480 = tpu.vector_load %arg9[%get3A_478, %get3A_479] {strides = array<i32>} : memref<14x128xi32, #tpu.memory_space<vmem>>, vector<16xi32>,
      %gather3A_481 = tpu.vector_load_idx %arg8[%get3A_480] : memref<50048xf32, #tpu.memory_space<vmem>>[vector<16xi32>], vector<16xf32>,
      %swap3A_482 = arith.constant 5 : i32
      %swap3A_483 = arith.index_cast %swap3A_482 : i32 to index
      %swap3A_484 = arith.constant 48 : index
      %swap3A_485 = tpu.vector_load %arg11[%swap3A_483, %swap3A_484] {strides = array<i32>} : memref<14x128xf32, #tpu.memory_space<vmem>>, vector<16xf32>,
      tpu.vector_store %arg11[%swap3A_483, %swap3A_484], %gather3A_481 {strides = array<i32>} : memref<14x128xf32, #tpu.memory_space<vmem>>, vector<16xf32>,
      %get3A_486 = arith.constant 5 : i32
      %get3A_487 = arith.index_cast %get3A_486 : i32 to index
      %get3A_488 = arith.constant 64 : index
      %get3A_489 = tpu.vector_load %arg9[%get3A_487, %get3A_488] {strides = array<i32>} : memref<14x128xi32, #tpu.memory_space<vmem>>, vector<16xi32>,
      %gather3A_490 = tpu.vector_load_idx %arg8[%get3A_489] : memref<50048xf32, #tpu.memory_space<vmem>>[vector<16xi32>], vector<16xf32>,
      %swap3A_491 = arith.constant 5 : i32
      %swap3A_492 = arith.index_cast %swap3A_491 : i32 to index
      %swap3A_493 = arith.constant 64 : index
      %swap3A_494 = tpu.vector_load %arg11[%swap3A_492, %swap3A_493] {strides = array<i32>} : memref<14x128xf32, #tpu.memory_space<vmem>>, vector<16xf32>,
      tpu.vector_store %arg11[%swap3A_492, %swap3A_493], %gather3A_490 {strides = array<i32>} : memref<14x128xf32, #tpu.memory_space<vmem>>, vector<16xf32>,
      %get3A_495 = arith.constant 5 : i32
      %get3A_496 = arith.index_cast %get3A_495 : i32 to index
      %get3A_497 = arith.constant 80 : index
      %get3A_498 = tpu.vector_load %arg9[%get3A_496, %get3A_497] {strides = array<i32>} : memref<14x128xi32, #tpu.memory_space<vmem>>, vector<16xi32>,
      %gather3A_499 = tpu.vector_load_idx %arg8[%get3A_498] : memref<50048xf32, #tpu.memory_space<vmem>>[vector<16xi32>], vector<16xf32>,
      %swap3A_500 = arith.constant 5 : i32
      %swap3A_501 = arith.index_cast %swap3A_500 : i32 to index
      %swap3A_502 = arith.constant 80 : index
      %swap3A_503 = tpu.vector_load %arg11[%swap3A_501, %swap3A_502] {strides = array<i32>} : memref<14x128xf32, #tpu.memory_space<vmem>>, vector<16xf32>,
      tpu.vector_store %arg11[%swap3A_501, %swap3A_502], %gather3A_499 {strides = array<i32>} : memref<14x128xf32, #tpu.memory_space<vmem>>, vector<16xf32>,
      %get3A_504 = arith.constant 5 : i32
      %get3A_505 = arith.index_cast %get3A_504 : i32 to index
      %get3A_506 = arith.constant 96 : index
      %get3A_507 = tpu.vector_load %arg9[%get3A_505, %get3A_506] {strides = array<i32>} : memref<14x128xi32, #tpu.memory_space<vmem>>, vector<16xi32>,
      %gather3A_508 = tpu.vector_load_idx %arg8[%get3A_507] : memref<50048xf32, #tpu.memory_space<vmem>>[vector<16xi32>], vector<16xf32>,
      %swap3A_509 = arith.constant 5 : i32
      %swap3A_510 = arith.index_cast %swap3A_509 : i32 to index
      %swap3A_511 = arith.constant 96 : index
      %swap3A_512 = tpu.vector_load %arg11[%swap3A_510, %swap3A_511] {strides = array<i32>} : memref<14x128xf32, #tpu.memory_space<vmem>>, vector<16xf32>,
      tpu.vector_store %arg11[%swap3A_510, %swap3A_511], %gather3A_508 {strides = array<i32>} : memref<14x128xf32, #tpu.memory_space<vmem>>, vector<16xf32>,
      %get3A_513 = arith.constant 5 : i32
      %get3A_514 = arith.index_cast %get3A_513 : i32 to index
      %get3A_515 = arith.constant 112 : index
      %get3A_516 = tpu.vector_load %arg9[%get3A_514, %get3A_515] {strides = array<i32>} : memref<14x128xi32, #tpu.memory_space<vmem>>, vector<16xi32>,
      %gather3A_517 = tpu.vector_load_idx %arg8[%get3A_516] : memref<50048xf32, #tpu.memory_space<vmem>>[vector<16xi32>], vector<16xf32>,
      %swap3A_518 = arith.constant 5 : i32
      %swap3A_519 = arith.index_cast %swap3A_518 : i32 to index
      %swap3A_520 = arith.constant 112 : index
      %swap3A_521 = tpu.vector_load %arg11[%swap3A_519, %swap3A_520] {strides = array<i32>} : memref<14x128xf32, #tpu.memory_space<vmem>>, vector<16xf32>,
      tpu.vector_store %arg11[%swap3A_519, %swap3A_520], %gather3A_517 {strides = array<i32>} : memref<14x128xf32, #tpu.memory_space<vmem>>, vector<16xf32>,
      %dma_start3A_522 = arith.constant 5 : i32
      %dma_start3A_523 = arith.constant 5 : i32
      %dma_start3A_524 = arith.constant 0 : i32
      %dma_start3A_525 = tpu.memref_slice %arg11[%dma_start3A_522, %dma_start3A_524] : memref<14x128xf32, #tpu.memory_space<vmem>> -> memref<1x128xf32, #tpu.memory_space<vmem>>
      %dma_start3A_526 = tpu.memref_squeeze %dma_start3A_525 : memref<1x128xf32, #tpu.memory_space<vmem>> -> memref<128xf32, #tpu.memory_space<vmem>>
      %dma_start3A_527 = arith.constant 0 : i32
      %dma_start3A_528 = tpu.memref_slice %arg10[%dma_start3A_523, %dma_start3A_527] : memref<14x128xi32, #tpu.memory_space<vmem>> -> memref<1x128xi32, #tpu.memory_space<vmem>>
      %dma_start3A_529 = tpu.memref_squeeze %dma_start3A_528 : memref<1x128xi32, #tpu.memory_space<vmem>> -> memref<128xi32, #tpu.memory_space<vmem>>
      %dma_start3A_530 = arith.constant 0 : i32
      %dma_start3A_531 = tpu.memref_slice %arg7[%dma_start3A_530] : memref<50048xf32, #tpu.memory_space<vmem_shared>> -> memref<50048xf32, #tpu.memory_space<vmem_shared>>
      tpu.enqueue_indirect_dma source(%dma_start3A_526 : memref<128xf32, #tpu.memory_space<vmem>>) target(%dma_start3A_531 : memref<50048xf32, #tpu.memory_space<vmem_shared>>) offsets(%dma_start3A_529 : memref<128xi32, #tpu.memory_space<vmem>>) semaphore(%arg14 : memref<!tpu.dma_semaphore, #tpu.memory_space<semaphore_mem>>) {add = true}
      %get3A_532 = arith.constant 6 : i32
      %get3A_533 = arith.index_cast %get3A_532 : i32 to index
      %get3A_534 = arith.constant 0 : index
      %get3A_535 = tpu.vector_load %arg9[%get3A_533, %get3A_534] {strides = array<i32>} : memref<14x128xi32, #tpu.memory_space<vmem>>, vector<16xi32>,
      %gather3A_536 = tpu.vector_load_idx %arg8[%get3A_535] : memref<50048xf32, #tpu.memory_space<vmem>>[vector<16xi32>], vector<16xf32>,
      %swap3A_537 = arith.constant 6 : i32
      %swap3A_538 = arith.index_cast %swap3A_537 : i32 to index
      %swap3A_539 = arith.constant 0 : index
      %swap3A_540 = tpu.vector_load %arg11[%swap3A_538, %swap3A_539] {strides = array<i32>} : memref<14x128xf32, #tpu.memory_space<vmem>>, vector<16xf32>,
      tpu.vector_store %arg11[%swap3A_538, %swap3A_539], %gather3A_536 {strides = array<i32>} : memref<14x128xf32, #tpu.memory_space<vmem>>, vector<16xf32>,
      %get3A_541 = arith.constant 6 : i32
      %get3A_542 = arith.index_cast %get3A_541 : i32 to index
      %get3A_543 = arith.constant 16 : index
      %get3A_544 = tpu.vector_load %arg9[%get3A_542, %get3A_543] {strides = array<i32>} : memref<14x128xi32, #tpu.memory_space<vmem>>, vector<16xi32>,
      %gather3A_545 = tpu.vector_load_idx %arg8[%get3A_544] : memref<50048xf32, #tpu.memory_space<vmem>>[vector<16xi32>], vector<16xf32>,
      %swap3A_546 = arith.constant 6 : i32
      %swap3A_547 = arith.index_cast %swap3A_546 : i32 to index
      %swap3A_548 = arith.constant 16 : index
      %swap3A_549 = tpu.vector_load %arg11[%swap3A_547, %swap3A_548] {strides = array<i32>} : memref<14x128xf32, #tpu.memory_space<vmem>>, vector<16xf32>,
      tpu.vector_store %arg11[%swap3A_547, %swap3A_548], %gather3A_545 {strides = array<i32>} : memref<14x128xf32, #tpu.memory_space<vmem>>, vector<16xf32>,
      %get3A_550 = arith.constant 6 : i32
      %get3A_551 = arith.index_cast %get3A_550 : i32 to index
      %get3A_552 = arith.constant 32 : index
      %get3A_553 = tpu.vector_load %arg9[%get3A_551, %get3A_552] {strides = array<i32>} : memref<14x128xi32, #tpu.memory_space<vmem>>, vector<16xi32>,
      %gather3A_554 = tpu.vector_load_idx %arg8[%get3A_553] : memref<50048xf32, #tpu.memory_space<vmem>>[vector<16xi32>], vector<16xf32>,
      %swap3A_555 = arith.constant 6 : i32
      %swap3A_556 = arith.index_cast %swap3A_555 : i32 to index
      %swap3A_557 = arith.constant 32 : index
      %swap3A_558 = tpu.vector_load %arg11[%swap3A_556, %swap3A_557] {strides = array<i32>} : memref<14x128xf32, #tpu.memory_space<vmem>>, vector<16xf32>,
      tpu.vector_store %arg11[%swap3A_556, %swap3A_557], %gather3A_554 {strides = array<i32>} : memref<14x128xf32, #tpu.memory_space<vmem>>, vector<16xf32>,
      %get3A_559 = arith.constant 6 : i32
      %get3A_560 = arith.index_cast %get3A_559 : i32 to index
      %get3A_561 = arith.constant 48 : index
      %get3A_562 = tpu.vector_load %arg9[%get3A_560, %get3A_561] {strides = array<i32>} : memref<14x128xi32, #tpu.memory_space<vmem>>, vector<16xi32>,
      %gather3A_563 = tpu.vector_load_idx %arg8[%get3A_562] : memref<50048xf32, #tpu.memory_space<vmem>>[vector<16xi32>], vector<16xf32>,
      %swap3A_564 = arith.constant 6 : i32
      %swap3A_565 = arith.index_cast %swap3A_564 : i32 to index
      %swap3A_566 = arith.constant 48 : index
      %swap3A_567 = tpu.vector_load %arg11[%swap3A_565, %swap3A_566] {strides = array<i32>} : memref<14x128xf32, #tpu.memory_space<vmem>>, vector<16xf32>,
      tpu.vector_store %arg11[%swap3A_565, %swap3A_566], %gather3A_563 {strides = array<i32>} : memref<14x128xf32, #tpu.memory_space<vmem>>, vector<16xf32>,
      %get3A_568 = arith.constant 6 : i32
      %get3A_569 = arith.index_cast %get3A_568 : i32 to index
      %get3A_570 = arith.constant 64 : index
      %get3A_571 = tpu.vector_load %arg9[%get3A_569, %get3A_570] {strides = array<i32>} : memref<14x128xi32, #tpu.memory_space<vmem>>, vector<16xi32>,
      %gather3A_572 = tpu.vector_load_idx %arg8[%get3A_571] : memref<50048xf32, #tpu.memory_space<vmem>>[vector<16xi32>], vector<16xf32>,
      %swap3A_573 = arith.constant 6 : i32
      %swap3A_574 = arith.index_cast %swap3A_573 : i32 to index
      %swap3A_575 = arith.constant 64 : index
      %swap3A_576 = tpu.vector_load %arg11[%swap3A_574, %swap3A_575] {strides = array<i32>} : memref<14x128xf32, #tpu.memory_space<vmem>>, vector<16xf32>,
      tpu.vector_store %arg11[%swap3A_574, %swap3A_575], %gather3A_572 {strides = array<i32>} : memref<14x128xf32, #tpu.memory_space<vmem>>, vector<16xf32>,
      %get3A_577 = arith.constant 6 : i32
      %get3A_578 = arith.index_cast %get3A_577 : i32 to index
      %get3A_579 = arith.constant 80 : index
      %get3A_580 = tpu.vector_load %arg9[%get3A_578, %get3A_579] {strides = array<i32>} : memref<14x128xi32, #tpu.memory_space<vmem>>, vector<16xi32>,
      %gather3A_581 = tpu.vector_load_idx %arg8[%get3A_580] : memref<50048xf32, #tpu.memory_space<vmem>>[vector<16xi32>], vector<16xf32>,
      %swap3A_582 = arith.constant 6 : i32
      %swap3A_583 = arith.index_cast %swap3A_582 : i32 to index
      %swap3A_584 = arith.constant 80 : index
      %swap3A_585 = tpu.vector_load %arg11[%swap3A_583, %swap3A_584] {strides = array<i32>} : memref<14x128xf32, #tpu.memory_space<vmem>>, vector<16xf32>,
      tpu.vector_store %arg11[%swap3A_583, %swap3A_584], %gather3A_581 {strides = array<i32>} : memref<14x128xf32, #tpu.memory_space<vmem>>, vector<16xf32>,
      %get3A_586 = arith.constant 6 : i32
      %get3A_587 = arith.index_cast %get3A_586 : i32 to index
      %get3A_588 = arith.constant 96 : index
      %get3A_589 = tpu.vector_load %arg9[%get3A_587, %get3A_588] {strides = array<i32>} : memref<14x128xi32, #tpu.memory_space<vmem>>, vector<16xi32>,
      %gather3A_590 = tpu.vector_load_idx %arg8[%get3A_589] : memref<50048xf32, #tpu.memory_space<vmem>>[vector<16xi32>], vector<16xf32>,
      %swap3A_591 = arith.constant 6 : i32
      %swap3A_592 = arith.index_cast %swap3A_591 : i32 to index
      %swap3A_593 = arith.constant 96 : index
      %swap3A_594 = tpu.vector_load %arg11[%swap3A_592, %swap3A_593] {strides = array<i32>} : memref<14x128xf32, #tpu.memory_space<vmem>>, vector<16xf32>,
      tpu.vector_store %arg11[%swap3A_592, %swap3A_593], %gather3A_590 {strides = array<i32>} : memref<14x128xf32, #tpu.memory_space<vmem>>, vector<16xf32>,
      %get3A_595 = arith.constant 6 : i32
      %get3A_596 = arith.index_cast %get3A_595 : i32 to index
      %get3A_597 = arith.constant 112 : index
      %get3A_598 = tpu.vector_load %arg9[%get3A_596, %get3A_597] {strides = array<i32>} : memref<14x128xi32, #tpu.memory_space<vmem>>, vector<16xi32>,
      %gather3A_599 = tpu.vector_load_idx %arg8[%get3A_598] : memref<50048xf32, #tpu.memory_space<vmem>>[vector<16xi32>], vector<16xf32>,
      %swap3A_600 = arith.constant 6 : i32
      %swap3A_601 = arith.index_cast %swap3A_600 : i32 to index
      %swap3A_602 = arith.constant 112 : index
      %swap3A_603 = tpu.vector_load %arg11[%swap3A_601, %swap3A_602] {strides = array<i32>} : memref<14x128xf32, #tpu.memory_space<vmem>>, vector<16xf32>,
      tpu.vector_store %arg11[%swap3A_601, %swap3A_602], %gather3A_599 {strides = array<i32>} : memref<14x128xf32, #tpu.memory_space<vmem>>, vector<16xf32>,
      %dma_start3A_604 = arith.constant 6 : i32
      %dma_start3A_605 = arith.constant 6 : i32
      %dma_start3A_606 = arith.constant 0 : i32
      %dma_start3A_607 = tpu.memref_slice %arg11[%dma_start3A_604, %dma_start3A_606] : memref<14x128xf32, #tpu.memory_space<vmem>> -> memref<1x128xf32, #tpu.memory_space<vmem>>
      %dma_start3A_608 = tpu.memref_squeeze %dma_start3A_607 : memref<1x128xf32, #tpu.memory_space<vmem>> -> memref<128xf32, #tpu.memory_space<vmem>>
      %dma_start3A_609 = arith.constant 0 : i32
      %dma_start3A_610 = tpu.memref_slice %arg10[%dma_start3A_605, %dma_start3A_609] : memref<14x128xi32, #tpu.memory_space<vmem>> -> memref<1x128xi32, #tpu.memory_space<vmem>>
      %dma_start3A_611 = tpu.memref_squeeze %dma_start3A_610 : memref<1x128xi32, #tpu.memory_space<vmem>> -> memref<128xi32, #tpu.memory_space<vmem>>
      %dma_start3A_612 = arith.constant 0 : i32
      %dma_start3A_613 = tpu.memref_slice %arg7[%dma_start3A_612] : memref<50048xf32, #tpu.memory_space<vmem_shared>> -> memref<50048xf32, #tpu.memory_space<vmem_shared>>
      tpu.enqueue_indirect_dma source(%dma_start3A_608 : memref<128xf32, #tpu.memory_space<vmem>>) target(%dma_start3A_613 : memref<50048xf32, #tpu.memory_space<vmem_shared>>) offsets(%dma_start3A_611 : memref<128xi32, #tpu.memory_space<vmem>>) semaphore(%arg14 : memref<!tpu.dma_semaphore, #tpu.memory_space<semaphore_mem>>) {add = true}
      %get3A_614 = arith.constant 7 : i32
      %get3A_615 = arith.index_cast %get3A_614 : i32 to index
      %get3A_616 = arith.constant 0 : index
      %get3A_617 = tpu.vector_load %arg9[%get3A_615, %get3A_616] {strides = array<i32>} : memref<14x128xi32, #tpu.memory_space<vmem>>, vector<16xi32>,
      %gather3A_618 = tpu.vector_load_idx %arg8[%get3A_617] : memref<50048xf32, #tpu.memory_space<vmem>>[vector<16xi32>], vector<16xf32>,
      %swap3A_619 = arith.constant 7 : i32
      %swap3A_620 = arith.index_cast %swap3A_619 : i32 to index
      %swap3A_621 = arith.constant 0 : index
      %swap3A_622 = tpu.vector_load %arg11[%swap3A_620, %swap3A_621] {strides = array<i32>} : memref<14x128xf32, #tpu.memory_space<vmem>>, vector<16xf32>,
      tpu.vector_store %arg11[%swap3A_620, %swap3A_621], %gather3A_618 {strides = array<i32>} : memref<14x128xf32, #tpu.memory_space<vmem>>, vector<16xf32>,
      %get3A_623 = arith.constant 7 : i32
      %get3A_624 = arith.index_cast %get3A_623 : i32 to index
      %get3A_625 = arith.constant 16 : index
      %get3A_626 = tpu.vector_load %arg9[%get3A_624, %get3A_625] {strides = array<i32>} : memref<14x128xi32, #tpu.memory_space<vmem>>, vector<16xi32>,
      %gather3A_627 = tpu.vector_load_idx %arg8[%get3A_626] : memref<50048xf32, #tpu.memory_space<vmem>>[vector<16xi32>], vector<16xf32>,
      %swap3A_628 = arith.constant 7 : i32
      %swap3A_629 = arith.index_cast %swap3A_628 : i32 to index
      %swap3A_630 = arith.constant 16 : index
      %swap3A_631 = tpu.vector_load %arg11[%swap3A_629, %swap3A_630] {strides = array<i32>} : memref<14x128xf32, #tpu.memory_space<vmem>>, vector<16xf32>,
      tpu.vector_store %arg11[%swap3A_629, %swap3A_630], %gather3A_627 {strides = array<i32>} : memref<14x128xf32, #tpu.memory_space<vmem>>, vector<16xf32>,
      %get3A_632 = arith.constant 7 : i32
      %get3A_633 = arith.index_cast %get3A_632 : i32 to index
      %get3A_634 = arith.constant 32 : index
      %get3A_635 = tpu.vector_load %arg9[%get3A_633, %get3A_634] {strides = array<i32>} : memref<14x128xi32, #tpu.memory_space<vmem>>, vector<16xi32>,
      %gather3A_636 = tpu.vector_load_idx %arg8[%get3A_635] : memref<50048xf32, #tpu.memory_space<vmem>>[vector<16xi32>], vector<16xf32>,
      %swap3A_637 = arith.constant 7 : i32
      %swap3A_638 = arith.index_cast %swap3A_637 : i32 to index
      %swap3A_639 = arith.constant 32 : index
      %swap3A_640 = tpu.vector_load %arg11[%swap3A_638, %swap3A_639] {strides = array<i32>} : memref<14x128xf32, #tpu.memory_space<vmem>>, vector<16xf32>,
      tpu.vector_store %arg11[%swap3A_638, %swap3A_639], %gather3A_636 {strides = array<i32>} : memref<14x128xf32, #tpu.memory_space<vmem>>, vector<16xf32>,
      %get3A_641 = arith.constant 7 : i32
      %get3A_642 = arith.index_cast %get3A_641 : i32 to index
      %get3A_643 = arith.constant 48 : index
      %get3A_644 = tpu.vector_load %arg9[%get3A_642, %get3A_643] {strides = array<i32>} : memref<14x128xi32, #tpu.memory_space<vmem>>, vector<16xi32>,
      %gather3A_645 = tpu.vector_load_idx %arg8[%get3A_644] : memref<50048xf32, #tpu.memory_space<vmem>>[vector<16xi32>], vector<16xf32>,
      %swap3A_646 = arith.constant 7 : i32
      %swap3A_647 = arith.index_cast %swap3A_646 : i32 to index
      %swap3A_648 = arith.constant 48 : index
      %swap3A_649 = tpu.vector_load %arg11[%swap3A_647, %swap3A_648] {strides = array<i32>} : memref<14x128xf32, #tpu.memory_space<vmem>>, vector<16xf32>,
      tpu.vector_store %arg11[%swap3A_647, %swap3A_648], %gather3A_645 {strides = array<i32>} : memref<14x128xf32, #tpu.memory_space<vmem>>, vector<16xf32>,
      %get3A_650 = arith.constant 7 : i32
      %get3A_651 = arith.index_cast %get3A_650 : i32 to index
      %get3A_652 = arith.constant 64 : index
      %get3A_653 = tpu.vector_load %arg9[%get3A_651, %get3A_652] {strides = array<i32>} : memref<14x128xi32, #tpu.memory_space<vmem>>, vector<16xi32>,
      %gather3A_654 = tpu.vector_load_idx %arg8[%get3A_653] : memref<50048xf32, #tpu.memory_space<vmem>>[vector<16xi32>], vector<16xf32>,
      %swap3A_655 = arith.constant 7 : i32
      %swap3A_656 = arith.index_cast %swap3A_655 : i32 to index
      %swap3A_657 = arith.constant 64 : index
      %swap3A_658 = tpu.vector_load %arg11[%swap3A_656, %swap3A_657] {strides = array<i32>} : memref<14x128xf32, #tpu.memory_space<vmem>>, vector<16xf32>,
      tpu.vector_store %arg11[%swap3A_656, %swap3A_657], %gather3A_654 {strides = array<i32>} : memref<14x128xf32, #tpu.memory_space<vmem>>, vector<16xf32>,
      %get3A_659 = arith.constant 7 : i32
      %get3A_660 = arith.index_cast %get3A_659 : i32 to index
      %get3A_661 = arith.constant 80 : index
      %get3A_662 = tpu.vector_load %arg9[%get3A_660, %get3A_661] {strides = array<i32>} : memref<14x128xi32, #tpu.memory_space<vmem>>, vector<16xi32>,
      %gather3A_663 = tpu.vector_load_idx %arg8[%get3A_662] : memref<50048xf32, #tpu.memory_space<vmem>>[vector<16xi32>], vector<16xf32>,
      %swap3A_664 = arith.constant 7 : i32
      %swap3A_665 = arith.index_cast %swap3A_664 : i32 to index
      %swap3A_666 = arith.constant 80 : index
      %swap3A_667 = tpu.vector_load %arg11[%swap3A_665, %swap3A_666] {strides = array<i32>} : memref<14x128xf32, #tpu.memory_space<vmem>>, vector<16xf32>,
      tpu.vector_store %arg11[%swap3A_665, %swap3A_666], %gather3A_663 {strides = array<i32>} : memref<14x128xf32, #tpu.memory_space<vmem>>, vector<16xf32>,
      %get3A_668 = arith.constant 7 : i32
      %get3A_669 = arith.index_cast %get3A_668 : i32 to index
      %get3A_670 = arith.constant 96 : index
      %get3A_671 = tpu.vector_load %arg9[%get3A_669, %get3A_670] {strides = array<i32>} : memref<14x128xi32, #tpu.memory_space<vmem>>, vector<16xi32>,
      %gather3A_672 = tpu.vector_load_idx %arg8[%get3A_671] : memref<50048xf32, #tpu.memory_space<vmem>>[vector<16xi32>], vector<16xf32>,
      %swap3A_673 = arith.constant 7 : i32
      %swap3A_674 = arith.index_cast %swap3A_673 : i32 to index
      %swap3A_675 = arith.constant 96 : index
      %swap3A_676 = tpu.vector_load %arg11[%swap3A_674, %swap3A_675] {strides = array<i32>} : memref<14x128xf32, #tpu.memory_space<vmem>>, vector<16xf32>,
      tpu.vector_store %arg11[%swap3A_674, %swap3A_675], %gather3A_672 {strides = array<i32>} : memref<14x128xf32, #tpu.memory_space<vmem>>, vector<16xf32>,
      %get3A_677 = arith.constant 7 : i32
      %get3A_678 = arith.index_cast %get3A_677 : i32 to index
      %get3A_679 = arith.constant 112 : index
      %get3A_680 = tpu.vector_load %arg9[%get3A_678, %get3A_679] {strides = array<i32>} : memref<14x128xi32, #tpu.memory_space<vmem>>, vector<16xi32>,
      %gather3A_681 = tpu.vector_load_idx %arg8[%get3A_680] : memref<50048xf32, #tpu.memory_space<vmem>>[vector<16xi32>], vector<16xf32>,
      %swap3A_682 = arith.constant 7 : i32
      %swap3A_683 = arith.index_cast %swap3A_682 : i32 to index
      %swap3A_684 = arith.constant 112 : index
      %swap3A_685 = tpu.vector_load %arg11[%swap3A_683, %swap3A_684] {strides = array<i32>} : memref<14x128xf32, #tpu.memory_space<vmem>>, vector<16xf32>,
      tpu.vector_store %arg11[%swap3A_683, %swap3A_684], %gather3A_681 {strides = array<i32>} : memref<14x128xf32, #tpu.memory_space<vmem>>, vector<16xf32>,
      %dma_start3A_686 = arith.constant 7 : i32
      %dma_start3A_687 = arith.constant 7 : i32
      %dma_start3A_688 = arith.constant 0 : i32
      %dma_start3A_689 = tpu.memref_slice %arg11[%dma_start3A_686, %dma_start3A_688] : memref<14x128xf32, #tpu.memory_space<vmem>> -> memref<1x128xf32, #tpu.memory_space<vmem>>
      %dma_start3A_690 = tpu.memref_squeeze %dma_start3A_689 : memref<1x128xf32, #tpu.memory_space<vmem>> -> memref<128xf32, #tpu.memory_space<vmem>>
      %dma_start3A_691 = arith.constant 0 : i32
      %dma_start3A_692 = tpu.memref_slice %arg10[%dma_start3A_687, %dma_start3A_691] : memref<14x128xi32, #tpu.memory_space<vmem>> -> memref<1x128xi32, #tpu.memory_space<vmem>>
      %dma_start3A_693 = tpu.memref_squeeze %dma_start3A_692 : memref<1x128xi32, #tpu.memory_space<vmem>> -> memref<128xi32, #tpu.memory_space<vmem>>
      %dma_start3A_694 = arith.constant 0 : i32
      %dma_start3A_695 = tpu.memref_slice %arg7[%dma_start3A_694] : memref<50048xf32, #tpu.memory_space<vmem_shared>> -> memref<50048xf32, #tpu.memory_space<vmem_shared>>
      tpu.enqueue_indirect_dma source(%dma_start3A_690 : memref<128xf32, #tpu.memory_space<vmem>>) target(%dma_start3A_695 : memref<50048xf32, #tpu.memory_space<vmem_shared>>) offsets(%dma_start3A_693 : memref<128xi32, #tpu.memory_space<vmem>>) semaphore(%arg14 : memref<!tpu.dma_semaphore, #tpu.memory_space<semaphore_mem>>) {add = true}
      %get3A_696 = arith.constant 8 : i32
      %get3A_697 = arith.index_cast %get3A_696 : i32 to index
      %get3A_698 = arith.constant 0 : index
      %get3A_699 = tpu.vector_load %arg9[%get3A_697, %get3A_698] {strides = array<i32>} : memref<14x128xi32, #tpu.memory_space<vmem>>, vector<16xi32>,
      %gather3A_700 = tpu.vector_load_idx %arg8[%get3A_699] : memref<50048xf32, #tpu.memory_space<vmem>>[vector<16xi32>], vector<16xf32>,
      %swap3A_701 = arith.constant 8 : i32
      %swap3A_702 = arith.index_cast %swap3A_701 : i32 to index
      %swap3A_703 = arith.constant 0 : index
      %swap3A_704 = tpu.vector_load %arg11[%swap3A_702, %swap3A_703] {strides = array<i32>} : memref<14x128xf32, #tpu.memory_space<vmem>>, vector<16xf32>,
      tpu.vector_store %arg11[%swap3A_702, %swap3A_703], %gather3A_700 {strides = array<i32>} : memref<14x128xf32, #tpu.memory_space<vmem>>, vector<16xf32>,
      %get3A_705 = arith.constant 8 : i32
      %get3A_706 = arith.index_cast %get3A_705 : i32 to index
      %get3A_707 = arith.constant 16 : index
      %get3A_708 = tpu.vector_load %arg9[%get3A_706, %get3A_707] {strides = array<i32>} : memref<14x128xi32, #tpu.memory_space<vmem>>, vector<16xi32>,
      %gather3A_709 = tpu.vector_load_idx %arg8[%get3A_708] : memref<50048xf32, #tpu.memory_space<vmem>>[vector<16xi32>], vector<16xf32>,
      %swap3A_710 = arith.constant 8 : i32
      %swap3A_711 = arith.index_cast %swap3A_710 : i32 to index
      %swap3A_712 = arith.constant 16 : index
      %swap3A_713 = tpu.vector_load %arg11[%swap3A_711, %swap3A_712] {strides = array<i32>} : memref<14x128xf32, #tpu.memory_space<vmem>>, vector<16xf32>,
      tpu.vector_store %arg11[%swap3A_711, %swap3A_712], %gather3A_709 {strides = array<i32>} : memref<14x128xf32, #tpu.memory_space<vmem>>, vector<16xf32>,
      %get3A_714 = arith.constant 8 : i32
      %get3A_715 = arith.index_cast %get3A_714 : i32 to index
      %get3A_716 = arith.constant 32 : index
      %get3A_717 = tpu.vector_load %arg9[%get3A_715, %get3A_716] {strides = array<i32>} : memref<14x128xi32, #tpu.memory_space<vmem>>, vector<16xi32>,
      %gather3A_718 = tpu.vector_load_idx %arg8[%get3A_717] : memref<50048xf32, #tpu.memory_space<vmem>>[vector<16xi32>], vector<16xf32>,
      %swap3A_719 = arith.constant 8 : i32
      %swap3A_720 = arith.index_cast %swap3A_719 : i32 to index
      %swap3A_721 = arith.constant 32 : index
      %swap3A_722 = tpu.vector_load %arg11[%swap3A_720, %swap3A_721] {strides = array<i32>} : memref<14x128xf32, #tpu.memory_space<vmem>>, vector<16xf32>,
      tpu.vector_store %arg11[%swap3A_720, %swap3A_721], %gather3A_718 {strides = array<i32>} : memref<14x128xf32, #tpu.memory_space<vmem>>, vector<16xf32>,
      %get3A_723 = arith.constant 8 : i32
      %get3A_724 = arith.index_cast %get3A_723 : i32 to index
      %get3A_725 = arith.constant 48 : index
      %get3A_726 = tpu.vector_load %arg9[%get3A_724, %get3A_725] {strides = array<i32>} : memref<14x128xi32, #tpu.memory_space<vmem>>, vector<16xi32>,
      %gather3A_727 = tpu.vector_load_idx %arg8[%get3A_726] : memref<50048xf32, #tpu.memory_space<vmem>>[vector<16xi32>], vector<16xf32>,
      %swap3A_728 = arith.constant 8 : i32
      %swap3A_729 = arith.index_cast %swap3A_728 : i32 to index
      %swap3A_730 = arith.constant 48 : index
      %swap3A_731 = tpu.vector_load %arg11[%swap3A_729, %swap3A_730] {strides = array<i32>} : memref<14x128xf32, #tpu.memory_space<vmem>>, vector<16xf32>,
      tpu.vector_store %arg11[%swap3A_729, %swap3A_730], %gather3A_727 {strides = array<i32>} : memref<14x128xf32, #tpu.memory_space<vmem>>, vector<16xf32>,
      %get3A_732 = arith.constant 8 : i32
      %get3A_733 = arith.index_cast %get3A_732 : i32 to index
      %get3A_734 = arith.constant 64 : index
      %get3A_735 = tpu.vector_load %arg9[%get3A_733, %get3A_734] {strides = array<i32>} : memref<14x128xi32, #tpu.memory_space<vmem>>, vector<16xi32>,
      %gather3A_736 = tpu.vector_load_idx %arg8[%get3A_735] : memref<50048xf32, #tpu.memory_space<vmem>>[vector<16xi32>], vector<16xf32>,
      %swap3A_737 = arith.constant 8 : i32
      %swap3A_738 = arith.index_cast %swap3A_737 : i32 to index
      %swap3A_739 = arith.constant 64 : index
      %swap3A_740 = tpu.vector_load %arg11[%swap3A_738, %swap3A_739] {strides = array<i32>} : memref<14x128xf32, #tpu.memory_space<vmem>>, vector<16xf32>,
      tpu.vector_store %arg11[%swap3A_738, %swap3A_739], %gather3A_736 {strides = array<i32>} : memref<14x128xf32, #tpu.memory_space<vmem>>, vector<16xf32>,
      %get3A_741 = arith.constant 8 : i32
      %get3A_742 = arith.index_cast %get3A_741 : i32 to index
      %get3A_743 = arith.constant 80 : index
      %get3A_744 = tpu.vector_load %arg9[%get3A_742, %get3A_743] {strides = array<i32>} : memref<14x128xi32, #tpu.memory_space<vmem>>, vector<16xi32>,
      %gather3A_745 = tpu.vector_load_idx %arg8[%get3A_744] : memref<50048xf32, #tpu.memory_space<vmem>>[vector<16xi32>], vector<16xf32>,
      %swap3A_746 = arith.constant 8 : i32
      %swap3A_747 = arith.index_cast %swap3A_746 : i32 to index
      %swap3A_748 = arith.constant 80 : index
      %swap3A_749 = tpu.vector_load %arg11[%swap3A_747, %swap3A_748] {strides = array<i32>} : memref<14x128xf32, #tpu.memory_space<vmem>>, vector<16xf32>,
      tpu.vector_store %arg11[%swap3A_747, %swap3A_748], %gather3A_745 {strides = array<i32>} : memref<14x128xf32, #tpu.memory_space<vmem>>, vector<16xf32>,
      %get3A_750 = arith.constant 8 : i32
      %get3A_751 = arith.index_cast %get3A_750 : i32 to index
      %get3A_752 = arith.constant 96 : index
      %get3A_753 = tpu.vector_load %arg9[%get3A_751, %get3A_752] {strides = array<i32>} : memref<14x128xi32, #tpu.memory_space<vmem>>, vector<16xi32>,
      %gather3A_754 = tpu.vector_load_idx %arg8[%get3A_753] : memref<50048xf32, #tpu.memory_space<vmem>>[vector<16xi32>], vector<16xf32>,
      %swap3A_755 = arith.constant 8 : i32
      %swap3A_756 = arith.index_cast %swap3A_755 : i32 to index
      %swap3A_757 = arith.constant 96 : index
      %swap3A_758 = tpu.vector_load %arg11[%swap3A_756, %swap3A_757] {strides = array<i32>} : memref<14x128xf32, #tpu.memory_space<vmem>>, vector<16xf32>,
      tpu.vector_store %arg11[%swap3A_756, %swap3A_757], %gather3A_754 {strides = array<i32>} : memref<14x128xf32, #tpu.memory_space<vmem>>, vector<16xf32>,
      %get3A_759 = arith.constant 8 : i32
      %get3A_760 = arith.index_cast %get3A_759 : i32 to index
      %get3A_761 = arith.constant 112 : index
      %get3A_762 = tpu.vector_load %arg9[%get3A_760, %get3A_761] {strides = array<i32>} : memref<14x128xi32, #tpu.memory_space<vmem>>, vector<16xi32>,
      %gather3A_763 = tpu.vector_load_idx %arg8[%get3A_762] : memref<50048xf32, #tpu.memory_space<vmem>>[vector<16xi32>], vector<16xf32>,
      %swap3A_764 = arith.constant 8 : i32
      %swap3A_765 = arith.index_cast %swap3A_764 : i32 to index
      %swap3A_766 = arith.constant 112 : index
      %swap3A_767 = tpu.vector_load %arg11[%swap3A_765, %swap3A_766] {strides = array<i32>} : memref<14x128xf32, #tpu.memory_space<vmem>>, vector<16xf32>,
      tpu.vector_store %arg11[%swap3A_765, %swap3A_766], %gather3A_763 {strides = array<i32>} : memref<14x128xf32, #tpu.memory_space<vmem>>, vector<16xf32>,
      %dma_start3A_768 = arith.constant 8 : i32
      %dma_start3A_769 = arith.constant 8 : i32
      %dma_start3A_770 = arith.constant 0 : i32
      %dma_start3A_771 = tpu.memref_slice %arg11[%dma_start3A_768, %dma_start3A_770] : memref<14x128xf32, #tpu.memory_space<vmem>> -> memref<1x128xf32, #tpu.memory_space<vmem>>
      %dma_start3A_772 = tpu.memref_squeeze %dma_start3A_771 : memref<1x128xf32, #tpu.memory_space<vmem>> -> memref<128xf32, #tpu.memory_space<vmem>>
      %dma_start3A_773 = arith.constant 0 : i32
      %dma_start3A_774 = tpu.memref_slice %arg10[%dma_start3A_769, %dma_start3A_773] : memref<14x128xi32, #tpu.memory_space<vmem>> -> memref<1x128xi32, #tpu.memory_space<vmem>>
      %dma_start3A_775 = tpu.memref_squeeze %dma_start3A_774 : memref<1x128xi32, #tpu.memory_space<vmem>> -> memref<128xi32, #tpu.memory_space<vmem>>
      %dma_start3A_776 = arith.constant 0 : i32
      %dma_start3A_777 = tpu.memref_slice %arg7[%dma_start3A_776] : memref<50048xf32, #tpu.memory_space<vmem_shared>> -> memref<50048xf32, #tpu.memory_space<vmem_shared>>
      tpu.enqueue_indirect_dma source(%dma_start3A_772 : memref<128xf32, #tpu.memory_space<vmem>>) target(%dma_start3A_777 : memref<50048xf32, #tpu.memory_space<vmem_shared>>) offsets(%dma_start3A_775 : memref<128xi32, #tpu.memory_space<vmem>>) semaphore(%arg14 : memref<!tpu.dma_semaphore, #tpu.memory_space<semaphore_mem>>) {add = true}
      %get3A_778 = arith.constant 9 : i32
      %get3A_779 = arith.index_cast %get3A_778 : i32 to index
      %get3A_780 = arith.constant 0 : index
      %get3A_781 = tpu.vector_load %arg9[%get3A_779, %get3A_780] {strides = array<i32>} : memref<14x128xi32, #tpu.memory_space<vmem>>, vector<16xi32>,
      %gather3A_782 = tpu.vector_load_idx %arg8[%get3A_781] : memref<50048xf32, #tpu.memory_space<vmem>>[vector<16xi32>], vector<16xf32>,
      %swap3A_783 = arith.constant 9 : i32
      %swap3A_784 = arith.index_cast %swap3A_783 : i32 to index
      %swap3A_785 = arith.constant 0 : index
      %swap3A_786 = tpu.vector_load %arg11[%swap3A_784, %swap3A_785] {strides = array<i32>} : memref<14x128xf32, #tpu.memory_space<vmem>>, vector<16xf32>,
      tpu.vector_store %arg11[%swap3A_784, %swap3A_785], %gather3A_782 {strides = array<i32>} : memref<14x128xf32, #tpu.memory_space<vmem>>, vector<16xf32>,
      %get3A_787 = arith.constant 9 : i32
      %get3A_788 = arith.index_cast %get3A_787 : i32 to index
      %get3A_789 = arith.constant 16 : index
      %get3A_790 = tpu.vector_load %arg9[%get3A_788, %get3A_789] {strides = array<i32>} : memref<14x128xi32, #tpu.memory_space<vmem>>, vector<16xi32>,
      %gather3A_791 = tpu.vector_load_idx %arg8[%get3A_790] : memref<50048xf32, #tpu.memory_space<vmem>>[vector<16xi32>], vector<16xf32>,
      %swap3A_792 = arith.constant 9 : i32
      %swap3A_793 = arith.index_cast %swap3A_792 : i32 to index
      %swap3A_794 = arith.constant 16 : index
      %swap3A_795 = tpu.vector_load %arg11[%swap3A_793, %swap3A_794] {strides = array<i32>} : memref<14x128xf32, #tpu.memory_space<vmem>>, vector<16xf32>,
      tpu.vector_store %arg11[%swap3A_793, %swap3A_794], %gather3A_791 {strides = array<i32>} : memref<14x128xf32, #tpu.memory_space<vmem>>, vector<16xf32>,
      %get3A_796 = arith.constant 9 : i32
      %get3A_797 = arith.index_cast %get3A_796 : i32 to index
      %get3A_798 = arith.constant 32 : index
      %get3A_799 = tpu.vector_load %arg9[%get3A_797, %get3A_798] {strides = array<i32>} : memref<14x128xi32, #tpu.memory_space<vmem>>, vector<16xi32>,
      %gather3A_800 = tpu.vector_load_idx %arg8[%get3A_799] : memref<50048xf32, #tpu.memory_space<vmem>>[vector<16xi32>], vector<16xf32>,
      %swap3A_801 = arith.constant 9 : i32
      %swap3A_802 = arith.index_cast %swap3A_801 : i32 to index
      %swap3A_803 = arith.constant 32 : index
      %swap3A_804 = tpu.vector_load %arg11[%swap3A_802, %swap3A_803] {strides = array<i32>} : memref<14x128xf32, #tpu.memory_space<vmem>>, vector<16xf32>,
      tpu.vector_store %arg11[%swap3A_802, %swap3A_803], %gather3A_800 {strides = array<i32>} : memref<14x128xf32, #tpu.memory_space<vmem>>, vector<16xf32>,
      %get3A_805 = arith.constant 9 : i32
      %get3A_806 = arith.index_cast %get3A_805 : i32 to index
      %get3A_807 = arith.constant 48 : index
      %get3A_808 = tpu.vector_load %arg9[%get3A_806, %get3A_807] {strides = array<i32>} : memref<14x128xi32, #tpu.memory_space<vmem>>, vector<16xi32>,
      %gather3A_809 = tpu.vector_load_idx %arg8[%get3A_808] : memref<50048xf32, #tpu.memory_space<vmem>>[vector<16xi32>], vector<16xf32>,
      %swap3A_810 = arith.constant 9 : i32
      %swap3A_811 = arith.index_cast %swap3A_810 : i32 to index
      %swap3A_812 = arith.constant 48 : index
      %swap3A_813 = tpu.vector_load %arg11[%swap3A_811, %swap3A_812] {strides = array<i32>} : memref<14x128xf32, #tpu.memory_space<vmem>>, vector<16xf32>,
      tpu.vector_store %arg11[%swap3A_811, %swap3A_812], %gather3A_809 {strides = array<i32>} : memref<14x128xf32, #tpu.memory_space<vmem>>, vector<16xf32>,
      %get3A_814 = arith.constant 9 : i32
      %get3A_815 = arith.index_cast %get3A_814 : i32 to index
      %get3A_816 = arith.constant 64 : index
      %get3A_817 = tpu.vector_load %arg9[%get3A_815, %get3A_816] {strides = array<i32>} : memref<14x128xi32, #tpu.memory_space<vmem>>, vector<16xi32>,
      %gather3A_818 = tpu.vector_load_idx %arg8[%get3A_817] : memref<50048xf32, #tpu.memory_space<vmem>>[vector<16xi32>], vector<16xf32>,
      %swap3A_819 = arith.constant 9 : i32
      %swap3A_820 = arith.index_cast %swap3A_819 : i32 to index
      %swap3A_821 = arith.constant 64 : index
      %swap3A_822 = tpu.vector_load %arg11[%swap3A_820, %swap3A_821] {strides = array<i32>} : memref<14x128xf32, #tpu.memory_space<vmem>>, vector<16xf32>,
      tpu.vector_store %arg11[%swap3A_820, %swap3A_821], %gather3A_818 {strides = array<i32>} : memref<14x128xf32, #tpu.memory_space<vmem>>, vector<16xf32>,
      %get3A_823 = arith.constant 9 : i32
      %get3A_824 = arith.index_cast %get3A_823 : i32 to index
      %get3A_825 = arith.constant 80 : index
      %get3A_826 = tpu.vector_load %arg9[%get3A_824, %get3A_825] {strides = array<i32>} : memref<14x128xi32, #tpu.memory_space<vmem>>, vector<16xi32>,
      %gather3A_827 = tpu.vector_load_idx %arg8[%get3A_826] : memref<50048xf32, #tpu.memory_space<vmem>>[vector<16xi32>], vector<16xf32>,
      %swap3A_828 = arith.constant 9 : i32
      %swap3A_829 = arith.index_cast %swap3A_828 : i32 to index
      %swap3A_830 = arith.constant 80 : index
      %swap3A_831 = tpu.vector_load %arg11[%swap3A_829, %swap3A_830] {strides = array<i32>} : memref<14x128xf32, #tpu.memory_space<vmem>>, vector<16xf32>,
      tpu.vector_store %arg11[%swap3A_829, %swap3A_830], %gather3A_827 {strides = array<i32>} : memref<14x128xf32, #tpu.memory_space<vmem>>, vector<16xf32>,
      %get3A_832 = arith.constant 9 : i32
      %get3A_833 = arith.index_cast %get3A_832 : i32 to index
      %get3A_834 = arith.constant 96 : index
      %get3A_835 = tpu.vector_load %arg9[%get3A_833, %get3A_834] {strides = array<i32>} : memref<14x128xi32, #tpu.memory_space<vmem>>, vector<16xi32>,
      %gather3A_836 = tpu.vector_load_idx %arg8[%get3A_835] : memref<50048xf32, #tpu.memory_space<vmem>>[vector<16xi32>], vector<16xf32>,
      %swap3A_837 = arith.constant 9 : i32
      %swap3A_838 = arith.index_cast %swap3A_837 : i32 to index
      %swap3A_839 = arith.constant 96 : index
      %swap3A_840 = tpu.vector_load %arg11[%swap3A_838, %swap3A_839] {strides = array<i32>} : memref<14x128xf32, #tpu.memory_space<vmem>>, vector<16xf32>,
      tpu.vector_store %arg11[%swap3A_838, %swap3A_839], %gather3A_836 {strides = array<i32>} : memref<14x128xf32, #tpu.memory_space<vmem>>, vector<16xf32>,
      %get3A_841 = arith.constant 9 : i32
      %get3A_842 = arith.index_cast %get3A_841 : i32 to index
      %get3A_843 = arith.constant 112 : index
      %get3A_844 = tpu.vector_load %arg9[%get3A_842, %get3A_843] {strides = array<i32>} : memref<14x128xi32, #tpu.memory_space<vmem>>, vector<16xi32>,
      %gather3A_845 = tpu.vector_load_idx %arg8[%get3A_844] : memref<50048xf32, #tpu.memory_space<vmem>>[vector<16xi32>], vector<16xf32>,
      %swap3A_846 = arith.constant 9 : i32
      %swap3A_847 = arith.index_cast %swap3A_846 : i32 to index
      %swap3A_848 = arith.constant 112 : index
      %swap3A_849 = tpu.vector_load %arg11[%swap3A_847, %swap3A_848] {strides = array<i32>} : memref<14x128xf32, #tpu.memory_space<vmem>>, vector<16xf32>,
      tpu.vector_store %arg11[%swap3A_847, %swap3A_848], %gather3A_845 {strides = array<i32>} : memref<14x128xf32, #tpu.memory_space<vmem>>, vector<16xf32>,
      %dma_start3A_850 = arith.constant 9 : i32
      %dma_start3A_851 = arith.constant 9 : i32
      %dma_start3A_852 = arith.constant 0 : i32
      %dma_start3A_853 = tpu.memref_slice %arg11[%dma_start3A_850, %dma_start3A_852] : memref<14x128xf32, #tpu.memory_space<vmem>> -> memref<1x128xf32, #tpu.memory_space<vmem>>
      %dma_start3A_854 = tpu.memref_squeeze %dma_start3A_853 : memref<1x128xf32, #tpu.memory_space<vmem>> -> memref<128xf32, #tpu.memory_space<vmem>>
      %dma_start3A_855 = arith.constant 0 : i32
      %dma_start3A_856 = tpu.memref_slice %arg10[%dma_start3A_851, %dma_start3A_855] : memref<14x128xi32, #tpu.memory_space<vmem>> -> memref<1x128xi32, #tpu.memory_space<vmem>>
      %dma_start3A_857 = tpu.memref_squeeze %dma_start3A_856 : memref<1x128xi32, #tpu.memory_space<vmem>> -> memref<128xi32, #tpu.memory_space<vmem>>
      %dma_start3A_858 = arith.constant 0 : i32
      %dma_start3A_859 = tpu.memref_slice %arg7[%dma_start3A_858] : memref<50048xf32, #tpu.memory_space<vmem_shared>> -> memref<50048xf32, #tpu.memory_space<vmem_shared>>
      tpu.enqueue_indirect_dma source(%dma_start3A_854 : memref<128xf32, #tpu.memory_space<vmem>>) target(%dma_start3A_859 : memref<50048xf32, #tpu.memory_space<vmem_shared>>) offsets(%dma_start3A_857 : memref<128xi32, #tpu.memory_space<vmem>>) semaphore(%arg14 : memref<!tpu.dma_semaphore, #tpu.memory_space<semaphore_mem>>) {add = true}
      %get3A_860 = arith.constant 10 : i32
      %get3A_861 = arith.index_cast %get3A_860 : i32 to index
      %get3A_862 = arith.constant 0 : index
      %get3A_863 = tpu.vector_load %arg9[%get3A_861, %get3A_862] {strides = array<i32>} : memref<14x128xi32, #tpu.memory_space<vmem>>, vector<16xi32>,
      %gather3A_864 = tpu.vector_load_idx %arg8[%get3A_863] : memref<50048xf32, #tpu.memory_space<vmem>>[vector<16xi32>], vector<16xf32>,
      %swap3A_865 = arith.constant 10 : i32
      %swap3A_866 = arith.index_cast %swap3A_865 : i32 to index
      %swap3A_867 = arith.constant 0 : index
      %swap3A_868 = tpu.vector_load %arg11[%swap3A_866, %swap3A_867] {strides = array<i32>} : memref<14x128xf32, #tpu.memory_space<vmem>>, vector<16xf32>,
      tpu.vector_store %arg11[%swap3A_866, %swap3A_867], %gather3A_864 {strides = array<i32>} : memref<14x128xf32, #tpu.memory_space<vmem>>, vector<16xf32>,
      %get3A_869 = arith.constant 10 : i32
      %get3A_870 = arith.index_cast %get3A_869 : i32 to index
      %get3A_871 = arith.constant 16 : index
      %get3A_872 = tpu.vector_load %arg9[%get3A_870, %get3A_871] {strides = array<i32>} : memref<14x128xi32, #tpu.memory_space<vmem>>, vector<16xi32>,
      %gather3A_873 = tpu.vector_load_idx %arg8[%get3A_872] : memref<50048xf32, #tpu.memory_space<vmem>>[vector<16xi32>], vector<16xf32>,
      %swap3A_874 = arith.constant 10 : i32
      %swap3A_875 = arith.index_cast %swap3A_874 : i32 to index
      %swap3A_876 = arith.constant 16 : index
      %swap3A_877 = tpu.vector_load %arg11[%swap3A_875, %swap3A_876] {strides = array<i32>} : memref<14x128xf32, #tpu.memory_space<vmem>>, vector<16xf32>,
      tpu.vector_store %arg11[%swap3A_875, %swap3A_876], %gather3A_873 {strides = array<i32>} : memref<14x128xf32, #tpu.memory_space<vmem>>, vector<16xf32>,
      %get3A_878 = arith.constant 10 : i32
      %get3A_879 = arith.index_cast %get3A_878 : i32 to index
      %get3A_880 = arith.constant 32 : index
      %get3A_881 = tpu.vector_load %arg9[%get3A_879, %get3A_880] {strides = array<i32>} : memref<14x128xi32, #tpu.memory_space<vmem>>, vector<16xi32>,
      %gather3A_882 = tpu.vector_load_idx %arg8[%get3A_881] : memref<50048xf32, #tpu.memory_space<vmem>>[vector<16xi32>], vector<16xf32>,
      %swap3A_883 = arith.constant 10 : i32
      %swap3A_884 = arith.index_cast %swap3A_883 : i32 to index
      %swap3A_885 = arith.constant 32 : index
      %swap3A_886 = tpu.vector_load %arg11[%swap3A_884, %swap3A_885] {strides = array<i32>} : memref<14x128xf32, #tpu.memory_space<vmem>>, vector<16xf32>,
      tpu.vector_store %arg11[%swap3A_884, %swap3A_885], %gather3A_882 {strides = array<i32>} : memref<14x128xf32, #tpu.memory_space<vmem>>, vector<16xf32>,
      %get3A_887 = arith.constant 10 : i32
      %get3A_888 = arith.index_cast %get3A_887 : i32 to index
      %get3A_889 = arith.constant 48 : index
      %get3A_890 = tpu.vector_load %arg9[%get3A_888, %get3A_889] {strides = array<i32>} : memref<14x128xi32, #tpu.memory_space<vmem>>, vector<16xi32>,
      %gather3A_891 = tpu.vector_load_idx %arg8[%get3A_890] : memref<50048xf32, #tpu.memory_space<vmem>>[vector<16xi32>], vector<16xf32>,
      %swap3A_892 = arith.constant 10 : i32
      %swap3A_893 = arith.index_cast %swap3A_892 : i32 to index
      %swap3A_894 = arith.constant 48 : index
      %swap3A_895 = tpu.vector_load %arg11[%swap3A_893, %swap3A_894] {strides = array<i32>} : memref<14x128xf32, #tpu.memory_space<vmem>>, vector<16xf32>,
      tpu.vector_store %arg11[%swap3A_893, %swap3A_894], %gather3A_891 {strides = array<i32>} : memref<14x128xf32, #tpu.memory_space<vmem>>, vector<16xf32>,
      %get3A_896 = arith.constant 10 : i32
      %get3A_897 = arith.index_cast %get3A_896 : i32 to index
      %get3A_898 = arith.constant 64 : index
      %get3A_899 = tpu.vector_load %arg9[%get3A_897, %get3A_898] {strides = array<i32>} : memref<14x128xi32, #tpu.memory_space<vmem>>, vector<16xi32>,
      %gather3A_900 = tpu.vector_load_idx %arg8[%get3A_899] : memref<50048xf32, #tpu.memory_space<vmem>>[vector<16xi32>], vector<16xf32>,
      %swap3A_901 = arith.constant 10 : i32
      %swap3A_902 = arith.index_cast %swap3A_901 : i32 to index
      %swap3A_903 = arith.constant 64 : index
      %swap3A_904 = tpu.vector_load %arg11[%swap3A_902, %swap3A_903] {strides = array<i32>} : memref<14x128xf32, #tpu.memory_space<vmem>>, vector<16xf32>,
      tpu.vector_store %arg11[%swap3A_902, %swap3A_903], %gather3A_900 {strides = array<i32>} : memref<14x128xf32, #tpu.memory_space<vmem>>, vector<16xf32>,
      %get3A_905 = arith.constant 10 : i32
      %get3A_906 = arith.index_cast %get3A_905 : i32 to index
      %get3A_907 = arith.constant 80 : index
      %get3A_908 = tpu.vector_load %arg9[%get3A_906, %get3A_907] {strides = array<i32>} : memref<14x128xi32, #tpu.memory_space<vmem>>, vector<16xi32>,
      %gather3A_909 = tpu.vector_load_idx %arg8[%get3A_908] : memref<50048xf32, #tpu.memory_space<vmem>>[vector<16xi32>], vector<16xf32>,
      %swap3A_910 = arith.constant 10 : i32
      %swap3A_911 = arith.index_cast %swap3A_910 : i32 to index
      %swap3A_912 = arith.constant 80 : index
      %swap3A_913 = tpu.vector_load %arg11[%swap3A_911, %swap3A_912] {strides = array<i32>} : memref<14x128xf32, #tpu.memory_space<vmem>>, vector<16xf32>,
      tpu.vector_store %arg11[%swap3A_911, %swap3A_912], %gather3A_909 {strides = array<i32>} : memref<14x128xf32, #tpu.memory_space<vmem>>, vector<16xf32>,
      %get3A_914 = arith.constant 10 : i32
      %get3A_915 = arith.index_cast %get3A_914 : i32 to index
      %get3A_916 = arith.constant 96 : index
      %get3A_917 = tpu.vector_load %arg9[%get3A_915, %get3A_916] {strides = array<i32>} : memref<14x128xi32, #tpu.memory_space<vmem>>, vector<16xi32>,
      %gather3A_918 = tpu.vector_load_idx %arg8[%get3A_917] : memref<50048xf32, #tpu.memory_space<vmem>>[vector<16xi32>], vector<16xf32>,
      %swap3A_919 = arith.constant 10 : i32
      %swap3A_920 = arith.index_cast %swap3A_919 : i32 to index
      %swap3A_921 = arith.constant 96 : index
      %swap3A_922 = tpu.vector_load %arg11[%swap3A_920, %swap3A_921] {strides = array<i32>} : memref<14x128xf32, #tpu.memory_space<vmem>>, vector<16xf32>,
      tpu.vector_store %arg11[%swap3A_920, %swap3A_921], %gather3A_918 {strides = array<i32>} : memref<14x128xf32, #tpu.memory_space<vmem>>, vector<16xf32>,
      %get3A_923 = arith.constant 10 : i32
      %get3A_924 = arith.index_cast %get3A_923 : i32 to index
      %get3A_925 = arith.constant 112 : index
      %get3A_926 = tpu.vector_load %arg9[%get3A_924, %get3A_925] {strides = array<i32>} : memref<14x128xi32, #tpu.memory_space<vmem>>, vector<16xi32>,
      %gather3A_927 = tpu.vector_load_idx %arg8[%get3A_926] : memref<50048xf32, #tpu.memory_space<vmem>>[vector<16xi32>], vector<16xf32>,
      %swap3A_928 = arith.constant 10 : i32
      %swap3A_929 = arith.index_cast %swap3A_928 : i32 to index
      %swap3A_930 = arith.constant 112 : index
      %swap3A_931 = tpu.vector_load %arg11[%swap3A_929, %swap3A_930] {strides = array<i32>} : memref<14x128xf32, #tpu.memory_space<vmem>>, vector<16xf32>,
      tpu.vector_store %arg11[%swap3A_929, %swap3A_930], %gather3A_927 {strides = array<i32>} : memref<14x128xf32, #tpu.memory_space<vmem>>, vector<16xf32>,
      %dma_start3A_932 = arith.constant 10 : i32
      %dma_start3A_933 = arith.constant 10 : i32
      %dma_start3A_934 = arith.constant 0 : i32
      %dma_start3A_935 = tpu.memref_slice %arg11[%dma_start3A_932, %dma_start3A_934] : memref<14x128xf32, #tpu.memory_space<vmem>> -> memref<1x128xf32, #tpu.memory_space<vmem>>
      %dma_start3A_936 = tpu.memref_squeeze %dma_start3A_935 : memref<1x128xf32, #tpu.memory_space<vmem>> -> memref<128xf32, #tpu.memory_space<vmem>>
      %dma_start3A_937 = arith.constant 0 : i32
      %dma_start3A_938 = tpu.memref_slice %arg10[%dma_start3A_933, %dma_start3A_937] : memref<14x128xi32, #tpu.memory_space<vmem>> -> memref<1x128xi32, #tpu.memory_space<vmem>>
      %dma_start3A_939 = tpu.memref_squeeze %dma_start3A_938 : memref<1x128xi32, #tpu.memory_space<vmem>> -> memref<128xi32, #tpu.memory_space<vmem>>
      %dma_start3A_940 = arith.constant 0 : i32
      %dma_start3A_941 = tpu.memref_slice %arg7[%dma_start3A_940] : memref<50048xf32, #tpu.memory_space<vmem_shared>> -> memref<50048xf32, #tpu.memory_space<vmem_shared>>
      tpu.enqueue_indirect_dma source(%dma_start3A_936 : memref<128xf32, #tpu.memory_space<vmem>>) target(%dma_start3A_941 : memref<50048xf32, #tpu.memory_space<vmem_shared>>) offsets(%dma_start3A_939 : memref<128xi32, #tpu.memory_space<vmem>>) semaphore(%arg14 : memref<!tpu.dma_semaphore, #tpu.memory_space<semaphore_mem>>) {add = true}
      %get3A_942 = arith.constant 11 : i32
      %get3A_943 = arith.index_cast %get3A_942 : i32 to index
      %get3A_944 = arith.constant 0 : index
      %get3A_945 = tpu.vector_load %arg9[%get3A_943, %get3A_944] {strides = array<i32>} : memref<14x128xi32, #tpu.memory_space<vmem>>, vector<16xi32>,
      %gather3A_946 = tpu.vector_load_idx %arg8[%get3A_945] : memref<50048xf32, #tpu.memory_space<vmem>>[vector<16xi32>], vector<16xf32>,
      %swap3A_947 = arith.constant 11 : i32
      %swap3A_948 = arith.index_cast %swap3A_947 : i32 to index
      %swap3A_949 = arith.constant 0 : index
      %swap3A_950 = tpu.vector_load %arg11[%swap3A_948, %swap3A_949] {strides = array<i32>} : memref<14x128xf32, #tpu.memory_space<vmem>>, vector<16xf32>,
      tpu.vector_store %arg11[%swap3A_948, %swap3A_949], %gather3A_946 {strides = array<i32>} : memref<14x128xf32, #tpu.memory_space<vmem>>, vector<16xf32>,
      %get3A_951 = arith.constant 11 : i32
      %get3A_952 = arith.index_cast %get3A_951 : i32 to index
      %get3A_953 = arith.constant 16 : index
      %get3A_954 = tpu.vector_load %arg9[%get3A_952, %get3A_953] {strides = array<i32>} : memref<14x128xi32, #tpu.memory_space<vmem>>, vector<16xi32>,
      %gather3A_955 = tpu.vector_load_idx %arg8[%get3A_954] : memref<50048xf32, #tpu.memory_space<vmem>>[vector<16xi32>], vector<16xf32>,
      %swap3A_956 = arith.constant 11 : i32
      %swap3A_957 = arith.index_cast %swap3A_956 : i32 to index
      %swap3A_958 = arith.constant 16 : index
      %swap3A_959 = tpu.vector_load %arg11[%swap3A_957, %swap3A_958] {strides = array<i32>} : memref<14x128xf32, #tpu.memory_space<vmem>>, vector<16xf32>,
      tpu.vector_store %arg11[%swap3A_957, %swap3A_958], %gather3A_955 {strides = array<i32>} : memref<14x128xf32, #tpu.memory_space<vmem>>, vector<16xf32>,
      %get3A_960 = arith.constant 11 : i32
      %get3A_961 = arith.index_cast %get3A_960 : i32 to index
      %get3A_962 = arith.constant 32 : index
      %get3A_963 = tpu.vector_load %arg9[%get3A_961, %get3A_962] {strides = array<i32>} : memref<14x128xi32, #tpu.memory_space<vmem>>, vector<16xi32>,
      %gather3A_964 = tpu.vector_load_idx %arg8[%get3A_963] : memref<50048xf32, #tpu.memory_space<vmem>>[vector<16xi32>], vector<16xf32>,
      %swap3A_965 = arith.constant 11 : i32
      %swap3A_966 = arith.index_cast %swap3A_965 : i32 to index
      %swap3A_967 = arith.constant 32 : index
      %swap3A_968 = tpu.vector_load %arg11[%swap3A_966, %swap3A_967] {strides = array<i32>} : memref<14x128xf32, #tpu.memory_space<vmem>>, vector<16xf32>,
      tpu.vector_store %arg11[%swap3A_966, %swap3A_967], %gather3A_964 {strides = array<i32>} : memref<14x128xf32, #tpu.memory_space<vmem>>, vector<16xf32>,
      %get3A_969 = arith.constant 11 : i32
      %get3A_970 = arith.index_cast %get3A_969 : i32 to index
      %get3A_971 = arith.constant 48 : index
      %get3A_972 = tpu.vector_load %arg9[%get3A_970, %get3A_971] {strides = array<i32>} : memref<14x128xi32, #tpu.memory_space<vmem>>, vector<16xi32>,
      %gather3A_973 = tpu.vector_load_idx %arg8[%get3A_972] : memref<50048xf32, #tpu.memory_space<vmem>>[vector<16xi32>], vector<16xf32>,
      %swap3A_974 = arith.constant 11 : i32
      %swap3A_975 = arith.index_cast %swap3A_974 : i32 to index
      %swap3A_976 = arith.constant 48 : index
      %swap3A_977 = tpu.vector_load %arg11[%swap3A_975, %swap3A_976] {strides = array<i32>} : memref<14x128xf32, #tpu.memory_space<vmem>>, vector<16xf32>,
      tpu.vector_store %arg11[%swap3A_975, %swap3A_976], %gather3A_973 {strides = array<i32>} : memref<14x128xf32, #tpu.memory_space<vmem>>, vector<16xf32>,
      %get3A_978 = arith.constant 11 : i32
      %get3A_979 = arith.index_cast %get3A_978 : i32 to index
      %get3A_980 = arith.constant 64 : index
      %get3A_981 = tpu.vector_load %arg9[%get3A_979, %get3A_980] {strides = array<i32>} : memref<14x128xi32, #tpu.memory_space<vmem>>, vector<16xi32>,
      %gather3A_982 = tpu.vector_load_idx %arg8[%get3A_981] : memref<50048xf32, #tpu.memory_space<vmem>>[vector<16xi32>], vector<16xf32>,
      %swap3A_983 = arith.constant 11 : i32
      %swap3A_984 = arith.index_cast %swap3A_983 : i32 to index
      %swap3A_985 = arith.constant 64 : index
      %swap3A_986 = tpu.vector_load %arg11[%swap3A_984, %swap3A_985] {strides = array<i32>} : memref<14x128xf32, #tpu.memory_space<vmem>>, vector<16xf32>,
      tpu.vector_store %arg11[%swap3A_984, %swap3A_985], %gather3A_982 {strides = array<i32>} : memref<14x128xf32, #tpu.memory_space<vmem>>, vector<16xf32>,
      %get3A_987 = arith.constant 11 : i32
      %get3A_988 = arith.index_cast %get3A_987 : i32 to index
      %get3A_989 = arith.constant 80 : index
      %get3A_990 = tpu.vector_load %arg9[%get3A_988, %get3A_989] {strides = array<i32>} : memref<14x128xi32, #tpu.memory_space<vmem>>, vector<16xi32>,
      %gather3A_991 = tpu.vector_load_idx %arg8[%get3A_990] : memref<50048xf32, #tpu.memory_space<vmem>>[vector<16xi32>], vector<16xf32>,
      %swap3A_992 = arith.constant 11 : i32
      %swap3A_993 = arith.index_cast %swap3A_992 : i32 to index
      %swap3A_994 = arith.constant 80 : index
      %swap3A_995 = tpu.vector_load %arg11[%swap3A_993, %swap3A_994] {strides = array<i32>} : memref<14x128xf32, #tpu.memory_space<vmem>>, vector<16xf32>,
      tpu.vector_store %arg11[%swap3A_993, %swap3A_994], %gather3A_991 {strides = array<i32>} : memref<14x128xf32, #tpu.memory_space<vmem>>, vector<16xf32>,
      %get3A_996 = arith.constant 11 : i32
      %get3A_997 = arith.index_cast %get3A_996 : i32 to index
      %get3A_998 = arith.constant 96 : index
      %get3A_999 = tpu.vector_load %arg9[%get3A_997, %get3A_998] {strides = array<i32>} : memref<14x128xi32, #tpu.memory_space<vmem>>, vector<16xi32>,
      %gather3A_1000 = tpu.vector_load_idx %arg8[%get3A_999] : memref<50048xf32, #tpu.memory_space<vmem>>[vector<16xi32>], vector<16xf32>,
      %swap3A_1001 = arith.constant 11 : i32
      %swap3A_1002 = arith.index_cast %swap3A_1001 : i32 to index
      %swap3A_1003 = arith.constant 96 : index
      %swap3A_1004 = tpu.vector_load %arg11[%swap3A_1002, %swap3A_1003] {strides = array<i32>} : memref<14x128xf32, #tpu.memory_space<vmem>>, vector<16xf32>,
      tpu.vector_store %arg11[%swap3A_1002, %swap3A_1003], %gather3A_1000 {strides = array<i32>} : memref<14x128xf32, #tpu.memory_space<vmem>>, vector<16xf32>,
      %get3A_1005 = arith.constant 11 : i32
      %get3A_1006 = arith.index_cast %get3A_1005 : i32 to index
      %get3A_1007 = arith.constant 112 : index
      %get3A_1008 = tpu.vector_load %arg9[%get3A_1006, %get3A_1007] {strides = array<i32>} : memref<14x128xi32, #tpu.memory_space<vmem>>, vector<16xi32>,
      %gather3A_1009 = tpu.vector_load_idx %arg8[%get3A_1008] : memref<50048xf32, #tpu.memory_space<vmem>>[vector<16xi32>], vector<16xf32>,
      %swap3A_1010 = arith.constant 11 : i32
      %swap3A_1011 = arith.index_cast %swap3A_1010 : i32 to index
      %swap3A_1012 = arith.constant 112 : index
      %swap3A_1013 = tpu.vector_load %arg11[%swap3A_1011, %swap3A_1012] {strides = array<i32>} : memref<14x128xf32, #tpu.memory_space<vmem>>, vector<16xf32>,
      tpu.vector_store %arg11[%swap3A_1011, %swap3A_1012], %gather3A_1009 {strides = array<i32>} : memref<14x128xf32, #tpu.memory_space<vmem>>, vector<16xf32>,
      %dma_start3A_1014 = arith.constant 11 : i32
      %dma_start3A_1015 = arith.constant 11 : i32
      %dma_start3A_1016 = arith.constant 0 : i32
      %dma_start3A_1017 = tpu.memref_slice %arg11[%dma_start3A_1014, %dma_start3A_1016] : memref<14x128xf32, #tpu.memory_space<vmem>> -> memref<1x128xf32, #tpu.memory_space<vmem>>
      %dma_start3A_1018 = tpu.memref_squeeze %dma_start3A_1017 : memref<1x128xf32, #tpu.memory_space<vmem>> -> memref<128xf32, #tpu.memory_space<vmem>>
      %dma_start3A_1019 = arith.constant 0 : i32
      %dma_start3A_1020 = tpu.memref_slice %arg10[%dma_start3A_1015, %dma_start3A_1019] : memref<14x128xi32, #tpu.memory_space<vmem>> -> memref<1x128xi32, #tpu.memory_space<vmem>>
      %dma_start3A_1021 = tpu.memref_squeeze %dma_start3A_1020 : memref<1x128xi32, #tpu.memory_space<vmem>> -> memref<128xi32, #tpu.memory_space<vmem>>
      %dma_start3A_1022 = arith.constant 0 : i32
      %dma_start3A_1023 = tpu.memref_slice %arg7[%dma_start3A_1022] : memref<50048xf32, #tpu.memory_space<vmem_shared>> -> memref<50048xf32, #tpu.memory_space<vmem_shared>>
      tpu.enqueue_indirect_dma source(%dma_start3A_1018 : memref<128xf32, #tpu.memory_space<vmem>>) target(%dma_start3A_1023 : memref<50048xf32, #tpu.memory_space<vmem_shared>>) offsets(%dma_start3A_1021 : memref<128xi32, #tpu.memory_space<vmem>>) semaphore(%arg14 : memref<!tpu.dma_semaphore, #tpu.memory_space<semaphore_mem>>) {add = true}
      %get3A_1024 = arith.constant 12 : i32
      %get3A_1025 = arith.index_cast %get3A_1024 : i32 to index
      %get3A_1026 = arith.constant 0 : index
      %get3A_1027 = tpu.vector_load %arg9[%get3A_1025, %get3A_1026] {strides = array<i32>} : memref<14x128xi32, #tpu.memory_space<vmem>>, vector<16xi32>,
      %gather3A_1028 = tpu.vector_load_idx %arg8[%get3A_1027] : memref<50048xf32, #tpu.memory_space<vmem>>[vector<16xi32>], vector<16xf32>,
      %swap3A_1029 = arith.constant 12 : i32
      %swap3A_1030 = arith.index_cast %swap3A_1029 : i32 to index
      %swap3A_1031 = arith.constant 0 : index
      %swap3A_1032 = tpu.vector_load %arg11[%swap3A_1030, %swap3A_1031] {strides = array<i32>} : memref<14x128xf32, #tpu.memory_space<vmem>>, vector<16xf32>,
      tpu.vector_store %arg11[%swap3A_1030, %swap3A_1031], %gather3A_1028 {strides = array<i32>} : memref<14x128xf32, #tpu.memory_space<vmem>>, vector<16xf32>,
      %get3A_1033 = arith.constant 12 : i32
      %get3A_1034 = arith.index_cast %get3A_1033 : i32 to index
      %get3A_1035 = arith.constant 16 : index
      %get3A_1036 = tpu.vector_load %arg9[%get3A_1034, %get3A_1035] {strides = array<i32>} : memref<14x128xi32, #tpu.memory_space<vmem>>, vector<16xi32>,
      %gather3A_1037 = tpu.vector_load_idx %arg8[%get3A_1036] : memref<50048xf32, #tpu.memory_space<vmem>>[vector<16xi32>], vector<16xf32>,
      %swap3A_1038 = arith.constant 12 : i32
      %swap3A_1039 = arith.index_cast %swap3A_1038 : i32 to index
      %swap3A_1040 = arith.constant 16 : index
      %swap3A_1041 = tpu.vector_load %arg11[%swap3A_1039, %swap3A_1040] {strides = array<i32>} : memref<14x128xf32, #tpu.memory_space<vmem>>, vector<16xf32>,
      tpu.vector_store %arg11[%swap3A_1039, %swap3A_1040], %gather3A_1037 {strides = array<i32>} : memref<14x128xf32, #tpu.memory_space<vmem>>, vector<16xf32>,
      %get3A_1042 = arith.constant 12 : i32
      %get3A_1043 = arith.index_cast %get3A_1042 : i32 to index
      %get3A_1044 = arith.constant 32 : index
      %get3A_1045 = tpu.vector_load %arg9[%get3A_1043, %get3A_1044] {strides = array<i32>} : memref<14x128xi32, #tpu.memory_space<vmem>>, vector<16xi32>,
      %gather3A_1046 = tpu.vector_load_idx %arg8[%get3A_1045] : memref<50048xf32, #tpu.memory_space<vmem>>[vector<16xi32>], vector<16xf32>,
      %swap3A_1047 = arith.constant 12 : i32
      %swap3A_1048 = arith.index_cast %swap3A_1047 : i32 to index
      %swap3A_1049 = arith.constant 32 : index
      %swap3A_1050 = tpu.vector_load %arg11[%swap3A_1048, %swap3A_1049] {strides = array<i32>} : memref<14x128xf32, #tpu.memory_space<vmem>>, vector<16xf32>,
      tpu.vector_store %arg11[%swap3A_1048, %swap3A_1049], %gather3A_1046 {strides = array<i32>} : memref<14x128xf32, #tpu.memory_space<vmem>>, vector<16xf32>,
      %get3A_1051 = arith.constant 12 : i32
      %get3A_1052 = arith.index_cast %get3A_1051 : i32 to index
      %get3A_1053 = arith.constant 48 : index
      %get3A_1054 = tpu.vector_load %arg9[%get3A_1052, %get3A_1053] {strides = array<i32>} : memref<14x128xi32, #tpu.memory_space<vmem>>, vector<16xi32>,
      %gather3A_1055 = tpu.vector_load_idx %arg8[%get3A_1054] : memref<50048xf32, #tpu.memory_space<vmem>>[vector<16xi32>], vector<16xf32>,
      %swap3A_1056 = arith.constant 12 : i32
      %swap3A_1057 = arith.index_cast %swap3A_1056 : i32 to index
      %swap3A_1058 = arith.constant 48 : index
      %swap3A_1059 = tpu.vector_load %arg11[%swap3A_1057, %swap3A_1058] {strides = array<i32>} : memref<14x128xf32, #tpu.memory_space<vmem>>, vector<16xf32>,
      tpu.vector_store %arg11[%swap3A_1057, %swap3A_1058], %gather3A_1055 {strides = array<i32>} : memref<14x128xf32, #tpu.memory_space<vmem>>, vector<16xf32>,
      %get3A_1060 = arith.constant 12 : i32
      %get3A_1061 = arith.index_cast %get3A_1060 : i32 to index
      %get3A_1062 = arith.constant 64 : index
      %get3A_1063 = tpu.vector_load %arg9[%get3A_1061, %get3A_1062] {strides = array<i32>} : memref<14x128xi32, #tpu.memory_space<vmem>>, vector<16xi32>,
      %gather3A_1064 = tpu.vector_load_idx %arg8[%get3A_1063] : memref<50048xf32, #tpu.memory_space<vmem>>[vector<16xi32>], vector<16xf32>,
      %swap3A_1065 = arith.constant 12 : i32
      %swap3A_1066 = arith.index_cast %swap3A_1065 : i32 to index
      %swap3A_1067 = arith.constant 64 : index
      %swap3A_1068 = tpu.vector_load %arg11[%swap3A_1066, %swap3A_1067] {strides = array<i32>} : memref<14x128xf32, #tpu.memory_space<vmem>>, vector<16xf32>,
      tpu.vector_store %arg11[%swap3A_1066, %swap3A_1067], %gather3A_1064 {strides = array<i32>} : memref<14x128xf32, #tpu.memory_space<vmem>>, vector<16xf32>,
      %get3A_1069 = arith.constant 12 : i32
      %get3A_1070 = arith.index_cast %get3A_1069 : i32 to index
      %get3A_1071 = arith.constant 80 : index
      %get3A_1072 = tpu.vector_load %arg9[%get3A_1070, %get3A_1071] {strides = array<i32>} : memref<14x128xi32, #tpu.memory_space<vmem>>, vector<16xi32>,
      %gather3A_1073 = tpu.vector_load_idx %arg8[%get3A_1072] : memref<50048xf32, #tpu.memory_space<vmem>>[vector<16xi32>], vector<16xf32>,
      %swap3A_1074 = arith.constant 12 : i32
      %swap3A_1075 = arith.index_cast %swap3A_1074 : i32 to index
      %swap3A_1076 = arith.constant 80 : index
      %swap3A_1077 = tpu.vector_load %arg11[%swap3A_1075, %swap3A_1076] {strides = array<i32>} : memref<14x128xf32, #tpu.memory_space<vmem>>, vector<16xf32>,
      tpu.vector_store %arg11[%swap3A_1075, %swap3A_1076], %gather3A_1073 {strides = array<i32>} : memref<14x128xf32, #tpu.memory_space<vmem>>, vector<16xf32>,
      %get3A_1078 = arith.constant 12 : i32
      %get3A_1079 = arith.index_cast %get3A_1078 : i32 to index
      %get3A_1080 = arith.constant 96 : index
      %get3A_1081 = tpu.vector_load %arg9[%get3A_1079, %get3A_1080] {strides = array<i32>} : memref<14x128xi32, #tpu.memory_space<vmem>>, vector<16xi32>,
      %gather3A_1082 = tpu.vector_load_idx %arg8[%get3A_1081] : memref<50048xf32, #tpu.memory_space<vmem>>[vector<16xi32>], vector<16xf32>,
      %swap3A_1083 = arith.constant 12 : i32
      %swap3A_1084 = arith.index_cast %swap3A_1083 : i32 to index
      %swap3A_1085 = arith.constant 96 : index
      %swap3A_1086 = tpu.vector_load %arg11[%swap3A_1084, %swap3A_1085] {strides = array<i32>} : memref<14x128xf32, #tpu.memory_space<vmem>>, vector<16xf32>,
      tpu.vector_store %arg11[%swap3A_1084, %swap3A_1085], %gather3A_1082 {strides = array<i32>} : memref<14x128xf32, #tpu.memory_space<vmem>>, vector<16xf32>,
      %get3A_1087 = arith.constant 12 : i32
      %get3A_1088 = arith.index_cast %get3A_1087 : i32 to index
      %get3A_1089 = arith.constant 112 : index
      %get3A_1090 = tpu.vector_load %arg9[%get3A_1088, %get3A_1089] {strides = array<i32>} : memref<14x128xi32, #tpu.memory_space<vmem>>, vector<16xi32>,
      %gather3A_1091 = tpu.vector_load_idx %arg8[%get3A_1090] : memref<50048xf32, #tpu.memory_space<vmem>>[vector<16xi32>], vector<16xf32>,
      %swap3A_1092 = arith.constant 12 : i32
      %swap3A_1093 = arith.index_cast %swap3A_1092 : i32 to index
      %swap3A_1094 = arith.constant 112 : index
      %swap3A_1095 = tpu.vector_load %arg11[%swap3A_1093, %swap3A_1094] {strides = array<i32>} : memref<14x128xf32, #tpu.memory_space<vmem>>, vector<16xf32>,
      tpu.vector_store %arg11[%swap3A_1093, %swap3A_1094], %gather3A_1091 {strides = array<i32>} : memref<14x128xf32, #tpu.memory_space<vmem>>, vector<16xf32>,
      %dma_start3A_1096 = arith.constant 12 : i32
      %dma_start3A_1097 = arith.constant 12 : i32
      %dma_start3A_1098 = arith.constant 0 : i32
      %dma_start3A_1099 = tpu.memref_slice %arg11[%dma_start3A_1096, %dma_start3A_1098] : memref<14x128xf32, #tpu.memory_space<vmem>> -> memref<1x128xf32, #tpu.memory_space<vmem>>
      %dma_start3A_1100 = tpu.memref_squeeze %dma_start3A_1099 : memref<1x128xf32, #tpu.memory_space<vmem>> -> memref<128xf32, #tpu.memory_space<vmem>>
      %dma_start3A_1101 = arith.constant 0 : i32
      %dma_start3A_1102 = tpu.memref_slice %arg10[%dma_start3A_1097, %dma_start3A_1101] : memref<14x128xi32, #tpu.memory_space<vmem>> -> memref<1x128xi32, #tpu.memory_space<vmem>>
      %dma_start3A_1103 = tpu.memref_squeeze %dma_start3A_1102 : memref<1x128xi32, #tpu.memory_space<vmem>> -> memref<128xi32, #tpu.memory_space<vmem>>
      %dma_start3A_1104 = arith.constant 0 : i32
      %dma_start3A_1105 = tpu.memref_slice %arg7[%dma_start3A_1104] : memref<50048xf32, #tpu.memory_space<vmem_shared>> -> memref<50048xf32, #tpu.memory_space<vmem_shared>>
      tpu.enqueue_indirect_dma source(%dma_start3A_1100 : memref<128xf32, #tpu.memory_space<vmem>>) target(%dma_start3A_1105 : memref<50048xf32, #tpu.memory_space<vmem_shared>>) offsets(%dma_start3A_1103 : memref<128xi32, #tpu.memory_space<vmem>>) semaphore(%arg14 : memref<!tpu.dma_semaphore, #tpu.memory_space<semaphore_mem>>) {add = true}
      %get3A_1106 = arith.constant 13 : i32
      %get3A_1107 = arith.index_cast %get3A_1106 : i32 to index
      %get3A_1108 = arith.constant 0 : index
      %get3A_1109 = tpu.vector_load %arg9[%get3A_1107, %get3A_1108] {strides = array<i32>} : memref<14x128xi32, #tpu.memory_space<vmem>>, vector<16xi32>,
      %gather3A_1110 = tpu.vector_load_idx %arg8[%get3A_1109] : memref<50048xf32, #tpu.memory_space<vmem>>[vector<16xi32>], vector<16xf32>,
      %swap3A_1111 = arith.constant 13 : i32
      %swap3A_1112 = arith.index_cast %swap3A_1111 : i32 to index
      %swap3A_1113 = arith.constant 0 : index
      %swap3A_1114 = tpu.vector_load %arg11[%swap3A_1112, %swap3A_1113] {strides = array<i32>} : memref<14x128xf32, #tpu.memory_space<vmem>>, vector<16xf32>,
      tpu.vector_store %arg11[%swap3A_1112, %swap3A_1113], %gather3A_1110 {strides = array<i32>} : memref<14x128xf32, #tpu.memory_space<vmem>>, vector<16xf32>,
      %get3A_1115 = arith.constant 13 : i32
      %get3A_1116 = arith.index_cast %get3A_1115 : i32 to index
      %get3A_1117 = arith.constant 16 : index
      %get3A_1118 = tpu.vector_load %arg9[%get3A_1116, %get3A_1117] {strides = array<i32>} : memref<14x128xi32, #tpu.memory_space<vmem>>, vector<16xi32>,
      %gather3A_1119 = tpu.vector_load_idx %arg8[%get3A_1118] : memref<50048xf32, #tpu.memory_space<vmem>>[vector<16xi32>], vector<16xf32>,
      %swap3A_1120 = arith.constant 13 : i32
      %swap3A_1121 = arith.index_cast %swap3A_1120 : i32 to index
      %swap3A_1122 = arith.constant 16 : index
      %swap3A_1123 = tpu.vector_load %arg11[%swap3A_1121, %swap3A_1122] {strides = array<i32>} : memref<14x128xf32, #tpu.memory_space<vmem>>, vector<16xf32>,
      tpu.vector_store %arg11[%swap3A_1121, %swap3A_1122], %gather3A_1119 {strides = array<i32>} : memref<14x128xf32, #tpu.memory_space<vmem>>, vector<16xf32>,
      %get3A_1124 = arith.constant 13 : i32
      %get3A_1125 = arith.index_cast %get3A_1124 : i32 to index
      %get3A_1126 = arith.constant 32 : index
      %get3A_1127 = tpu.vector_load %arg9[%get3A_1125, %get3A_1126] {strides = array<i32>} : memref<14x128xi32, #tpu.memory_space<vmem>>, vector<16xi32>,
      %gather3A_1128 = tpu.vector_load_idx %arg8[%get3A_1127] : memref<50048xf32, #tpu.memory_space<vmem>>[vector<16xi32>], vector<16xf32>,
      %swap3A_1129 = arith.constant 13 : i32
      %swap3A_1130 = arith.index_cast %swap3A_1129 : i32 to index
      %swap3A_1131 = arith.constant 32 : index
      %swap3A_1132 = tpu.vector_load %arg11[%swap3A_1130, %swap3A_1131] {strides = array<i32>} : memref<14x128xf32, #tpu.memory_space<vmem>>, vector<16xf32>,
      tpu.vector_store %arg11[%swap3A_1130, %swap3A_1131], %gather3A_1128 {strides = array<i32>} : memref<14x128xf32, #tpu.memory_space<vmem>>, vector<16xf32>,
      %get3A_1133 = arith.constant 13 : i32
      %get3A_1134 = arith.index_cast %get3A_1133 : i32 to index
      %get3A_1135 = arith.constant 48 : index
      %get3A_1136 = tpu.vector_load %arg9[%get3A_1134, %get3A_1135] {strides = array<i32>} : memref<14x128xi32, #tpu.memory_space<vmem>>, vector<16xi32>,
      %gather3A_1137 = tpu.vector_load_idx %arg8[%get3A_1136] : memref<50048xf32, #tpu.memory_space<vmem>>[vector<16xi32>], vector<16xf32>,
      %swap3A_1138 = arith.constant 13 : i32
      %swap3A_1139 = arith.index_cast %swap3A_1138 : i32 to index
      %swap3A_1140 = arith.constant 48 : index
      %swap3A_1141 = tpu.vector_load %arg11[%swap3A_1139, %swap3A_1140] {strides = array<i32>} : memref<14x128xf32, #tpu.memory_space<vmem>>, vector<16xf32>,
      tpu.vector_store %arg11[%swap3A_1139, %swap3A_1140], %gather3A_1137 {strides = array<i32>} : memref<14x128xf32, #tpu.memory_space<vmem>>, vector<16xf32>,
      %get3A_1142 = arith.constant 13 : i32
      %get3A_1143 = arith.index_cast %get3A_1142 : i32 to index
      %get3A_1144 = arith.constant 64 : index
      %get3A_1145 = tpu.vector_load %arg9[%get3A_1143, %get3A_1144] {strides = array<i32>} : memref<14x128xi32, #tpu.memory_space<vmem>>, vector<16xi32>,
      %gather3A_1146 = tpu.vector_load_idx %arg8[%get3A_1145] : memref<50048xf32, #tpu.memory_space<vmem>>[vector<16xi32>], vector<16xf32>,
      %swap3A_1147 = arith.constant 13 : i32
      %swap3A_1148 = arith.index_cast %swap3A_1147 : i32 to index
      %swap3A_1149 = arith.constant 64 : index
      %swap3A_1150 = tpu.vector_load %arg11[%swap3A_1148, %swap3A_1149] {strides = array<i32>} : memref<14x128xf32, #tpu.memory_space<vmem>>, vector<16xf32>,
      tpu.vector_store %arg11[%swap3A_1148, %swap3A_1149], %gather3A_1146 {strides = array<i32>} : memref<14x128xf32, #tpu.memory_space<vmem>>, vector<16xf32>,
      %get3A_1151 = arith.constant 13 : i32
      %get3A_1152 = arith.index_cast %get3A_1151 : i32 to index
      %get3A_1153 = arith.constant 80 : index
      %get3A_1154 = tpu.vector_load %arg9[%get3A_1152, %get3A_1153] {strides = array<i32>} : memref<14x128xi32, #tpu.memory_space<vmem>>, vector<16xi32>,
      %gather3A_1155 = tpu.vector_load_idx %arg8[%get3A_1154] : memref<50048xf32, #tpu.memory_space<vmem>>[vector<16xi32>], vector<16xf32>,
      %swap3A_1156 = arith.constant 13 : i32
      %swap3A_1157 = arith.index_cast %swap3A_1156 : i32 to index
      %swap3A_1158 = arith.constant 80 : index
      %swap3A_1159 = tpu.vector_load %arg11[%swap3A_1157, %swap3A_1158] {strides = array<i32>} : memref<14x128xf32, #tpu.memory_space<vmem>>, vector<16xf32>,
      tpu.vector_store %arg11[%swap3A_1157, %swap3A_1158], %gather3A_1155 {strides = array<i32>} : memref<14x128xf32, #tpu.memory_space<vmem>>, vector<16xf32>,
      %get3A_1160 = arith.constant 13 : i32
      %get3A_1161 = arith.index_cast %get3A_1160 : i32 to index
      %get3A_1162 = arith.constant 96 : index
      %get3A_1163 = tpu.vector_load %arg9[%get3A_1161, %get3A_1162] {strides = array<i32>} : memref<14x128xi32, #tpu.memory_space<vmem>>, vector<16xi32>,
      %gather3A_1164 = tpu.vector_load_idx %arg8[%get3A_1163] : memref<50048xf32, #tpu.memory_space<vmem>>[vector<16xi32>], vector<16xf32>,
      %swap3A_1165 = arith.constant 13 : i32
      %swap3A_1166 = arith.index_cast %swap3A_1165 : i32 to index
      %swap3A_1167 = arith.constant 96 : index
      %swap3A_1168 = tpu.vector_load %arg11[%swap3A_1166, %swap3A_1167] {strides = array<i32>} : memref<14x128xf32, #tpu.memory_space<vmem>>, vector<16xf32>,
      tpu.vector_store %arg11[%swap3A_1166, %swap3A_1167], %gather3A_1164 {strides = array<i32>} : memref<14x128xf32, #tpu.memory_space<vmem>>, vector<16xf32>,
      %get3A_1169 = arith.constant 13 : i32
      %get3A_1170 = arith.index_cast %get3A_1169 : i32 to index
      %get3A_1171 = arith.constant 112 : index
      %get3A_1172 = tpu.vector_load %arg9[%get3A_1170, %get3A_1171] {strides = array<i32>} : memref<14x128xi32, #tpu.memory_space<vmem>>, vector<16xi32>,
      %gather3A_1173 = tpu.vector_load_idx %arg8[%get3A_1172] : memref<50048xf32, #tpu.memory_space<vmem>>[vector<16xi32>], vector<16xf32>,
      %swap3A_1174 = arith.constant 13 : i32
      %swap3A_1175 = arith.index_cast %swap3A_1174 : i32 to index
      %swap3A_1176 = arith.constant 112 : index
      %swap3A_1177 = tpu.vector_load %arg11[%swap3A_1175, %swap3A_1176] {strides = array<i32>} : memref<14x128xf32, #tpu.memory_space<vmem>>, vector<16xf32>,
      tpu.vector_store %arg11[%swap3A_1175, %swap3A_1176], %gather3A_1173 {strides = array<i32>} : memref<14x128xf32, #tpu.memory_space<vmem>>, vector<16xf32>,
      %dma_start3A_1178 = arith.constant 13 : i32
      %dma_start3A_1179 = arith.constant 13 : i32
      %dma_start3A_1180 = arith.constant 0 : i32
      %dma_start3A_1181 = tpu.memref_slice %arg11[%dma_start3A_1178, %dma_start3A_1180] : memref<14x128xf32, #tpu.memory_space<vmem>> -> memref<1x128xf32, #tpu.memory_space<vmem>>
      %dma_start3A_1182 = tpu.memref_squeeze %dma_start3A_1181 : memref<1x128xf32, #tpu.memory_space<vmem>> -> memref<128xf32, #tpu.memory_space<vmem>>
      %dma_start3A_1183 = arith.constant 0 : i32
      %dma_start3A_1184 = tpu.memref_slice %arg10[%dma_start3A_1179, %dma_start3A_1183] : memref<14x128xi32, #tpu.memory_space<vmem>> -> memref<1x128xi32, #tpu.memory_space<vmem>>
      %dma_start3A_1185 = tpu.memref_squeeze %dma_start3A_1184 : memref<1x128xi32, #tpu.memory_space<vmem>> -> memref<128xi32, #tpu.memory_space<vmem>>
      %dma_start3A_1186 = arith.constant 0 : i32
      %dma_start3A_1187 = tpu.memref_slice %arg7[%dma_start3A_1186] : memref<50048xf32, #tpu.memory_space<vmem_shared>> -> memref<50048xf32, #tpu.memory_space<vmem_shared>>
      tpu.enqueue_indirect_dma source(%dma_start3A_1182 : memref<128xf32, #tpu.memory_space<vmem>>) target(%dma_start3A_1187 : memref<50048xf32, #tpu.memory_space<vmem_shared>>) offsets(%dma_start3A_1185 : memref<128xi32, #tpu.memory_space<vmem>>) semaphore(%arg14 : memref<!tpu.dma_semaphore, #tpu.memory_space<semaphore_mem>>) {add = true}
      %dma_wait3A = arith.constant 0 : i32
      %dma_wait3A_1188 = arith.constant 0 : i32
      %dma_wait3A_1189 = arith.constant 0 : i32
      %dma_wait3A_1190 = tpu.memref_slice %arg11[%dma_wait3A, %dma_wait3A_1189] : memref<14x128xf32, #tpu.memory_space<vmem>> -> memref<1x128xf32, #tpu.memory_space<vmem>>
      %dma_wait3A_1191 = tpu.memref_squeeze %dma_wait3A_1190 : memref<1x128xf32, #tpu.memory_space<vmem>> -> memref<128xf32, #tpu.memory_space<vmem>>
      %dma_wait3A_1192 = arith.constant 0 : i32
      %dma_wait3A_1193 = tpu.memref_slice %arg10[%dma_wait3A_1188, %dma_wait3A_1192] : memref<14x128xi32, #tpu.memory_space<vmem>> -> memref<1x128xi32, #tpu.memory_space<vmem>>
      %dma_wait3A_1194 = tpu.memref_squeeze %dma_wait3A_1193 : memref<1x128xi32, #tpu.memory_space<vmem>> -> memref<128xi32, #tpu.memory_space<vmem>>
      %dma_wait3A_1195 = arith.constant 0 : i32
      %dma_wait3A_1196 = tpu.memref_slice %arg7[%dma_wait3A_1195] : memref<50048xf32, #tpu.memory_space<vmem_shared>> -> memref<50048xf32, #tpu.memory_space<vmem_shared>>
      tpu.wait_indirect_dma semaphore(%arg14 : memref<!tpu.dma_semaphore, #tpu.memory_space<semaphore_mem>>) src(%dma_wait3A_1191 : memref<128xf32, #tpu.memory_space<vmem>>) dst(%dma_wait3A_1196 : memref<50048xf32, #tpu.memory_space<vmem_shared>>)
      %dma_wait3A_1197 = arith.constant 1 : i32
      %dma_wait3A_1198 = arith.constant 1 : i32
      %dma_wait3A_1199 = arith.constant 0 : i32
      %dma_wait3A_1200 = tpu.memref_slice %arg11[%dma_wait3A_1197, %dma_wait3A_1199] : memref<14x128xf32, #tpu.memory_space<vmem>> -> memref<1x128xf32, #tpu.memory_space<vmem>>
      %dma_wait3A_1201 = tpu.memref_squeeze %dma_wait3A_1200 : memref<1x128xf32, #tpu.memory_space<vmem>> -> memref<128xf32, #tpu.memory_space<vmem>>
      %dma_wait3A_1202 = arith.constant 0 : i32
      %dma_wait3A_1203 = tpu.memref_slice %arg10[%dma_wait3A_1198, %dma_wait3A_1202] : memref<14x128xi32, #tpu.memory_space<vmem>> -> memref<1x128xi32, #tpu.memory_space<vmem>>
      %dma_wait3A_1204 = tpu.memref_squeeze %dma_wait3A_1203 : memref<1x128xi32, #tpu.memory_space<vmem>> -> memref<128xi32, #tpu.memory_space<vmem>>
      %dma_wait3A_1205 = arith.constant 0 : i32
      %dma_wait3A_1206 = tpu.memref_slice %arg7[%dma_wait3A_1205] : memref<50048xf32, #tpu.memory_space<vmem_shared>> -> memref<50048xf32, #tpu.memory_space<vmem_shared>>
      tpu.wait_indirect_dma semaphore(%arg14 : memref<!tpu.dma_semaphore, #tpu.memory_space<semaphore_mem>>) src(%dma_wait3A_1201 : memref<128xf32, #tpu.memory_space<vmem>>) dst(%dma_wait3A_1206 : memref<50048xf32, #tpu.memory_space<vmem_shared>>)
      %dma_wait3A_1207 = arith.constant 2 : i32
      %dma_wait3A_1208 = arith.constant 2 : i32
      %dma_wait3A_1209 = arith.constant 0 : i32
      %dma_wait3A_1210 = tpu.memref_slice %arg11[%dma_wait3A_1207, %dma_wait3A_1209] : memref<14x128xf32, #tpu.memory_space<vmem>> -> memref<1x128xf32, #tpu.memory_space<vmem>>
      %dma_wait3A_1211 = tpu.memref_squeeze %dma_wait3A_1210 : memref<1x128xf32, #tpu.memory_space<vmem>> -> memref<128xf32, #tpu.memory_space<vmem>>
      %dma_wait3A_1212 = arith.constant 0 : i32
      %dma_wait3A_1213 = tpu.memref_slice %arg10[%dma_wait3A_1208, %dma_wait3A_1212] : memref<14x128xi32, #tpu.memory_space<vmem>> -> memref<1x128xi32, #tpu.memory_space<vmem>>
      %dma_wait3A_1214 = tpu.memref_squeeze %dma_wait3A_1213 : memref<1x128xi32, #tpu.memory_space<vmem>> -> memref<128xi32, #tpu.memory_space<vmem>>
      %dma_wait3A_1215 = arith.constant 0 : i32
      %dma_wait3A_1216 = tpu.memref_slice %arg7[%dma_wait3A_1215] : memref<50048xf32, #tpu.memory_space<vmem_shared>> -> memref<50048xf32, #tpu.memory_space<vmem_shared>>
      tpu.wait_indirect_dma semaphore(%arg14 : memref<!tpu.dma_semaphore, #tpu.memory_space<semaphore_mem>>) src(%dma_wait3A_1211 : memref<128xf32, #tpu.memory_space<vmem>>) dst(%dma_wait3A_1216 : memref<50048xf32, #tpu.memory_space<vmem_shared>>)
      %dma_wait3A_1217 = arith.constant 3 : i32
      %dma_wait3A_1218 = arith.constant 3 : i32
      %dma_wait3A_1219 = arith.constant 0 : i32
      %dma_wait3A_1220 = tpu.memref_slice %arg11[%dma_wait3A_1217, %dma_wait3A_1219] : memref<14x128xf32, #tpu.memory_space<vmem>> -> memref<1x128xf32, #tpu.memory_space<vmem>>
      %dma_wait3A_1221 = tpu.memref_squeeze %dma_wait3A_1220 : memref<1x128xf32, #tpu.memory_space<vmem>> -> memref<128xf32, #tpu.memory_space<vmem>>
      %dma_wait3A_1222 = arith.constant 0 : i32
      %dma_wait3A_1223 = tpu.memref_slice %arg10[%dma_wait3A_1218, %dma_wait3A_1222] : memref<14x128xi32, #tpu.memory_space<vmem>> -> memref<1x128xi32, #tpu.memory_space<vmem>>
      %dma_wait3A_1224 = tpu.memref_squeeze %dma_wait3A_1223 : memref<1x128xi32, #tpu.memory_space<vmem>> -> memref<128xi32, #tpu.memory_space<vmem>>
      %dma_wait3A_1225 = arith.constant 0 : i32
      %dma_wait3A_1226 = tpu.memref_slice %arg7[%dma_wait3A_1225] : memref<50048xf32, #tpu.memory_space<vmem_shared>> -> memref<50048xf32, #tpu.memory_space<vmem_shared>>
      tpu.wait_indirect_dma semaphore(%arg14 : memref<!tpu.dma_semaphore, #tpu.memory_space<semaphore_mem>>) src(%dma_wait3A_1221 : memref<128xf32, #tpu.memory_space<vmem>>) dst(%dma_wait3A_1226 : memref<50048xf32, #tpu.memory_space<vmem_shared>>)
      %dma_wait3A_1227 = arith.constant 4 : i32
      %dma_wait3A_1228 = arith.constant 4 : i32
      %dma_wait3A_1229 = arith.constant 0 : i32
      %dma_wait3A_1230 = tpu.memref_slice %arg11[%dma_wait3A_1227, %dma_wait3A_1229] : memref<14x128xf32, #tpu.memory_space<vmem>> -> memref<1x128xf32, #tpu.memory_space<vmem>>
      %dma_wait3A_1231 = tpu.memref_squeeze %dma_wait3A_1230 : memref<1x128xf32, #tpu.memory_space<vmem>> -> memref<128xf32, #tpu.memory_space<vmem>>
      %dma_wait3A_1232 = arith.constant 0 : i32
      %dma_wait3A_1233 = tpu.memref_slice %arg10[%dma_wait3A_1228, %dma_wait3A_1232] : memref<14x128xi32, #tpu.memory_space<vmem>> -> memref<1x128xi32, #tpu.memory_space<vmem>>
      %dma_wait3A_1234 = tpu.memref_squeeze %dma_wait3A_1233 : memref<1x128xi32, #tpu.memory_space<vmem>> -> memref<128xi32, #tpu.memory_space<vmem>>
      %dma_wait3A_1235 = arith.constant 0 : i32
      %dma_wait3A_1236 = tpu.memref_slice %arg7[%dma_wait3A_1235] : memref<50048xf32, #tpu.memory_space<vmem_shared>> -> memref<50048xf32, #tpu.memory_space<vmem_shared>>
      tpu.wait_indirect_dma semaphore(%arg14 : memref<!tpu.dma_semaphore, #tpu.memory_space<semaphore_mem>>) src(%dma_wait3A_1231 : memref<128xf32, #tpu.memory_space<vmem>>) dst(%dma_wait3A_1236 : memref<50048xf32, #tpu.memory_space<vmem_shared>>)
      %dma_wait3A_1237 = arith.constant 5 : i32
      %dma_wait3A_1238 = arith.constant 5 : i32
      %dma_wait3A_1239 = arith.constant 0 : i32
      %dma_wait3A_1240 = tpu.memref_slice %arg11[%dma_wait3A_1237, %dma_wait3A_1239] : memref<14x128xf32, #tpu.memory_space<vmem>> -> memref<1x128xf32, #tpu.memory_space<vmem>>
      %dma_wait3A_1241 = tpu.memref_squeeze %dma_wait3A_1240 : memref<1x128xf32, #tpu.memory_space<vmem>> -> memref<128xf32, #tpu.memory_space<vmem>>
      %dma_wait3A_1242 = arith.constant 0 : i32
      %dma_wait3A_1243 = tpu.memref_slice %arg10[%dma_wait3A_1238, %dma_wait3A_1242] : memref<14x128xi32, #tpu.memory_space<vmem>> -> memref<1x128xi32, #tpu.memory_space<vmem>>
      %dma_wait3A_1244 = tpu.memref_squeeze %dma_wait3A_1243 : memref<1x128xi32, #tpu.memory_space<vmem>> -> memref<128xi32, #tpu.memory_space<vmem>>
      %dma_wait3A_1245 = arith.constant 0 : i32
      %dma_wait3A_1246 = tpu.memref_slice %arg7[%dma_wait3A_1245] : memref<50048xf32, #tpu.memory_space<vmem_shared>> -> memref<50048xf32, #tpu.memory_space<vmem_shared>>
      tpu.wait_indirect_dma semaphore(%arg14 : memref<!tpu.dma_semaphore, #tpu.memory_space<semaphore_mem>>) src(%dma_wait3A_1241 : memref<128xf32, #tpu.memory_space<vmem>>) dst(%dma_wait3A_1246 : memref<50048xf32, #tpu.memory_space<vmem_shared>>)
      %dma_wait3A_1247 = arith.constant 6 : i32
      %dma_wait3A_1248 = arith.constant 6 : i32
      %dma_wait3A_1249 = arith.constant 0 : i32
      %dma_wait3A_1250 = tpu.memref_slice %arg11[%dma_wait3A_1247, %dma_wait3A_1249] : memref<14x128xf32, #tpu.memory_space<vmem>> -> memref<1x128xf32, #tpu.memory_space<vmem>>
      %dma_wait3A_1251 = tpu.memref_squeeze %dma_wait3A_1250 : memref<1x128xf32, #tpu.memory_space<vmem>> -> memref<128xf32, #tpu.memory_space<vmem>>
      %dma_wait3A_1252 = arith.constant 0 : i32
      %dma_wait3A_1253 = tpu.memref_slice %arg10[%dma_wait3A_1248, %dma_wait3A_1252] : memref<14x128xi32, #tpu.memory_space<vmem>> -> memref<1x128xi32, #tpu.memory_space<vmem>>
      %dma_wait3A_1254 = tpu.memref_squeeze %dma_wait3A_1253 : memref<1x128xi32, #tpu.memory_space<vmem>> -> memref<128xi32, #tpu.memory_space<vmem>>
      %dma_wait3A_1255 = arith.constant 0 : i32
      %dma_wait3A_1256 = tpu.memref_slice %arg7[%dma_wait3A_1255] : memref<50048xf32, #tpu.memory_space<vmem_shared>> -> memref<50048xf32, #tpu.memory_space<vmem_shared>>
      tpu.wait_indirect_dma semaphore(%arg14 : memref<!tpu.dma_semaphore, #tpu.memory_space<semaphore_mem>>) src(%dma_wait3A_1251 : memref<128xf32, #tpu.memory_space<vmem>>) dst(%dma_wait3A_1256 : memref<50048xf32, #tpu.memory_space<vmem_shared>>)
      %dma_wait3A_1257 = arith.constant 7 : i32
      %dma_wait3A_1258 = arith.constant 7 : i32
      %dma_wait3A_1259 = arith.constant 0 : i32
      %dma_wait3A_1260 = tpu.memref_slice %arg11[%dma_wait3A_1257, %dma_wait3A_1259] : memref<14x128xf32, #tpu.memory_space<vmem>> -> memref<1x128xf32, #tpu.memory_space<vmem>>
      %dma_wait3A_1261 = tpu.memref_squeeze %dma_wait3A_1260 : memref<1x128xf32, #tpu.memory_space<vmem>> -> memref<128xf32, #tpu.memory_space<vmem>>
      %dma_wait3A_1262 = arith.constant 0 : i32
      %dma_wait3A_1263 = tpu.memref_slice %arg10[%dma_wait3A_1258, %dma_wait3A_1262] : memref<14x128xi32, #tpu.memory_space<vmem>> -> memref<1x128xi32, #tpu.memory_space<vmem>>
      %dma_wait3A_1264 = tpu.memref_squeeze %dma_wait3A_1263 : memref<1x128xi32, #tpu.memory_space<vmem>> -> memref<128xi32, #tpu.memory_space<vmem>>
      %dma_wait3A_1265 = arith.constant 0 : i32
      %dma_wait3A_1266 = tpu.memref_slice %arg7[%dma_wait3A_1265] : memref<50048xf32, #tpu.memory_space<vmem_shared>> -> memref<50048xf32, #tpu.memory_space<vmem_shared>>
      tpu.wait_indirect_dma semaphore(%arg14 : memref<!tpu.dma_semaphore, #tpu.memory_space<semaphore_mem>>) src(%dma_wait3A_1261 : memref<128xf32, #tpu.memory_space<vmem>>) dst(%dma_wait3A_1266 : memref<50048xf32, #tpu.memory_space<vmem_shared>>)
      %dma_wait3A_1267 = arith.constant 8 : i32
      %dma_wait3A_1268 = arith.constant 8 : i32
      %dma_wait3A_1269 = arith.constant 0 : i32
      %dma_wait3A_1270 = tpu.memref_slice %arg11[%dma_wait3A_1267, %dma_wait3A_1269] : memref<14x128xf32, #tpu.memory_space<vmem>> -> memref<1x128xf32, #tpu.memory_space<vmem>>
      %dma_wait3A_1271 = tpu.memref_squeeze %dma_wait3A_1270 : memref<1x128xf32, #tpu.memory_space<vmem>> -> memref<128xf32, #tpu.memory_space<vmem>>
      %dma_wait3A_1272 = arith.constant 0 : i32
      %dma_wait3A_1273 = tpu.memref_slice %arg10[%dma_wait3A_1268, %dma_wait3A_1272] : memref<14x128xi32, #tpu.memory_space<vmem>> -> memref<1x128xi32, #tpu.memory_space<vmem>>
      %dma_wait3A_1274 = tpu.memref_squeeze %dma_wait3A_1273 : memref<1x128xi32, #tpu.memory_space<vmem>> -> memref<128xi32, #tpu.memory_space<vmem>>
      %dma_wait3A_1275 = arith.constant 0 : i32
      %dma_wait3A_1276 = tpu.memref_slice %arg7[%dma_wait3A_1275] : memref<50048xf32, #tpu.memory_space<vmem_shared>> -> memref<50048xf32, #tpu.memory_space<vmem_shared>>
      tpu.wait_indirect_dma semaphore(%arg14 : memref<!tpu.dma_semaphore, #tpu.memory_space<semaphore_mem>>) src(%dma_wait3A_1271 : memref<128xf32, #tpu.memory_space<vmem>>) dst(%dma_wait3A_1276 : memref<50048xf32, #tpu.memory_space<vmem_shared>>)
      %dma_wait3A_1277 = arith.constant 9 : i32
      %dma_wait3A_1278 = arith.constant 9 : i32
      %dma_wait3A_1279 = arith.constant 0 : i32
      %dma_wait3A_1280 = tpu.memref_slice %arg11[%dma_wait3A_1277, %dma_wait3A_1279] : memref<14x128xf32, #tpu.memory_space<vmem>> -> memref<1x128xf32, #tpu.memory_space<vmem>>
      %dma_wait3A_1281 = tpu.memref_squeeze %dma_wait3A_1280 : memref<1x128xf32, #tpu.memory_space<vmem>> -> memref<128xf32, #tpu.memory_space<vmem>>
      %dma_wait3A_1282 = arith.constant 0 : i32
      %dma_wait3A_1283 = tpu.memref_slice %arg10[%dma_wait3A_1278, %dma_wait3A_1282] : memref<14x128xi32, #tpu.memory_space<vmem>> -> memref<1x128xi32, #tpu.memory_space<vmem>>
      %dma_wait3A_1284 = tpu.memref_squeeze %dma_wait3A_1283 : memref<1x128xi32, #tpu.memory_space<vmem>> -> memref<128xi32, #tpu.memory_space<vmem>>
      %dma_wait3A_1285 = arith.constant 0 : i32
      %dma_wait3A_1286 = tpu.memref_slice %arg7[%dma_wait3A_1285] : memref<50048xf32, #tpu.memory_space<vmem_shared>> -> memref<50048xf32, #tpu.memory_space<vmem_shared>>
      tpu.wait_indirect_dma semaphore(%arg14 : memref<!tpu.dma_semaphore, #tpu.memory_space<semaphore_mem>>) src(%dma_wait3A_1281 : memref<128xf32, #tpu.memory_space<vmem>>) dst(%dma_wait3A_1286 : memref<50048xf32, #tpu.memory_space<vmem_shared>>)
      %dma_wait3A_1287 = arith.constant 10 : i32
      %dma_wait3A_1288 = arith.constant 10 : i32
      %dma_wait3A_1289 = arith.constant 0 : i32
      %dma_wait3A_1290 = tpu.memref_slice %arg11[%dma_wait3A_1287, %dma_wait3A_1289] : memref<14x128xf32, #tpu.memory_space<vmem>> -> memref<1x128xf32, #tpu.memory_space<vmem>>
      %dma_wait3A_1291 = tpu.memref_squeeze %dma_wait3A_1290 : memref<1x128xf32, #tpu.memory_space<vmem>> -> memref<128xf32, #tpu.memory_space<vmem>>
      %dma_wait3A_1292 = arith.constant 0 : i32
      %dma_wait3A_1293 = tpu.memref_slice %arg10[%dma_wait3A_1288, %dma_wait3A_1292] : memref<14x128xi32, #tpu.memory_space<vmem>> -> memref<1x128xi32, #tpu.memory_space<vmem>>
      %dma_wait3A_1294 = tpu.memref_squeeze %dma_wait3A_1293 : memref<1x128xi32, #tpu.memory_space<vmem>> -> memref<128xi32, #tpu.memory_space<vmem>>
      %dma_wait3A_1295 = arith.constant 0 : i32
      %dma_wait3A_1296 = tpu.memref_slice %arg7[%dma_wait3A_1295] : memref<50048xf32, #tpu.memory_space<vmem_shared>> -> memref<50048xf32, #tpu.memory_space<vmem_shared>>
      tpu.wait_indirect_dma semaphore(%arg14 : memref<!tpu.dma_semaphore, #tpu.memory_space<semaphore_mem>>) src(%dma_wait3A_1291 : memref<128xf32, #tpu.memory_space<vmem>>) dst(%dma_wait3A_1296 : memref<50048xf32, #tpu.memory_space<vmem_shared>>)
      %dma_wait3A_1297 = arith.constant 11 : i32
      %dma_wait3A_1298 = arith.constant 11 : i32
      %dma_wait3A_1299 = arith.constant 0 : i32
      %dma_wait3A_1300 = tpu.memref_slice %arg11[%dma_wait3A_1297, %dma_wait3A_1299] : memref<14x128xf32, #tpu.memory_space<vmem>> -> memref<1x128xf32, #tpu.memory_space<vmem>>
      %dma_wait3A_1301 = tpu.memref_squeeze %dma_wait3A_1300 : memref<1x128xf32, #tpu.memory_space<vmem>> -> memref<128xf32, #tpu.memory_space<vmem>>
      %dma_wait3A_1302 = arith.constant 0 : i32
      %dma_wait3A_1303 = tpu.memref_slice %arg10[%dma_wait3A_1298, %dma_wait3A_1302] : memref<14x128xi32, #tpu.memory_space<vmem>> -> memref<1x128xi32, #tpu.memory_space<vmem>>
      %dma_wait3A_1304 = tpu.memref_squeeze %dma_wait3A_1303 : memref<1x128xi32, #tpu.memory_space<vmem>> -> memref<128xi32, #tpu.memory_space<vmem>>
      %dma_wait3A_1305 = arith.constant 0 : i32
      %dma_wait3A_1306 = tpu.memref_slice %arg7[%dma_wait3A_1305] : memref<50048xf32, #tpu.memory_space<vmem_shared>> -> memref<50048xf32, #tpu.memory_space<vmem_shared>>
      tpu.wait_indirect_dma semaphore(%arg14 : memref<!tpu.dma_semaphore, #tpu.memory_space<semaphore_mem>>) src(%dma_wait3A_1301 : memref<128xf32, #tpu.memory_space<vmem>>) dst(%dma_wait3A_1306 : memref<50048xf32, #tpu.memory_space<vmem_shared>>)
      %dma_wait3A_1307 = arith.constant 12 : i32
      %dma_wait3A_1308 = arith.constant 12 : i32
      %dma_wait3A_1309 = arith.constant 0 : i32
      %dma_wait3A_1310 = tpu.memref_slice %arg11[%dma_wait3A_1307, %dma_wait3A_1309] : memref<14x128xf32, #tpu.memory_space<vmem>> -> memref<1x128xf32, #tpu.memory_space<vmem>>
      %dma_wait3A_1311 = tpu.memref_squeeze %dma_wait3A_1310 : memref<1x128xf32, #tpu.memory_space<vmem>> -> memref<128xf32, #tpu.memory_space<vmem>>
      %dma_wait3A_1312 = arith.constant 0 : i32
      %dma_wait3A_1313 = tpu.memref_slice %arg10[%dma_wait3A_1308, %dma_wait3A_1312] : memref<14x128xi32, #tpu.memory_space<vmem>> -> memref<1x128xi32, #tpu.memory_space<vmem>>
      %dma_wait3A_1314 = tpu.memref_squeeze %dma_wait3A_1313 : memref<1x128xi32, #tpu.memory_space<vmem>> -> memref<128xi32, #tpu.memory_space<vmem>>
      %dma_wait3A_1315 = arith.constant 0 : i32
      %dma_wait3A_1316 = tpu.memref_slice %arg7[%dma_wait3A_1315] : memref<50048xf32, #tpu.memory_space<vmem_shared>> -> memref<50048xf32, #tpu.memory_space<vmem_shared>>
      tpu.wait_indirect_dma semaphore(%arg14 : memref<!tpu.dma_semaphore, #tpu.memory_space<semaphore_mem>>) src(%dma_wait3A_1311 : memref<128xf32, #tpu.memory_space<vmem>>) dst(%dma_wait3A_1316 : memref<50048xf32, #tpu.memory_space<vmem_shared>>)
      %dma_wait3A_1317 = arith.constant 13 : i32
      %dma_wait3A_1318 = arith.constant 13 : i32
      %dma_wait3A_1319 = arith.constant 0 : i32
      %dma_wait3A_1320 = tpu.memref_slice %arg11[%dma_wait3A_1317, %dma_wait3A_1319] : memref<14x128xf32, #tpu.memory_space<vmem>> -> memref<1x128xf32, #tpu.memory_space<vmem>>
      %dma_wait3A_1321 = tpu.memref_squeeze %dma_wait3A_1320 : memref<1x128xf32, #tpu.memory_space<vmem>> -> memref<128xf32, #tpu.memory_space<vmem>>
      %dma_wait3A_1322 = arith.constant 0 : i32
      %dma_wait3A_1323 = tpu.memref_slice %arg10[%dma_wait3A_1318, %dma_wait3A_1322] : memref<14x128xi32, #tpu.memory_space<vmem>> -> memref<1x128xi32, #tpu.memory_space<vmem>>
      %dma_wait3A_1324 = tpu.memref_squeeze %dma_wait3A_1323 : memref<1x128xi32, #tpu.memory_space<vmem>> -> memref<128xi32, #tpu.memory_space<vmem>>
      %dma_wait3A_1325 = arith.constant 0 : i32
      %dma_wait3A_1326 = tpu.memref_slice %arg7[%dma_wait3A_1325] : memref<50048xf32, #tpu.memory_space<vmem_shared>> -> memref<50048xf32, #tpu.memory_space<vmem_shared>>
      tpu.wait_indirect_dma semaphore(%arg14 : memref<!tpu.dma_semaphore, #tpu.memory_space<semaphore_mem>>) src(%dma_wait3A_1321 : memref<128xf32, #tpu.memory_space<vmem>>) dst(%dma_wait3A_1326 : memref<50048xf32, #tpu.memory_space<vmem_shared>>)
    }
    %scan3A_5 = arith.constant 28 : i32
    %barrier3A_6 = arith.constant 0 : index
    tpu.barrier barrier_id(%barrier3A_6)
    "tpu.region"() ({
      %run_scoped3A = tpu.sem_alloc : memref<!tpu.dma_semaphore, #tpu.memory_space<semaphore_mem>>
      tpu.enqueue_dma source(%arg7 : memref<50048xf32, #tpu.memory_space<vmem_shared>>) target(%arg8 : memref<50048xf32, #tpu.memory_space<vmem>>) target_semaphore(%run_scoped3A : memref<!tpu.dma_semaphore, #tpu.memory_space<semaphore_mem>>)
      tpu.wait_dma2 semaphore(%run_scoped3A : memref<!tpu.dma_semaphore, #tpu.memory_space<semaphore_mem>>) src(%arg7 : memref<50048xf32, #tpu.memory_space<vmem_shared>>) dst(%arg8 : memref<50048xf32, #tpu.memory_space<vmem>>)
      tpu.yield
    }) : () -> ()
    %get3A = arith.constant 0 : index
    %get3A_7 = tpu.vector_load %arg13[%get3A] {strides = array<i32>} : memref<128xf32, #tpu.memory_space<vmem>>, vector<16xf32>,
    %get3A_8 = arith.constant 16 : index
    %get3A_9 = tpu.vector_load %arg13[%get3A_8] {strides = array<i32>} : memref<128xf32, #tpu.memory_space<vmem>>, vector<16xf32>,
    %add3A = arith.addf %get3A_7, %get3A_9 : vector<16xf32>
    %get3A_10 = arith.constant 32 : index
    %get3A_11 = tpu.vector_load %arg13[%get3A_10] {strides = array<i32>} : memref<128xf32, #tpu.memory_space<vmem>>, vector<16xf32>,
    %add3A_12 = arith.addf %add3A, %get3A_11 : vector<16xf32>
    %get3A_13 = arith.constant 48 : index
    %get3A_14 = tpu.vector_load %arg13[%get3A_13] {strides = array<i32>} : memref<128xf32, #tpu.memory_space<vmem>>, vector<16xf32>,
    %add3A_15 = arith.addf %add3A_12, %get3A_14 : vector<16xf32>
    %get3A_16 = arith.constant 64 : index
    %get3A_17 = tpu.vector_load %arg13[%get3A_16] {strides = array<i32>} : memref<128xf32, #tpu.memory_space<vmem>>, vector<16xf32>,
    %add3A_18 = arith.addf %add3A_15, %get3A_17 : vector<16xf32>
    %get3A_19 = arith.constant 80 : index
    %get3A_20 = tpu.vector_load %arg13[%get3A_19] {strides = array<i32>} : memref<128xf32, #tpu.memory_space<vmem>>, vector<16xf32>,
    %add3A_21 = arith.addf %add3A_18, %get3A_20 : vector<16xf32>
    %get3A_22 = arith.constant 96 : index
    %get3A_23 = tpu.vector_load %arg13[%get3A_22] {strides = array<i32>} : memref<128xf32, #tpu.memory_space<vmem>>, vector<16xf32>,
    %add3A_24 = arith.addf %add3A_21, %get3A_23 : vector<16xf32>
    %get3A_25 = arith.constant 112 : index
    %get3A_26 = tpu.vector_load %arg13[%get3A_25] {strides = array<i32>} : memref<128xf32, #tpu.memory_space<vmem>>, vector<16xf32>,
    %add3A_27 = arith.addf %add3A_24, %get3A_26 : vector<16xf32>
    %reduce_sum3A = arith.constant true
    %reduce_sum3A_28 = vector.broadcast %reduce_sum3A : i1 to vector<16xi1>
    %reduce_sum3A_29 = tpu.scan <sum>, %add3A_27 masked %reduce_sum3A_28 : vector<16xf32>, vector<16xi1> -> vector<16xf32>
    %reduce_sum3A_30 = vector.extract %reduce_sum3A_29[15] : f32 from vector<16xf32>
    %scan3A_31 = arith.constant 0 : i32
    %scan3A_32 = arith.constant 0 : i32
    %scan3A_33 = arith.constant 28 : i32
    %scan3A_34 = arith.addi %scan3A_32, %scan3A_33 : i32
    %scan3A_35 = arith.constant 1 : i32
    scf.for %scan3A_37 = %scan3A_32 to %scan3A_34 step %scan3A_35  : i32 {
      %mul3A_38 = arith.constant 392 : i32
      %mul3A_39 = arith.muli %arg1, %mul3A_38 : i32
      %mul3A_40 = arith.constant 14 : i32
      %mul3A_41 = arith.muli %scan3A_37, %mul3A_40 : i32
      %add3A_42 = arith.addi %mul3A_39, %mul3A_41 : i32
      "tpu.region"() ({
        %run_scoped3A = tpu.sem_alloc : memref<!tpu.dma_semaphore, #tpu.memory_space<semaphore_mem>>
        %dma_start3A = arith.constant 0 : i32
        %dma_start3A_1273 = tpu.memref_slice %arg4[%add3A_42, %dma_start3A] : memref<6272x128xi32, #tpu.memory_space<hbm>> -> memref<14x128xi32, #tpu.memory_space<hbm>>
        %dma_start3A_1274 = arith.constant 0 : i32
        %dma_start3A_1275 = tpu.memref_slice %arg4[%add3A_42, %dma_start3A_1274] : memref<6272x128xi32, #tpu.memory_space<hbm>> -> memref<14x128xi32, #tpu.memory_space<hbm>>
        tpu.enqueue_dma source(%dma_start3A_1275 : memref<14x128xi32, #tpu.memory_space<hbm>>) target(%arg10 : memref<14x128xi32, #tpu.memory_space<vmem>>) target_semaphore(%run_scoped3A : memref<!tpu.dma_semaphore, #tpu.memory_space<semaphore_mem>>)
        %dma_wait3A = arith.constant 0 : i32
        %dma_wait3A_1276 = tpu.memref_slice %arg4[%add3A_42, %dma_wait3A] : memref<6272x128xi32, #tpu.memory_space<hbm>> -> memref<14x128xi32, #tpu.memory_space<hbm>>
        %dma_wait3A_1277 = arith.constant 0 : i32
        %dma_wait3A_1278 = tpu.memref_slice %arg4[%add3A_42, %dma_wait3A_1277] : memref<6272x128xi32, #tpu.memory_space<hbm>> -> memref<14x128xi32, #tpu.memory_space<hbm>>
        tpu.wait_dma2 semaphore(%run_scoped3A : memref<!tpu.dma_semaphore, #tpu.memory_space<semaphore_mem>>) src(%dma_wait3A_1278 : memref<14x128xi32, #tpu.memory_space<hbm>>) dst(%arg10 : memref<14x128xi32, #tpu.memory_space<vmem>>)
        tpu.yield
      }) : () -> ()
      %get3A_43 = arith.constant 0 : i32
      %get3A_44 = arith.index_cast %get3A_43 : i32 to index
      %get3A_45 = arith.constant 0 : index
      %get3A_46 = tpu.vector_load %arg10[%get3A_44, %get3A_45] {strides = array<i32>} : memref<14x128xi32, #tpu.memory_space<vmem>>, vector<16xi32>,
      %gather3A = tpu.vector_load_idx %arg8[%get3A_46] : memref<50048xf32, #tpu.memory_space<vmem>>[vector<16xi32>], vector<16xf32>,
      %add3A_47 = vector.broadcast %reduce_sum3A_30 : f32 to vector<16xf32>
      %add3A_48 = arith.addf %gather3A, %add3A_47 : vector<16xf32>
      %swap3A = arith.constant 0 : i32
      %swap3A_49 = arith.index_cast %swap3A : i32 to index
      %swap3A_50 = arith.constant 0 : index
      %swap3A_51 = tpu.vector_load %arg12[%swap3A_49, %swap3A_50] {strides = array<i32>} : memref<14x128xf32, #tpu.memory_space<vmem>>, vector<16xf32>,
      tpu.vector_store %arg12[%swap3A_49, %swap3A_50], %add3A_48 {strides = array<i32>} : memref<14x128xf32, #tpu.memory_space<vmem>>, vector<16xf32>,
      %get3A_52 = arith.constant 0 : i32
      %get3A_53 = arith.index_cast %get3A_52 : i32 to index
      %get3A_54 = arith.constant 16 : index
      %get3A_55 = tpu.vector_load %arg10[%get3A_53, %get3A_54] {strides = array<i32>} : memref<14x128xi32, #tpu.memory_space<vmem>>, vector<16xi32>,
      %gather3A_56 = tpu.vector_load_idx %arg8[%get3A_55] : memref<50048xf32, #tpu.memory_space<vmem>>[vector<16xi32>], vector<16xf32>,
      %add3A_57 = vector.broadcast %reduce_sum3A_30 : f32 to vector<16xf32>
      %add3A_58 = arith.addf %gather3A_56, %add3A_57 : vector<16xf32>
      %swap3A_59 = arith.constant 0 : i32
      %swap3A_60 = arith.index_cast %swap3A_59 : i32 to index
      %swap3A_61 = arith.constant 16 : index
      %swap3A_62 = tpu.vector_load %arg12[%swap3A_60, %swap3A_61] {strides = array<i32>} : memref<14x128xf32, #tpu.memory_space<vmem>>, vector<16xf32>,
      tpu.vector_store %arg12[%swap3A_60, %swap3A_61], %add3A_58 {strides = array<i32>} : memref<14x128xf32, #tpu.memory_space<vmem>>, vector<16xf32>,
      %get3A_63 = arith.constant 0 : i32
      %get3A_64 = arith.index_cast %get3A_63 : i32 to index
      %get3A_65 = arith.constant 32 : index
      %get3A_66 = tpu.vector_load %arg10[%get3A_64, %get3A_65] {strides = array<i32>} : memref<14x128xi32, #tpu.memory_space<vmem>>, vector<16xi32>,
      %gather3A_67 = tpu.vector_load_idx %arg8[%get3A_66] : memref<50048xf32, #tpu.memory_space<vmem>>[vector<16xi32>], vector<16xf32>,
      %add3A_68 = vector.broadcast %reduce_sum3A_30 : f32 to vector<16xf32>
      %add3A_69 = arith.addf %gather3A_67, %add3A_68 : vector<16xf32>
      %swap3A_70 = arith.constant 0 : i32
      %swap3A_71 = arith.index_cast %swap3A_70 : i32 to index
      %swap3A_72 = arith.constant 32 : index
      %swap3A_73 = tpu.vector_load %arg12[%swap3A_71, %swap3A_72] {strides = array<i32>} : memref<14x128xf32, #tpu.memory_space<vmem>>, vector<16xf32>,
      tpu.vector_store %arg12[%swap3A_71, %swap3A_72], %add3A_69 {strides = array<i32>} : memref<14x128xf32, #tpu.memory_space<vmem>>, vector<16xf32>,
      %get3A_74 = arith.constant 0 : i32
      %get3A_75 = arith.index_cast %get3A_74 : i32 to index
      %get3A_76 = arith.constant 48 : index
      %get3A_77 = tpu.vector_load %arg10[%get3A_75, %get3A_76] {strides = array<i32>} : memref<14x128xi32, #tpu.memory_space<vmem>>, vector<16xi32>,
      %gather3A_78 = tpu.vector_load_idx %arg8[%get3A_77] : memref<50048xf32, #tpu.memory_space<vmem>>[vector<16xi32>], vector<16xf32>,
      %add3A_79 = vector.broadcast %reduce_sum3A_30 : f32 to vector<16xf32>
      %add3A_80 = arith.addf %gather3A_78, %add3A_79 : vector<16xf32>
      %swap3A_81 = arith.constant 0 : i32
      %swap3A_82 = arith.index_cast %swap3A_81 : i32 to index
      %swap3A_83 = arith.constant 48 : index
      %swap3A_84 = tpu.vector_load %arg12[%swap3A_82, %swap3A_83] {strides = array<i32>} : memref<14x128xf32, #tpu.memory_space<vmem>>, vector<16xf32>,
      tpu.vector_store %arg12[%swap3A_82, %swap3A_83], %add3A_80 {strides = array<i32>} : memref<14x128xf32, #tpu.memory_space<vmem>>, vector<16xf32>,
      %get3A_85 = arith.constant 0 : i32
      %get3A_86 = arith.index_cast %get3A_85 : i32 to index
      %get3A_87 = arith.constant 64 : index
      %get3A_88 = tpu.vector_load %arg10[%get3A_86, %get3A_87] {strides = array<i32>} : memref<14x128xi32, #tpu.memory_space<vmem>>, vector<16xi32>,
      %gather3A_89 = tpu.vector_load_idx %arg8[%get3A_88] : memref<50048xf32, #tpu.memory_space<vmem>>[vector<16xi32>], vector<16xf32>,
      %add3A_90 = vector.broadcast %reduce_sum3A_30 : f32 to vector<16xf32>
      %add3A_91 = arith.addf %gather3A_89, %add3A_90 : vector<16xf32>
      %swap3A_92 = arith.constant 0 : i32
      %swap3A_93 = arith.index_cast %swap3A_92 : i32 to index
      %swap3A_94 = arith.constant 64 : index
      %swap3A_95 = tpu.vector_load %arg12[%swap3A_93, %swap3A_94] {strides = array<i32>} : memref<14x128xf32, #tpu.memory_space<vmem>>, vector<16xf32>,
      tpu.vector_store %arg12[%swap3A_93, %swap3A_94], %add3A_91 {strides = array<i32>} : memref<14x128xf32, #tpu.memory_space<vmem>>, vector<16xf32>,
      %get3A_96 = arith.constant 0 : i32
      %get3A_97 = arith.index_cast %get3A_96 : i32 to index
      %get3A_98 = arith.constant 80 : index
      %get3A_99 = tpu.vector_load %arg10[%get3A_97, %get3A_98] {strides = array<i32>} : memref<14x128xi32, #tpu.memory_space<vmem>>, vector<16xi32>,
      %gather3A_100 = tpu.vector_load_idx %arg8[%get3A_99] : memref<50048xf32, #tpu.memory_space<vmem>>[vector<16xi32>], vector<16xf32>,
      %add3A_101 = vector.broadcast %reduce_sum3A_30 : f32 to vector<16xf32>
      %add3A_102 = arith.addf %gather3A_100, %add3A_101 : vector<16xf32>
      %swap3A_103 = arith.constant 0 : i32
      %swap3A_104 = arith.index_cast %swap3A_103 : i32 to index
      %swap3A_105 = arith.constant 80 : index
      %swap3A_106 = tpu.vector_load %arg12[%swap3A_104, %swap3A_105] {strides = array<i32>} : memref<14x128xf32, #tpu.memory_space<vmem>>, vector<16xf32>,
      tpu.vector_store %arg12[%swap3A_104, %swap3A_105], %add3A_102 {strides = array<i32>} : memref<14x128xf32, #tpu.memory_space<vmem>>, vector<16xf32>,
      %get3A_107 = arith.constant 0 : i32
      %get3A_108 = arith.index_cast %get3A_107 : i32 to index
      %get3A_109 = arith.constant 96 : index
      %get3A_110 = tpu.vector_load %arg10[%get3A_108, %get3A_109] {strides = array<i32>} : memref<14x128xi32, #tpu.memory_space<vmem>>, vector<16xi32>,
      %gather3A_111 = tpu.vector_load_idx %arg8[%get3A_110] : memref<50048xf32, #tpu.memory_space<vmem>>[vector<16xi32>], vector<16xf32>,
      %add3A_112 = vector.broadcast %reduce_sum3A_30 : f32 to vector<16xf32>
      %add3A_113 = arith.addf %gather3A_111, %add3A_112 : vector<16xf32>
      %swap3A_114 = arith.constant 0 : i32
      %swap3A_115 = arith.index_cast %swap3A_114 : i32 to index
      %swap3A_116 = arith.constant 96 : index
      %swap3A_117 = tpu.vector_load %arg12[%swap3A_115, %swap3A_116] {strides = array<i32>} : memref<14x128xf32, #tpu.memory_space<vmem>>, vector<16xf32>,
      tpu.vector_store %arg12[%swap3A_115, %swap3A_116], %add3A_113 {strides = array<i32>} : memref<14x128xf32, #tpu.memory_space<vmem>>, vector<16xf32>,
      %get3A_118 = arith.constant 0 : i32
      %get3A_119 = arith.index_cast %get3A_118 : i32 to index
      %get3A_120 = arith.constant 112 : index
      %get3A_121 = tpu.vector_load %arg10[%get3A_119, %get3A_120] {strides = array<i32>} : memref<14x128xi32, #tpu.memory_space<vmem>>, vector<16xi32>,
      %gather3A_122 = tpu.vector_load_idx %arg8[%get3A_121] : memref<50048xf32, #tpu.memory_space<vmem>>[vector<16xi32>], vector<16xf32>,
      %add3A_123 = vector.broadcast %reduce_sum3A_30 : f32 to vector<16xf32>
      %add3A_124 = arith.addf %gather3A_122, %add3A_123 : vector<16xf32>
      %swap3A_125 = arith.constant 0 : i32
      %swap3A_126 = arith.index_cast %swap3A_125 : i32 to index
      %swap3A_127 = arith.constant 112 : index
      %swap3A_128 = tpu.vector_load %arg12[%swap3A_126, %swap3A_127] {strides = array<i32>} : memref<14x128xf32, #tpu.memory_space<vmem>>, vector<16xf32>,
      tpu.vector_store %arg12[%swap3A_126, %swap3A_127], %add3A_124 {strides = array<i32>} : memref<14x128xf32, #tpu.memory_space<vmem>>, vector<16xf32>,
      %get3A_129 = arith.constant 1 : i32
      %get3A_130 = arith.index_cast %get3A_129 : i32 to index
      %get3A_131 = arith.constant 0 : index
      %get3A_132 = tpu.vector_load %arg10[%get3A_130, %get3A_131] {strides = array<i32>} : memref<14x128xi32, #tpu.memory_space<vmem>>, vector<16xi32>,
      %gather3A_133 = tpu.vector_load_idx %arg8[%get3A_132] : memref<50048xf32, #tpu.memory_space<vmem>>[vector<16xi32>], vector<16xf32>,
      %add3A_134 = vector.broadcast %reduce_sum3A_30 : f32 to vector<16xf32>
      %add3A_135 = arith.addf %gather3A_133, %add3A_134 : vector<16xf32>
      %swap3A_136 = arith.constant 1 : i32
      %swap3A_137 = arith.index_cast %swap3A_136 : i32 to index
      %swap3A_138 = arith.constant 0 : index
      %swap3A_139 = tpu.vector_load %arg12[%swap3A_137, %swap3A_138] {strides = array<i32>} : memref<14x128xf32, #tpu.memory_space<vmem>>, vector<16xf32>,
      tpu.vector_store %arg12[%swap3A_137, %swap3A_138], %add3A_135 {strides = array<i32>} : memref<14x128xf32, #tpu.memory_space<vmem>>, vector<16xf32>,
      %get3A_140 = arith.constant 1 : i32
      %get3A_141 = arith.index_cast %get3A_140 : i32 to index
      %get3A_142 = arith.constant 16 : index
      %get3A_143 = tpu.vector_load %arg10[%get3A_141, %get3A_142] {strides = array<i32>} : memref<14x128xi32, #tpu.memory_space<vmem>>, vector<16xi32>,
      %gather3A_144 = tpu.vector_load_idx %arg8[%get3A_143] : memref<50048xf32, #tpu.memory_space<vmem>>[vector<16xi32>], vector<16xf32>,
      %add3A_145 = vector.broadcast %reduce_sum3A_30 : f32 to vector<16xf32>
      %add3A_146 = arith.addf %gather3A_144, %add3A_145 : vector<16xf32>
      %swap3A_147 = arith.constant 1 : i32
      %swap3A_148 = arith.index_cast %swap3A_147 : i32 to index
      %swap3A_149 = arith.constant 16 : index
      %swap3A_150 = tpu.vector_load %arg12[%swap3A_148, %swap3A_149] {strides = array<i32>} : memref<14x128xf32, #tpu.memory_space<vmem>>, vector<16xf32>,
      tpu.vector_store %arg12[%swap3A_148, %swap3A_149], %add3A_146 {strides = array<i32>} : memref<14x128xf32, #tpu.memory_space<vmem>>, vector<16xf32>,
      %get3A_151 = arith.constant 1 : i32
      %get3A_152 = arith.index_cast %get3A_151 : i32 to index
      %get3A_153 = arith.constant 32 : index
      %get3A_154 = tpu.vector_load %arg10[%get3A_152, %get3A_153] {strides = array<i32>} : memref<14x128xi32, #tpu.memory_space<vmem>>, vector<16xi32>,
      %gather3A_155 = tpu.vector_load_idx %arg8[%get3A_154] : memref<50048xf32, #tpu.memory_space<vmem>>[vector<16xi32>], vector<16xf32>,
      %add3A_156 = vector.broadcast %reduce_sum3A_30 : f32 to vector<16xf32>
      %add3A_157 = arith.addf %gather3A_155, %add3A_156 : vector<16xf32>
      %swap3A_158 = arith.constant 1 : i32
      %swap3A_159 = arith.index_cast %swap3A_158 : i32 to index
      %swap3A_160 = arith.constant 32 : index
      %swap3A_161 = tpu.vector_load %arg12[%swap3A_159, %swap3A_160] {strides = array<i32>} : memref<14x128xf32, #tpu.memory_space<vmem>>, vector<16xf32>,
      tpu.vector_store %arg12[%swap3A_159, %swap3A_160], %add3A_157 {strides = array<i32>} : memref<14x128xf32, #tpu.memory_space<vmem>>, vector<16xf32>,
      %get3A_162 = arith.constant 1 : i32
      %get3A_163 = arith.index_cast %get3A_162 : i32 to index
      %get3A_164 = arith.constant 48 : index
      %get3A_165 = tpu.vector_load %arg10[%get3A_163, %get3A_164] {strides = array<i32>} : memref<14x128xi32, #tpu.memory_space<vmem>>, vector<16xi32>,
      %gather3A_166 = tpu.vector_load_idx %arg8[%get3A_165] : memref<50048xf32, #tpu.memory_space<vmem>>[vector<16xi32>], vector<16xf32>,
      %add3A_167 = vector.broadcast %reduce_sum3A_30 : f32 to vector<16xf32>
      %add3A_168 = arith.addf %gather3A_166, %add3A_167 : vector<16xf32>
      %swap3A_169 = arith.constant 1 : i32
      %swap3A_170 = arith.index_cast %swap3A_169 : i32 to index
      %swap3A_171 = arith.constant 48 : index
      %swap3A_172 = tpu.vector_load %arg12[%swap3A_170, %swap3A_171] {strides = array<i32>} : memref<14x128xf32, #tpu.memory_space<vmem>>, vector<16xf32>,
      tpu.vector_store %arg12[%swap3A_170, %swap3A_171], %add3A_168 {strides = array<i32>} : memref<14x128xf32, #tpu.memory_space<vmem>>, vector<16xf32>,
      %get3A_173 = arith.constant 1 : i32
      %get3A_174 = arith.index_cast %get3A_173 : i32 to index
      %get3A_175 = arith.constant 64 : index
      %get3A_176 = tpu.vector_load %arg10[%get3A_174, %get3A_175] {strides = array<i32>} : memref<14x128xi32, #tpu.memory_space<vmem>>, vector<16xi32>,
      %gather3A_177 = tpu.vector_load_idx %arg8[%get3A_176] : memref<50048xf32, #tpu.memory_space<vmem>>[vector<16xi32>], vector<16xf32>,
      %add3A_178 = vector.broadcast %reduce_sum3A_30 : f32 to vector<16xf32>
      %add3A_179 = arith.addf %gather3A_177, %add3A_178 : vector<16xf32>
      %swap3A_180 = arith.constant 1 : i32
      %swap3A_181 = arith.index_cast %swap3A_180 : i32 to index
      %swap3A_182 = arith.constant 64 : index
      %swap3A_183 = tpu.vector_load %arg12[%swap3A_181, %swap3A_182] {strides = array<i32>} : memref<14x128xf32, #tpu.memory_space<vmem>>, vector<16xf32>,
      tpu.vector_store %arg12[%swap3A_181, %swap3A_182], %add3A_179 {strides = array<i32>} : memref<14x128xf32, #tpu.memory_space<vmem>>, vector<16xf32>,
      %get3A_184 = arith.constant 1 : i32
      %get3A_185 = arith.index_cast %get3A_184 : i32 to index
      %get3A_186 = arith.constant 80 : index
      %get3A_187 = tpu.vector_load %arg10[%get3A_185, %get3A_186] {strides = array<i32>} : memref<14x128xi32, #tpu.memory_space<vmem>>, vector<16xi32>,
      %gather3A_188 = tpu.vector_load_idx %arg8[%get3A_187] : memref<50048xf32, #tpu.memory_space<vmem>>[vector<16xi32>], vector<16xf32>,
      %add3A_189 = vector.broadcast %reduce_sum3A_30 : f32 to vector<16xf32>
      %add3A_190 = arith.addf %gather3A_188, %add3A_189 : vector<16xf32>
      %swap3A_191 = arith.constant 1 : i32
      %swap3A_192 = arith.index_cast %swap3A_191 : i32 to index
      %swap3A_193 = arith.constant 80 : index
      %swap3A_194 = tpu.vector_load %arg12[%swap3A_192, %swap3A_193] {strides = array<i32>} : memref<14x128xf32, #tpu.memory_space<vmem>>, vector<16xf32>,
      tpu.vector_store %arg12[%swap3A_192, %swap3A_193], %add3A_190 {strides = array<i32>} : memref<14x128xf32, #tpu.memory_space<vmem>>, vector<16xf32>,
      %get3A_195 = arith.constant 1 : i32
      %get3A_196 = arith.index_cast %get3A_195 : i32 to index
      %get3A_197 = arith.constant 96 : index
      %get3A_198 = tpu.vector_load %arg10[%get3A_196, %get3A_197] {strides = array<i32>} : memref<14x128xi32, #tpu.memory_space<vmem>>, vector<16xi32>,
      %gather3A_199 = tpu.vector_load_idx %arg8[%get3A_198] : memref<50048xf32, #tpu.memory_space<vmem>>[vector<16xi32>], vector<16xf32>,
      %add3A_200 = vector.broadcast %reduce_sum3A_30 : f32 to vector<16xf32>
      %add3A_201 = arith.addf %gather3A_199, %add3A_200 : vector<16xf32>
      %swap3A_202 = arith.constant 1 : i32
      %swap3A_203 = arith.index_cast %swap3A_202 : i32 to index
      %swap3A_204 = arith.constant 96 : index
      %swap3A_205 = tpu.vector_load %arg12[%swap3A_203, %swap3A_204] {strides = array<i32>} : memref<14x128xf32, #tpu.memory_space<vmem>>, vector<16xf32>,
      tpu.vector_store %arg12[%swap3A_203, %swap3A_204], %add3A_201 {strides = array<i32>} : memref<14x128xf32, #tpu.memory_space<vmem>>, vector<16xf32>,
      %get3A_206 = arith.constant 1 : i32
      %get3A_207 = arith.index_cast %get3A_206 : i32 to index
      %get3A_208 = arith.constant 112 : index
      %get3A_209 = tpu.vector_load %arg10[%get3A_207, %get3A_208] {strides = array<i32>} : memref<14x128xi32, #tpu.memory_space<vmem>>, vector<16xi32>,
      %gather3A_210 = tpu.vector_load_idx %arg8[%get3A_209] : memref<50048xf32, #tpu.memory_space<vmem>>[vector<16xi32>], vector<16xf32>,
      %add3A_211 = vector.broadcast %reduce_sum3A_30 : f32 to vector<16xf32>
      %add3A_212 = arith.addf %gather3A_210, %add3A_211 : vector<16xf32>
      %swap3A_213 = arith.constant 1 : i32
      %swap3A_214 = arith.index_cast %swap3A_213 : i32 to index
      %swap3A_215 = arith.constant 112 : index
      %swap3A_216 = tpu.vector_load %arg12[%swap3A_214, %swap3A_215] {strides = array<i32>} : memref<14x128xf32, #tpu.memory_space<vmem>>, vector<16xf32>,
      tpu.vector_store %arg12[%swap3A_214, %swap3A_215], %add3A_212 {strides = array<i32>} : memref<14x128xf32, #tpu.memory_space<vmem>>, vector<16xf32>,
      %get3A_217 = arith.constant 2 : i32
      %get3A_218 = arith.index_cast %get3A_217 : i32 to index
      %get3A_219 = arith.constant 0 : index
      %get3A_220 = tpu.vector_load %arg10[%get3A_218, %get3A_219] {strides = array<i32>} : memref<14x128xi32, #tpu.memory_space<vmem>>, vector<16xi32>,
      %gather3A_221 = tpu.vector_load_idx %arg8[%get3A_220] : memref<50048xf32, #tpu.memory_space<vmem>>[vector<16xi32>], vector<16xf32>,
      %add3A_222 = vector.broadcast %reduce_sum3A_30 : f32 to vector<16xf32>
      %add3A_223 = arith.addf %gather3A_221, %add3A_222 : vector<16xf32>
      %swap3A_224 = arith.constant 2 : i32
      %swap3A_225 = arith.index_cast %swap3A_224 : i32 to index
      %swap3A_226 = arith.constant 0 : index
      %swap3A_227 = tpu.vector_load %arg12[%swap3A_225, %swap3A_226] {strides = array<i32>} : memref<14x128xf32, #tpu.memory_space<vmem>>, vector<16xf32>,
      tpu.vector_store %arg12[%swap3A_225, %swap3A_226], %add3A_223 {strides = array<i32>} : memref<14x128xf32, #tpu.memory_space<vmem>>, vector<16xf32>,
      %get3A_228 = arith.constant 2 : i32
      %get3A_229 = arith.index_cast %get3A_228 : i32 to index
      %get3A_230 = arith.constant 16 : index
      %get3A_231 = tpu.vector_load %arg10[%get3A_229, %get3A_230] {strides = array<i32>} : memref<14x128xi32, #tpu.memory_space<vmem>>, vector<16xi32>,
      %gather3A_232 = tpu.vector_load_idx %arg8[%get3A_231] : memref<50048xf32, #tpu.memory_space<vmem>>[vector<16xi32>], vector<16xf32>,
      %add3A_233 = vector.broadcast %reduce_sum3A_30 : f32 to vector<16xf32>
      %add3A_234 = arith.addf %gather3A_232, %add3A_233 : vector<16xf32>
      %swap3A_235 = arith.constant 2 : i32
      %swap3A_236 = arith.index_cast %swap3A_235 : i32 to index
      %swap3A_237 = arith.constant 16 : index
      %swap3A_238 = tpu.vector_load %arg12[%swap3A_236, %swap3A_237] {strides = array<i32>} : memref<14x128xf32, #tpu.memory_space<vmem>>, vector<16xf32>,
      tpu.vector_store %arg12[%swap3A_236, %swap3A_237], %add3A_234 {strides = array<i32>} : memref<14x128xf32, #tpu.memory_space<vmem>>, vector<16xf32>,
      %get3A_239 = arith.constant 2 : i32
      %get3A_240 = arith.index_cast %get3A_239 : i32 to index
      %get3A_241 = arith.constant 32 : index
      %get3A_242 = tpu.vector_load %arg10[%get3A_240, %get3A_241] {strides = array<i32>} : memref<14x128xi32, #tpu.memory_space<vmem>>, vector<16xi32>,
      %gather3A_243 = tpu.vector_load_idx %arg8[%get3A_242] : memref<50048xf32, #tpu.memory_space<vmem>>[vector<16xi32>], vector<16xf32>,
      %add3A_244 = vector.broadcast %reduce_sum3A_30 : f32 to vector<16xf32>
      %add3A_245 = arith.addf %gather3A_243, %add3A_244 : vector<16xf32>
      %swap3A_246 = arith.constant 2 : i32
      %swap3A_247 = arith.index_cast %swap3A_246 : i32 to index
      %swap3A_248 = arith.constant 32 : index
      %swap3A_249 = tpu.vector_load %arg12[%swap3A_247, %swap3A_248] {strides = array<i32>} : memref<14x128xf32, #tpu.memory_space<vmem>>, vector<16xf32>,
      tpu.vector_store %arg12[%swap3A_247, %swap3A_248], %add3A_245 {strides = array<i32>} : memref<14x128xf32, #tpu.memory_space<vmem>>, vector<16xf32>,
      %get3A_250 = arith.constant 2 : i32
      %get3A_251 = arith.index_cast %get3A_250 : i32 to index
      %get3A_252 = arith.constant 48 : index
      %get3A_253 = tpu.vector_load %arg10[%get3A_251, %get3A_252] {strides = array<i32>} : memref<14x128xi32, #tpu.memory_space<vmem>>, vector<16xi32>,
      %gather3A_254 = tpu.vector_load_idx %arg8[%get3A_253] : memref<50048xf32, #tpu.memory_space<vmem>>[vector<16xi32>], vector<16xf32>,
      %add3A_255 = vector.broadcast %reduce_sum3A_30 : f32 to vector<16xf32>
      %add3A_256 = arith.addf %gather3A_254, %add3A_255 : vector<16xf32>
      %swap3A_257 = arith.constant 2 : i32
      %swap3A_258 = arith.index_cast %swap3A_257 : i32 to index
      %swap3A_259 = arith.constant 48 : index
      %swap3A_260 = tpu.vector_load %arg12[%swap3A_258, %swap3A_259] {strides = array<i32>} : memref<14x128xf32, #tpu.memory_space<vmem>>, vector<16xf32>,
      tpu.vector_store %arg12[%swap3A_258, %swap3A_259], %add3A_256 {strides = array<i32>} : memref<14x128xf32, #tpu.memory_space<vmem>>, vector<16xf32>,
      %get3A_261 = arith.constant 2 : i32
      %get3A_262 = arith.index_cast %get3A_261 : i32 to index
      %get3A_263 = arith.constant 64 : index
      %get3A_264 = tpu.vector_load %arg10[%get3A_262, %get3A_263] {strides = array<i32>} : memref<14x128xi32, #tpu.memory_space<vmem>>, vector<16xi32>,
      %gather3A_265 = tpu.vector_load_idx %arg8[%get3A_264] : memref<50048xf32, #tpu.memory_space<vmem>>[vector<16xi32>], vector<16xf32>,
      %add3A_266 = vector.broadcast %reduce_sum3A_30 : f32 to vector<16xf32>
      %add3A_267 = arith.addf %gather3A_265, %add3A_266 : vector<16xf32>
      %swap3A_268 = arith.constant 2 : i32
      %swap3A_269 = arith.index_cast %swap3A_268 : i32 to index
      %swap3A_270 = arith.constant 64 : index
      %swap3A_271 = tpu.vector_load %arg12[%swap3A_269, %swap3A_270] {strides = array<i32>} : memref<14x128xf32, #tpu.memory_space<vmem>>, vector<16xf32>,
      tpu.vector_store %arg12[%swap3A_269, %swap3A_270], %add3A_267 {strides = array<i32>} : memref<14x128xf32, #tpu.memory_space<vmem>>, vector<16xf32>,
      %get3A_272 = arith.constant 2 : i32
      %get3A_273 = arith.index_cast %get3A_272 : i32 to index
      %get3A_274 = arith.constant 80 : index
      %get3A_275 = tpu.vector_load %arg10[%get3A_273, %get3A_274] {strides = array<i32>} : memref<14x128xi32, #tpu.memory_space<vmem>>, vector<16xi32>,
      %gather3A_276 = tpu.vector_load_idx %arg8[%get3A_275] : memref<50048xf32, #tpu.memory_space<vmem>>[vector<16xi32>], vector<16xf32>,
      %add3A_277 = vector.broadcast %reduce_sum3A_30 : f32 to vector<16xf32>
      %add3A_278 = arith.addf %gather3A_276, %add3A_277 : vector<16xf32>
      %swap3A_279 = arith.constant 2 : i32
      %swap3A_280 = arith.index_cast %swap3A_279 : i32 to index
      %swap3A_281 = arith.constant 80 : index
      %swap3A_282 = tpu.vector_load %arg12[%swap3A_280, %swap3A_281] {strides = array<i32>} : memref<14x128xf32, #tpu.memory_space<vmem>>, vector<16xf32>,
      tpu.vector_store %arg12[%swap3A_280, %swap3A_281], %add3A_278 {strides = array<i32>} : memref<14x128xf32, #tpu.memory_space<vmem>>, vector<16xf32>,
      %get3A_283 = arith.constant 2 : i32
      %get3A_284 = arith.index_cast %get3A_283 : i32 to index
      %get3A_285 = arith.constant 96 : index
      %get3A_286 = tpu.vector_load %arg10[%get3A_284, %get3A_285] {strides = array<i32>} : memref<14x128xi32, #tpu.memory_space<vmem>>, vector<16xi32>,
      %gather3A_287 = tpu.vector_load_idx %arg8[%get3A_286] : memref<50048xf32, #tpu.memory_space<vmem>>[vector<16xi32>], vector<16xf32>,
      %add3A_288 = vector.broadcast %reduce_sum3A_30 : f32 to vector<16xf32>
      %add3A_289 = arith.addf %gather3A_287, %add3A_288 : vector<16xf32>
      %swap3A_290 = arith.constant 2 : i32
      %swap3A_291 = arith.index_cast %swap3A_290 : i32 to index
      %swap3A_292 = arith.constant 96 : index
      %swap3A_293 = tpu.vector_load %arg12[%swap3A_291, %swap3A_292] {strides = array<i32>} : memref<14x128xf32, #tpu.memory_space<vmem>>, vector<16xf32>,
      tpu.vector_store %arg12[%swap3A_291, %swap3A_292], %add3A_289 {strides = array<i32>} : memref<14x128xf32, #tpu.memory_space<vmem>>, vector<16xf32>,
      %get3A_294 = arith.constant 2 : i32
      %get3A_295 = arith.index_cast %get3A_294 : i32 to index
      %get3A_296 = arith.constant 112 : index
      %get3A_297 = tpu.vector_load %arg10[%get3A_295, %get3A_296] {strides = array<i32>} : memref<14x128xi32, #tpu.memory_space<vmem>>, vector<16xi32>,
      %gather3A_298 = tpu.vector_load_idx %arg8[%get3A_297] : memref<50048xf32, #tpu.memory_space<vmem>>[vector<16xi32>], vector<16xf32>,
      %add3A_299 = vector.broadcast %reduce_sum3A_30 : f32 to vector<16xf32>
      %add3A_300 = arith.addf %gather3A_298, %add3A_299 : vector<16xf32>
      %swap3A_301 = arith.constant 2 : i32
      %swap3A_302 = arith.index_cast %swap3A_301 : i32 to index
      %swap3A_303 = arith.constant 112 : index
      %swap3A_304 = tpu.vector_load %arg12[%swap3A_302, %swap3A_303] {strides = array<i32>} : memref<14x128xf32, #tpu.memory_space<vmem>>, vector<16xf32>,
      tpu.vector_store %arg12[%swap3A_302, %swap3A_303], %add3A_300 {strides = array<i32>} : memref<14x128xf32, #tpu.memory_space<vmem>>, vector<16xf32>,
      %get3A_305 = arith.constant 3 : i32
      %get3A_306 = arith.index_cast %get3A_305 : i32 to index
      %get3A_307 = arith.constant 0 : index
      %get3A_308 = tpu.vector_load %arg10[%get3A_306, %get3A_307] {strides = array<i32>} : memref<14x128xi32, #tpu.memory_space<vmem>>, vector<16xi32>,
      %gather3A_309 = tpu.vector_load_idx %arg8[%get3A_308] : memref<50048xf32, #tpu.memory_space<vmem>>[vector<16xi32>], vector<16xf32>,
      %add3A_310 = vector.broadcast %reduce_sum3A_30 : f32 to vector<16xf32>
      %add3A_311 = arith.addf %gather3A_309, %add3A_310 : vector<16xf32>
      %swap3A_312 = arith.constant 3 : i32
      %swap3A_313 = arith.index_cast %swap3A_312 : i32 to index
      %swap3A_314 = arith.constant 0 : index
      %swap3A_315 = tpu.vector_load %arg12[%swap3A_313, %swap3A_314] {strides = array<i32>} : memref<14x128xf32, #tpu.memory_space<vmem>>, vector<16xf32>,
      tpu.vector_store %arg12[%swap3A_313, %swap3A_314], %add3A_311 {strides = array<i32>} : memref<14x128xf32, #tpu.memory_space<vmem>>, vector<16xf32>,
      %get3A_316 = arith.constant 3 : i32
      %get3A_317 = arith.index_cast %get3A_316 : i32 to index
      %get3A_318 = arith.constant 16 : index
      %get3A_319 = tpu.vector_load %arg10[%get3A_317, %get3A_318] {strides = array<i32>} : memref<14x128xi32, #tpu.memory_space<vmem>>, vector<16xi32>,
      %gather3A_320 = tpu.vector_load_idx %arg8[%get3A_319] : memref<50048xf32, #tpu.memory_space<vmem>>[vector<16xi32>], vector<16xf32>,
      %add3A_321 = vector.broadcast %reduce_sum3A_30 : f32 to vector<16xf32>
      %add3A_322 = arith.addf %gather3A_320, %add3A_321 : vector<16xf32>
      %swap3A_323 = arith.constant 3 : i32
      %swap3A_324 = arith.index_cast %swap3A_323 : i32 to index
      %swap3A_325 = arith.constant 16 : index
      %swap3A_326 = tpu.vector_load %arg12[%swap3A_324, %swap3A_325] {strides = array<i32>} : memref<14x128xf32, #tpu.memory_space<vmem>>, vector<16xf32>,
      tpu.vector_store %arg12[%swap3A_324, %swap3A_325], %add3A_322 {strides = array<i32>} : memref<14x128xf32, #tpu.memory_space<vmem>>, vector<16xf32>,
      %get3A_327 = arith.constant 3 : i32
      %get3A_328 = arith.index_cast %get3A_327 : i32 to index
      %get3A_329 = arith.constant 32 : index
      %get3A_330 = tpu.vector_load %arg10[%get3A_328, %get3A_329] {strides = array<i32>} : memref<14x128xi32, #tpu.memory_space<vmem>>, vector<16xi32>,
      %gather3A_331 = tpu.vector_load_idx %arg8[%get3A_330] : memref<50048xf32, #tpu.memory_space<vmem>>[vector<16xi32>], vector<16xf32>,
      %add3A_332 = vector.broadcast %reduce_sum3A_30 : f32 to vector<16xf32>
      %add3A_333 = arith.addf %gather3A_331, %add3A_332 : vector<16xf32>
      %swap3A_334 = arith.constant 3 : i32
      %swap3A_335 = arith.index_cast %swap3A_334 : i32 to index
      %swap3A_336 = arith.constant 32 : index
      %swap3A_337 = tpu.vector_load %arg12[%swap3A_335, %swap3A_336] {strides = array<i32>} : memref<14x128xf32, #tpu.memory_space<vmem>>, vector<16xf32>,
      tpu.vector_store %arg12[%swap3A_335, %swap3A_336], %add3A_333 {strides = array<i32>} : memref<14x128xf32, #tpu.memory_space<vmem>>, vector<16xf32>,
      %get3A_338 = arith.constant 3 : i32
      %get3A_339 = arith.index_cast %get3A_338 : i32 to index
      %get3A_340 = arith.constant 48 : index
      %get3A_341 = tpu.vector_load %arg10[%get3A_339, %get3A_340] {strides = array<i32>} : memref<14x128xi32, #tpu.memory_space<vmem>>, vector<16xi32>,
      %gather3A_342 = tpu.vector_load_idx %arg8[%get3A_341] : memref<50048xf32, #tpu.memory_space<vmem>>[vector<16xi32>], vector<16xf32>,
      %add3A_343 = vector.broadcast %reduce_sum3A_30 : f32 to vector<16xf32>
      %add3A_344 = arith.addf %gather3A_342, %add3A_343 : vector<16xf32>
      %swap3A_345 = arith.constant 3 : i32
      %swap3A_346 = arith.index_cast %swap3A_345 : i32 to index
      %swap3A_347 = arith.constant 48 : index
      %swap3A_348 = tpu.vector_load %arg12[%swap3A_346, %swap3A_347] {strides = array<i32>} : memref<14x128xf32, #tpu.memory_space<vmem>>, vector<16xf32>,
      tpu.vector_store %arg12[%swap3A_346, %swap3A_347], %add3A_344 {strides = array<i32>} : memref<14x128xf32, #tpu.memory_space<vmem>>, vector<16xf32>,
      %get3A_349 = arith.constant 3 : i32
      %get3A_350 = arith.index_cast %get3A_349 : i32 to index
      %get3A_351 = arith.constant 64 : index
      %get3A_352 = tpu.vector_load %arg10[%get3A_350, %get3A_351] {strides = array<i32>} : memref<14x128xi32, #tpu.memory_space<vmem>>, vector<16xi32>,
      %gather3A_353 = tpu.vector_load_idx %arg8[%get3A_352] : memref<50048xf32, #tpu.memory_space<vmem>>[vector<16xi32>], vector<16xf32>,
      %add3A_354 = vector.broadcast %reduce_sum3A_30 : f32 to vector<16xf32>
      %add3A_355 = arith.addf %gather3A_353, %add3A_354 : vector<16xf32>
      %swap3A_356 = arith.constant 3 : i32
      %swap3A_357 = arith.index_cast %swap3A_356 : i32 to index
      %swap3A_358 = arith.constant 64 : index
      %swap3A_359 = tpu.vector_load %arg12[%swap3A_357, %swap3A_358] {strides = array<i32>} : memref<14x128xf32, #tpu.memory_space<vmem>>, vector<16xf32>,
      tpu.vector_store %arg12[%swap3A_357, %swap3A_358], %add3A_355 {strides = array<i32>} : memref<14x128xf32, #tpu.memory_space<vmem>>, vector<16xf32>,
      %get3A_360 = arith.constant 3 : i32
      %get3A_361 = arith.index_cast %get3A_360 : i32 to index
      %get3A_362 = arith.constant 80 : index
      %get3A_363 = tpu.vector_load %arg10[%get3A_361, %get3A_362] {strides = array<i32>} : memref<14x128xi32, #tpu.memory_space<vmem>>, vector<16xi32>,
      %gather3A_364 = tpu.vector_load_idx %arg8[%get3A_363] : memref<50048xf32, #tpu.memory_space<vmem>>[vector<16xi32>], vector<16xf32>,
      %add3A_365 = vector.broadcast %reduce_sum3A_30 : f32 to vector<16xf32>
      %add3A_366 = arith.addf %gather3A_364, %add3A_365 : vector<16xf32>
      %swap3A_367 = arith.constant 3 : i32
      %swap3A_368 = arith.index_cast %swap3A_367 : i32 to index
      %swap3A_369 = arith.constant 80 : index
      %swap3A_370 = tpu.vector_load %arg12[%swap3A_368, %swap3A_369] {strides = array<i32>} : memref<14x128xf32, #tpu.memory_space<vmem>>, vector<16xf32>,
      tpu.vector_store %arg12[%swap3A_368, %swap3A_369], %add3A_366 {strides = array<i32>} : memref<14x128xf32, #tpu.memory_space<vmem>>, vector<16xf32>,
      %get3A_371 = arith.constant 3 : i32
      %get3A_372 = arith.index_cast %get3A_371 : i32 to index
      %get3A_373 = arith.constant 96 : index
      %get3A_374 = tpu.vector_load %arg10[%get3A_372, %get3A_373] {strides = array<i32>} : memref<14x128xi32, #tpu.memory_space<vmem>>, vector<16xi32>,
      %gather3A_375 = tpu.vector_load_idx %arg8[%get3A_374] : memref<50048xf32, #tpu.memory_space<vmem>>[vector<16xi32>], vector<16xf32>,
      %add3A_376 = vector.broadcast %reduce_sum3A_30 : f32 to vector<16xf32>
      %add3A_377 = arith.addf %gather3A_375, %add3A_376 : vector<16xf32>
      %swap3A_378 = arith.constant 3 : i32
      %swap3A_379 = arith.index_cast %swap3A_378 : i32 to index
      %swap3A_380 = arith.constant 96 : index
      %swap3A_381 = tpu.vector_load %arg12[%swap3A_379, %swap3A_380] {strides = array<i32>} : memref<14x128xf32, #tpu.memory_space<vmem>>, vector<16xf32>,
      tpu.vector_store %arg12[%swap3A_379, %swap3A_380], %add3A_377 {strides = array<i32>} : memref<14x128xf32, #tpu.memory_space<vmem>>, vector<16xf32>,
      %get3A_382 = arith.constant 3 : i32
      %get3A_383 = arith.index_cast %get3A_382 : i32 to index
      %get3A_384 = arith.constant 112 : index
      %get3A_385 = tpu.vector_load %arg10[%get3A_383, %get3A_384] {strides = array<i32>} : memref<14x128xi32, #tpu.memory_space<vmem>>, vector<16xi32>,
      %gather3A_386 = tpu.vector_load_idx %arg8[%get3A_385] : memref<50048xf32, #tpu.memory_space<vmem>>[vector<16xi32>], vector<16xf32>,
      %add3A_387 = vector.broadcast %reduce_sum3A_30 : f32 to vector<16xf32>
      %add3A_388 = arith.addf %gather3A_386, %add3A_387 : vector<16xf32>
      %swap3A_389 = arith.constant 3 : i32
      %swap3A_390 = arith.index_cast %swap3A_389 : i32 to index
      %swap3A_391 = arith.constant 112 : index
      %swap3A_392 = tpu.vector_load %arg12[%swap3A_390, %swap3A_391] {strides = array<i32>} : memref<14x128xf32, #tpu.memory_space<vmem>>, vector<16xf32>,
      tpu.vector_store %arg12[%swap3A_390, %swap3A_391], %add3A_388 {strides = array<i32>} : memref<14x128xf32, #tpu.memory_space<vmem>>, vector<16xf32>,
      %get3A_393 = arith.constant 4 : i32
      %get3A_394 = arith.index_cast %get3A_393 : i32 to index
      %get3A_395 = arith.constant 0 : index
      %get3A_396 = tpu.vector_load %arg10[%get3A_394, %get3A_395] {strides = array<i32>} : memref<14x128xi32, #tpu.memory_space<vmem>>, vector<16xi32>,
      %gather3A_397 = tpu.vector_load_idx %arg8[%get3A_396] : memref<50048xf32, #tpu.memory_space<vmem>>[vector<16xi32>], vector<16xf32>,
      %add3A_398 = vector.broadcast %reduce_sum3A_30 : f32 to vector<16xf32>
      %add3A_399 = arith.addf %gather3A_397, %add3A_398 : vector<16xf32>
      %swap3A_400 = arith.constant 4 : i32
      %swap3A_401 = arith.index_cast %swap3A_400 : i32 to index
      %swap3A_402 = arith.constant 0 : index
      %swap3A_403 = tpu.vector_load %arg12[%swap3A_401, %swap3A_402] {strides = array<i32>} : memref<14x128xf32, #tpu.memory_space<vmem>>, vector<16xf32>,
      tpu.vector_store %arg12[%swap3A_401, %swap3A_402], %add3A_399 {strides = array<i32>} : memref<14x128xf32, #tpu.memory_space<vmem>>, vector<16xf32>,
      %get3A_404 = arith.constant 4 : i32
      %get3A_405 = arith.index_cast %get3A_404 : i32 to index
      %get3A_406 = arith.constant 16 : index
      %get3A_407 = tpu.vector_load %arg10[%get3A_405, %get3A_406] {strides = array<i32>} : memref<14x128xi32, #tpu.memory_space<vmem>>, vector<16xi32>,
      %gather3A_408 = tpu.vector_load_idx %arg8[%get3A_407] : memref<50048xf32, #tpu.memory_space<vmem>>[vector<16xi32>], vector<16xf32>,
      %add3A_409 = vector.broadcast %reduce_sum3A_30 : f32 to vector<16xf32>
      %add3A_410 = arith.addf %gather3A_408, %add3A_409 : vector<16xf32>
      %swap3A_411 = arith.constant 4 : i32
      %swap3A_412 = arith.index_cast %swap3A_411 : i32 to index
      %swap3A_413 = arith.constant 16 : index
      %swap3A_414 = tpu.vector_load %arg12[%swap3A_412, %swap3A_413] {strides = array<i32>} : memref<14x128xf32, #tpu.memory_space<vmem>>, vector<16xf32>,
      tpu.vector_store %arg12[%swap3A_412, %swap3A_413], %add3A_410 {strides = array<i32>} : memref<14x128xf32, #tpu.memory_space<vmem>>, vector<16xf32>,
      %get3A_415 = arith.constant 4 : i32
      %get3A_416 = arith.index_cast %get3A_415 : i32 to index
      %get3A_417 = arith.constant 32 : index
      %get3A_418 = tpu.vector_load %arg10[%get3A_416, %get3A_417] {strides = array<i32>} : memref<14x128xi32, #tpu.memory_space<vmem>>, vector<16xi32>,
      %gather3A_419 = tpu.vector_load_idx %arg8[%get3A_418] : memref<50048xf32, #tpu.memory_space<vmem>>[vector<16xi32>], vector<16xf32>,
      %add3A_420 = vector.broadcast %reduce_sum3A_30 : f32 to vector<16xf32>
      %add3A_421 = arith.addf %gather3A_419, %add3A_420 : vector<16xf32>
      %swap3A_422 = arith.constant 4 : i32
      %swap3A_423 = arith.index_cast %swap3A_422 : i32 to index
      %swap3A_424 = arith.constant 32 : index
      %swap3A_425 = tpu.vector_load %arg12[%swap3A_423, %swap3A_424] {strides = array<i32>} : memref<14x128xf32, #tpu.memory_space<vmem>>, vector<16xf32>,
      tpu.vector_store %arg12[%swap3A_423, %swap3A_424], %add3A_421 {strides = array<i32>} : memref<14x128xf32, #tpu.memory_space<vmem>>, vector<16xf32>,
      %get3A_426 = arith.constant 4 : i32
      %get3A_427 = arith.index_cast %get3A_426 : i32 to index
      %get3A_428 = arith.constant 48 : index
      %get3A_429 = tpu.vector_load %arg10[%get3A_427, %get3A_428] {strides = array<i32>} : memref<14x128xi32, #tpu.memory_space<vmem>>, vector<16xi32>,
      %gather3A_430 = tpu.vector_load_idx %arg8[%get3A_429] : memref<50048xf32, #tpu.memory_space<vmem>>[vector<16xi32>], vector<16xf32>,
      %add3A_431 = vector.broadcast %reduce_sum3A_30 : f32 to vector<16xf32>
      %add3A_432 = arith.addf %gather3A_430, %add3A_431 : vector<16xf32>
      %swap3A_433 = arith.constant 4 : i32
      %swap3A_434 = arith.index_cast %swap3A_433 : i32 to index
      %swap3A_435 = arith.constant 48 : index
      %swap3A_436 = tpu.vector_load %arg12[%swap3A_434, %swap3A_435] {strides = array<i32>} : memref<14x128xf32, #tpu.memory_space<vmem>>, vector<16xf32>,
      tpu.vector_store %arg12[%swap3A_434, %swap3A_435], %add3A_432 {strides = array<i32>} : memref<14x128xf32, #tpu.memory_space<vmem>>, vector<16xf32>,
      %get3A_437 = arith.constant 4 : i32
      %get3A_438 = arith.index_cast %get3A_437 : i32 to index
      %get3A_439 = arith.constant 64 : index
      %get3A_440 = tpu.vector_load %arg10[%get3A_438, %get3A_439] {strides = array<i32>} : memref<14x128xi32, #tpu.memory_space<vmem>>, vector<16xi32>,
      %gather3A_441 = tpu.vector_load_idx %arg8[%get3A_440] : memref<50048xf32, #tpu.memory_space<vmem>>[vector<16xi32>], vector<16xf32>,
      %add3A_442 = vector.broadcast %reduce_sum3A_30 : f32 to vector<16xf32>
      %add3A_443 = arith.addf %gather3A_441, %add3A_442 : vector<16xf32>
      %swap3A_444 = arith.constant 4 : i32
      %swap3A_445 = arith.index_cast %swap3A_444 : i32 to index
      %swap3A_446 = arith.constant 64 : index
      %swap3A_447 = tpu.vector_load %arg12[%swap3A_445, %swap3A_446] {strides = array<i32>} : memref<14x128xf32, #tpu.memory_space<vmem>>, vector<16xf32>,
      tpu.vector_store %arg12[%swap3A_445, %swap3A_446], %add3A_443 {strides = array<i32>} : memref<14x128xf32, #tpu.memory_space<vmem>>, vector<16xf32>,
      %get3A_448 = arith.constant 4 : i32
      %get3A_449 = arith.index_cast %get3A_448 : i32 to index
      %get3A_450 = arith.constant 80 : index
      %get3A_451 = tpu.vector_load %arg10[%get3A_449, %get3A_450] {strides = array<i32>} : memref<14x128xi32, #tpu.memory_space<vmem>>, vector<16xi32>,
      %gather3A_452 = tpu.vector_load_idx %arg8[%get3A_451] : memref<50048xf32, #tpu.memory_space<vmem>>[vector<16xi32>], vector<16xf32>,
      %add3A_453 = vector.broadcast %reduce_sum3A_30 : f32 to vector<16xf32>
      %add3A_454 = arith.addf %gather3A_452, %add3A_453 : vector<16xf32>
      %swap3A_455 = arith.constant 4 : i32
      %swap3A_456 = arith.index_cast %swap3A_455 : i32 to index
      %swap3A_457 = arith.constant 80 : index
      %swap3A_458 = tpu.vector_load %arg12[%swap3A_456, %swap3A_457] {strides = array<i32>} : memref<14x128xf32, #tpu.memory_space<vmem>>, vector<16xf32>,
      tpu.vector_store %arg12[%swap3A_456, %swap3A_457], %add3A_454 {strides = array<i32>} : memref<14x128xf32, #tpu.memory_space<vmem>>, vector<16xf32>,
      %get3A_459 = arith.constant 4 : i32
      %get3A_460 = arith.index_cast %get3A_459 : i32 to index
      %get3A_461 = arith.constant 96 : index
      %get3A_462 = tpu.vector_load %arg10[%get3A_460, %get3A_461] {strides = array<i32>} : memref<14x128xi32, #tpu.memory_space<vmem>>, vector<16xi32>,
      %gather3A_463 = tpu.vector_load_idx %arg8[%get3A_462] : memref<50048xf32, #tpu.memory_space<vmem>>[vector<16xi32>], vector<16xf32>,
      %add3A_464 = vector.broadcast %reduce_sum3A_30 : f32 to vector<16xf32>
      %add3A_465 = arith.addf %gather3A_463, %add3A_464 : vector<16xf32>
      %swap3A_466 = arith.constant 4 : i32
      %swap3A_467 = arith.index_cast %swap3A_466 : i32 to index
      %swap3A_468 = arith.constant 96 : index
      %swap3A_469 = tpu.vector_load %arg12[%swap3A_467, %swap3A_468] {strides = array<i32>} : memref<14x128xf32, #tpu.memory_space<vmem>>, vector<16xf32>,
      tpu.vector_store %arg12[%swap3A_467, %swap3A_468], %add3A_465 {strides = array<i32>} : memref<14x128xf32, #tpu.memory_space<vmem>>, vector<16xf32>,
      %get3A_470 = arith.constant 4 : i32
      %get3A_471 = arith.index_cast %get3A_470 : i32 to index
      %get3A_472 = arith.constant 112 : index
      %get3A_473 = tpu.vector_load %arg10[%get3A_471, %get3A_472] {strides = array<i32>} : memref<14x128xi32, #tpu.memory_space<vmem>>, vector<16xi32>,
      %gather3A_474 = tpu.vector_load_idx %arg8[%get3A_473] : memref<50048xf32, #tpu.memory_space<vmem>>[vector<16xi32>], vector<16xf32>,
      %add3A_475 = vector.broadcast %reduce_sum3A_30 : f32 to vector<16xf32>
      %add3A_476 = arith.addf %gather3A_474, %add3A_475 : vector<16xf32>
      %swap3A_477 = arith.constant 4 : i32
      %swap3A_478 = arith.index_cast %swap3A_477 : i32 to index
      %swap3A_479 = arith.constant 112 : index
      %swap3A_480 = tpu.vector_load %arg12[%swap3A_478, %swap3A_479] {strides = array<i32>} : memref<14x128xf32, #tpu.memory_space<vmem>>, vector<16xf32>,
      tpu.vector_store %arg12[%swap3A_478, %swap3A_479], %add3A_476 {strides = array<i32>} : memref<14x128xf32, #tpu.memory_space<vmem>>, vector<16xf32>,
      %get3A_481 = arith.constant 5 : i32
      %get3A_482 = arith.index_cast %get3A_481 : i32 to index
      %get3A_483 = arith.constant 0 : index
      %get3A_484 = tpu.vector_load %arg10[%get3A_482, %get3A_483] {strides = array<i32>} : memref<14x128xi32, #tpu.memory_space<vmem>>, vector<16xi32>,
      %gather3A_485 = tpu.vector_load_idx %arg8[%get3A_484] : memref<50048xf32, #tpu.memory_space<vmem>>[vector<16xi32>], vector<16xf32>,
      %add3A_486 = vector.broadcast %reduce_sum3A_30 : f32 to vector<16xf32>
      %add3A_487 = arith.addf %gather3A_485, %add3A_486 : vector<16xf32>
      %swap3A_488 = arith.constant 5 : i32
      %swap3A_489 = arith.index_cast %swap3A_488 : i32 to index
      %swap3A_490 = arith.constant 0 : index
      %swap3A_491 = tpu.vector_load %arg12[%swap3A_489, %swap3A_490] {strides = array<i32>} : memref<14x128xf32, #tpu.memory_space<vmem>>, vector<16xf32>,
      tpu.vector_store %arg12[%swap3A_489, %swap3A_490], %add3A_487 {strides = array<i32>} : memref<14x128xf32, #tpu.memory_space<vmem>>, vector<16xf32>,
      %get3A_492 = arith.constant 5 : i32
      %get3A_493 = arith.index_cast %get3A_492 : i32 to index
      %get3A_494 = arith.constant 16 : index
      %get3A_495 = tpu.vector_load %arg10[%get3A_493, %get3A_494] {strides = array<i32>} : memref<14x128xi32, #tpu.memory_space<vmem>>, vector<16xi32>,
      %gather3A_496 = tpu.vector_load_idx %arg8[%get3A_495] : memref<50048xf32, #tpu.memory_space<vmem>>[vector<16xi32>], vector<16xf32>,
      %add3A_497 = vector.broadcast %reduce_sum3A_30 : f32 to vector<16xf32>
      %add3A_498 = arith.addf %gather3A_496, %add3A_497 : vector<16xf32>
      %swap3A_499 = arith.constant 5 : i32
      %swap3A_500 = arith.index_cast %swap3A_499 : i32 to index
      %swap3A_501 = arith.constant 16 : index
      %swap3A_502 = tpu.vector_load %arg12[%swap3A_500, %swap3A_501] {strides = array<i32>} : memref<14x128xf32, #tpu.memory_space<vmem>>, vector<16xf32>,
      tpu.vector_store %arg12[%swap3A_500, %swap3A_501], %add3A_498 {strides = array<i32>} : memref<14x128xf32, #tpu.memory_space<vmem>>, vector<16xf32>,
      %get3A_503 = arith.constant 5 : i32
      %get3A_504 = arith.index_cast %get3A_503 : i32 to index
      %get3A_505 = arith.constant 32 : index
      %get3A_506 = tpu.vector_load %arg10[%get3A_504, %get3A_505] {strides = array<i32>} : memref<14x128xi32, #tpu.memory_space<vmem>>, vector<16xi32>,
      %gather3A_507 = tpu.vector_load_idx %arg8[%get3A_506] : memref<50048xf32, #tpu.memory_space<vmem>>[vector<16xi32>], vector<16xf32>,
      %add3A_508 = vector.broadcast %reduce_sum3A_30 : f32 to vector<16xf32>
      %add3A_509 = arith.addf %gather3A_507, %add3A_508 : vector<16xf32>
      %swap3A_510 = arith.constant 5 : i32
      %swap3A_511 = arith.index_cast %swap3A_510 : i32 to index
      %swap3A_512 = arith.constant 32 : index
      %swap3A_513 = tpu.vector_load %arg12[%swap3A_511, %swap3A_512] {strides = array<i32>} : memref<14x128xf32, #tpu.memory_space<vmem>>, vector<16xf32>,
      tpu.vector_store %arg12[%swap3A_511, %swap3A_512], %add3A_509 {strides = array<i32>} : memref<14x128xf32, #tpu.memory_space<vmem>>, vector<16xf32>,
      %get3A_514 = arith.constant 5 : i32
      %get3A_515 = arith.index_cast %get3A_514 : i32 to index
      %get3A_516 = arith.constant 48 : index
      %get3A_517 = tpu.vector_load %arg10[%get3A_515, %get3A_516] {strides = array<i32>} : memref<14x128xi32, #tpu.memory_space<vmem>>, vector<16xi32>,
      %gather3A_518 = tpu.vector_load_idx %arg8[%get3A_517] : memref<50048xf32, #tpu.memory_space<vmem>>[vector<16xi32>], vector<16xf32>,
      %add3A_519 = vector.broadcast %reduce_sum3A_30 : f32 to vector<16xf32>
      %add3A_520 = arith.addf %gather3A_518, %add3A_519 : vector<16xf32>
      %swap3A_521 = arith.constant 5 : i32
      %swap3A_522 = arith.index_cast %swap3A_521 : i32 to index
      %swap3A_523 = arith.constant 48 : index
      %swap3A_524 = tpu.vector_load %arg12[%swap3A_522, %swap3A_523] {strides = array<i32>} : memref<14x128xf32, #tpu.memory_space<vmem>>, vector<16xf32>,
      tpu.vector_store %arg12[%swap3A_522, %swap3A_523], %add3A_520 {strides = array<i32>} : memref<14x128xf32, #tpu.memory_space<vmem>>, vector<16xf32>,
      %get3A_525 = arith.constant 5 : i32
      %get3A_526 = arith.index_cast %get3A_525 : i32 to index
      %get3A_527 = arith.constant 64 : index
      %get3A_528 = tpu.vector_load %arg10[%get3A_526, %get3A_527] {strides = array<i32>} : memref<14x128xi32, #tpu.memory_space<vmem>>, vector<16xi32>,
      %gather3A_529 = tpu.vector_load_idx %arg8[%get3A_528] : memref<50048xf32, #tpu.memory_space<vmem>>[vector<16xi32>], vector<16xf32>,
      %add3A_530 = vector.broadcast %reduce_sum3A_30 : f32 to vector<16xf32>
      %add3A_531 = arith.addf %gather3A_529, %add3A_530 : vector<16xf32>
      %swap3A_532 = arith.constant 5 : i32
      %swap3A_533 = arith.index_cast %swap3A_532 : i32 to index
      %swap3A_534 = arith.constant 64 : index
      %swap3A_535 = tpu.vector_load %arg12[%swap3A_533, %swap3A_534] {strides = array<i32>} : memref<14x128xf32, #tpu.memory_space<vmem>>, vector<16xf32>,
      tpu.vector_store %arg12[%swap3A_533, %swap3A_534], %add3A_531 {strides = array<i32>} : memref<14x128xf32, #tpu.memory_space<vmem>>, vector<16xf32>,
      %get3A_536 = arith.constant 5 : i32
      %get3A_537 = arith.index_cast %get3A_536 : i32 to index
      %get3A_538 = arith.constant 80 : index
      %get3A_539 = tpu.vector_load %arg10[%get3A_537, %get3A_538] {strides = array<i32>} : memref<14x128xi32, #tpu.memory_space<vmem>>, vector<16xi32>,
      %gather3A_540 = tpu.vector_load_idx %arg8[%get3A_539] : memref<50048xf32, #tpu.memory_space<vmem>>[vector<16xi32>], vector<16xf32>,
      %add3A_541 = vector.broadcast %reduce_sum3A_30 : f32 to vector<16xf32>
      %add3A_542 = arith.addf %gather3A_540, %add3A_541 : vector<16xf32>
      %swap3A_543 = arith.constant 5 : i32
      %swap3A_544 = arith.index_cast %swap3A_543 : i32 to index
      %swap3A_545 = arith.constant 80 : index
      %swap3A_546 = tpu.vector_load %arg12[%swap3A_544, %swap3A_545] {strides = array<i32>} : memref<14x128xf32, #tpu.memory_space<vmem>>, vector<16xf32>,
      tpu.vector_store %arg12[%swap3A_544, %swap3A_545], %add3A_542 {strides = array<i32>} : memref<14x128xf32, #tpu.memory_space<vmem>>, vector<16xf32>,
      %get3A_547 = arith.constant 5 : i32
      %get3A_548 = arith.index_cast %get3A_547 : i32 to index
      %get3A_549 = arith.constant 96 : index
      %get3A_550 = tpu.vector_load %arg10[%get3A_548, %get3A_549] {strides = array<i32>} : memref<14x128xi32, #tpu.memory_space<vmem>>, vector<16xi32>,
      %gather3A_551 = tpu.vector_load_idx %arg8[%get3A_550] : memref<50048xf32, #tpu.memory_space<vmem>>[vector<16xi32>], vector<16xf32>,
      %add3A_552 = vector.broadcast %reduce_sum3A_30 : f32 to vector<16xf32>
      %add3A_553 = arith.addf %gather3A_551, %add3A_552 : vector<16xf32>
      %swap3A_554 = arith.constant 5 : i32
      %swap3A_555 = arith.index_cast %swap3A_554 : i32 to index
      %swap3A_556 = arith.constant 96 : index
      %swap3A_557 = tpu.vector_load %arg12[%swap3A_555, %swap3A_556] {strides = array<i32>} : memref<14x128xf32, #tpu.memory_space<vmem>>, vector<16xf32>,
      tpu.vector_store %arg12[%swap3A_555, %swap3A_556], %add3A_553 {strides = array<i32>} : memref<14x128xf32, #tpu.memory_space<vmem>>, vector<16xf32>,
      %get3A_558 = arith.constant 5 : i32
      %get3A_559 = arith.index_cast %get3A_558 : i32 to index
      %get3A_560 = arith.constant 112 : index
      %get3A_561 = tpu.vector_load %arg10[%get3A_559, %get3A_560] {strides = array<i32>} : memref<14x128xi32, #tpu.memory_space<vmem>>, vector<16xi32>,
      %gather3A_562 = tpu.vector_load_idx %arg8[%get3A_561] : memref<50048xf32, #tpu.memory_space<vmem>>[vector<16xi32>], vector<16xf32>,
      %add3A_563 = vector.broadcast %reduce_sum3A_30 : f32 to vector<16xf32>
      %add3A_564 = arith.addf %gather3A_562, %add3A_563 : vector<16xf32>
      %swap3A_565 = arith.constant 5 : i32
      %swap3A_566 = arith.index_cast %swap3A_565 : i32 to index
      %swap3A_567 = arith.constant 112 : index
      %swap3A_568 = tpu.vector_load %arg12[%swap3A_566, %swap3A_567] {strides = array<i32>} : memref<14x128xf32, #tpu.memory_space<vmem>>, vector<16xf32>,
      tpu.vector_store %arg12[%swap3A_566, %swap3A_567], %add3A_564 {strides = array<i32>} : memref<14x128xf32, #tpu.memory_space<vmem>>, vector<16xf32>,
      %get3A_569 = arith.constant 6 : i32
      %get3A_570 = arith.index_cast %get3A_569 : i32 to index
      %get3A_571 = arith.constant 0 : index
      %get3A_572 = tpu.vector_load %arg10[%get3A_570, %get3A_571] {strides = array<i32>} : memref<14x128xi32, #tpu.memory_space<vmem>>, vector<16xi32>,
      %gather3A_573 = tpu.vector_load_idx %arg8[%get3A_572] : memref<50048xf32, #tpu.memory_space<vmem>>[vector<16xi32>], vector<16xf32>,
      %add3A_574 = vector.broadcast %reduce_sum3A_30 : f32 to vector<16xf32>
      %add3A_575 = arith.addf %gather3A_573, %add3A_574 : vector<16xf32>
      %swap3A_576 = arith.constant 6 : i32
      %swap3A_577 = arith.index_cast %swap3A_576 : i32 to index
      %swap3A_578 = arith.constant 0 : index
      %swap3A_579 = tpu.vector_load %arg12[%swap3A_577, %swap3A_578] {strides = array<i32>} : memref<14x128xf32, #tpu.memory_space<vmem>>, vector<16xf32>,
      tpu.vector_store %arg12[%swap3A_577, %swap3A_578], %add3A_575 {strides = array<i32>} : memref<14x128xf32, #tpu.memory_space<vmem>>, vector<16xf32>,
      %get3A_580 = arith.constant 6 : i32
      %get3A_581 = arith.index_cast %get3A_580 : i32 to index
      %get3A_582 = arith.constant 16 : index
      %get3A_583 = tpu.vector_load %arg10[%get3A_581, %get3A_582] {strides = array<i32>} : memref<14x128xi32, #tpu.memory_space<vmem>>, vector<16xi32>,
      %gather3A_584 = tpu.vector_load_idx %arg8[%get3A_583] : memref<50048xf32, #tpu.memory_space<vmem>>[vector<16xi32>], vector<16xf32>,
      %add3A_585 = vector.broadcast %reduce_sum3A_30 : f32 to vector<16xf32>
      %add3A_586 = arith.addf %gather3A_584, %add3A_585 : vector<16xf32>
      %swap3A_587 = arith.constant 6 : i32
      %swap3A_588 = arith.index_cast %swap3A_587 : i32 to index
      %swap3A_589 = arith.constant 16 : index
      %swap3A_590 = tpu.vector_load %arg12[%swap3A_588, %swap3A_589] {strides = array<i32>} : memref<14x128xf32, #tpu.memory_space<vmem>>, vector<16xf32>,
      tpu.vector_store %arg12[%swap3A_588, %swap3A_589], %add3A_586 {strides = array<i32>} : memref<14x128xf32, #tpu.memory_space<vmem>>, vector<16xf32>,
      %get3A_591 = arith.constant 6 : i32
      %get3A_592 = arith.index_cast %get3A_591 : i32 to index
      %get3A_593 = arith.constant 32 : index
      %get3A_594 = tpu.vector_load %arg10[%get3A_592, %get3A_593] {strides = array<i32>} : memref<14x128xi32, #tpu.memory_space<vmem>>, vector<16xi32>,
      %gather3A_595 = tpu.vector_load_idx %arg8[%get3A_594] : memref<50048xf32, #tpu.memory_space<vmem>>[vector<16xi32>], vector<16xf32>,
      %add3A_596 = vector.broadcast %reduce_sum3A_30 : f32 to vector<16xf32>
      %add3A_597 = arith.addf %gather3A_595, %add3A_596 : vector<16xf32>
      %swap3A_598 = arith.constant 6 : i32
      %swap3A_599 = arith.index_cast %swap3A_598 : i32 to index
      %swap3A_600 = arith.constant 32 : index
      %swap3A_601 = tpu.vector_load %arg12[%swap3A_599, %swap3A_600] {strides = array<i32>} : memref<14x128xf32, #tpu.memory_space<vmem>>, vector<16xf32>,
      tpu.vector_store %arg12[%swap3A_599, %swap3A_600], %add3A_597 {strides = array<i32>} : memref<14x128xf32, #tpu.memory_space<vmem>>, vector<16xf32>,
      %get3A_602 = arith.constant 6 : i32
      %get3A_603 = arith.index_cast %get3A_602 : i32 to index
      %get3A_604 = arith.constant 48 : index
      %get3A_605 = tpu.vector_load %arg10[%get3A_603, %get3A_604] {strides = array<i32>} : memref<14x128xi32, #tpu.memory_space<vmem>>, vector<16xi32>,
      %gather3A_606 = tpu.vector_load_idx %arg8[%get3A_605] : memref<50048xf32, #tpu.memory_space<vmem>>[vector<16xi32>], vector<16xf32>,
      %add3A_607 = vector.broadcast %reduce_sum3A_30 : f32 to vector<16xf32>
      %add3A_608 = arith.addf %gather3A_606, %add3A_607 : vector<16xf32>
      %swap3A_609 = arith.constant 6 : i32
      %swap3A_610 = arith.index_cast %swap3A_609 : i32 to index
      %swap3A_611 = arith.constant 48 : index
      %swap3A_612 = tpu.vector_load %arg12[%swap3A_610, %swap3A_611] {strides = array<i32>} : memref<14x128xf32, #tpu.memory_space<vmem>>, vector<16xf32>,
      tpu.vector_store %arg12[%swap3A_610, %swap3A_611], %add3A_608 {strides = array<i32>} : memref<14x128xf32, #tpu.memory_space<vmem>>, vector<16xf32>,
      %get3A_613 = arith.constant 6 : i32
      %get3A_614 = arith.index_cast %get3A_613 : i32 to index
      %get3A_615 = arith.constant 64 : index
      %get3A_616 = tpu.vector_load %arg10[%get3A_614, %get3A_615] {strides = array<i32>} : memref<14x128xi32, #tpu.memory_space<vmem>>, vector<16xi32>,
      %gather3A_617 = tpu.vector_load_idx %arg8[%get3A_616] : memref<50048xf32, #tpu.memory_space<vmem>>[vector<16xi32>], vector<16xf32>,
      %add3A_618 = vector.broadcast %reduce_sum3A_30 : f32 to vector<16xf32>
      %add3A_619 = arith.addf %gather3A_617, %add3A_618 : vector<16xf32>
      %swap3A_620 = arith.constant 6 : i32
      %swap3A_621 = arith.index_cast %swap3A_620 : i32 to index
      %swap3A_622 = arith.constant 64 : index
      %swap3A_623 = tpu.vector_load %arg12[%swap3A_621, %swap3A_622] {strides = array<i32>} : memref<14x128xf32, #tpu.memory_space<vmem>>, vector<16xf32>,
      tpu.vector_store %arg12[%swap3A_621, %swap3A_622], %add3A_619 {strides = array<i32>} : memref<14x128xf32, #tpu.memory_space<vmem>>, vector<16xf32>,
      %get3A_624 = arith.constant 6 : i32
      %get3A_625 = arith.index_cast %get3A_624 : i32 to index
      %get3A_626 = arith.constant 80 : index
      %get3A_627 = tpu.vector_load %arg10[%get3A_625, %get3A_626] {strides = array<i32>} : memref<14x128xi32, #tpu.memory_space<vmem>>, vector<16xi32>,
      %gather3A_628 = tpu.vector_load_idx %arg8[%get3A_627] : memref<50048xf32, #tpu.memory_space<vmem>>[vector<16xi32>], vector<16xf32>,
      %add3A_629 = vector.broadcast %reduce_sum3A_30 : f32 to vector<16xf32>
      %add3A_630 = arith.addf %gather3A_628, %add3A_629 : vector<16xf32>
      %swap3A_631 = arith.constant 6 : i32
      %swap3A_632 = arith.index_cast %swap3A_631 : i32 to index
      %swap3A_633 = arith.constant 80 : index
      %swap3A_634 = tpu.vector_load %arg12[%swap3A_632, %swap3A_633] {strides = array<i32>} : memref<14x128xf32, #tpu.memory_space<vmem>>, vector<16xf32>,
      tpu.vector_store %arg12[%swap3A_632, %swap3A_633], %add3A_630 {strides = array<i32>} : memref<14x128xf32, #tpu.memory_space<vmem>>, vector<16xf32>,
      %get3A_635 = arith.constant 6 : i32
      %get3A_636 = arith.index_cast %get3A_635 : i32 to index
      %get3A_637 = arith.constant 96 : index
      %get3A_638 = tpu.vector_load %arg10[%get3A_636, %get3A_637] {strides = array<i32>} : memref<14x128xi32, #tpu.memory_space<vmem>>, vector<16xi32>,
      %gather3A_639 = tpu.vector_load_idx %arg8[%get3A_638] : memref<50048xf32, #tpu.memory_space<vmem>>[vector<16xi32>], vector<16xf32>,
      %add3A_640 = vector.broadcast %reduce_sum3A_30 : f32 to vector<16xf32>
      %add3A_641 = arith.addf %gather3A_639, %add3A_640 : vector<16xf32>
      %swap3A_642 = arith.constant 6 : i32
      %swap3A_643 = arith.index_cast %swap3A_642 : i32 to index
      %swap3A_644 = arith.constant 96 : index
      %swap3A_645 = tpu.vector_load %arg12[%swap3A_643, %swap3A_644] {strides = array<i32>} : memref<14x128xf32, #tpu.memory_space<vmem>>, vector<16xf32>,
      tpu.vector_store %arg12[%swap3A_643, %swap3A_644], %add3A_641 {strides = array<i32>} : memref<14x128xf32, #tpu.memory_space<vmem>>, vector<16xf32>,
      %get3A_646 = arith.constant 6 : i32
      %get3A_647 = arith.index_cast %get3A_646 : i32 to index
      %get3A_648 = arith.constant 112 : index
      %get3A_649 = tpu.vector_load %arg10[%get3A_647, %get3A_648] {strides = array<i32>} : memref<14x128xi32, #tpu.memory_space<vmem>>, vector<16xi32>,
      %gather3A_650 = tpu.vector_load_idx %arg8[%get3A_649] : memref<50048xf32, #tpu.memory_space<vmem>>[vector<16xi32>], vector<16xf32>,
      %add3A_651 = vector.broadcast %reduce_sum3A_30 : f32 to vector<16xf32>
      %add3A_652 = arith.addf %gather3A_650, %add3A_651 : vector<16xf32>
      %swap3A_653 = arith.constant 6 : i32
      %swap3A_654 = arith.index_cast %swap3A_653 : i32 to index
      %swap3A_655 = arith.constant 112 : index
      %swap3A_656 = tpu.vector_load %arg12[%swap3A_654, %swap3A_655] {strides = array<i32>} : memref<14x128xf32, #tpu.memory_space<vmem>>, vector<16xf32>,
      tpu.vector_store %arg12[%swap3A_654, %swap3A_655], %add3A_652 {strides = array<i32>} : memref<14x128xf32, #tpu.memory_space<vmem>>, vector<16xf32>,
      %get3A_657 = arith.constant 7 : i32
      %get3A_658 = arith.index_cast %get3A_657 : i32 to index
      %get3A_659 = arith.constant 0 : index
      %get3A_660 = tpu.vector_load %arg10[%get3A_658, %get3A_659] {strides = array<i32>} : memref<14x128xi32, #tpu.memory_space<vmem>>, vector<16xi32>,
      %gather3A_661 = tpu.vector_load_idx %arg8[%get3A_660] : memref<50048xf32, #tpu.memory_space<vmem>>[vector<16xi32>], vector<16xf32>,
      %add3A_662 = vector.broadcast %reduce_sum3A_30 : f32 to vector<16xf32>
      %add3A_663 = arith.addf %gather3A_661, %add3A_662 : vector<16xf32>
      %swap3A_664 = arith.constant 7 : i32
      %swap3A_665 = arith.index_cast %swap3A_664 : i32 to index
      %swap3A_666 = arith.constant 0 : index
      %swap3A_667 = tpu.vector_load %arg12[%swap3A_665, %swap3A_666] {strides = array<i32>} : memref<14x128xf32, #tpu.memory_space<vmem>>, vector<16xf32>,
      tpu.vector_store %arg12[%swap3A_665, %swap3A_666], %add3A_663 {strides = array<i32>} : memref<14x128xf32, #tpu.memory_space<vmem>>, vector<16xf32>,
      %get3A_668 = arith.constant 7 : i32
      %get3A_669 = arith.index_cast %get3A_668 : i32 to index
      %get3A_670 = arith.constant 16 : index
      %get3A_671 = tpu.vector_load %arg10[%get3A_669, %get3A_670] {strides = array<i32>} : memref<14x128xi32, #tpu.memory_space<vmem>>, vector<16xi32>,
      %gather3A_672 = tpu.vector_load_idx %arg8[%get3A_671] : memref<50048xf32, #tpu.memory_space<vmem>>[vector<16xi32>], vector<16xf32>,
      %add3A_673 = vector.broadcast %reduce_sum3A_30 : f32 to vector<16xf32>
      %add3A_674 = arith.addf %gather3A_672, %add3A_673 : vector<16xf32>
      %swap3A_675 = arith.constant 7 : i32
      %swap3A_676 = arith.index_cast %swap3A_675 : i32 to index
      %swap3A_677 = arith.constant 16 : index
      %swap3A_678 = tpu.vector_load %arg12[%swap3A_676, %swap3A_677] {strides = array<i32>} : memref<14x128xf32, #tpu.memory_space<vmem>>, vector<16xf32>,
      tpu.vector_store %arg12[%swap3A_676, %swap3A_677], %add3A_674 {strides = array<i32>} : memref<14x128xf32, #tpu.memory_space<vmem>>, vector<16xf32>,
      %get3A_679 = arith.constant 7 : i32
      %get3A_680 = arith.index_cast %get3A_679 : i32 to index
      %get3A_681 = arith.constant 32 : index
      %get3A_682 = tpu.vector_load %arg10[%get3A_680, %get3A_681] {strides = array<i32>} : memref<14x128xi32, #tpu.memory_space<vmem>>, vector<16xi32>,
      %gather3A_683 = tpu.vector_load_idx %arg8[%get3A_682] : memref<50048xf32, #tpu.memory_space<vmem>>[vector<16xi32>], vector<16xf32>,
      %add3A_684 = vector.broadcast %reduce_sum3A_30 : f32 to vector<16xf32>
      %add3A_685 = arith.addf %gather3A_683, %add3A_684 : vector<16xf32>
      %swap3A_686 = arith.constant 7 : i32
      %swap3A_687 = arith.index_cast %swap3A_686 : i32 to index
      %swap3A_688 = arith.constant 32 : index
      %swap3A_689 = tpu.vector_load %arg12[%swap3A_687, %swap3A_688] {strides = array<i32>} : memref<14x128xf32, #tpu.memory_space<vmem>>, vector<16xf32>,
      tpu.vector_store %arg12[%swap3A_687, %swap3A_688], %add3A_685 {strides = array<i32>} : memref<14x128xf32, #tpu.memory_space<vmem>>, vector<16xf32>,
      %get3A_690 = arith.constant 7 : i32
      %get3A_691 = arith.index_cast %get3A_690 : i32 to index
      %get3A_692 = arith.constant 48 : index
      %get3A_693 = tpu.vector_load %arg10[%get3A_691, %get3A_692] {strides = array<i32>} : memref<14x128xi32, #tpu.memory_space<vmem>>, vector<16xi32>,
      %gather3A_694 = tpu.vector_load_idx %arg8[%get3A_693] : memref<50048xf32, #tpu.memory_space<vmem>>[vector<16xi32>], vector<16xf32>,
      %add3A_695 = vector.broadcast %reduce_sum3A_30 : f32 to vector<16xf32>
      %add3A_696 = arith.addf %gather3A_694, %add3A_695 : vector<16xf32>
      %swap3A_697 = arith.constant 7 : i32
      %swap3A_698 = arith.index_cast %swap3A_697 : i32 to index
      %swap3A_699 = arith.constant 48 : index
      %swap3A_700 = tpu.vector_load %arg12[%swap3A_698, %swap3A_699] {strides = array<i32>} : memref<14x128xf32, #tpu.memory_space<vmem>>, vector<16xf32>,
      tpu.vector_store %arg12[%swap3A_698, %swap3A_699], %add3A_696 {strides = array<i32>} : memref<14x128xf32, #tpu.memory_space<vmem>>, vector<16xf32>,
      %get3A_701 = arith.constant 7 : i32
      %get3A_702 = arith.index_cast %get3A_701 : i32 to index
      %get3A_703 = arith.constant 64 : index
      %get3A_704 = tpu.vector_load %arg10[%get3A_702, %get3A_703] {strides = array<i32>} : memref<14x128xi32, #tpu.memory_space<vmem>>, vector<16xi32>,
      %gather3A_705 = tpu.vector_load_idx %arg8[%get3A_704] : memref<50048xf32, #tpu.memory_space<vmem>>[vector<16xi32>], vector<16xf32>,
      %add3A_706 = vector.broadcast %reduce_sum3A_30 : f32 to vector<16xf32>
      %add3A_707 = arith.addf %gather3A_705, %add3A_706 : vector<16xf32>
      %swap3A_708 = arith.constant 7 : i32
      %swap3A_709 = arith.index_cast %swap3A_708 : i32 to index
      %swap3A_710 = arith.constant 64 : index
      %swap3A_711 = tpu.vector_load %arg12[%swap3A_709, %swap3A_710] {strides = array<i32>} : memref<14x128xf32, #tpu.memory_space<vmem>>, vector<16xf32>,
      tpu.vector_store %arg12[%swap3A_709, %swap3A_710], %add3A_707 {strides = array<i32>} : memref<14x128xf32, #tpu.memory_space<vmem>>, vector<16xf32>,
      %get3A_712 = arith.constant 7 : i32
      %get3A_713 = arith.index_cast %get3A_712 : i32 to index
      %get3A_714 = arith.constant 80 : index
      %get3A_715 = tpu.vector_load %arg10[%get3A_713, %get3A_714] {strides = array<i32>} : memref<14x128xi32, #tpu.memory_space<vmem>>, vector<16xi32>,
      %gather3A_716 = tpu.vector_load_idx %arg8[%get3A_715] : memref<50048xf32, #tpu.memory_space<vmem>>[vector<16xi32>], vector<16xf32>,
      %add3A_717 = vector.broadcast %reduce_sum3A_30 : f32 to vector<16xf32>
      %add3A_718 = arith.addf %gather3A_716, %add3A_717 : vector<16xf32>
      %swap3A_719 = arith.constant 7 : i32
      %swap3A_720 = arith.index_cast %swap3A_719 : i32 to index
      %swap3A_721 = arith.constant 80 : index
      %swap3A_722 = tpu.vector_load %arg12[%swap3A_720, %swap3A_721] {strides = array<i32>} : memref<14x128xf32, #tpu.memory_space<vmem>>, vector<16xf32>,
      tpu.vector_store %arg12[%swap3A_720, %swap3A_721], %add3A_718 {strides = array<i32>} : memref<14x128xf32, #tpu.memory_space<vmem>>, vector<16xf32>,
      %get3A_723 = arith.constant 7 : i32
      %get3A_724 = arith.index_cast %get3A_723 : i32 to index
      %get3A_725 = arith.constant 96 : index
      %get3A_726 = tpu.vector_load %arg10[%get3A_724, %get3A_725] {strides = array<i32>} : memref<14x128xi32, #tpu.memory_space<vmem>>, vector<16xi32>,
      %gather3A_727 = tpu.vector_load_idx %arg8[%get3A_726] : memref<50048xf32, #tpu.memory_space<vmem>>[vector<16xi32>], vector<16xf32>,
      %add3A_728 = vector.broadcast %reduce_sum3A_30 : f32 to vector<16xf32>
      %add3A_729 = arith.addf %gather3A_727, %add3A_728 : vector<16xf32>
      %swap3A_730 = arith.constant 7 : i32
      %swap3A_731 = arith.index_cast %swap3A_730 : i32 to index
      %swap3A_732 = arith.constant 96 : index
      %swap3A_733 = tpu.vector_load %arg12[%swap3A_731, %swap3A_732] {strides = array<i32>} : memref<14x128xf32, #tpu.memory_space<vmem>>, vector<16xf32>,
      tpu.vector_store %arg12[%swap3A_731, %swap3A_732], %add3A_729 {strides = array<i32>} : memref<14x128xf32, #tpu.memory_space<vmem>>, vector<16xf32>,
      %get3A_734 = arith.constant 7 : i32
      %get3A_735 = arith.index_cast %get3A_734 : i32 to index
      %get3A_736 = arith.constant 112 : index
      %get3A_737 = tpu.vector_load %arg10[%get3A_735, %get3A_736] {strides = array<i32>} : memref<14x128xi32, #tpu.memory_space<vmem>>, vector<16xi32>,
      %gather3A_738 = tpu.vector_load_idx %arg8[%get3A_737] : memref<50048xf32, #tpu.memory_space<vmem>>[vector<16xi32>], vector<16xf32>,
      %add3A_739 = vector.broadcast %reduce_sum3A_30 : f32 to vector<16xf32>
      %add3A_740 = arith.addf %gather3A_738, %add3A_739 : vector<16xf32>
      %swap3A_741 = arith.constant 7 : i32
      %swap3A_742 = arith.index_cast %swap3A_741 : i32 to index
      %swap3A_743 = arith.constant 112 : index
      %swap3A_744 = tpu.vector_load %arg12[%swap3A_742, %swap3A_743] {strides = array<i32>} : memref<14x128xf32, #tpu.memory_space<vmem>>, vector<16xf32>,
      tpu.vector_store %arg12[%swap3A_742, %swap3A_743], %add3A_740 {strides = array<i32>} : memref<14x128xf32, #tpu.memory_space<vmem>>, vector<16xf32>,
      %get3A_745 = arith.constant 8 : i32
      %get3A_746 = arith.index_cast %get3A_745 : i32 to index
      %get3A_747 = arith.constant 0 : index
      %get3A_748 = tpu.vector_load %arg10[%get3A_746, %get3A_747] {strides = array<i32>} : memref<14x128xi32, #tpu.memory_space<vmem>>, vector<16xi32>,
      %gather3A_749 = tpu.vector_load_idx %arg8[%get3A_748] : memref<50048xf32, #tpu.memory_space<vmem>>[vector<16xi32>], vector<16xf32>,
      %add3A_750 = vector.broadcast %reduce_sum3A_30 : f32 to vector<16xf32>
      %add3A_751 = arith.addf %gather3A_749, %add3A_750 : vector<16xf32>
      %swap3A_752 = arith.constant 8 : i32
      %swap3A_753 = arith.index_cast %swap3A_752 : i32 to index
      %swap3A_754 = arith.constant 0 : index
      %swap3A_755 = tpu.vector_load %arg12[%swap3A_753, %swap3A_754] {strides = array<i32>} : memref<14x128xf32, #tpu.memory_space<vmem>>, vector<16xf32>,
      tpu.vector_store %arg12[%swap3A_753, %swap3A_754], %add3A_751 {strides = array<i32>} : memref<14x128xf32, #tpu.memory_space<vmem>>, vector<16xf32>,
      %get3A_756 = arith.constant 8 : i32
      %get3A_757 = arith.index_cast %get3A_756 : i32 to index
      %get3A_758 = arith.constant 16 : index
      %get3A_759 = tpu.vector_load %arg10[%get3A_757, %get3A_758] {strides = array<i32>} : memref<14x128xi32, #tpu.memory_space<vmem>>, vector<16xi32>,
      %gather3A_760 = tpu.vector_load_idx %arg8[%get3A_759] : memref<50048xf32, #tpu.memory_space<vmem>>[vector<16xi32>], vector<16xf32>,
      %add3A_761 = vector.broadcast %reduce_sum3A_30 : f32 to vector<16xf32>
      %add3A_762 = arith.addf %gather3A_760, %add3A_761 : vector<16xf32>
      %swap3A_763 = arith.constant 8 : i32
      %swap3A_764 = arith.index_cast %swap3A_763 : i32 to index
      %swap3A_765 = arith.constant 16 : index
      %swap3A_766 = tpu.vector_load %arg12[%swap3A_764, %swap3A_765] {strides = array<i32>} : memref<14x128xf32, #tpu.memory_space<vmem>>, vector<16xf32>,
      tpu.vector_store %arg12[%swap3A_764, %swap3A_765], %add3A_762 {strides = array<i32>} : memref<14x128xf32, #tpu.memory_space<vmem>>, vector<16xf32>,
      %get3A_767 = arith.constant 8 : i32
      %get3A_768 = arith.index_cast %get3A_767 : i32 to index
      %get3A_769 = arith.constant 32 : index
      %get3A_770 = tpu.vector_load %arg10[%get3A_768, %get3A_769] {strides = array<i32>} : memref<14x128xi32, #tpu.memory_space<vmem>>, vector<16xi32>,
      %gather3A_771 = tpu.vector_load_idx %arg8[%get3A_770] : memref<50048xf32, #tpu.memory_space<vmem>>[vector<16xi32>], vector<16xf32>,
      %add3A_772 = vector.broadcast %reduce_sum3A_30 : f32 to vector<16xf32>
      %add3A_773 = arith.addf %gather3A_771, %add3A_772 : vector<16xf32>
      %swap3A_774 = arith.constant 8 : i32
      %swap3A_775 = arith.index_cast %swap3A_774 : i32 to index
      %swap3A_776 = arith.constant 32 : index
      %swap3A_777 = tpu.vector_load %arg12[%swap3A_775, %swap3A_776] {strides = array<i32>} : memref<14x128xf32, #tpu.memory_space<vmem>>, vector<16xf32>,
      tpu.vector_store %arg12[%swap3A_775, %swap3A_776], %add3A_773 {strides = array<i32>} : memref<14x128xf32, #tpu.memory_space<vmem>>, vector<16xf32>,
      %get3A_778 = arith.constant 8 : i32
      %get3A_779 = arith.index_cast %get3A_778 : i32 to index
      %get3A_780 = arith.constant 48 : index
      %get3A_781 = tpu.vector_load %arg10[%get3A_779, %get3A_780] {strides = array<i32>} : memref<14x128xi32, #tpu.memory_space<vmem>>, vector<16xi32>,
      %gather3A_782 = tpu.vector_load_idx %arg8[%get3A_781] : memref<50048xf32, #tpu.memory_space<vmem>>[vector<16xi32>], vector<16xf32>,
      %add3A_783 = vector.broadcast %reduce_sum3A_30 : f32 to vector<16xf32>
      %add3A_784 = arith.addf %gather3A_782, %add3A_783 : vector<16xf32>
      %swap3A_785 = arith.constant 8 : i32
      %swap3A_786 = arith.index_cast %swap3A_785 : i32 to index
      %swap3A_787 = arith.constant 48 : index
      %swap3A_788 = tpu.vector_load %arg12[%swap3A_786, %swap3A_787] {strides = array<i32>} : memref<14x128xf32, #tpu.memory_space<vmem>>, vector<16xf32>,
      tpu.vector_store %arg12[%swap3A_786, %swap3A_787], %add3A_784 {strides = array<i32>} : memref<14x128xf32, #tpu.memory_space<vmem>>, vector<16xf32>,
      %get3A_789 = arith.constant 8 : i32
      %get3A_790 = arith.index_cast %get3A_789 : i32 to index
      %get3A_791 = arith.constant 64 : index
      %get3A_792 = tpu.vector_load %arg10[%get3A_790, %get3A_791] {strides = array<i32>} : memref<14x128xi32, #tpu.memory_space<vmem>>, vector<16xi32>,
      %gather3A_793 = tpu.vector_load_idx %arg8[%get3A_792] : memref<50048xf32, #tpu.memory_space<vmem>>[vector<16xi32>], vector<16xf32>,
      %add3A_794 = vector.broadcast %reduce_sum3A_30 : f32 to vector<16xf32>
      %add3A_795 = arith.addf %gather3A_793, %add3A_794 : vector<16xf32>
      %swap3A_796 = arith.constant 8 : i32
      %swap3A_797 = arith.index_cast %swap3A_796 : i32 to index
      %swap3A_798 = arith.constant 64 : index
      %swap3A_799 = tpu.vector_load %arg12[%swap3A_797, %swap3A_798] {strides = array<i32>} : memref<14x128xf32, #tpu.memory_space<vmem>>, vector<16xf32>,
      tpu.vector_store %arg12[%swap3A_797, %swap3A_798], %add3A_795 {strides = array<i32>} : memref<14x128xf32, #tpu.memory_space<vmem>>, vector<16xf32>,
      %get3A_800 = arith.constant 8 : i32
      %get3A_801 = arith.index_cast %get3A_800 : i32 to index
      %get3A_802 = arith.constant 80 : index
      %get3A_803 = tpu.vector_load %arg10[%get3A_801, %get3A_802] {strides = array<i32>} : memref<14x128xi32, #tpu.memory_space<vmem>>, vector<16xi32>,
      %gather3A_804 = tpu.vector_load_idx %arg8[%get3A_803] : memref<50048xf32, #tpu.memory_space<vmem>>[vector<16xi32>], vector<16xf32>,
      %add3A_805 = vector.broadcast %reduce_sum3A_30 : f32 to vector<16xf32>
      %add3A_806 = arith.addf %gather3A_804, %add3A_805 : vector<16xf32>
      %swap3A_807 = arith.constant 8 : i32
      %swap3A_808 = arith.index_cast %swap3A_807 : i32 to index
      %swap3A_809 = arith.constant 80 : index
      %swap3A_810 = tpu.vector_load %arg12[%swap3A_808, %swap3A_809] {strides = array<i32>} : memref<14x128xf32, #tpu.memory_space<vmem>>, vector<16xf32>,
      tpu.vector_store %arg12[%swap3A_808, %swap3A_809], %add3A_806 {strides = array<i32>} : memref<14x128xf32, #tpu.memory_space<vmem>>, vector<16xf32>,
      %get3A_811 = arith.constant 8 : i32
      %get3A_812 = arith.index_cast %get3A_811 : i32 to index
      %get3A_813 = arith.constant 96 : index
      %get3A_814 = tpu.vector_load %arg10[%get3A_812, %get3A_813] {strides = array<i32>} : memref<14x128xi32, #tpu.memory_space<vmem>>, vector<16xi32>,
      %gather3A_815 = tpu.vector_load_idx %arg8[%get3A_814] : memref<50048xf32, #tpu.memory_space<vmem>>[vector<16xi32>], vector<16xf32>,
      %add3A_816 = vector.broadcast %reduce_sum3A_30 : f32 to vector<16xf32>
      %add3A_817 = arith.addf %gather3A_815, %add3A_816 : vector<16xf32>
      %swap3A_818 = arith.constant 8 : i32
      %swap3A_819 = arith.index_cast %swap3A_818 : i32 to index
      %swap3A_820 = arith.constant 96 : index
      %swap3A_821 = tpu.vector_load %arg12[%swap3A_819, %swap3A_820] {strides = array<i32>} : memref<14x128xf32, #tpu.memory_space<vmem>>, vector<16xf32>,
      tpu.vector_store %arg12[%swap3A_819, %swap3A_820], %add3A_817 {strides = array<i32>} : memref<14x128xf32, #tpu.memory_space<vmem>>, vector<16xf32>,
      %get3A_822 = arith.constant 8 : i32
      %get3A_823 = arith.index_cast %get3A_822 : i32 to index
      %get3A_824 = arith.constant 112 : index
      %get3A_825 = tpu.vector_load %arg10[%get3A_823, %get3A_824] {strides = array<i32>} : memref<14x128xi32, #tpu.memory_space<vmem>>, vector<16xi32>,
      %gather3A_826 = tpu.vector_load_idx %arg8[%get3A_825] : memref<50048xf32, #tpu.memory_space<vmem>>[vector<16xi32>], vector<16xf32>,
      %add3A_827 = vector.broadcast %reduce_sum3A_30 : f32 to vector<16xf32>
      %add3A_828 = arith.addf %gather3A_826, %add3A_827 : vector<16xf32>
      %swap3A_829 = arith.constant 8 : i32
      %swap3A_830 = arith.index_cast %swap3A_829 : i32 to index
      %swap3A_831 = arith.constant 112 : index
      %swap3A_832 = tpu.vector_load %arg12[%swap3A_830, %swap3A_831] {strides = array<i32>} : memref<14x128xf32, #tpu.memory_space<vmem>>, vector<16xf32>,
      tpu.vector_store %arg12[%swap3A_830, %swap3A_831], %add3A_828 {strides = array<i32>} : memref<14x128xf32, #tpu.memory_space<vmem>>, vector<16xf32>,
      %get3A_833 = arith.constant 9 : i32
      %get3A_834 = arith.index_cast %get3A_833 : i32 to index
      %get3A_835 = arith.constant 0 : index
      %get3A_836 = tpu.vector_load %arg10[%get3A_834, %get3A_835] {strides = array<i32>} : memref<14x128xi32, #tpu.memory_space<vmem>>, vector<16xi32>,
      %gather3A_837 = tpu.vector_load_idx %arg8[%get3A_836] : memref<50048xf32, #tpu.memory_space<vmem>>[vector<16xi32>], vector<16xf32>,
      %add3A_838 = vector.broadcast %reduce_sum3A_30 : f32 to vector<16xf32>
      %add3A_839 = arith.addf %gather3A_837, %add3A_838 : vector<16xf32>
      %swap3A_840 = arith.constant 9 : i32
      %swap3A_841 = arith.index_cast %swap3A_840 : i32 to index
      %swap3A_842 = arith.constant 0 : index
      %swap3A_843 = tpu.vector_load %arg12[%swap3A_841, %swap3A_842] {strides = array<i32>} : memref<14x128xf32, #tpu.memory_space<vmem>>, vector<16xf32>,
      tpu.vector_store %arg12[%swap3A_841, %swap3A_842], %add3A_839 {strides = array<i32>} : memref<14x128xf32, #tpu.memory_space<vmem>>, vector<16xf32>,
      %get3A_844 = arith.constant 9 : i32
      %get3A_845 = arith.index_cast %get3A_844 : i32 to index
      %get3A_846 = arith.constant 16 : index
      %get3A_847 = tpu.vector_load %arg10[%get3A_845, %get3A_846] {strides = array<i32>} : memref<14x128xi32, #tpu.memory_space<vmem>>, vector<16xi32>,
      %gather3A_848 = tpu.vector_load_idx %arg8[%get3A_847] : memref<50048xf32, #tpu.memory_space<vmem>>[vector<16xi32>], vector<16xf32>,
      %add3A_849 = vector.broadcast %reduce_sum3A_30 : f32 to vector<16xf32>
      %add3A_850 = arith.addf %gather3A_848, %add3A_849 : vector<16xf32>
      %swap3A_851 = arith.constant 9 : i32
      %swap3A_852 = arith.index_cast %swap3A_851 : i32 to index
      %swap3A_853 = arith.constant 16 : index
      %swap3A_854 = tpu.vector_load %arg12[%swap3A_852, %swap3A_853] {strides = array<i32>} : memref<14x128xf32, #tpu.memory_space<vmem>>, vector<16xf32>,
      tpu.vector_store %arg12[%swap3A_852, %swap3A_853], %add3A_850 {strides = array<i32>} : memref<14x128xf32, #tpu.memory_space<vmem>>, vector<16xf32>,
      %get3A_855 = arith.constant 9 : i32
      %get3A_856 = arith.index_cast %get3A_855 : i32 to index
      %get3A_857 = arith.constant 32 : index
      %get3A_858 = tpu.vector_load %arg10[%get3A_856, %get3A_857] {strides = array<i32>} : memref<14x128xi32, #tpu.memory_space<vmem>>, vector<16xi32>,
      %gather3A_859 = tpu.vector_load_idx %arg8[%get3A_858] : memref<50048xf32, #tpu.memory_space<vmem>>[vector<16xi32>], vector<16xf32>,
      %add3A_860 = vector.broadcast %reduce_sum3A_30 : f32 to vector<16xf32>
      %add3A_861 = arith.addf %gather3A_859, %add3A_860 : vector<16xf32>
      %swap3A_862 = arith.constant 9 : i32
      %swap3A_863 = arith.index_cast %swap3A_862 : i32 to index
      %swap3A_864 = arith.constant 32 : index
      %swap3A_865 = tpu.vector_load %arg12[%swap3A_863, %swap3A_864] {strides = array<i32>} : memref<14x128xf32, #tpu.memory_space<vmem>>, vector<16xf32>,
      tpu.vector_store %arg12[%swap3A_863, %swap3A_864], %add3A_861 {strides = array<i32>} : memref<14x128xf32, #tpu.memory_space<vmem>>, vector<16xf32>,
      %get3A_866 = arith.constant 9 : i32
      %get3A_867 = arith.index_cast %get3A_866 : i32 to index
      %get3A_868 = arith.constant 48 : index
      %get3A_869 = tpu.vector_load %arg10[%get3A_867, %get3A_868] {strides = array<i32>} : memref<14x128xi32, #tpu.memory_space<vmem>>, vector<16xi32>,
      %gather3A_870 = tpu.vector_load_idx %arg8[%get3A_869] : memref<50048xf32, #tpu.memory_space<vmem>>[vector<16xi32>], vector<16xf32>,
      %add3A_871 = vector.broadcast %reduce_sum3A_30 : f32 to vector<16xf32>
      %add3A_872 = arith.addf %gather3A_870, %add3A_871 : vector<16xf32>
      %swap3A_873 = arith.constant 9 : i32
      %swap3A_874 = arith.index_cast %swap3A_873 : i32 to index
      %swap3A_875 = arith.constant 48 : index
      %swap3A_876 = tpu.vector_load %arg12[%swap3A_874, %swap3A_875] {strides = array<i32>} : memref<14x128xf32, #tpu.memory_space<vmem>>, vector<16xf32>,
      tpu.vector_store %arg12[%swap3A_874, %swap3A_875], %add3A_872 {strides = array<i32>} : memref<14x128xf32, #tpu.memory_space<vmem>>, vector<16xf32>,
      %get3A_877 = arith.constant 9 : i32
      %get3A_878 = arith.index_cast %get3A_877 : i32 to index
      %get3A_879 = arith.constant 64 : index
      %get3A_880 = tpu.vector_load %arg10[%get3A_878, %get3A_879] {strides = array<i32>} : memref<14x128xi32, #tpu.memory_space<vmem>>, vector<16xi32>,
      %gather3A_881 = tpu.vector_load_idx %arg8[%get3A_880] : memref<50048xf32, #tpu.memory_space<vmem>>[vector<16xi32>], vector<16xf32>,
      %add3A_882 = vector.broadcast %reduce_sum3A_30 : f32 to vector<16xf32>
      %add3A_883 = arith.addf %gather3A_881, %add3A_882 : vector<16xf32>
      %swap3A_884 = arith.constant 9 : i32
      %swap3A_885 = arith.index_cast %swap3A_884 : i32 to index
      %swap3A_886 = arith.constant 64 : index
      %swap3A_887 = tpu.vector_load %arg12[%swap3A_885, %swap3A_886] {strides = array<i32>} : memref<14x128xf32, #tpu.memory_space<vmem>>, vector<16xf32>,
      tpu.vector_store %arg12[%swap3A_885, %swap3A_886], %add3A_883 {strides = array<i32>} : memref<14x128xf32, #tpu.memory_space<vmem>>, vector<16xf32>,
      %get3A_888 = arith.constant 9 : i32
      %get3A_889 = arith.index_cast %get3A_888 : i32 to index
      %get3A_890 = arith.constant 80 : index
      %get3A_891 = tpu.vector_load %arg10[%get3A_889, %get3A_890] {strides = array<i32>} : memref<14x128xi32, #tpu.memory_space<vmem>>, vector<16xi32>,
      %gather3A_892 = tpu.vector_load_idx %arg8[%get3A_891] : memref<50048xf32, #tpu.memory_space<vmem>>[vector<16xi32>], vector<16xf32>,
      %add3A_893 = vector.broadcast %reduce_sum3A_30 : f32 to vector<16xf32>
      %add3A_894 = arith.addf %gather3A_892, %add3A_893 : vector<16xf32>
      %swap3A_895 = arith.constant 9 : i32
      %swap3A_896 = arith.index_cast %swap3A_895 : i32 to index
      %swap3A_897 = arith.constant 80 : index
      %swap3A_898 = tpu.vector_load %arg12[%swap3A_896, %swap3A_897] {strides = array<i32>} : memref<14x128xf32, #tpu.memory_space<vmem>>, vector<16xf32>,
      tpu.vector_store %arg12[%swap3A_896, %swap3A_897], %add3A_894 {strides = array<i32>} : memref<14x128xf32, #tpu.memory_space<vmem>>, vector<16xf32>,
      %get3A_899 = arith.constant 9 : i32
      %get3A_900 = arith.index_cast %get3A_899 : i32 to index
      %get3A_901 = arith.constant 96 : index
      %get3A_902 = tpu.vector_load %arg10[%get3A_900, %get3A_901] {strides = array<i32>} : memref<14x128xi32, #tpu.memory_space<vmem>>, vector<16xi32>,
      %gather3A_903 = tpu.vector_load_idx %arg8[%get3A_902] : memref<50048xf32, #tpu.memory_space<vmem>>[vector<16xi32>], vector<16xf32>,
      %add3A_904 = vector.broadcast %reduce_sum3A_30 : f32 to vector<16xf32>
      %add3A_905 = arith.addf %gather3A_903, %add3A_904 : vector<16xf32>
      %swap3A_906 = arith.constant 9 : i32
      %swap3A_907 = arith.index_cast %swap3A_906 : i32 to index
      %swap3A_908 = arith.constant 96 : index
      %swap3A_909 = tpu.vector_load %arg12[%swap3A_907, %swap3A_908] {strides = array<i32>} : memref<14x128xf32, #tpu.memory_space<vmem>>, vector<16xf32>,
      tpu.vector_store %arg12[%swap3A_907, %swap3A_908], %add3A_905 {strides = array<i32>} : memref<14x128xf32, #tpu.memory_space<vmem>>, vector<16xf32>,
      %get3A_910 = arith.constant 9 : i32
      %get3A_911 = arith.index_cast %get3A_910 : i32 to index
      %get3A_912 = arith.constant 112 : index
      %get3A_913 = tpu.vector_load %arg10[%get3A_911, %get3A_912] {strides = array<i32>} : memref<14x128xi32, #tpu.memory_space<vmem>>, vector<16xi32>,
      %gather3A_914 = tpu.vector_load_idx %arg8[%get3A_913] : memref<50048xf32, #tpu.memory_space<vmem>>[vector<16xi32>], vector<16xf32>,
      %add3A_915 = vector.broadcast %reduce_sum3A_30 : f32 to vector<16xf32>
      %add3A_916 = arith.addf %gather3A_914, %add3A_915 : vector<16xf32>
      %swap3A_917 = arith.constant 9 : i32
      %swap3A_918 = arith.index_cast %swap3A_917 : i32 to index
      %swap3A_919 = arith.constant 112 : index
      %swap3A_920 = tpu.vector_load %arg12[%swap3A_918, %swap3A_919] {strides = array<i32>} : memref<14x128xf32, #tpu.memory_space<vmem>>, vector<16xf32>,
      tpu.vector_store %arg12[%swap3A_918, %swap3A_919], %add3A_916 {strides = array<i32>} : memref<14x128xf32, #tpu.memory_space<vmem>>, vector<16xf32>,
      %get3A_921 = arith.constant 10 : i32
      %get3A_922 = arith.index_cast %get3A_921 : i32 to index
      %get3A_923 = arith.constant 0 : index
      %get3A_924 = tpu.vector_load %arg10[%get3A_922, %get3A_923] {strides = array<i32>} : memref<14x128xi32, #tpu.memory_space<vmem>>, vector<16xi32>,
      %gather3A_925 = tpu.vector_load_idx %arg8[%get3A_924] : memref<50048xf32, #tpu.memory_space<vmem>>[vector<16xi32>], vector<16xf32>,
      %add3A_926 = vector.broadcast %reduce_sum3A_30 : f32 to vector<16xf32>
      %add3A_927 = arith.addf %gather3A_925, %add3A_926 : vector<16xf32>
      %swap3A_928 = arith.constant 10 : i32
      %swap3A_929 = arith.index_cast %swap3A_928 : i32 to index
      %swap3A_930 = arith.constant 0 : index
      %swap3A_931 = tpu.vector_load %arg12[%swap3A_929, %swap3A_930] {strides = array<i32>} : memref<14x128xf32, #tpu.memory_space<vmem>>, vector<16xf32>,
      tpu.vector_store %arg12[%swap3A_929, %swap3A_930], %add3A_927 {strides = array<i32>} : memref<14x128xf32, #tpu.memory_space<vmem>>, vector<16xf32>,
      %get3A_932 = arith.constant 10 : i32
      %get3A_933 = arith.index_cast %get3A_932 : i32 to index
      %get3A_934 = arith.constant 16 : index
      %get3A_935 = tpu.vector_load %arg10[%get3A_933, %get3A_934] {strides = array<i32>} : memref<14x128xi32, #tpu.memory_space<vmem>>, vector<16xi32>,
      %gather3A_936 = tpu.vector_load_idx %arg8[%get3A_935] : memref<50048xf32, #tpu.memory_space<vmem>>[vector<16xi32>], vector<16xf32>,
      %add3A_937 = vector.broadcast %reduce_sum3A_30 : f32 to vector<16xf32>
      %add3A_938 = arith.addf %gather3A_936, %add3A_937 : vector<16xf32>
      %swap3A_939 = arith.constant 10 : i32
      %swap3A_940 = arith.index_cast %swap3A_939 : i32 to index
      %swap3A_941 = arith.constant 16 : index
      %swap3A_942 = tpu.vector_load %arg12[%swap3A_940, %swap3A_941] {strides = array<i32>} : memref<14x128xf32, #tpu.memory_space<vmem>>, vector<16xf32>,
      tpu.vector_store %arg12[%swap3A_940, %swap3A_941], %add3A_938 {strides = array<i32>} : memref<14x128xf32, #tpu.memory_space<vmem>>, vector<16xf32>,
      %get3A_943 = arith.constant 10 : i32
      %get3A_944 = arith.index_cast %get3A_943 : i32 to index
      %get3A_945 = arith.constant 32 : index
      %get3A_946 = tpu.vector_load %arg10[%get3A_944, %get3A_945] {strides = array<i32>} : memref<14x128xi32, #tpu.memory_space<vmem>>, vector<16xi32>,
      %gather3A_947 = tpu.vector_load_idx %arg8[%get3A_946] : memref<50048xf32, #tpu.memory_space<vmem>>[vector<16xi32>], vector<16xf32>,
      %add3A_948 = vector.broadcast %reduce_sum3A_30 : f32 to vector<16xf32>
      %add3A_949 = arith.addf %gather3A_947, %add3A_948 : vector<16xf32>
      %swap3A_950 = arith.constant 10 : i32
      %swap3A_951 = arith.index_cast %swap3A_950 : i32 to index
      %swap3A_952 = arith.constant 32 : index
      %swap3A_953 = tpu.vector_load %arg12[%swap3A_951, %swap3A_952] {strides = array<i32>} : memref<14x128xf32, #tpu.memory_space<vmem>>, vector<16xf32>,
      tpu.vector_store %arg12[%swap3A_951, %swap3A_952], %add3A_949 {strides = array<i32>} : memref<14x128xf32, #tpu.memory_space<vmem>>, vector<16xf32>,
      %get3A_954 = arith.constant 10 : i32
      %get3A_955 = arith.index_cast %get3A_954 : i32 to index
      %get3A_956 = arith.constant 48 : index
      %get3A_957 = tpu.vector_load %arg10[%get3A_955, %get3A_956] {strides = array<i32>} : memref<14x128xi32, #tpu.memory_space<vmem>>, vector<16xi32>,
      %gather3A_958 = tpu.vector_load_idx %arg8[%get3A_957] : memref<50048xf32, #tpu.memory_space<vmem>>[vector<16xi32>], vector<16xf32>,
      %add3A_959 = vector.broadcast %reduce_sum3A_30 : f32 to vector<16xf32>
      %add3A_960 = arith.addf %gather3A_958, %add3A_959 : vector<16xf32>
      %swap3A_961 = arith.constant 10 : i32
      %swap3A_962 = arith.index_cast %swap3A_961 : i32 to index
      %swap3A_963 = arith.constant 48 : index
      %swap3A_964 = tpu.vector_load %arg12[%swap3A_962, %swap3A_963] {strides = array<i32>} : memref<14x128xf32, #tpu.memory_space<vmem>>, vector<16xf32>,
      tpu.vector_store %arg12[%swap3A_962, %swap3A_963], %add3A_960 {strides = array<i32>} : memref<14x128xf32, #tpu.memory_space<vmem>>, vector<16xf32>,
      %get3A_965 = arith.constant 10 : i32
      %get3A_966 = arith.index_cast %get3A_965 : i32 to index
      %get3A_967 = arith.constant 64 : index
      %get3A_968 = tpu.vector_load %arg10[%get3A_966, %get3A_967] {strides = array<i32>} : memref<14x128xi32, #tpu.memory_space<vmem>>, vector<16xi32>,
      %gather3A_969 = tpu.vector_load_idx %arg8[%get3A_968] : memref<50048xf32, #tpu.memory_space<vmem>>[vector<16xi32>], vector<16xf32>,
      %add3A_970 = vector.broadcast %reduce_sum3A_30 : f32 to vector<16xf32>
      %add3A_971 = arith.addf %gather3A_969, %add3A_970 : vector<16xf32>
      %swap3A_972 = arith.constant 10 : i32
      %swap3A_973 = arith.index_cast %swap3A_972 : i32 to index
      %swap3A_974 = arith.constant 64 : index
      %swap3A_975 = tpu.vector_load %arg12[%swap3A_973, %swap3A_974] {strides = array<i32>} : memref<14x128xf32, #tpu.memory_space<vmem>>, vector<16xf32>,
      tpu.vector_store %arg12[%swap3A_973, %swap3A_974], %add3A_971 {strides = array<i32>} : memref<14x128xf32, #tpu.memory_space<vmem>>, vector<16xf32>,
      %get3A_976 = arith.constant 10 : i32
      %get3A_977 = arith.index_cast %get3A_976 : i32 to index
      %get3A_978 = arith.constant 80 : index
      %get3A_979 = tpu.vector_load %arg10[%get3A_977, %get3A_978] {strides = array<i32>} : memref<14x128xi32, #tpu.memory_space<vmem>>, vector<16xi32>,
      %gather3A_980 = tpu.vector_load_idx %arg8[%get3A_979] : memref<50048xf32, #tpu.memory_space<vmem>>[vector<16xi32>], vector<16xf32>,
      %add3A_981 = vector.broadcast %reduce_sum3A_30 : f32 to vector<16xf32>
      %add3A_982 = arith.addf %gather3A_980, %add3A_981 : vector<16xf32>
      %swap3A_983 = arith.constant 10 : i32
      %swap3A_984 = arith.index_cast %swap3A_983 : i32 to index
      %swap3A_985 = arith.constant 80 : index
      %swap3A_986 = tpu.vector_load %arg12[%swap3A_984, %swap3A_985] {strides = array<i32>} : memref<14x128xf32, #tpu.memory_space<vmem>>, vector<16xf32>,
      tpu.vector_store %arg12[%swap3A_984, %swap3A_985], %add3A_982 {strides = array<i32>} : memref<14x128xf32, #tpu.memory_space<vmem>>, vector<16xf32>,
      %get3A_987 = arith.constant 10 : i32
      %get3A_988 = arith.index_cast %get3A_987 : i32 to index
      %get3A_989 = arith.constant 96 : index
      %get3A_990 = tpu.vector_load %arg10[%get3A_988, %get3A_989] {strides = array<i32>} : memref<14x128xi32, #tpu.memory_space<vmem>>, vector<16xi32>,
      %gather3A_991 = tpu.vector_load_idx %arg8[%get3A_990] : memref<50048xf32, #tpu.memory_space<vmem>>[vector<16xi32>], vector<16xf32>,
      %add3A_992 = vector.broadcast %reduce_sum3A_30 : f32 to vector<16xf32>
      %add3A_993 = arith.addf %gather3A_991, %add3A_992 : vector<16xf32>
      %swap3A_994 = arith.constant 10 : i32
      %swap3A_995 = arith.index_cast %swap3A_994 : i32 to index
      %swap3A_996 = arith.constant 96 : index
      %swap3A_997 = tpu.vector_load %arg12[%swap3A_995, %swap3A_996] {strides = array<i32>} : memref<14x128xf32, #tpu.memory_space<vmem>>, vector<16xf32>,
      tpu.vector_store %arg12[%swap3A_995, %swap3A_996], %add3A_993 {strides = array<i32>} : memref<14x128xf32, #tpu.memory_space<vmem>>, vector<16xf32>,
      %get3A_998 = arith.constant 10 : i32
      %get3A_999 = arith.index_cast %get3A_998 : i32 to index
      %get3A_1000 = arith.constant 112 : index
      %get3A_1001 = tpu.vector_load %arg10[%get3A_999, %get3A_1000] {strides = array<i32>} : memref<14x128xi32, #tpu.memory_space<vmem>>, vector<16xi32>,
      %gather3A_1002 = tpu.vector_load_idx %arg8[%get3A_1001] : memref<50048xf32, #tpu.memory_space<vmem>>[vector<16xi32>], vector<16xf32>,
      %add3A_1003 = vector.broadcast %reduce_sum3A_30 : f32 to vector<16xf32>
      %add3A_1004 = arith.addf %gather3A_1002, %add3A_1003 : vector<16xf32>
      %swap3A_1005 = arith.constant 10 : i32
      %swap3A_1006 = arith.index_cast %swap3A_1005 : i32 to index
      %swap3A_1007 = arith.constant 112 : index
      %swap3A_1008 = tpu.vector_load %arg12[%swap3A_1006, %swap3A_1007] {strides = array<i32>} : memref<14x128xf32, #tpu.memory_space<vmem>>, vector<16xf32>,
      tpu.vector_store %arg12[%swap3A_1006, %swap3A_1007], %add3A_1004 {strides = array<i32>} : memref<14x128xf32, #tpu.memory_space<vmem>>, vector<16xf32>,
      %get3A_1009 = arith.constant 11 : i32
      %get3A_1010 = arith.index_cast %get3A_1009 : i32 to index
      %get3A_1011 = arith.constant 0 : index
      %get3A_1012 = tpu.vector_load %arg10[%get3A_1010, %get3A_1011] {strides = array<i32>} : memref<14x128xi32, #tpu.memory_space<vmem>>, vector<16xi32>,
      %gather3A_1013 = tpu.vector_load_idx %arg8[%get3A_1012] : memref<50048xf32, #tpu.memory_space<vmem>>[vector<16xi32>], vector<16xf32>,
      %add3A_1014 = vector.broadcast %reduce_sum3A_30 : f32 to vector<16xf32>
      %add3A_1015 = arith.addf %gather3A_1013, %add3A_1014 : vector<16xf32>
      %swap3A_1016 = arith.constant 11 : i32
      %swap3A_1017 = arith.index_cast %swap3A_1016 : i32 to index
      %swap3A_1018 = arith.constant 0 : index
      %swap3A_1019 = tpu.vector_load %arg12[%swap3A_1017, %swap3A_1018] {strides = array<i32>} : memref<14x128xf32, #tpu.memory_space<vmem>>, vector<16xf32>,
      tpu.vector_store %arg12[%swap3A_1017, %swap3A_1018], %add3A_1015 {strides = array<i32>} : memref<14x128xf32, #tpu.memory_space<vmem>>, vector<16xf32>,
      %get3A_1020 = arith.constant 11 : i32
      %get3A_1021 = arith.index_cast %get3A_1020 : i32 to index
      %get3A_1022 = arith.constant 16 : index
      %get3A_1023 = tpu.vector_load %arg10[%get3A_1021, %get3A_1022] {strides = array<i32>} : memref<14x128xi32, #tpu.memory_space<vmem>>, vector<16xi32>,
      %gather3A_1024 = tpu.vector_load_idx %arg8[%get3A_1023] : memref<50048xf32, #tpu.memory_space<vmem>>[vector<16xi32>], vector<16xf32>,
      %add3A_1025 = vector.broadcast %reduce_sum3A_30 : f32 to vector<16xf32>
      %add3A_1026 = arith.addf %gather3A_1024, %add3A_1025 : vector<16xf32>
      %swap3A_1027 = arith.constant 11 : i32
      %swap3A_1028 = arith.index_cast %swap3A_1027 : i32 to index
      %swap3A_1029 = arith.constant 16 : index
      %swap3A_1030 = tpu.vector_load %arg12[%swap3A_1028, %swap3A_1029] {strides = array<i32>} : memref<14x128xf32, #tpu.memory_space<vmem>>, vector<16xf32>,
      tpu.vector_store %arg12[%swap3A_1028, %swap3A_1029], %add3A_1026 {strides = array<i32>} : memref<14x128xf32, #tpu.memory_space<vmem>>, vector<16xf32>,
      %get3A_1031 = arith.constant 11 : i32
      %get3A_1032 = arith.index_cast %get3A_1031 : i32 to index
      %get3A_1033 = arith.constant 32 : index
      %get3A_1034 = tpu.vector_load %arg10[%get3A_1032, %get3A_1033] {strides = array<i32>} : memref<14x128xi32, #tpu.memory_space<vmem>>, vector<16xi32>,
      %gather3A_1035 = tpu.vector_load_idx %arg8[%get3A_1034] : memref<50048xf32, #tpu.memory_space<vmem>>[vector<16xi32>], vector<16xf32>,
      %add3A_1036 = vector.broadcast %reduce_sum3A_30 : f32 to vector<16xf32>
      %add3A_1037 = arith.addf %gather3A_1035, %add3A_1036 : vector<16xf32>
      %swap3A_1038 = arith.constant 11 : i32
      %swap3A_1039 = arith.index_cast %swap3A_1038 : i32 to index
      %swap3A_1040 = arith.constant 32 : index
      %swap3A_1041 = tpu.vector_load %arg12[%swap3A_1039, %swap3A_1040] {strides = array<i32>} : memref<14x128xf32, #tpu.memory_space<vmem>>, vector<16xf32>,
      tpu.vector_store %arg12[%swap3A_1039, %swap3A_1040], %add3A_1037 {strides = array<i32>} : memref<14x128xf32, #tpu.memory_space<vmem>>, vector<16xf32>,
      %get3A_1042 = arith.constant 11 : i32
      %get3A_1043 = arith.index_cast %get3A_1042 : i32 to index
      %get3A_1044 = arith.constant 48 : index
      %get3A_1045 = tpu.vector_load %arg10[%get3A_1043, %get3A_1044] {strides = array<i32>} : memref<14x128xi32, #tpu.memory_space<vmem>>, vector<16xi32>,
      %gather3A_1046 = tpu.vector_load_idx %arg8[%get3A_1045] : memref<50048xf32, #tpu.memory_space<vmem>>[vector<16xi32>], vector<16xf32>,
      %add3A_1047 = vector.broadcast %reduce_sum3A_30 : f32 to vector<16xf32>
      %add3A_1048 = arith.addf %gather3A_1046, %add3A_1047 : vector<16xf32>
      %swap3A_1049 = arith.constant 11 : i32
      %swap3A_1050 = arith.index_cast %swap3A_1049 : i32 to index
      %swap3A_1051 = arith.constant 48 : index
      %swap3A_1052 = tpu.vector_load %arg12[%swap3A_1050, %swap3A_1051] {strides = array<i32>} : memref<14x128xf32, #tpu.memory_space<vmem>>, vector<16xf32>,
      tpu.vector_store %arg12[%swap3A_1050, %swap3A_1051], %add3A_1048 {strides = array<i32>} : memref<14x128xf32, #tpu.memory_space<vmem>>, vector<16xf32>,
      %get3A_1053 = arith.constant 11 : i32
      %get3A_1054 = arith.index_cast %get3A_1053 : i32 to index
      %get3A_1055 = arith.constant 64 : index
      %get3A_1056 = tpu.vector_load %arg10[%get3A_1054, %get3A_1055] {strides = array<i32>} : memref<14x128xi32, #tpu.memory_space<vmem>>, vector<16xi32>,
      %gather3A_1057 = tpu.vector_load_idx %arg8[%get3A_1056] : memref<50048xf32, #tpu.memory_space<vmem>>[vector<16xi32>], vector<16xf32>,
      %add3A_1058 = vector.broadcast %reduce_sum3A_30 : f32 to vector<16xf32>
      %add3A_1059 = arith.addf %gather3A_1057, %add3A_1058 : vector<16xf32>
      %swap3A_1060 = arith.constant 11 : i32
      %swap3A_1061 = arith.index_cast %swap3A_1060 : i32 to index
      %swap3A_1062 = arith.constant 64 : index
      %swap3A_1063 = tpu.vector_load %arg12[%swap3A_1061, %swap3A_1062] {strides = array<i32>} : memref<14x128xf32, #tpu.memory_space<vmem>>, vector<16xf32>,
      tpu.vector_store %arg12[%swap3A_1061, %swap3A_1062], %add3A_1059 {strides = array<i32>} : memref<14x128xf32, #tpu.memory_space<vmem>>, vector<16xf32>,
      %get3A_1064 = arith.constant 11 : i32
      %get3A_1065 = arith.index_cast %get3A_1064 : i32 to index
      %get3A_1066 = arith.constant 80 : index
      %get3A_1067 = tpu.vector_load %arg10[%get3A_1065, %get3A_1066] {strides = array<i32>} : memref<14x128xi32, #tpu.memory_space<vmem>>, vector<16xi32>,
      %gather3A_1068 = tpu.vector_load_idx %arg8[%get3A_1067] : memref<50048xf32, #tpu.memory_space<vmem>>[vector<16xi32>], vector<16xf32>,
      %add3A_1069 = vector.broadcast %reduce_sum3A_30 : f32 to vector<16xf32>
      %add3A_1070 = arith.addf %gather3A_1068, %add3A_1069 : vector<16xf32>
      %swap3A_1071 = arith.constant 11 : i32
      %swap3A_1072 = arith.index_cast %swap3A_1071 : i32 to index
      %swap3A_1073 = arith.constant 80 : index
      %swap3A_1074 = tpu.vector_load %arg12[%swap3A_1072, %swap3A_1073] {strides = array<i32>} : memref<14x128xf32, #tpu.memory_space<vmem>>, vector<16xf32>,
      tpu.vector_store %arg12[%swap3A_1072, %swap3A_1073], %add3A_1070 {strides = array<i32>} : memref<14x128xf32, #tpu.memory_space<vmem>>, vector<16xf32>,
      %get3A_1075 = arith.constant 11 : i32
      %get3A_1076 = arith.index_cast %get3A_1075 : i32 to index
      %get3A_1077 = arith.constant 96 : index
      %get3A_1078 = tpu.vector_load %arg10[%get3A_1076, %get3A_1077] {strides = array<i32>} : memref<14x128xi32, #tpu.memory_space<vmem>>, vector<16xi32>,
      %gather3A_1079 = tpu.vector_load_idx %arg8[%get3A_1078] : memref<50048xf32, #tpu.memory_space<vmem>>[vector<16xi32>], vector<16xf32>,
      %add3A_1080 = vector.broadcast %reduce_sum3A_30 : f32 to vector<16xf32>
      %add3A_1081 = arith.addf %gather3A_1079, %add3A_1080 : vector<16xf32>
      %swap3A_1082 = arith.constant 11 : i32
      %swap3A_1083 = arith.index_cast %swap3A_1082 : i32 to index
      %swap3A_1084 = arith.constant 96 : index
      %swap3A_1085 = tpu.vector_load %arg12[%swap3A_1083, %swap3A_1084] {strides = array<i32>} : memref<14x128xf32, #tpu.memory_space<vmem>>, vector<16xf32>,
      tpu.vector_store %arg12[%swap3A_1083, %swap3A_1084], %add3A_1081 {strides = array<i32>} : memref<14x128xf32, #tpu.memory_space<vmem>>, vector<16xf32>,
      %get3A_1086 = arith.constant 11 : i32
      %get3A_1087 = arith.index_cast %get3A_1086 : i32 to index
      %get3A_1088 = arith.constant 112 : index
      %get3A_1089 = tpu.vector_load %arg10[%get3A_1087, %get3A_1088] {strides = array<i32>} : memref<14x128xi32, #tpu.memory_space<vmem>>, vector<16xi32>,
      %gather3A_1090 = tpu.vector_load_idx %arg8[%get3A_1089] : memref<50048xf32, #tpu.memory_space<vmem>>[vector<16xi32>], vector<16xf32>,
      %add3A_1091 = vector.broadcast %reduce_sum3A_30 : f32 to vector<16xf32>
      %add3A_1092 = arith.addf %gather3A_1090, %add3A_1091 : vector<16xf32>
      %swap3A_1093 = arith.constant 11 : i32
      %swap3A_1094 = arith.index_cast %swap3A_1093 : i32 to index
      %swap3A_1095 = arith.constant 112 : index
      %swap3A_1096 = tpu.vector_load %arg12[%swap3A_1094, %swap3A_1095] {strides = array<i32>} : memref<14x128xf32, #tpu.memory_space<vmem>>, vector<16xf32>,
      tpu.vector_store %arg12[%swap3A_1094, %swap3A_1095], %add3A_1092 {strides = array<i32>} : memref<14x128xf32, #tpu.memory_space<vmem>>, vector<16xf32>,
      %get3A_1097 = arith.constant 12 : i32
      %get3A_1098 = arith.index_cast %get3A_1097 : i32 to index
      %get3A_1099 = arith.constant 0 : index
      %get3A_1100 = tpu.vector_load %arg10[%get3A_1098, %get3A_1099] {strides = array<i32>} : memref<14x128xi32, #tpu.memory_space<vmem>>, vector<16xi32>,
      %gather3A_1101 = tpu.vector_load_idx %arg8[%get3A_1100] : memref<50048xf32, #tpu.memory_space<vmem>>[vector<16xi32>], vector<16xf32>,
      %add3A_1102 = vector.broadcast %reduce_sum3A_30 : f32 to vector<16xf32>
      %add3A_1103 = arith.addf %gather3A_1101, %add3A_1102 : vector<16xf32>
      %swap3A_1104 = arith.constant 12 : i32
      %swap3A_1105 = arith.index_cast %swap3A_1104 : i32 to index
      %swap3A_1106 = arith.constant 0 : index
      %swap3A_1107 = tpu.vector_load %arg12[%swap3A_1105, %swap3A_1106] {strides = array<i32>} : memref<14x128xf32, #tpu.memory_space<vmem>>, vector<16xf32>,
      tpu.vector_store %arg12[%swap3A_1105, %swap3A_1106], %add3A_1103 {strides = array<i32>} : memref<14x128xf32, #tpu.memory_space<vmem>>, vector<16xf32>,
      %get3A_1108 = arith.constant 12 : i32
      %get3A_1109 = arith.index_cast %get3A_1108 : i32 to index
      %get3A_1110 = arith.constant 16 : index
      %get3A_1111 = tpu.vector_load %arg10[%get3A_1109, %get3A_1110] {strides = array<i32>} : memref<14x128xi32, #tpu.memory_space<vmem>>, vector<16xi32>,
      %gather3A_1112 = tpu.vector_load_idx %arg8[%get3A_1111] : memref<50048xf32, #tpu.memory_space<vmem>>[vector<16xi32>], vector<16xf32>,
      %add3A_1113 = vector.broadcast %reduce_sum3A_30 : f32 to vector<16xf32>
      %add3A_1114 = arith.addf %gather3A_1112, %add3A_1113 : vector<16xf32>
      %swap3A_1115 = arith.constant 12 : i32
      %swap3A_1116 = arith.index_cast %swap3A_1115 : i32 to index
      %swap3A_1117 = arith.constant 16 : index
      %swap3A_1118 = tpu.vector_load %arg12[%swap3A_1116, %swap3A_1117] {strides = array<i32>} : memref<14x128xf32, #tpu.memory_space<vmem>>, vector<16xf32>,
      tpu.vector_store %arg12[%swap3A_1116, %swap3A_1117], %add3A_1114 {strides = array<i32>} : memref<14x128xf32, #tpu.memory_space<vmem>>, vector<16xf32>,
      %get3A_1119 = arith.constant 12 : i32
      %get3A_1120 = arith.index_cast %get3A_1119 : i32 to index
      %get3A_1121 = arith.constant 32 : index
      %get3A_1122 = tpu.vector_load %arg10[%get3A_1120, %get3A_1121] {strides = array<i32>} : memref<14x128xi32, #tpu.memory_space<vmem>>, vector<16xi32>,
      %gather3A_1123 = tpu.vector_load_idx %arg8[%get3A_1122] : memref<50048xf32, #tpu.memory_space<vmem>>[vector<16xi32>], vector<16xf32>,
      %add3A_1124 = vector.broadcast %reduce_sum3A_30 : f32 to vector<16xf32>
      %add3A_1125 = arith.addf %gather3A_1123, %add3A_1124 : vector<16xf32>
      %swap3A_1126 = arith.constant 12 : i32
      %swap3A_1127 = arith.index_cast %swap3A_1126 : i32 to index
      %swap3A_1128 = arith.constant 32 : index
      %swap3A_1129 = tpu.vector_load %arg12[%swap3A_1127, %swap3A_1128] {strides = array<i32>} : memref<14x128xf32, #tpu.memory_space<vmem>>, vector<16xf32>,
      tpu.vector_store %arg12[%swap3A_1127, %swap3A_1128], %add3A_1125 {strides = array<i32>} : memref<14x128xf32, #tpu.memory_space<vmem>>, vector<16xf32>,
      %get3A_1130 = arith.constant 12 : i32
      %get3A_1131 = arith.index_cast %get3A_1130 : i32 to index
      %get3A_1132 = arith.constant 48 : index
      %get3A_1133 = tpu.vector_load %arg10[%get3A_1131, %get3A_1132] {strides = array<i32>} : memref<14x128xi32, #tpu.memory_space<vmem>>, vector<16xi32>,
      %gather3A_1134 = tpu.vector_load_idx %arg8[%get3A_1133] : memref<50048xf32, #tpu.memory_space<vmem>>[vector<16xi32>], vector<16xf32>,
      %add3A_1135 = vector.broadcast %reduce_sum3A_30 : f32 to vector<16xf32>
      %add3A_1136 = arith.addf %gather3A_1134, %add3A_1135 : vector<16xf32>
      %swap3A_1137 = arith.constant 12 : i32
      %swap3A_1138 = arith.index_cast %swap3A_1137 : i32 to index
      %swap3A_1139 = arith.constant 48 : index
      %swap3A_1140 = tpu.vector_load %arg12[%swap3A_1138, %swap3A_1139] {strides = array<i32>} : memref<14x128xf32, #tpu.memory_space<vmem>>, vector<16xf32>,
      tpu.vector_store %arg12[%swap3A_1138, %swap3A_1139], %add3A_1136 {strides = array<i32>} : memref<14x128xf32, #tpu.memory_space<vmem>>, vector<16xf32>,
      %get3A_1141 = arith.constant 12 : i32
      %get3A_1142 = arith.index_cast %get3A_1141 : i32 to index
      %get3A_1143 = arith.constant 64 : index
      %get3A_1144 = tpu.vector_load %arg10[%get3A_1142, %get3A_1143] {strides = array<i32>} : memref<14x128xi32, #tpu.memory_space<vmem>>, vector<16xi32>,
      %gather3A_1145 = tpu.vector_load_idx %arg8[%get3A_1144] : memref<50048xf32, #tpu.memory_space<vmem>>[vector<16xi32>], vector<16xf32>,
      %add3A_1146 = vector.broadcast %reduce_sum3A_30 : f32 to vector<16xf32>
      %add3A_1147 = arith.addf %gather3A_1145, %add3A_1146 : vector<16xf32>
      %swap3A_1148 = arith.constant 12 : i32
      %swap3A_1149 = arith.index_cast %swap3A_1148 : i32 to index
      %swap3A_1150 = arith.constant 64 : index
      %swap3A_1151 = tpu.vector_load %arg12[%swap3A_1149, %swap3A_1150] {strides = array<i32>} : memref<14x128xf32, #tpu.memory_space<vmem>>, vector<16xf32>,
      tpu.vector_store %arg12[%swap3A_1149, %swap3A_1150], %add3A_1147 {strides = array<i32>} : memref<14x128xf32, #tpu.memory_space<vmem>>, vector<16xf32>,
      %get3A_1152 = arith.constant 12 : i32
      %get3A_1153 = arith.index_cast %get3A_1152 : i32 to index
      %get3A_1154 = arith.constant 80 : index
      %get3A_1155 = tpu.vector_load %arg10[%get3A_1153, %get3A_1154] {strides = array<i32>} : memref<14x128xi32, #tpu.memory_space<vmem>>, vector<16xi32>,
      %gather3A_1156 = tpu.vector_load_idx %arg8[%get3A_1155] : memref<50048xf32, #tpu.memory_space<vmem>>[vector<16xi32>], vector<16xf32>,
      %add3A_1157 = vector.broadcast %reduce_sum3A_30 : f32 to vector<16xf32>
      %add3A_1158 = arith.addf %gather3A_1156, %add3A_1157 : vector<16xf32>
      %swap3A_1159 = arith.constant 12 : i32
      %swap3A_1160 = arith.index_cast %swap3A_1159 : i32 to index
      %swap3A_1161 = arith.constant 80 : index
      %swap3A_1162 = tpu.vector_load %arg12[%swap3A_1160, %swap3A_1161] {strides = array<i32>} : memref<14x128xf32, #tpu.memory_space<vmem>>, vector<16xf32>,
      tpu.vector_store %arg12[%swap3A_1160, %swap3A_1161], %add3A_1158 {strides = array<i32>} : memref<14x128xf32, #tpu.memory_space<vmem>>, vector<16xf32>,
      %get3A_1163 = arith.constant 12 : i32
      %get3A_1164 = arith.index_cast %get3A_1163 : i32 to index
      %get3A_1165 = arith.constant 96 : index
      %get3A_1166 = tpu.vector_load %arg10[%get3A_1164, %get3A_1165] {strides = array<i32>} : memref<14x128xi32, #tpu.memory_space<vmem>>, vector<16xi32>,
      %gather3A_1167 = tpu.vector_load_idx %arg8[%get3A_1166] : memref<50048xf32, #tpu.memory_space<vmem>>[vector<16xi32>], vector<16xf32>,
      %add3A_1168 = vector.broadcast %reduce_sum3A_30 : f32 to vector<16xf32>
      %add3A_1169 = arith.addf %gather3A_1167, %add3A_1168 : vector<16xf32>
      %swap3A_1170 = arith.constant 12 : i32
      %swap3A_1171 = arith.index_cast %swap3A_1170 : i32 to index
      %swap3A_1172 = arith.constant 96 : index
      %swap3A_1173 = tpu.vector_load %arg12[%swap3A_1171, %swap3A_1172] {strides = array<i32>} : memref<14x128xf32, #tpu.memory_space<vmem>>, vector<16xf32>,
      tpu.vector_store %arg12[%swap3A_1171, %swap3A_1172], %add3A_1169 {strides = array<i32>} : memref<14x128xf32, #tpu.memory_space<vmem>>, vector<16xf32>,
      %get3A_1174 = arith.constant 12 : i32
      %get3A_1175 = arith.index_cast %get3A_1174 : i32 to index
      %get3A_1176 = arith.constant 112 : index
      %get3A_1177 = tpu.vector_load %arg10[%get3A_1175, %get3A_1176] {strides = array<i32>} : memref<14x128xi32, #tpu.memory_space<vmem>>, vector<16xi32>,
      %gather3A_1178 = tpu.vector_load_idx %arg8[%get3A_1177] : memref<50048xf32, #tpu.memory_space<vmem>>[vector<16xi32>], vector<16xf32>,
      %add3A_1179 = vector.broadcast %reduce_sum3A_30 : f32 to vector<16xf32>
      %add3A_1180 = arith.addf %gather3A_1178, %add3A_1179 : vector<16xf32>
      %swap3A_1181 = arith.constant 12 : i32
      %swap3A_1182 = arith.index_cast %swap3A_1181 : i32 to index
      %swap3A_1183 = arith.constant 112 : index
      %swap3A_1184 = tpu.vector_load %arg12[%swap3A_1182, %swap3A_1183] {strides = array<i32>} : memref<14x128xf32, #tpu.memory_space<vmem>>, vector<16xf32>,
      tpu.vector_store %arg12[%swap3A_1182, %swap3A_1183], %add3A_1180 {strides = array<i32>} : memref<14x128xf32, #tpu.memory_space<vmem>>, vector<16xf32>,
      %get3A_1185 = arith.constant 13 : i32
      %get3A_1186 = arith.index_cast %get3A_1185 : i32 to index
      %get3A_1187 = arith.constant 0 : index
      %get3A_1188 = tpu.vector_load %arg10[%get3A_1186, %get3A_1187] {strides = array<i32>} : memref<14x128xi32, #tpu.memory_space<vmem>>, vector<16xi32>,
      %gather3A_1189 = tpu.vector_load_idx %arg8[%get3A_1188] : memref<50048xf32, #tpu.memory_space<vmem>>[vector<16xi32>], vector<16xf32>,
      %add3A_1190 = vector.broadcast %reduce_sum3A_30 : f32 to vector<16xf32>
      %add3A_1191 = arith.addf %gather3A_1189, %add3A_1190 : vector<16xf32>
      %swap3A_1192 = arith.constant 13 : i32
      %swap3A_1193 = arith.index_cast %swap3A_1192 : i32 to index
      %swap3A_1194 = arith.constant 0 : index
      %swap3A_1195 = tpu.vector_load %arg12[%swap3A_1193, %swap3A_1194] {strides = array<i32>} : memref<14x128xf32, #tpu.memory_space<vmem>>, vector<16xf32>,
      tpu.vector_store %arg12[%swap3A_1193, %swap3A_1194], %add3A_1191 {strides = array<i32>} : memref<14x128xf32, #tpu.memory_space<vmem>>, vector<16xf32>,
      %get3A_1196 = arith.constant 13 : i32
      %get3A_1197 = arith.index_cast %get3A_1196 : i32 to index
      %get3A_1198 = arith.constant 16 : index
      %get3A_1199 = tpu.vector_load %arg10[%get3A_1197, %get3A_1198] {strides = array<i32>} : memref<14x128xi32, #tpu.memory_space<vmem>>, vector<16xi32>,
      %gather3A_1200 = tpu.vector_load_idx %arg8[%get3A_1199] : memref<50048xf32, #tpu.memory_space<vmem>>[vector<16xi32>], vector<16xf32>,
      %add3A_1201 = vector.broadcast %reduce_sum3A_30 : f32 to vector<16xf32>
      %add3A_1202 = arith.addf %gather3A_1200, %add3A_1201 : vector<16xf32>
      %swap3A_1203 = arith.constant 13 : i32
      %swap3A_1204 = arith.index_cast %swap3A_1203 : i32 to index
      %swap3A_1205 = arith.constant 16 : index
      %swap3A_1206 = tpu.vector_load %arg12[%swap3A_1204, %swap3A_1205] {strides = array<i32>} : memref<14x128xf32, #tpu.memory_space<vmem>>, vector<16xf32>,
      tpu.vector_store %arg12[%swap3A_1204, %swap3A_1205], %add3A_1202 {strides = array<i32>} : memref<14x128xf32, #tpu.memory_space<vmem>>, vector<16xf32>,
      %get3A_1207 = arith.constant 13 : i32
      %get3A_1208 = arith.index_cast %get3A_1207 : i32 to index
      %get3A_1209 = arith.constant 32 : index
      %get3A_1210 = tpu.vector_load %arg10[%get3A_1208, %get3A_1209] {strides = array<i32>} : memref<14x128xi32, #tpu.memory_space<vmem>>, vector<16xi32>,
      %gather3A_1211 = tpu.vector_load_idx %arg8[%get3A_1210] : memref<50048xf32, #tpu.memory_space<vmem>>[vector<16xi32>], vector<16xf32>,
      %add3A_1212 = vector.broadcast %reduce_sum3A_30 : f32 to vector<16xf32>
      %add3A_1213 = arith.addf %gather3A_1211, %add3A_1212 : vector<16xf32>
      %swap3A_1214 = arith.constant 13 : i32
      %swap3A_1215 = arith.index_cast %swap3A_1214 : i32 to index
      %swap3A_1216 = arith.constant 32 : index
      %swap3A_1217 = tpu.vector_load %arg12[%swap3A_1215, %swap3A_1216] {strides = array<i32>} : memref<14x128xf32, #tpu.memory_space<vmem>>, vector<16xf32>,
      tpu.vector_store %arg12[%swap3A_1215, %swap3A_1216], %add3A_1213 {strides = array<i32>} : memref<14x128xf32, #tpu.memory_space<vmem>>, vector<16xf32>,
      %get3A_1218 = arith.constant 13 : i32
      %get3A_1219 = arith.index_cast %get3A_1218 : i32 to index
      %get3A_1220 = arith.constant 48 : index
      %get3A_1221 = tpu.vector_load %arg10[%get3A_1219, %get3A_1220] {strides = array<i32>} : memref<14x128xi32, #tpu.memory_space<vmem>>, vector<16xi32>,
      %gather3A_1222 = tpu.vector_load_idx %arg8[%get3A_1221] : memref<50048xf32, #tpu.memory_space<vmem>>[vector<16xi32>], vector<16xf32>,
      %add3A_1223 = vector.broadcast %reduce_sum3A_30 : f32 to vector<16xf32>
      %add3A_1224 = arith.addf %gather3A_1222, %add3A_1223 : vector<16xf32>
      %swap3A_1225 = arith.constant 13 : i32
      %swap3A_1226 = arith.index_cast %swap3A_1225 : i32 to index
      %swap3A_1227 = arith.constant 48 : index
      %swap3A_1228 = tpu.vector_load %arg12[%swap3A_1226, %swap3A_1227] {strides = array<i32>} : memref<14x128xf32, #tpu.memory_space<vmem>>, vector<16xf32>,
      tpu.vector_store %arg12[%swap3A_1226, %swap3A_1227], %add3A_1224 {strides = array<i32>} : memref<14x128xf32, #tpu.memory_space<vmem>>, vector<16xf32>,
      %get3A_1229 = arith.constant 13 : i32
      %get3A_1230 = arith.index_cast %get3A_1229 : i32 to index
      %get3A_1231 = arith.constant 64 : index
      %get3A_1232 = tpu.vector_load %arg10[%get3A_1230, %get3A_1231] {strides = array<i32>} : memref<14x128xi32, #tpu.memory_space<vmem>>, vector<16xi32>,
      %gather3A_1233 = tpu.vector_load_idx %arg8[%get3A_1232] : memref<50048xf32, #tpu.memory_space<vmem>>[vector<16xi32>], vector<16xf32>,
      %add3A_1234 = vector.broadcast %reduce_sum3A_30 : f32 to vector<16xf32>
      %add3A_1235 = arith.addf %gather3A_1233, %add3A_1234 : vector<16xf32>
      %swap3A_1236 = arith.constant 13 : i32
      %swap3A_1237 = arith.index_cast %swap3A_1236 : i32 to index
      %swap3A_1238 = arith.constant 64 : index
      %swap3A_1239 = tpu.vector_load %arg12[%swap3A_1237, %swap3A_1238] {strides = array<i32>} : memref<14x128xf32, #tpu.memory_space<vmem>>, vector<16xf32>,
      tpu.vector_store %arg12[%swap3A_1237, %swap3A_1238], %add3A_1235 {strides = array<i32>} : memref<14x128xf32, #tpu.memory_space<vmem>>, vector<16xf32>,
      %get3A_1240 = arith.constant 13 : i32
      %get3A_1241 = arith.index_cast %get3A_1240 : i32 to index
      %get3A_1242 = arith.constant 80 : index
      %get3A_1243 = tpu.vector_load %arg10[%get3A_1241, %get3A_1242] {strides = array<i32>} : memref<14x128xi32, #tpu.memory_space<vmem>>, vector<16xi32>,
      %gather3A_1244 = tpu.vector_load_idx %arg8[%get3A_1243] : memref<50048xf32, #tpu.memory_space<vmem>>[vector<16xi32>], vector<16xf32>,
      %add3A_1245 = vector.broadcast %reduce_sum3A_30 : f32 to vector<16xf32>
      %add3A_1246 = arith.addf %gather3A_1244, %add3A_1245 : vector<16xf32>
      %swap3A_1247 = arith.constant 13 : i32
      %swap3A_1248 = arith.index_cast %swap3A_1247 : i32 to index
      %swap3A_1249 = arith.constant 80 : index
      %swap3A_1250 = tpu.vector_load %arg12[%swap3A_1248, %swap3A_1249] {strides = array<i32>} : memref<14x128xf32, #tpu.memory_space<vmem>>, vector<16xf32>,
      tpu.vector_store %arg12[%swap3A_1248, %swap3A_1249], %add3A_1246 {strides = array<i32>} : memref<14x128xf32, #tpu.memory_space<vmem>>, vector<16xf32>,
      %get3A_1251 = arith.constant 13 : i32
      %get3A_1252 = arith.index_cast %get3A_1251 : i32 to index
      %get3A_1253 = arith.constant 96 : index
      %get3A_1254 = tpu.vector_load %arg10[%get3A_1252, %get3A_1253] {strides = array<i32>} : memref<14x128xi32, #tpu.memory_space<vmem>>, vector<16xi32>,
      %gather3A_1255 = tpu.vector_load_idx %arg8[%get3A_1254] : memref<50048xf32, #tpu.memory_space<vmem>>[vector<16xi32>], vector<16xf32>,
      %add3A_1256 = vector.broadcast %reduce_sum3A_30 : f32 to vector<16xf32>
      %add3A_1257 = arith.addf %gather3A_1255, %add3A_1256 : vector<16xf32>
      %swap3A_1258 = arith.constant 13 : i32
      %swap3A_1259 = arith.index_cast %swap3A_1258 : i32 to index
      %swap3A_1260 = arith.constant 96 : index
      %swap3A_1261 = tpu.vector_load %arg12[%swap3A_1259, %swap3A_1260] {strides = array<i32>} : memref<14x128xf32, #tpu.memory_space<vmem>>, vector<16xf32>,
      tpu.vector_store %arg12[%swap3A_1259, %swap3A_1260], %add3A_1257 {strides = array<i32>} : memref<14x128xf32, #tpu.memory_space<vmem>>, vector<16xf32>,
      %get3A_1262 = arith.constant 13 : i32
      %get3A_1263 = arith.index_cast %get3A_1262 : i32 to index
      %get3A_1264 = arith.constant 112 : index
      %get3A_1265 = tpu.vector_load %arg10[%get3A_1263, %get3A_1264] {strides = array<i32>} : memref<14x128xi32, #tpu.memory_space<vmem>>, vector<16xi32>,
      %gather3A_1266 = tpu.vector_load_idx %arg8[%get3A_1265] : memref<50048xf32, #tpu.memory_space<vmem>>[vector<16xi32>], vector<16xf32>,
      %add3A_1267 = vector.broadcast %reduce_sum3A_30 : f32 to vector<16xf32>
      %add3A_1268 = arith.addf %gather3A_1266, %add3A_1267 : vector<16xf32>
      %swap3A_1269 = arith.constant 13 : i32
      %swap3A_1270 = arith.index_cast %swap3A_1269 : i32 to index
      %swap3A_1271 = arith.constant 112 : index
      %swap3A_1272 = tpu.vector_load %arg12[%swap3A_1270, %swap3A_1271] {strides = array<i32>} : memref<14x128xf32, #tpu.memory_space<vmem>>, vector<16xf32>,
      tpu.vector_store %arg12[%swap3A_1270, %swap3A_1271], %add3A_1268 {strides = array<i32>} : memref<14x128xf32, #tpu.memory_space<vmem>>, vector<16xf32>,
      "tpu.region"() ({
        %run_scoped3A = tpu.sem_alloc : memref<!tpu.dma_semaphore, #tpu.memory_space<semaphore_mem>>
        %dma_start3A = arith.constant 0 : i32
        %dma_start3A_1273 = tpu.memref_slice %arg6[%add3A_42, %dma_start3A] : memref<6272x128xf32, #tpu.memory_space<hbm>> -> memref<14x128xf32, #tpu.memory_space<hbm>>
        %dma_start3A_1274 = arith.constant 0 : i32
        %dma_start3A_1275 = tpu.memref_slice %arg6[%add3A_42, %dma_start3A_1274] : memref<6272x128xf32, #tpu.memory_space<hbm>> -> memref<14x128xf32, #tpu.memory_space<hbm>>
        tpu.enqueue_dma source(%arg12 : memref<14x128xf32, #tpu.memory_space<vmem>>) target(%dma_start3A_1275 : memref<14x128xf32, #tpu.memory_space<hbm>>) target_semaphore(%run_scoped3A : memref<!tpu.dma_semaphore, #tpu.memory_space<semaphore_mem>>)
        %dma_wait3A = arith.constant 0 : i32
        %dma_wait3A_1276 = tpu.memref_slice %arg6[%add3A_42, %dma_wait3A] : memref<6272x128xf32, #tpu.memory_space<hbm>> -> memref<14x128xf32, #tpu.memory_space<hbm>>
        %dma_wait3A_1277 = arith.constant 0 : i32
        %dma_wait3A_1278 = tpu.memref_slice %arg6[%add3A_42, %dma_wait3A_1277] : memref<6272x128xf32, #tpu.memory_space<hbm>> -> memref<14x128xf32, #tpu.memory_space<hbm>>
        tpu.wait_dma2 semaphore(%run_scoped3A : memref<!tpu.dma_semaphore, #tpu.memory_space<semaphore_mem>>) src(%arg12 : memref<14x128xf32, #tpu.memory_space<vmem>>) dst(%dma_wait3A_1278 : memref<14x128xf32, #tpu.memory_space<hbm>>)
        tpu.yield
      }) : () -> ()
    }
    %scan3A_36 = arith.constant 28 : i32
    return
  }
}

module attributes {stable_mosaic.version = 14 : i64} {
  func.func @body(%arg0: i32, %arg1: memref<3128x100xf32, #tpu.memory_space<vmem>>, %arg2: memref<3128x16xf32, #tpu.memory_space<vmem>>, %arg3: memref<100x64xf32, #tpu.memory_space<vmem>>, %arg4: memref<3128x40xf32, #tpu.memory_space<vmem>>, %arg5: memref<3128x40xf32, #tpu.memory_space<vmem>>) attributes {dimension_semantics = [#tpu.dimension_semantics<arbitrary>], iteration_bounds = array<i64: 16>, scalar_prefetch = 0 : i64, scratch_operands = 0 : i64, tpu.core_type = #tpu.core_type<tc>, window_params = [{transform_indices = @transform_0, window_bounds = array<i64: 3128, 100>}, {transform_indices = @transform_1, window_bounds = array<i64: 3128, 16>}, {pipeline_mode = #tpu.pipeline_mode<synchronous>, transform_indices = @transform_2, window_bounds = array<i64: 100, 64>}, {transform_indices = @transform_3, window_bounds = array<i64: 3128, 40>}, {transform_indices = @transform_4, window_bounds = array<i64: 3128, 40>}]} {
    %get3A = arith.constant 0 : index
    %get3A_0 = arith.constant 0 : index
    %get3A_1 = vector.load %arg1[%get3A, %get3A_0] : memref<3128x100xf32, #tpu.memory_space<vmem>>, vector<3128x100xf32>
    %get3A_2 = arith.constant 0 : index
    %get3A_3 = arith.constant 0 : index
    %get3A_4 = vector.load %arg3[%get3A_2, %get3A_3] : memref<100x64xf32, #tpu.memory_space<vmem>>, vector<100x64xf32>
    %dot_general3A = arith.constant dense<0.000000e+00> : vector<3128x64xf32>
    %dot_general3A_5 = tpu.matmul %get3A_1, %get3A_4, %dot_general3A {dimension_numbers = #tpu.dot_dimension_numbers<[1], [0], [0], [1], [0, 0, 1, 1], [], []>, transpose_lhs_hint = false} : vector<3128x100xf32>, vector<100x64xf32>, vector<3128x64xf32> -> vector<3128x64xf32>
    %slice3A = vector.extract_strided_slice %dot_general3A_5 {offsets = [0, 0], sizes = [3128, 24], strides = [1, 1]} : vector<3128x64xf32> to vector<3128x24xf32>
    %get3A_6 = arith.constant 0 : index
    %get3A_7 = arith.constant 0 : index
    %get3A_8 = vector.load %arg2[%get3A_6, %get3A_7] : memref<3128x16xf32, #tpu.memory_space<vmem>>, vector<3128x16xf32>
    %concatenate3A = tpu.concatenate %slice3A, %get3A_8 in 1 : vector<3128x24xf32>, vector<3128x16xf32> -> vector<3128x40xf32>
    %swap3A = arith.constant 0 : index
    %swap3A_9 = arith.constant 0 : index
    %swap3A_10 = vector.load %arg4[%swap3A, %swap3A_9] : memref<3128x40xf32, #tpu.memory_space<vmem>>, vector<3128x40xf32>
    tpu.vector_store %arg4[%swap3A, %swap3A_9], %concatenate3A {strides = array<i32>} : memref<3128x40xf32, #tpu.memory_space<vmem>>, vector<3128x40xf32>,
    %slice3A_11 = vector.extract_strided_slice %dot_general3A_5 {offsets = [0, 24], sizes = [3128, 40], strides = [1, 1]} : vector<3128x64xf32> to vector<3128x40xf32>
    %swap3A_12 = arith.constant 0 : index
    %swap3A_13 = arith.constant 0 : index
    %swap3A_14 = vector.load %arg5[%swap3A_12, %swap3A_13] : memref<3128x40xf32, #tpu.memory_space<vmem>>, vector<3128x40xf32>
    tpu.vector_store %arg5[%swap3A_12, %swap3A_13], %slice3A_11 {strides = array<i32>} : memref<3128x40xf32, #tpu.memory_space<vmem>>, vector<3128x40xf32>,
    return
  }
  func.func @transform_0(%arg0: i32) -> (i32, i32) {
    %c0_i32 = arith.constant 0 : i32
    %c0_i32_0 = arith.constant 0 : i32
    return %arg0, %c0_i32 : i32, i32
  }
  func.func @transform_1(%arg0: i32) -> (i32, i32) {
    %c0_i32 = arith.constant 0 : i32
    %c0_i32_0 = arith.constant 0 : i32
    return %arg0, %c0_i32 : i32, i32
  }
  func.func @transform_2(%arg0: i32) -> (i32, i32) {
    %c0_i32 = arith.constant 0 : i32
    %c0_i32_0 = arith.constant 0 : i32
    %c0_i32_1 = arith.constant 0 : i32
    return %c0_i32, %c0_i32_0 : i32, i32
  }
  func.func @transform_3(%arg0: i32) -> (i32, i32) {
    %c0_i32 = arith.constant 0 : i32
    %c0_i32_0 = arith.constant 0 : i32
    return %arg0, %c0_i32 : i32, i32
  }
  func.func @transform_4(%arg0: i32) -> (i32, i32) {
    %c0_i32 = arith.constant 0 : i32
    %c0_i32_0 = arith.constant 0 : i32
    return %arg0, %c0_i32 : i32, i32
  }
}

module attributes {stable_mosaic.version = 14 : i64} {
  func.func @body(%arg0: i32, %arg1: memref<3128x40xf32, #tpu.memory_space<vmem>>, %arg2: memref<3128x40xf32, #tpu.memory_space<vmem>>, %arg3: memref<1x64xf32, #tpu.memory_space<vmem>>, %arg4: memref<16x64xf32, #tpu.memory_space<vmem>>, %arg5: memref<1x64xf32, #tpu.memory_space<vmem>>, %arg6: memref<128x128xf32, #tpu.memory_space<vmem>>, %arg7: memref<3128x8xf32, #tpu.memory_space<vmem>>) attributes {dimension_semantics = [#tpu.dimension_semantics<arbitrary>], iteration_bounds = array<i64: 16>, scalar_prefetch = 0 : i64, scratch_operands = 0 : i64, tpu.core_type = #tpu.core_type<tc>, window_params = [{transform_indices = @transform_0, window_bounds = array<i64: 3128, 40>}, {transform_indices = @transform_1, window_bounds = array<i64: 3128, 40>}, {pipeline_mode = #tpu.pipeline_mode<synchronous>, transform_indices = @transform_2, window_bounds = array<i64: 1, 64>}, {pipeline_mode = #tpu.pipeline_mode<synchronous>, transform_indices = @transform_3, window_bounds = array<i64: 16, 64>}, {pipeline_mode = #tpu.pipeline_mode<synchronous>, transform_indices = @transform_4, window_bounds = array<i64: 1, 64>}, {pipeline_mode = #tpu.pipeline_mode<synchronous>, transform_indices = @transform_5, window_bounds = array<i64: 128, 128>}, {transform_indices = @transform_6, window_bounds = array<i64: 3128, 8>}]} {
    %get3A = arith.constant 0 : index
    %get3A_0 = arith.constant 0 : index
    %get3A_1 = vector.load %arg1[%get3A, %get3A_0] : memref<3128x40xf32, #tpu.memory_space<vmem>>, vector<3128x40xf32>
    %slice3A = vector.extract_strided_slice %get3A_1 {offsets = [0, 0], sizes = [3128, 24], strides = [1, 1]} : vector<3128x40xf32> to vector<3128x24xf32>
    %get3A_2 = arith.constant 0 : index
    %get3A_3 = arith.constant 0 : index
    %get3A_4 = vector.load %arg2[%get3A_2, %get3A_3] : memref<3128x40xf32, #tpu.memory_space<vmem>>, vector<3128x40xf32>
    %concatenate3A = tpu.concatenate %slice3A, %get3A_4 in 1 : vector<3128x24xf32>, vector<3128x40xf32> -> vector<3128x64xf32>
    %get3A_5 = arith.constant 0 : index
    %get3A_6 = arith.constant 0 : index
    %get3A_7 = vector.load %arg3[%get3A_5, %get3A_6] : memref<1x64xf32, #tpu.memory_space<vmem>>, vector<1x64xf32>
    %add3A = vector.broadcast %get3A_7 : vector<1x64xf32> to vector<3128x64xf32>
    %add3A_8 = arith.addf %concatenate3A, %add3A : vector<3128x64xf32>
    %max3A = arith.constant 0.000000e+00 : f32
    %max3A_9 = vector.broadcast %max3A : f32 to vector<3128x64xf32>
    %max3A_10 = arith.maximumf %add3A_8, %max3A_9 : vector<3128x64xf32>
    %slice3A_11 = vector.extract_strided_slice %get3A_1 {offsets = [0, 24], sizes = [3128, 16], strides = [1, 1]} : vector<3128x40xf32> to vector<3128x16xf32>
    %get3A_12 = arith.constant 0 : index
    %get3A_13 = arith.constant 0 : index
    %get3A_14 = vector.load %arg4[%get3A_12, %get3A_13] : memref<16x64xf32, #tpu.memory_space<vmem>>, vector<16x64xf32>
    %dot_general3A = arith.constant dense<0.000000e+00> : vector<3128x64xf32>
    %dot_general3A_15 = tpu.matmul %slice3A_11, %get3A_14, %dot_general3A {dimension_numbers = #tpu.dot_dimension_numbers<[1], [0], [0], [1], [0, 0, 1, 1], [], []>, transpose_lhs_hint = false} : vector<3128x16xf32>, vector<16x64xf32>, vector<3128x64xf32> -> vector<3128x64xf32>
    %get3A_16 = arith.constant 0 : index
    %get3A_17 = arith.constant 0 : index
    %get3A_18 = vector.load %arg5[%get3A_16, %get3A_17] : memref<1x64xf32, #tpu.memory_space<vmem>>, vector<1x64xf32>
    %add3A_19 = vector.broadcast %get3A_18 : vector<1x64xf32> to vector<3128x64xf32>
    %add3A_20 = arith.addf %dot_general3A_15, %add3A_19 : vector<3128x64xf32>
    %max3A_21 = arith.constant 0.000000e+00 : f32
    %max3A_22 = vector.broadcast %max3A_21 : f32 to vector<3128x64xf32>
    %max3A_23 = arith.maximumf %add3A_20, %max3A_22 : vector<3128x64xf32>
    %concatenate3A_24 = tpu.concatenate %max3A_10, %max3A_23 in 1 : vector<3128x64xf32>, vector<3128x64xf32> -> vector<3128x128xf32>
    %get3A_25 = arith.constant 0 : index
    %get3A_26 = arith.constant 0 : index
    %get3A_27 = vector.load %arg6[%get3A_25, %get3A_26] : memref<128x128xf32, #tpu.memory_space<vmem>>, vector<128x128xf32>
    %reduce_sum3A = arith.constant dense<0.000000e+00> : vector<128xf32>
    %reduce_sum3A_28 = vector.multi_reduction <add>, %get3A_27, %reduce_sum3A [1] : vector<128x128xf32> to vector<128xf32>
    %dot_general3A_29 = arith.constant dense<0.000000e+00> : vector<3128xf32>
    %dot_general3A_30 = tpu.matmul %concatenate3A_24, %reduce_sum3A_28, %dot_general3A_29 {dimension_numbers = #tpu.dot_dimension_numbers<[1], [0], [0], [], [0, 0], [], []>, transpose_lhs_hint = false} : vector<3128x128xf32>, vector<128xf32>, vector<3128xf32> -> vector<3128xf32>
    %broadcast_in_dim3A = vector.shape_cast %dot_general3A_30 : vector<3128xf32> to vector<3128x1xf32>
    %broadcast_in_dim3A_31 = vector.shape_cast %broadcast_in_dim3A : vector<3128x1xf32> to vector<3128x1xf32>
    %broadcast_in_dim3A_32 = vector.broadcast %broadcast_in_dim3A_31 : vector<3128x1xf32> to vector<3128x8xf32>
    %swap3A = arith.constant 0 : index
    %swap3A_33 = arith.constant 0 : index
    %swap3A_34 = vector.load %arg7[%swap3A, %swap3A_33] : memref<3128x8xf32, #tpu.memory_space<vmem>>, vector<3128x8xf32>
    tpu.vector_store %arg7[%swap3A, %swap3A_33], %broadcast_in_dim3A_32 {strides = array<i32>} : memref<3128x8xf32, #tpu.memory_space<vmem>>, vector<3128x8xf32>,
    return
  }
  func.func @transform_0(%arg0: i32) -> (i32, i32) {
    %c0_i32 = arith.constant 0 : i32
    %c0_i32_0 = arith.constant 0 : i32
    return %arg0, %c0_i32 : i32, i32
  }
  func.func @transform_1(%arg0: i32) -> (i32, i32) {
    %c0_i32 = arith.constant 0 : i32
    %c0_i32_0 = arith.constant 0 : i32
    return %arg0, %c0_i32 : i32, i32
  }
  func.func @transform_2(%arg0: i32) -> (i32, i32) {
    %c0_i32 = arith.constant 0 : i32
    %c0_i32_0 = arith.constant 0 : i32
    %c0_i32_1 = arith.constant 0 : i32
    return %c0_i32, %c0_i32_0 : i32, i32
  }
  func.func @transform_3(%arg0: i32) -> (i32, i32) {
    %c0_i32 = arith.constant 0 : i32
    %c0_i32_0 = arith.constant 0 : i32
    %c0_i32_1 = arith.constant 0 : i32
    return %c0_i32, %c0_i32_0 : i32, i32
  }
  func.func @transform_4(%arg0: i32) -> (i32, i32) {
    %c0_i32 = arith.constant 0 : i32
    %c0_i32_0 = arith.constant 0 : i32
    %c0_i32_1 = arith.constant 0 : i32
    return %c0_i32, %c0_i32_0 : i32, i32
  }
  func.func @transform_5(%arg0: i32) -> (i32, i32) {
    %c0_i32 = arith.constant 0 : i32
    %c0_i32_0 = arith.constant 0 : i32
    %c0_i32_1 = arith.constant 0 : i32
    return %c0_i32, %c0_i32_0 : i32, i32
  }
  func.func @transform_6(%arg0: i32) -> (i32, i32) {
    %c0_i32 = arith.constant 0 : i32
    %c0_i32_0 = arith.constant 0 : i32
    return %arg0, %c0_i32 : i32, i32
  }
}

</mosaic_0001>

<sc_bundles>
// kernel: kernel.6.cloned.1.call-start
scs
__scs_entry_jumppad:
0x0: {  	(pc) =	sbr.rel $0x88, $3  }
0x1: {  	(tag) =	ssettag $0x0;
	lr =	simm.s32 $0x1  }
0x2: {  	[smem:$0x3F98] =	sst lr;
	_ =	strace $0xD0000000  }
0x3: {  	_ = 	snop  }
0x4: {  	_ = 	snop  }
0x5: {  	_ = 	snop  }
0x6: {  	_ = 	snop  }
0x7: {  	_ = 	snop  }
__scs_overlays_trampoline_lowered:
0x8: {  	[smem:$0x3FA7] =	sst s0  }
0x9: {  	[smem:$0x3FA8] =	sst s1  }
0xa: {  	[smem:$0x3FA9] =	sst s2  }
0xb: {  	[smem:$0x3FAA] =	sst s3  }
0xc: {  	[smem:$0x3FAB] =	sst s4  }
0xd: {  	[smem:$0x3FAC] =	sst s5  }
0xe: {  	[smem:$0x3FAD] =	sst s6  }
0xf: {  	[smem:$0x3FAE] =	sst s7  }
0x10: {  	[smem:$0x3FAF] =	sst s8  }
0x11: {  	[smem:$0x3FB0] =	sst s9;
	s0 =	simm.s32 @!p0 $0x0  }
0x12: {  	s1 =	sld [smem:$0x3F96];
	s0 =	simm.s32 @p0 $0x1  }
0x13: {  	[smem:$0x3FB1] =	sst s0;
	s0 =	simm.s32 @!p1 $0x0  }
0x14: {  	s2 =	sld [smem:$0x3F95];
	s0 =	simm.s32 @p1 $0x1  }
0x15: {  	[smem:$0x3FB2] =	sst s0;
	s0 =	simm.s32 @!p2 $0x0  }
0x16: {  	s3 =	sld [smem:$0x3FDB];
	s0 =	simm.s32 @p2 $0x1  }
0x17: {  	s4 =	simm.s32 $0x1BF5;
	[smem:$0x3FB4] =	sst s0  }
0x18: {  	s0 =	sld [smem:$0x3F97];
	_ =	swait.ge [sflag:s4], $0x0  }
0x19: {  	s7 =	sld [smem:$0x3F98]  }
0x1a: {  	s8 =	sadd.s32 $0xFFFFE003, lr  }
0x1b: {  	s9 =	sadd.s32 $0xFFFFFEF7, lr;
	s5 =	simm.s32 $0xFFFFFFFF;
	p2 =	slt.u32 s8, $0xFFFFF086  }
0x1c: {  	p1 =	slt.u32 s9, $0xF7A;
	s5 =	simm.s32 @!p2 $0x0  }
0x1d: {  	s5 =	simm.s32 @p1 $0x1;
	p0 =	seq.s32 s7, s2  }
0x1e: {  	s7 =	smul.u32 @!p0 $0xF7A, s2;
	p2 =	seq.s32 @!p0 s5, $0x0  }
0x1f: {  	s9 =	smul.u32 $0xF7A, s1;
	s8 =	simm.s32 @!p0 $0x1BF5;
	p2 =	por !p2, p0  }
0x20: {  	[sflag:s8] =	ssyncset.s32 @!p0 $0xFFFFF086;
	s6 =	sadd.s32 @!p0 s3, s7;
	s7 =	simm.s32 @!p0 $0x108  }
0x21: {  	s3 =	sadd.s32 s3, s9;
	s6 =	sadd.s32 @!p0 $0x88, s6;
	s7 =	simm.s32 @p2 $0x1082  }
0x22: {  	[simem:s7], [sflag:s8] =	dma.local @!p0 [hbm:s6], $0xF7A  }
0x23: {  	s9 =	sor.u32 $0xD0000000, s2;
	s6 =	simm.s32 $0x108;
	_ =	swait.ge @!p0 [sflag:s8], $0x0  }
0x24: {  	s3 =	sadd.s32 $0x88, s3;
	s6 =	simm.s32 @!p1 $0x1082;
	[sflag:s4] =	ssyncset.s32 $0xFFFFF086  }
0x25: {  	[simem:s6], [sflag:s4] =	dma.local [hbm:s3], $0xF7A  }
0x26: {  	[smem:$0x3F98] =	sst s1;
	(tag) =	ssettag s2;
	_ =	strace s9  }
0x27: {  	s1 =	sld [smem:$0x3FA8]  }
0x28: {  	s2 =	sld [smem:$0x3FA9]  }
0x29: {  	s4 =	sld [smem:$0x3FAB]  }
0x2a: {  	p0 =	seq.s32 s5, $0x0;
	s5 =	sld [smem:$0x3FAC]  }
0x2b: {  	s6 =	sld [smem:$0x3FAD]  }
0x2c: {  	s7 =	sld [smem:$0x3FAE]  }
0x2d: {  	s3 =	simm.s32 $0x108;
	s8 =	sld [smem:$0x3FAF]  }
0x2e: {  	s3 =	simm.s32 @!p0 $0x1082;
	s9 =	sld [smem:$0x3FB0]  }
0x2f: {  	lr =	sadd.s32 s0, s3;
	s0 =	sld [smem:$0x3FA7]  }
0x30: {  	s3 =	sld [smem:$0x3FAA]  }
0x31: {  	[smem:$0x3FB3] =	sst s10  }
0x32: {  	s10 =	sld [smem:$0x3FB1];
	_ =	sdelay $0x3  }
0x33: {  	p0 =	seq.s32 s10, $0x1;
	s10 =	sld [smem:$0x3FB3];
	_ =	sdelay $0x3  }
0x34: {  	[smem:$0x3FB3] =	sst s10  }
0x35: {  	s10 =	sld [smem:$0x3FB2];
	_ =	sdelay $0x3  }
0x36: {  	p1 =	seq.s32 s10, $0x1;
	s10 =	sld [smem:$0x3FB3];
	_ =	sdelay $0x3  }
0x37: {  	[smem:$0x3FB3] =	sst s10  }
0x38: {  	s10 =	sld [smem:$0x3FB4]  }
0x39: {  	_ = 	snop;
	(pc) =	sbr.ind lr, $3  }
0x3a: {  	_ = 	snop  }
0x3b: {  	_ = 	snop  }
0x3c: {  	p2 =	seq.s32 s10, $0x1;
	s10 =	sld [smem:$0x3FB3]  }
0x3d: {  	_ =	shalt  }
0x3e: {  	_ =	shalt  }
0x3f: {  	_ =	shalt  }
0x40: {  	_ =	shalt  }
0x41: {  	_ =	shalt  }
0x42: {  	_ =	shalt  }
0x43: {  	_ =	shalt  }
0x44: {  	_ =	shalt  }
0x45: {  	_ =	shalt  }
0x46: {  	_ =	shalt  }
0x47: {  	_ =	shalt  }
0x48: {  	_ =	shalt  }
0x49: {  	_ =	shalt  }
0x4a: {  	_ =	shalt  }
0x4b: {  	_ =	shalt  }
0x4c: {  	_ =	shalt  }
0x4d: {  	_ =	shalt  }
0x4e: {  	_ =	shalt  }
0x4f: {  	_ =	shalt  }
0x50: {  	_ =	shalt  }
0x51: {  	_ =	shalt  }
0x52: {  	_ =	shalt  }
0x53: {  	_ =	shalt  }
0x54: {  	_ =	shalt  }
0x55: {  	_ =	shalt  }
0x56: {  	_ =	shalt  }
0x57: {  	_ =	shalt  }
0x58: {  	_ =	shalt  }
0x59: {  	_ =	shalt  }
0x5a: {  	_ =	shalt  }
0x5b: {  	_ =	shalt  }
0x5c: {  	_ =	shalt  }
0x5d: {  	_ =	shalt  }
0x5e: {  	_ =	shalt  }
0x5f: {  	_ =	shalt  }
0x60: {  	_ =	shalt  }
0x61: {  	_ =	shalt  }
0x62: {  	_ =	shalt  }
0x63: {  	_ =	shalt  }
0x64: {  	_ =	shalt  }
0x65: {  	_ =	shalt  }
0x66: {  	_ =	shalt  }
0x67: {  	_ =	shalt  }
0x68: {  	_ =	shalt  }
0x69: {  	_ =	shalt  }
0x6a: {  	_ =	shalt  }
0x6b: {  	_ =	shalt  }
0x6c: {  	_ =	shalt  }
0x6d: {  	_ =	shalt  }
0x6e: {  	_ =	shalt  }
0x6f: {  	_ =	shalt  }
0x70: {  	_ =	shalt  }
0x71: {  	_ =	shalt  }
0x72: {  	_ =	shalt  }
0x73: {  	_ =	shalt  }
0x74: {  	_ =	shalt  }
0x75: {  	_ =	shalt  }
0x76: {  	_ =	shalt  }
0x77: {  	_ =	shalt  }
0x78: {  	_ =	shalt  }
0x79: {  	_ =	shalt  }
0x7a: {  	_ =	shalt  }
0x7b: {  	_ =	shalt  }
0x7c: {  	_ =	shalt  }
0x7d: {  	_ =	shalt  }
0x7e: {  	_ =	shalt  }
0x7f: {  	_ =	shalt  }
0x80: {  	_ =	shalt  }
0x81: {  	_ =	shalt  }
0x82: {  	_ =	shalt  }
0x83: {  	_ =	shalt  }
0x84: {  	_ =	shalt  }
0x85: {  	_ =	shalt  }
0x86: {  	_ =	shalt  }
0x87: {  	_ =	shalt  }
.Lfunc_end0:
.L_simem_size_0:
called_computation_lowered:
.L_overlay_start_0:
0x88: {  	s2 =	sld [smem:$0x3FD9]  }
0x89: {  	s3 =	sld [smem:$0x3FFE];
	_ =	sdelay $0x1  }
0x8a: {  	s1 =	srdreg.scid  }
0x8b: {  	s0 =	sand.u32 $0x1, s1  }
0x8c: {  	s16 =	sshll.u32 s0, $0xA;
	s2 =	sadd.s32 s3, s2  }
0x8d: {  	s2 =	sadd.s32 s2, s16  }
0x8e: {  	[smem:$0x3FBF] =	sst s2  }
0x8f: {  	_ = 	snop  }
0x90: {  	(tm) =	ssettm $0x1  }
0x91: {  	s17 =	sld [smem:$0x3FFB];
	_ =	sdelay $0x3  }
0x92: {  	_ =	strace s17  }
0x93: {  	s2 =	sld [smem:$0x3FFC];
	_ =	sdelay $0x3  }
0x94: {  	_ =	strace s2  }
0x95: {  	s2 =	sld [smem:$0x3FFD];
	_ =	sdelay $0x3  }
0x96: {  	_ =	strace s2  }
0x97: {  	_ =	strace $0x8FFFFFFF  }
0x98: {  	s18 =	sld [smem:$0x3FDB];
	_ =	sdelay $0x1  }
0x99: {  	s19 =	simm.s32 $_scs_section_size  }
0x9a: {  	s4 =	simm.s32 $_size__tile_overlayer_lowered;
	s5 =	simm.s32 $_tile_overlayer_lowered  }
0x9b: {  	s22 =	simm.s32 $0x1BFF;
	s21 =	sshll.u32 s5, $0x1;
	s2 =	sadd.s32 s19, s18  }
0x9c: {  	s6 =	simm.s32 $0x0;
	s20 =	sshll.u32 s4, $0x1;
	s4 =	sadd.s32 s21, s2  }
0x9d: {  	[timem:s6], [sflag:s22] =	dma.local [hbm:s4], s20  }
0x9e: {  	_ =	swait.ge [sflag:s22], s20  }
0x9f: {  	s3 =	ssub.s32 $0x0, s20;
	[sflag:s22] =	ssyncset.done $0x0  }
0xa0: {  	[sflag:s22] =	ssyncadd.s32 s3;
	_ =	sdelay $0x1  }
0xa1: {  	s23 =	simm.s32 $0x1B8B  }
0xa2: {  	_ =	swait.ge [sflag:s23], $0x1  }
0xa3: {  	[sflag:s23] =	ssyncset.done $0x0  }
0xa4: {  	s25 =	simm.s32 $0x1B8E;
	s24 =	sld [smem:$0x3FFE];
	[sflag:s23] =	ssyncadd.s32 $0xFFFFFFFF  }
0xa5: {  	s26 =	simm.s32 $execute0_lowered;
	[smem:$0x3FD2] =	sst s25  }
0xa6: {  	s4 =	sshll.u32 s26, $0x1;
	_ =	strace $0x80000046;
	[dreg:$0x1] =	wrdreg $0xFFFFFFFF  }
0xa7: {  	s28 =	simm.s32 $_size_execute0_lowered;
	s2 =	sadd.s32 s2, s4;
	[dreg:$0x0] =	wrdreg $0x0  }
0xa8: {  	s4 =	sshll.u32 s28, $0x1;
	[dreg:$0x2] =	wrdreg s2  }
0xa9: {  	[dreg:$0x3] =	wrdreg s4  }
0xaa: {  	[dreg:$0x4] =	wrdreg $0xC0  }
0xab: {  	_ =	task [dreg:s6], $0x5FFFF  }
0xac: {  	[dreg:$0x1] =	wrdreg $0xFFFFFFFF  }
0xad: {  	[dreg:$0x0] =	wrdreg $0x60  }
0xae: {  	[dreg:$0x2] =	wrdreg s24  }
0xaf: {  	[dreg:$0x3] =	wrdreg $0x0  }
0xb0: {  	[dreg:$0x4] =	wrdreg $0x9  }
0xb1: {  	_ =	task.clear_ibuf [dreg:s6], $0x5FFFF;
	_ =	strace $0x90000046  }
0xb2: {  	s29 =	simm.s32 $0x9;
	_ =	strace $0x80000048  }
0xb3: {  	_ =	swait.ge [sflag:s29], $0x1  }
0xb4: {  	[sflag:s29] =	ssyncadd.s32 $0xFFFFFFFF  }
0xb5: {  	_ =	strace $0x90000048  }
0xb6: {  	_ =	sfence  }
0xb7: {  	s30 =	sld [smem:$0x0];
	_ =	sdelay $0x2  }
0xb8: {  	s31 =	sshll.u32 s1, $0xD;
	s1 =	sshrl.u32 s1, $0x2  }
0xb9: {  	s3 =	sand.u32 $0x4000, s31;
	s1 =	sadd.s32 s1, s30  }
0xba: {  	s0 =	sor.u32 s3, s0;
	s1 =	sshll.u32 s1, $0x11  }
0xbb: {  	s0 =	sor.u32 s1, s0  }
0xbc: {  	s0 =	sadd.s32 $0x8F2B, s0  }
0xbd: {  	[sflag:s0] =	ssyncadd.remote.s32 $0x1  }
0xbe: {  	_ =	sfence.sel $0xFFFF  }
0xbf: {  	[dreg:$0x0] =	wrdreg $0xFFFFFFFF;
	(pc) =	sbr.abs _section_cstart, $3  }
0xc0: {  	[dreg:$0x1] =	wrdreg $0xFFFFFFFF  }
0xc1: {  	_ =	task.clear_ibuf [dreg:s6], $0x2FFFF;
	_ =	strace $0x9FFFFFFF  }
0xc2: {  	(tm) =	ssettm $0x7FFFFFFF  }
0xc3: {  	_ =	shalt  }
tec
execute0_lowered:
.L_overlay_start_1:
0x0: {  	(tag) =	ssettag $0x1  }
0x1: {  	s0 =	rddreg [dreg:$0x0]  }
0x2: {  	s2 =	rddreg [dreg:$0x1]  }
0x3: {  	s3 =	simm.s32 $0x0;
	s10 =	stileid.u32;
	s6 =	srdreg.scid  }
0x4: {  	s17 =	simm.s32 $0x3;
	s18 =	simm.s32 $0x1E8C0;
	s19 =	simm.s32 $0x1E9C0  }
0x5: {  	s20 =	simm.s32 $0x40;
	s21 =	simm.s32 $0x1EAC0;
	s28 =	simm.s32 $0x1E940  }
0x6: {  	s29 =	simm.s32 $0x1EA40;
	s30 =	simm.s32 $0x1E980;
	s31 =	simm.s32 $0x1EA80  }
0x7: {  	[smem:$0x7FF] =	sst s3;
	s1 =	smul.u32 $0x1880, s10;
	s4 =	sadd.s32 $0x1800, s0  }
0x8: {  	s5 =	sadd.s32 $0x3EA00, s0;
	s6 =	sand.u32 $0x1, s6;
	s9 =	smul.u32 $0x1E8C0, s10  }
0x9: {  	s8 =	sadd.s32 $0xACC00, s0;
	s26 =	sshll.u32 s10, $0x6;
	_ =	strace $0x80000047  }
0xa: {  	s7 =	ssub.s32 $0x2, s6;
	[dreg:$0x3] =	wrdreg s8;
	p0 =	seq.s32 s6, $0x1  }
0xb: {  	[dreg:$0x7] =	wrdreg s26;
	s1 =	sadd.s32 s1, s0;
	s0 =	sadd.s32 $0xE9E00, s0  }
0xc: {  	s22 =	sshrl.u32 s7, $0x1;
	s8 =	sshrl.u32 s9, $0x3;
	s23 =	sadd.s32 s9, s2  }
0xd: {  	[dreg:$0x4] =	wrdreg s0;
	s0 =	ssub.s32 s7, s22;
	s24 =	sadd.s32 s4, s8  }
.Ltmp0:
0xe: {  	s25 =	sadd.s32 s5, s8;
	s12 =	sadd.s32 $0x94400, s1;
	(pc) =	sbr.rel .LBB2_1-.Ltmp0, $4  }
0xf: {  	s14 =	sadd.s32 $0x7BC00, s1;
	s1 =	sor.u32 $0x1C03, s26;
	s16 =	sshrl.u32 s23, $0x3  }
0x10: {  	s22 =	simm.s32 $0x1;
	s23 =	simm.s32 $0x1E900;
	[dreg:$0x5] =	wrdreg s24  }
0x11: {  	s26 =	simm.s32 $0x2;
	[dreg:$0x6] =	wrdreg s25;
	s11 =	smax.u32 s0, $0x1  }
0x12: {  	s24 =	simm.s32 $0x1F4C0;
	s25 =	simm.s32 $0x1EA00;
	s0 =	simm.s32 $0x0  }
.LBB2_7:
0x13: {  	s7 =	sadd.s32 s6, s14;
	[sflag:s26] =	ssyncadd.s32 $0xFFFFF600  }
0x14: {  	[tilespmem:s18], [sflag:$0x3] =	stream.linear.gather [hbm4b:s7+s3], $0x100, $0x38;
	[tilespmem:$0x1FEC0] =	vst v63  }
0x15: {  	_ =	swait.ge [sflag:s17], $0x100  }
0x16: {  	[sflag:s17] =	ssyncset.done $0x0  }
0x17: {  	s15 =	sadd.s32 s6, s12;
	[sflag:s17] =	ssyncadd.s32 $0xFFFFFF00  }
0x18: {  	[tilespmem:s19], [sflag:$0x3] =	stream.linear.gather [hbm4b:s15+s3], $0x100, $0x38;
	[tilespmem:$0x1FEC0] =	vst v63  }
0x19: {  	_ =	swait.ge [sflag:s17], $0x100  }
0x1a: {  	[sflag:s17] =	ssyncset.done $0x0  }
0x1b: {  	[sflag:s17] =	ssyncadd.s32 $0xFFFFFF00  }
0x1c: {  	[tilespmem:s21], [sflag:$0x1] =	stream.indirect.gather [hbm4b:s5+s20], $0x28, s18, s20, $0xb8;
	[tilespmem:$0x1FEC0] =	vst v63  }
0x1d: {  	_ =	swait.ge [sflag:s22], $0xA00  }
0x1e: {  	[sflag:s22] =	ssyncset.done $0x0  }
0x1f: {  	[sflag:s22] =	ssyncadd.s32 $0xFFFFF600  }
0x20: {  	[spmem:s2] =	stream.indirect.scatter.add.f32 [tilespmem:s21], [sflag:$0x2], $0x28, s19, s20, $0xb8;
	[tilespmem:$0x1FEC0] =	vst v63  }
0x21: {  	_ = 	snop  }
0x22: {  	[tilespmem:s24], [sflag:$0x1] =	stream.indirect.gather [hbm4b:s5+s20], $0x28, s23, s20, $0xb8;
	[tilespmem:$0x1FEC0] =	vst v63  }
0x23: {  	_ =	swait.ge [sflag:s22], $0xA00  }
0x24: {  	[sflag:s22] =	ssyncset.done $0x0  }
0x25: {  	[sflag:s22] =	ssyncadd.s32 $0xFFFFF600  }
0x26: {  	[spmem:s2] =	stream.indirect.scatter.add.f32 [tilespmem:s24], [sflag:$0x2], $0x28, s25, s20, $0xb8;
	[tilespmem:$0x1FEC0] =	vst v63  }
0x27: {  	_ =	swait.ge [sflag:s26], $0xA00  }
0x28: {  	[sflag:s26] =	ssyncset.done $0x0  }
0x29: {  	[sflag:s26] =	ssyncadd.s32 $0xFFFFF600  }
0x2a: {  	[tilespmem:s21], [sflag:$0x1] =	stream.indirect.gather [hbm4b:s5+s20], $0x28, s28, s20, $0xb8;
	[tilespmem:$0x1FEC0] =	vst v63  }
0x2b: {  	_ =	swait.ge [sflag:s22], $0xA00  }
0x2c: {  	[sflag:s22] =	ssyncset.done $0x0  }
0x2d: {  	[sflag:s22] =	ssyncadd.s32 $0xFFFFF600  }
0x2e: {  	[spmem:s2] =	stream.indirect.scatter.add.f32 [tilespmem:s21], [sflag:$0x2], $0x28, s29, s20, $0xb8;
	[tilespmem:$0x1FEC0] =	vst v63  }
0x2f: {  	_ =	swait.ge [sflag:s26], $0xA00  }
0x30: {  	[sflag:s26] =	ssyncset.done $0x0  }
0x31: {  	[sflag:s26] =	ssyncadd.s32 $0xFFFFF600  }
0x32: {  	[tilespmem:s24], [sflag:$0x1] =	stream.indirect.gather [hbm4b:s5+s20], $0x28, s30, s20, $0xb8;
	[tilespmem:$0x1FEC0] =	vst v63  }
0x33: {  	_ =	swait.ge [sflag:s22], $0xA00  }
0x34: {  	[sflag:s22] =	ssyncset.done $0x0  }
0x35: {  	[sflag:s22] =	ssyncadd.s32 $0xFFFFF600  }
0x36: {  	[spmem:s2] =	stream.indirect.scatter.add.f32 [tilespmem:s24], [sflag:$0x2], $0x28, s31, s20, $0xb8;
	[tilespmem:$0x1FEC0] =	vst v63  }
0x37: {  	_ =	swait.ge [sflag:s26], $0xA00  }
0x38: {  	[sflag:s26] =	ssyncset.done $0x0  }
0x39: {  	[sflag:s26] =	ssyncadd.s32 $0xFFFFF600  }
0x3a: {  	_ =	swait.ge [sflag:s26], $0xA00  }
0x3b: {  	[sflag:s26] =	ssyncset.done $0x0  }
0x3c: {  	s15 =	smov.u32 s1;
	s6 =	rddreg [dreg:$0x4];
	[sflag:s26] =	ssyncadd.s32 $0xFFFFF600  }
.LBB2_8:
0x3d: {  	s0 =	sadd.s32 $0x1, s0  }
0x3e: {  	p1 =	sne.s32 s0, s11  }
.Ltmp1:
0x3f: {  	s6 =	sadd.s32 s6, s8;
	[bflag:$0x0] =	sbarrier.arrive $0xFFFF;
	(pc) =	sbr.rel @!p1 .LBB2_9-.Ltmp1, $4  }
0x40: {  	[hbm:s6], [sflag:s15] =	dma.local [spmem:s16], $0x3D18  }
0x41: {  	_ =	swait.ge [sflag:s17], $0x3D18  }
0x42: {  	[sflag:s17] =	ssyncset.done $0x0  }
0x43: {  	[sflag:s17] =	ssyncadd.s32 $0xFFFFC2E8  }
.LBB2_1:
.Ltmp2:
0x44: {  	(pc) =	sbr.rel @!p0 .LBB2_2-.Ltmp2, $1  }
0x45: {  	_ =	sdelay $0x3  }
0x46: {  	s6 =	rddreg [dreg:$0x6]  }
0x47: {  	[spmem:s16], [sflag:s1] =	dma.local [hbm:s6], $0x3D18  }
0x48: {  	_ =	swait.ge [sflag:s17], $0x3D18  }
0x49: {  	[sflag:s17] =	ssyncset.done $0x0  }
0x4a: {  	[sflag:s17] =	ssyncadd.s32 $0xFFFFC2E8  }
0x4b: {  	s13 =	sadd.s32 $0x0, s14;
	[bflag:$0x0] =	sbarrier.arrive $0xFFFF  }
0x4c: {  	[tilespmem:s18], [sflag:$0x3] =	stream.linear.gather [hbm4b:s13+s3], $0x100, $0x38;
	[tilespmem:$0x1FEC0] =	vst v63  }
0x4d: {  	_ =	swait.ge [sflag:s17], $0x100  }
0x4e: {  	[sflag:s17] =	ssyncset.done $0x0  }
0x4f: {  	s15 =	sadd.s32 $0x0, s12;
	[sflag:s17] =	ssyncadd.s32 $0xFFFFFF00  }
0x50: {  	[tilespmem:s19], [sflag:$0x3] =	stream.linear.gather [hbm4b:s15+s3], $0x100, $0x38;
	[tilespmem:$0x1FEC0] =	vst v63  }
0x51: {  	_ =	swait.ge [sflag:s17], $0x100  }
0x52: {  	[sflag:s17] =	ssyncset.done $0x0  }
0x53: {  	[sflag:s17] =	ssyncadd.s32 $0xFFFFFF00  }
0x54: {  	[tilespmem:s21], [sflag:$0x1] =	stream.indirect.gather [hbm4b:s5+s20], $0x28, s18, s20, $0xb8;
	[tilespmem:$0x1FEC0] =	vst v63  }
0x55: {  	_ =	swait.ge [sflag:s22], $0xA00  }
0x56: {  	[sflag:s22] =	ssyncset.done $0x0  }
0x57: {  	[sflag:s22] =	ssyncadd.s32 $0xFFFFF600  }
0x58: {  	[spmem:s2] =	stream.indirect.scatter.add.f32 [tilespmem:s21], [sflag:$0x2], $0x28, s19, s20, $0xb8;
	[tilespmem:$0x1FEC0] =	vst v63  }
0x59: {  	_ = 	snop  }
0x5a: {  	[tilespmem:s24], [sflag:$0x1] =	stream.indirect.gather [hbm4b:s5+s20], $0x28, s23, s20, $0xb8;
	[tilespmem:$0x1FEC0] =	vst v63  }
0x5b: {  	_ =	swait.ge [sflag:s22], $0xA00  }
0x5c: {  	[sflag:s22] =	ssyncset.done $0x0  }
0x5d: {  	[sflag:s22] =	ssyncadd.s32 $0xFFFFF600  }
0x5e: {  	[spmem:s2] =	stream.indirect.scatter.add.f32 [tilespmem:s24], [sflag:$0x2], $0x28, s25, s20, $0xb8;
	[tilespmem:$0x1FEC0] =	vst v63  }
0x5f: {  	_ =	swait.ge [sflag:s26], $0xA00  }
0x60: {  	[sflag:s26] =	ssyncset.done $0x0  }
0x61: {  	[sflag:s26] =	ssyncadd.s32 $0xFFFFF600  }
0x62: {  	[tilespmem:s21], [sflag:$0x1] =	stream.indirect.gather [hbm4b:s5+s20], $0x28, s28, s20, $0xb8;
	[tilespmem:$0x1FEC0] =	vst v63  }
0x63: {  	_ =	swait.ge [sflag:s22], $0xA00  }
0x64: {  	[sflag:s22] =	ssyncset.done $0x0  }
0x65: {  	[sflag:s22] =	ssyncadd.s32 $0xFFFFF600  }
0x66: {  	[spmem:s2] =	stream.indirect.scatter.add.f32 [tilespmem:s21], [sflag:$0x2], $0x28, s29, s20, $0xb8;
	[tilespmem:$0x1FEC0] =	vst v63  }
0x67: {  	_ =	swait.ge [sflag:s26], $0xA00  }
0x68: {  	[sflag:s26] =	ssyncset.done $0x0  }
0x69: {  	[sflag:s26] =	ssyncadd.s32 $0xFFFFF600  }
0x6a: {  	[tilespmem:s24], [sflag:$0x1] =	stream.indirect.gather [hbm4b:s5+s20], $0x28, s30, s20, $0xb8;
	[tilespmem:$0x1FEC0] =	vst v63  }
0x6b: {  	_ =	swait.ge [sflag:s22], $0xA00  }
0x6c: {  	[sflag:s22] =	ssyncset.done $0x0  }
0x6d: {  	[sflag:s22] =	ssyncadd.s32 $0xFFFFF600  }
0x6e: {  	[spmem:s2] =	stream.indirect.scatter.add.f32 [tilespmem:s24], [sflag:$0x2], $0x28, s31, s20, $0xb8;
	[tilespmem:$0x1FEC0] =	vst v63  }
0x6f: {  	_ =	swait.ge [sflag:s26], $0xA00  }
0x70: {  	[sflag:s26] =	ssyncset.done $0x0  }
0x71: {  	[sflag:s26] =	ssyncadd.s32 $0xFFFFF600  }
0x72: {  	_ =	swait.ge [sflag:s26], $0xA00  }
0x73: {  	s9 =	simm.s32 $0x40;
	s6 =	simm.s32 $0x20;
	[sflag:s26] =	ssyncset.done $0x0  }
.LBB2_6:
0x74: {  	s10 =	sadd.s32 s6, s14  }
0x75: {  	[sflag:s26] =	ssyncadd.s32 $0xFFFFF600;
	s13 =	smov.u32 s9;
	s7 =	sadd.s32 $0x20, s9  }
0x76: {  	[tilespmem:s18], [sflag:$0x3] =	stream.linear.gather [hbm4b:s10+s3], $0x100, $0x38;
	[tilespmem:$0x1FEC0] =	vst v63  }
0x77: {  	p1 =	sne.s32 s9, $0x1860;
	_ =	swait.ge [sflag:s17], $0x100  }
0x78: {  	[sflag:s17] =	ssyncset.done $0x0  }
0x79: {  	s9 =	sadd.s32 s6, s12;
	s6 =	smov.u32 s13;
	[sflag:s17] =	ssyncadd.s32 $0xFFFFFF00  }
0x7a: {  	[tilespmem:s19], [sflag:$0x3] =	stream.linear.gather [hbm4b:s9+s3], $0x100, $0x38;
	[tilespmem:$0x1FEC0] =	vst v63  }
0x7b: {  	_ =	swait.ge [sflag:s17], $0x100  }
0x7c: {  	[sflag:s17] =	ssyncset.done $0x0  }
0x7d: {  	[sflag:s17] =	ssyncadd.s32 $0xFFFFFF00  }
0x7e: {  	[tilespmem:s21], [sflag:$0x1] =	stream.indirect.gather [hbm4b:s5+s20], $0x28, s18, s20, $0xb8;
	[tilespmem:$0x1FEC0] =	vst v63  }
0x7f: {  	_ =	swait.ge [sflag:s22], $0xA00  }
0x80: {  	[sflag:s22] =	ssyncset.done $0x0  }
0x81: {  	[sflag:s22] =	ssyncadd.s32 $0xFFFFF600  }
0x82: {  	[spmem:s2] =	stream.indirect.scatter.add.f32 [tilespmem:s21], [sflag:$0x2], $0x28, s19, s20, $0xb8;
	[tilespmem:$0x1FEC0] =	vst v63  }
0x83: {  	_ = 	snop  }
0x84: {  	[tilespmem:s24], [sflag:$0x1] =	stream.indirect.gather [hbm4b:s5+s20], $0x28, s23, s20, $0xb8;
	[tilespmem:$0x1FEC0] =	vst v63  }
0x85: {  	_ =	swait.ge [sflag:s22], $0xA00  }
0x86: {  	[sflag:s22] =	ssyncset.done $0x0  }
0x87: {  	[sflag:s22] =	ssyncadd.s32 $0xFFFFF600  }
0x88: {  	[spmem:s2] =	stream.indirect.scatter.add.f32 [tilespmem:s24], [sflag:$0x2], $0x28, s25, s20, $0xb8;
	[tilespmem:$0x1FEC0] =	vst v63  }
0x89: {  	_ =	swait.ge [sflag:s26], $0xA00  }
0x8a: {  	[sflag:s26] =	ssyncset.done $0x0  }
0x8b: {  	[sflag:s26] =	ssyncadd.s32 $0xFFFFF600  }
0x8c: {  	[tilespmem:s21], [sflag:$0x1] =	stream.indirect.gather [hbm4b:s5+s20], $0x28, s28, s20, $0xb8;
	[tilespmem:$0x1FEC0] =	vst v63  }
0x8d: {  	_ =	swait.ge [sflag:s22], $0xA00  }
0x8e: {  	[sflag:s22] =	ssyncset.done $0x0  }
0x8f: {  	[sflag:s22] =	ssyncadd.s32 $0xFFFFF600  }
0x90: {  	[spmem:s2] =	stream.indirect.scatter.add.f32 [tilespmem:s21], [sflag:$0x2], $0x28, s29, s20, $0xb8;
	[tilespmem:$0x1FEC0] =	vst v63  }
0x91: {  	_ =	swait.ge [sflag:s26], $0xA00  }
0x92: {  	[sflag:s26] =	ssyncset.done $0x0  }
0x93: {  	[sflag:s26] =	ssyncadd.s32 $0xFFFFF600  }
0x94: {  	[tilespmem:s24], [sflag:$0x1] =	stream.indirect.gather [hbm4b:s5+s20], $0x28, s30, s20, $0xb8;
	[tilespmem:$0x1FEC0] =	vst v63  }
0x95: {  	_ =	swait.ge [sflag:s22], $0xA00  }
0x96: {  	[sflag:s22] =	ssyncset.done $0x0  }
0x97: {  	[sflag:s22] =	ssyncadd.s32 $0xFFFFF600  }
0x98: {  	[spmem:s2] =	stream.indirect.scatter.add.f32 [tilespmem:s24], [sflag:$0x2], $0x28, s31, s20, $0xb8;
	[tilespmem:$0x1FEC0] =	vst v63  }
.Ltmp3:
0x99: {  	_ =	swait.ge [sflag:s26], $0xA00;
	(pc) =	sbr.rel @p1 .LBB2_6-.Ltmp3, $4  }
0x9a: {  	[sflag:s26] =	ssyncset.done $0x0  }
0x9b: {  	[sflag:s26] =	ssyncadd.s32 $0xFFFFF600  }
0x9c: {  	_ =	swait.ge [sflag:s26], $0xA00  }
0x9d: {  	s9 =	smov.u32 s7;
	[sflag:s26] =	ssyncset.done $0x0  }
.Ltmp4:
0x9e: {  	_ = 	snop;
	(pc) =	sbr.rel .LBB2_7-.Ltmp4, $1  }
0x9f: {  	_ =	sdelay $0x3  }
.LBB2_2:
0xa0: {  	s6 =	rddreg [dreg:$0x7]  }
0xa1: {  	s9 =	rddreg [dreg:$0x5];
	s15 =	sor.u32 $0x1C03, s6  }
0xa2: {  	[spmem:s16], [sflag:s15] =	dma.local [hbm:s9], $0x3D18  }
0xa3: {  	_ =	swait.ge [sflag:s17], $0x3D18  }
0xa4: {  	[sflag:s17] =	ssyncset.done $0x0  }
0xa5: {  	[sflag:s17] =	ssyncadd.s32 $0xFFFFC2E8  }
0xa6: {  	s10 =	sadd.s32 $0x0, s14;
	[bflag:$0x0] =	sbarrier.arrive $0xFFFF  }
0xa7: {  	[tilespmem:s18], [sflag:$0x3] =	stream.linear.gather [hbm4b:s10+s3], $0x100, $0x38;
	[tilespmem:$0x1FEC0] =	vst v63  }
0xa8: {  	_ =	swait.ge [sflag:s17], $0x100  }
0xa9: {  	[sflag:s17] =	ssyncset.done $0x0  }
0xaa: {  	s13 =	sadd.s32 $0x0, s12;
	[sflag:s17] =	ssyncadd.s32 $0xFFFFFF00  }
0xab: {  	[tilespmem:s19], [sflag:$0x3] =	stream.linear.gather [hbm4b:s13+s3], $0x100, $0x38;
	[tilespmem:$0x1FEC0] =	vst v63  }
0xac: {  	_ =	swait.ge [sflag:s17], $0x100  }
0xad: {  	[sflag:s17] =	ssyncset.done $0x0  }
0xae: {  	[sflag:s17] =	ssyncadd.s32 $0xFFFFFF00  }
0xaf: {  	[tilespmem:s21], [sflag:$0x1] =	stream.indirect.gather [hbm4b:s4+s20], $0x28, s18, s20, $0xb8;
	[tilespmem:$0x1FEC0] =	vst v63  }
0xb0: {  	_ =	swait.ge [sflag:s22], $0xA00  }
0xb1: {  	[sflag:s22] =	ssyncset.done $0x0  }
0xb2: {  	[sflag:s22] =	ssyncadd.s32 $0xFFFFF600  }
0xb3: {  	[spmem:s2] =	stream.indirect.scatter.add.f32 [tilespmem:s21], [sflag:$0x2], $0x28, s19, s20, $0xb8;
	[tilespmem:$0x1FEC0] =	vst v63  }
0xb4: {  	_ = 	snop  }
0xb5: {  	[tilespmem:s24], [sflag:$0x1] =	stream.indirect.gather [hbm4b:s4+s20], $0x28, s23, s20, $0xb8;
	[tilespmem:$0x1FEC0] =	vst v63  }
0xb6: {  	_ =	swait.ge [sflag:s22], $0xA00  }
0xb7: {  	[sflag:s22] =	ssyncset.done $0x0  }
0xb8: {  	[sflag:s22] =	ssyncadd.s32 $0xFFFFF600  }
0xb9: {  	[spmem:s2] =	stream.indirect.scatter.add.f32 [tilespmem:s24], [sflag:$0x2], $0x28, s25, s20, $0xb8;
	[tilespmem:$0x1FEC0] =	vst v63  }
0xba: {  	_ =	swait.ge [sflag:s26], $0xA00  }
0xbb: {  	[sflag:s26] =	ssyncset.done $0x0  }
0xbc: {  	[sflag:s26] =	ssyncadd.s32 $0xFFFFF600  }
0xbd: {  	[tilespmem:s21], [sflag:$0x1] =	stream.indirect.gather [hbm4b:s4+s20], $0x28, s28, s20, $0xb8;
	[tilespmem:$0x1FEC0] =	vst v63  }
0xbe: {  	_ =	swait.ge [sflag:s22], $0xA00  }
0xbf: {  	[sflag:s22] =	ssyncset.done $0x0  }
0xc0: {  	[sflag:s22] =	ssyncadd.s32 $0xFFFFF600  }
0xc1: {  	[spmem:s2] =	stream.indirect.scatter.add.f32 [tilespmem:s21], [sflag:$0x2], $0x28, s29, s20, $0xb8;
	[tilespmem:$0x1FEC0] =	vst v63  }
0xc2: {  	_ =	swait.ge [sflag:s26], $0xA00  }
0xc3: {  	[sflag:s26] =	ssyncset.done $0x0  }
0xc4: {  	[sflag:s26] =	ssyncadd.s32 $0xFFFFF600  }
0xc5: {  	[tilespmem:s24], [sflag:$0x1] =	stream.indirect.gather [hbm4b:s4+s20], $0x28, s30, s20, $0xb8;
	[tilespmem:$0x1FEC0] =	vst v63  }
0xc6: {  	_ =	swait.ge [sflag:s22], $0xA00  }
0xc7: {  	[sflag:s22] =	ssyncset.done $0x0  }
0xc8: {  	[sflag:s22] =	ssyncadd.s32 $0xFFFFF600  }
0xc9: {  	[spmem:s2] =	stream.indirect.scatter.add.f32 [tilespmem:s24], [sflag:$0x2], $0x28, s31, s20, $0xb8;
	[tilespmem:$0x1FEC0] =	vst v63  }
0xca: {  	_ =	swait.ge [sflag:s26], $0xA00  }
0xcb: {  	[sflag:s26] =	ssyncset.done $0x0  }
0xcc: {  	[sflag:s26] =	ssyncadd.s32 $0xFFFFF600  }
0xcd: {  	_ =	swait.ge [sflag:s26], $0xA00  }
0xce: {  	s7 =	simm.s32 $0x40;
	s6 =	simm.s32 $0x20;
	[sflag:s26] =	ssyncset.done $0x0  }
.LBB2_3:
0xcf: {  	s10 =	sadd.s32 s6, s14  }
0xd0: {  	[sflag:s26] =	ssyncadd.s32 $0xFFFFF600;
	s13 =	smov.u32 s7;
	s9 =	sadd.s32 $0x20, s7  }
0xd1: {  	[tilespmem:s18], [sflag:$0x3] =	stream.linear.gather [hbm4b:s10+s3], $0x100, $0x38;
	[tilespmem:$0x1FEC0] =	vst v63  }
0xd2: {  	p1 =	seq.s32 s7, $0x1860;
	_ =	swait.ge [sflag:s17], $0x100  }
0xd3: {  	[sflag:s17] =	ssyncset.done $0x0  }
0xd4: {  	s7 =	sadd.s32 s6, s12;
	s6 =	smov.u32 s13;
	[sflag:s17] =	ssyncadd.s32 $0xFFFFFF00  }
0xd5: {  	[tilespmem:s19], [sflag:$0x3] =	stream.linear.gather [hbm4b:s7+s3], $0x100, $0x38;
	[tilespmem:$0x1FEC0] =	vst v63  }
0xd6: {  	_ =	swait.ge [sflag:s17], $0x100  }
0xd7: {  	[sflag:s17] =	ssyncset.done $0x0  }
0xd8: {  	[sflag:s17] =	ssyncadd.s32 $0xFFFFFF00  }
0xd9: {  	[tilespmem:s21], [sflag:$0x1] =	stream.indirect.gather [hbm4b:s4+s20], $0x28, s18, s20, $0xb8;
	[tilespmem:$0x1FEC0] =	vst v63  }
0xda: {  	_ =	swait.ge [sflag:s22], $0xA00  }
0xdb: {  	[sflag:s22] =	ssyncset.done $0x0  }
0xdc: {  	[sflag:s22] =	ssyncadd.s32 $0xFFFFF600  }
0xdd: {  	[spmem:s2] =	stream.indirect.scatter.add.f32 [tilespmem:s21], [sflag:$0x2], $0x28, s19, s20, $0xb8;
	[tilespmem:$0x1FEC0] =	vst v63  }
0xde: {  	_ = 	snop  }
0xdf: {  	[tilespmem:s24], [sflag:$0x1] =	stream.indirect.gather [hbm4b:s4+s20], $0x28, s23, s20, $0xb8;
	[tilespmem:$0x1FEC0] =	vst v63  }
0xe0: {  	_ =	swait.ge [sflag:s22], $0xA00  }
0xe1: {  	[sflag:s22] =	ssyncset.done $0x0  }
0xe2: {  	[sflag:s22] =	ssyncadd.s32 $0xFFFFF600  }
0xe3: {  	[spmem:s2] =	stream.indirect.scatter.add.f32 [tilespmem:s24], [sflag:$0x2], $0x28, s25, s20, $0xb8;
	[tilespmem:$0x1FEC0] =	vst v63  }
0xe4: {  	_ =	swait.ge [sflag:s26], $0xA00  }
0xe5: {  	[sflag:s26] =	ssyncset.done $0x0  }
0xe6: {  	[sflag:s26] =	ssyncadd.s32 $0xFFFFF600  }
0xe7: {  	[tilespmem:s21], [sflag:$0x1] =	stream.indirect.gather [hbm4b:s4+s20], $0x28, s28, s20, $0xb8;
	[tilespmem:$0x1FEC0] =	vst v63  }
0xe8: {  	_ =	swait.ge [sflag:s22], $0xA00  }
0xe9: {  	[sflag:s22] =	ssyncset.done $0x0  }
0xea: {  	[sflag:s22] =	ssyncadd.s32 $0xFFFFF600  }
0xeb: {  	[spmem:s2] =	stream.indirect.scatter.add.f32 [tilespmem:s21], [sflag:$0x2], $0x28, s29, s20, $0xb8;
	[tilespmem:$0x1FEC0] =	vst v63  }
0xec: {  	_ =	swait.ge [sflag:s26], $0xA00  }
0xed: {  	[sflag:s26] =	ssyncset.done $0x0  }
0xee: {  	[sflag:s26] =	ssyncadd.s32 $0xFFFFF600  }
0xef: {  	[tilespmem:s24], [sflag:$0x1] =	stream.indirect.gather [hbm4b:s4+s20], $0x28, s30, s20, $0xb8;
	[tilespmem:$0x1FEC0] =	vst v63  }
0xf0: {  	_ =	swait.ge [sflag:s22], $0xA00  }
0xf1: {  	[sflag:s22] =	ssyncset.done $0x0  }
0xf2: {  	[sflag:s22] =	ssyncadd.s32 $0xFFFFF600  }
0xf3: {  	[spmem:s2] =	stream.indirect.scatter.add.f32 [tilespmem:s24], [sflag:$0x2], $0x28, s31, s20, $0xb8;
	[tilespmem:$0x1FEC0] =	vst v63  }
.Ltmp5:
0xf4: {  	_ =	swait.ge [sflag:s26], $0xA00;
	(pc) =	sbr.rel @!p1 .LBB2_3-.Ltmp5, $4  }
0xf5: {  	[sflag:s26] =	ssyncset.done $0x0  }
0xf6: {  	[sflag:s26] =	ssyncadd.s32 $0xFFFFF600  }
0xf7: {  	_ =	swait.ge [sflag:s26], $0xA00  }
0xf8: {  	s7 =	smov.u32 s9;
	[sflag:s26] =	ssyncset.done $0x0  }
0xf9: {  	s7 =	sadd.s32 s6, s14;
	[sflag:s26] =	ssyncadd.s32 $0xFFFFF600  }
0xfa: {  	[tilespmem:s18], [sflag:$0x3] =	stream.linear.gather [hbm4b:s7+s3], $0x100, $0x38;
	[tilespmem:$0x1FEC0] =	vst v63  }
0xfb: {  	_ =	swait.ge [sflag:s17], $0x100  }
0xfc: {  	[sflag:s17] =	ssyncset.done $0x0  }
0xfd: {  	s13 =	sadd.s32 s6, s12;
	[sflag:s17] =	ssyncadd.s32 $0xFFFFFF00  }
0xfe: {  	[tilespmem:s19], [sflag:$0x3] =	stream.linear.gather [hbm4b:s13+s3], $0x100, $0x38;
	[tilespmem:$0x1FEC0] =	vst v63  }
0xff: {  	_ =	swait.ge [sflag:s17], $0x100  }
0x100: {  	[sflag:s17] =	ssyncset.done $0x0  }
0x101: {  	[sflag:s17] =	ssyncadd.s32 $0xFFFFFF00  }
0x102: {  	[tilespmem:s21], [sflag:$0x1] =	stream.indirect.gather [hbm4b:s4+s20], $0x28, s18, s20, $0xb8;
	[tilespmem:$0x1FEC0] =	vst v63  }
0x103: {  	_ =	swait.ge [sflag:s22], $0xA00  }
0x104: {  	[sflag:s22] =	ssyncset.done $0x0  }
0x105: {  	[sflag:s22] =	ssyncadd.s32 $0xFFFFF600  }
0x106: {  	[spmem:s2] =	stream.indirect.scatter.add.f32 [tilespmem:s21], [sflag:$0x2], $0x28, s19, s20, $0xb8;
	[tilespmem:$0x1FEC0] =	vst v63  }
0x107: {  	_ = 	snop  }
0x108: {  	[tilespmem:s24], [sflag:$0x1] =	stream.indirect.gather [hbm4b:s4+s20], $0x28, s23, s20, $0xb8;
	[tilespmem:$0x1FEC0] =	vst v63  }
0x109: {  	_ =	swait.ge [sflag:s22], $0xA00  }
0x10a: {  	[sflag:s22] =	ssyncset.done $0x0  }
0x10b: {  	[sflag:s22] =	ssyncadd.s32 $0xFFFFF600  }
0x10c: {  	[spmem:s2] =	stream.indirect.scatter.add.f32 [tilespmem:s24], [sflag:$0x2], $0x28, s25, s20, $0xb8;
	[tilespmem:$0x1FEC0] =	vst v63  }
0x10d: {  	_ =	swait.ge [sflag:s26], $0xA00  }
0x10e: {  	[sflag:s26] =	ssyncset.done $0x0  }
0x10f: {  	[sflag:s26] =	ssyncadd.s32 $0xFFFFF600  }
0x110: {  	[tilespmem:s21], [sflag:$0x1] =	stream.indirect.gather [hbm4b:s4+s20], $0x28, s28, s20, $0xb8;
	[tilespmem:$0x1FEC0] =	vst v63  }
0x111: {  	_ =	swait.ge [sflag:s22], $0xA00  }
0x112: {  	[sflag:s22] =	ssyncset.done $0x0  }
0x113: {  	[sflag:s22] =	ssyncadd.s32 $0xFFFFF600  }
0x114: {  	[spmem:s2] =	stream.indirect.scatter.add.f32 [tilespmem:s21], [sflag:$0x2], $0x28, s29, s20, $0xb8;
	[tilespmem:$0x1FEC0] =	vst v63  }
0x115: {  	_ =	swait.ge [sflag:s26], $0xA00  }
0x116: {  	[sflag:s26] =	ssyncset.done $0x0  }
0x117: {  	[sflag:s26] =	ssyncadd.s32 $0xFFFFF600  }
0x118: {  	[tilespmem:s24], [sflag:$0x1] =	stream.indirect.gather [hbm4b:s4+s20], $0x28, s30, s20, $0xb8;
	[tilespmem:$0x1FEC0] =	vst v63  }
0x119: {  	_ =	swait.ge [sflag:s22], $0xA00  }
0x11a: {  	[sflag:s22] =	ssyncset.done $0x0  }
0x11b: {  	[sflag:s22] =	ssyncadd.s32 $0xFFFFF600  }
0x11c: {  	[spmem:s2] =	stream.indirect.scatter.add.f32 [tilespmem:s24], [sflag:$0x2], $0x28, s31, s20, $0xb8;
	[tilespmem:$0x1FEC0] =	vst v63  }
0x11d: {  	_ =	swait.ge [sflag:s26], $0xA00  }
.Ltmp6:
0x11e: {  	[sflag:s26] =	ssyncset.done $0x0;
	(pc) =	sbr.rel .LBB2_8-.Ltmp6, $4  }
0x11f: {  	[sflag:s26] =	ssyncadd.s32 $0xFFFFF600  }
0x120: {  	_ =	swait.ge [sflag:s26], $0xA00  }
0x121: {  	[sflag:s26] =	ssyncset.done $0x0  }
0x122: {  	s6 =	rddreg [dreg:$0x3];
	[sflag:s26] =	ssyncadd.s32 $0xFFFFF600  }
.LBB2_9:
0x123: {  	_ =	sfence.sel $0x180000  }
0x124: {  	[bflag:$0x0] =	sbarrier.arrive $0xFFFF  }
0x125: {  	_ =	strace $0x90000047  }
0x126: {  	s0 =	stileid.u32;
	[bflag:$0x2] =	sbarrier.arrive $0xFFFF  }
0x127: {  	p0 =	sne.s32 s0, $0x0;
	s0 =	rddreg [dreg:$0x2]  }
0x128: {  	s0 =	sadd.s32 @!p0 $0x100000, s0  }
0x129: {  	[sflag:s0] =	ssyncadd.tile.s32 @!p0 $0x1;
	_ =	shalt  }
.Lfunc_end2:
_tile_overlayer_lowered:
.L_overlay_start_2:
0x12a: {  	(tag) =	ssettag $0x2  }
0x12b: {  	s0 =	rddreg [dreg:$0x0];
	s2 =	stileid.u32  }
0x12c: {  	s1 =	rddreg [dreg:$0x1];
	p0 =	sne.s32 s2, $0x0  }
0x12d: {  	s3 =	rddreg [dreg:$0x2];
	[bflag:$0x3] =	sbarrier.arrive $0xFFFF;
	s2 =	simm.s32 @!p0 $0x1C03  }
0x12e: {  	[timem:s3], [sflag:s2] =	dma.local @!p0 [hbm:s0], s1  }
0x12f: {  	s0 =	simm.s32 @!p0 $0x3  }
0x130: {  	_ =	swait.ge @!p0 [sflag:s0], s1  }
0x131: {  	s1 =	ssub.s32 @!p0 $0x0, s1;
	[sflag:s0] =	ssyncset.done @!p0 $0x0  }
0x132: {  	[sflag:s0] =	ssyncadd.s32 @!p0 s1  }
0x133: {  	[bflag:$0x3] =	sbarrier.arrive $0xFFFF  }
0x134: {  	_ =	shalt  }

// kernel: kernel.9.cloned.1.call-start
scs
__scs_entry_jumppad:
0x0: {  	(pc) =	sbr.rel $0x88, $3  }
0x1: {  	(tag) =	ssettag $0x0;
	lr =	simm.s32 $0x1  }
0x2: {  	[smem:$0x3F98] =	sst lr;
	_ =	strace $0xD0000000  }
0x3: {  	_ = 	snop  }
0x4: {  	_ = 	snop  }
0x5: {  	_ = 	snop  }
0x6: {  	_ = 	snop  }
0x7: {  	_ = 	snop  }
__scs_overlays_trampoline_lowered:
0x8: {  	[smem:$0x3FA7] =	sst s0  }
0x9: {  	[smem:$0x3FA8] =	sst s1  }
0xa: {  	[smem:$0x3FA9] =	sst s2  }
0xb: {  	[smem:$0x3FAA] =	sst s3  }
0xc: {  	[smem:$0x3FAB] =	sst s4  }
0xd: {  	[smem:$0x3FAC] =	sst s5  }
0xe: {  	[smem:$0x3FAD] =	sst s6  }
0xf: {  	[smem:$0x3FAE] =	sst s7  }
0x10: {  	[smem:$0x3FAF] =	sst s8  }
0x11: {  	[smem:$0x3FB0] =	sst s9;
	s0 =	simm.s32 @!p0 $0x0  }
0x12: {  	s1 =	sld [smem:$0x3F96];
	s0 =	simm.s32 @p0 $0x1  }
0x13: {  	[smem:$0x3FB1] =	sst s0;
	s0 =	simm.s32 @!p1 $0x0  }
0x14: {  	s2 =	sld [smem:$0x3F95];
	s0 =	simm.s32 @p1 $0x1  }
0x15: {  	[smem:$0x3FB2] =	sst s0;
	s0 =	simm.s32 @!p2 $0x0  }
0x16: {  	s3 =	sld [smem:$0x3FDB];
	s0 =	simm.s32 @p2 $0x1  }
0x17: {  	s4 =	simm.s32 $0x1BF5;
	[smem:$0x3FB4] =	sst s0  }
0x18: {  	s0 =	sld [smem:$0x3F97];
	_ =	swait.ge [sflag:s4], $0x0  }
0x19: {  	s7 =	sld [smem:$0x3F98]  }
0x1a: {  	s8 =	sadd.s32 $0xFFFFE003, lr  }
0x1b: {  	s9 =	sadd.s32 $0xFFFFFEF7, lr;
	s5 =	simm.s32 $0xFFFFFFFF;
	p2 =	slt.u32 s8, $0xFFFFF086  }
0x1c: {  	p1 =	slt.u32 s9, $0xF7A;
	s5 =	simm.s32 @!p2 $0x0  }
0x1d: {  	s5 =	simm.s32 @p1 $0x1;
	p0 =	seq.s32 s7, s2  }
0x1e: {  	s7 =	smul.u32 @!p0 $0xF7A, s2;
	p2 =	seq.s32 @!p0 s5, $0x0  }
0x1f: {  	s9 =	smul.u32 $0xF7A, s1;
	s8 =	simm.s32 @!p0 $0x1BF5;
	p2 =	por !p2, p0  }
0x20: {  	[sflag:s8] =	ssyncset.s32 @!p0 $0xFFFFF086;
	s6 =	sadd.s32 @!p0 s3, s7;
	s7 =	simm.s32 @!p0 $0x108  }
0x21: {  	s3 =	sadd.s32 s3, s9;
	s6 =	sadd.s32 @!p0 $0x88, s6;
	s7 =	simm.s32 @p2 $0x1082  }
0x22: {  	[simem:s7], [sflag:s8] =	dma.local @!p0 [hbm:s6], $0xF7A  }
0x23: {  	s9 =	sor.u32 $0xD0000000, s2;
	s6 =	simm.s32 $0x108;
	_ =	swait.ge @!p0 [sflag:s8], $0x0  }
0x24: {  	s3 =	sadd.s32 $0x88, s3;
	s6 =	simm.s32 @!p1 $0x1082;
	[sflag:s4] =	ssyncset.s32 $0xFFFFF086  }
0x25: {  	[simem:s6], [sflag:s4] =	dma.local [hbm:s3], $0xF7A  }
0x26: {  	[smem:$0x3F98] =	sst s1;
	(tag) =	ssettag s2;
	_ =	strace s9  }
0x27: {  	s1 =	sld [smem:$0x3FA8]  }
0x28: {  	s2 =	sld [smem:$0x3FA9]  }
0x29: {  	s4 =	sld [smem:$0x3FAB]  }
0x2a: {  	p0 =	seq.s32 s5, $0x0;
	s5 =	sld [smem:$0x3FAC]  }
0x2b: {  	s6 =	sld [smem:$0x3FAD]  }
0x2c: {  	s7 =	sld [smem:$0x3FAE]  }
0x2d: {  	s3 =	simm.s32 $0x108;
	s8 =	sld [smem:$0x3FAF]  }
0x2e: {  	s3 =	simm.s32 @!p0 $0x1082;
	s9 =	sld [smem:$0x3FB0]  }
0x2f: {  	lr =	sadd.s32 s0, s3;
	s0 =	sld [smem:$0x3FA7]  }
0x30: {  	s3 =	sld [smem:$0x3FAA]  }
0x31: {  	[smem:$0x3FB3] =	sst s10  }
0x32: {  	s10 =	sld [smem:$0x3FB1];
	_ =	sdelay $0x3  }
0x33: {  	p0 =	seq.s32 s10, $0x1;
	s10 =	sld [smem:$0x3FB3];
	_ =	sdelay $0x3  }
0x34: {  	[smem:$0x3FB3] =	sst s10  }
0x35: {  	s10 =	sld [smem:$0x3FB2];
	_ =	sdelay $0x3  }
0x36: {  	p1 =	seq.s32 s10, $0x1;
	s10 =	sld [smem:$0x3FB3];
	_ =	sdelay $0x3  }
0x37: {  	[smem:$0x3FB3] =	sst s10  }
0x38: {  	s10 =	sld [smem:$0x3FB4]  }
0x39: {  	_ = 	snop;
	(pc) =	sbr.ind lr, $3  }
0x3a: {  	_ = 	snop  }
0x3b: {  	_ = 	snop  }
0x3c: {  	p2 =	seq.s32 s10, $0x1;
	s10 =	sld [smem:$0x3FB3]  }
0x3d: {  	_ =	shalt  }
0x3e: {  	_ =	shalt  }
0x3f: {  	_ =	shalt  }
0x40: {  	_ =	shalt  }
0x41: {  	_ =	shalt  }
0x42: {  	_ =	shalt  }
0x43: {  	_ =	shalt  }
0x44: {  	_ =	shalt  }
0x45: {  	_ =	shalt  }
0x46: {  	_ =	shalt  }
0x47: {  	_ =	shalt  }
0x48: {  	_ =	shalt  }
0x49: {  	_ =	shalt  }
0x4a: {  	_ =	shalt  }
0x4b: {  	_ =	shalt  }
0x4c: {  	_ =	shalt  }
0x4d: {  	_ =	shalt  }
0x4e: {  	_ =	shalt  }
0x4f: {  	_ =	shalt  }
0x50: {  	_ =	shalt  }
0x51: {  	_ =	shalt  }
0x52: {  	_ =	shalt  }
0x53: {  	_ =	shalt  }
0x54: {  	_ =	shalt  }
0x55: {  	_ =	shalt  }
0x56: {  	_ =	shalt  }
0x57: {  	_ =	shalt  }
0x58: {  	_ =	shalt  }
0x59: {  	_ =	shalt  }
0x5a: {  	_ =	shalt  }
0x5b: {  	_ =	shalt  }
0x5c: {  	_ =	shalt  }
0x5d: {  	_ =	shalt  }
0x5e: {  	_ =	shalt  }
0x5f: {  	_ =	shalt  }
0x60: {  	_ =	shalt  }
0x61: {  	_ =	shalt  }
0x62: {  	_ =	shalt  }
0x63: {  	_ =	shalt  }
0x64: {  	_ =	shalt  }
0x65: {  	_ =	shalt  }
0x66: {  	_ =	shalt  }
0x67: {  	_ =	shalt  }
0x68: {  	_ =	shalt  }
0x69: {  	_ =	shalt  }
0x6a: {  	_ =	shalt  }
0x6b: {  	_ =	shalt  }
0x6c: {  	_ =	shalt  }
0x6d: {  	_ =	shalt  }
0x6e: {  	_ =	shalt  }
0x6f: {  	_ =	shalt  }
0x70: {  	_ =	shalt  }
0x71: {  	_ =	shalt  }
0x72: {  	_ =	shalt  }
0x73: {  	_ =	shalt  }
0x74: {  	_ =	shalt  }
0x75: {  	_ =	shalt  }
0x76: {  	_ =	shalt  }
0x77: {  	_ =	shalt  }
0x78: {  	_ =	shalt  }
0x79: {  	_ =	shalt  }
0x7a: {  	_ =	shalt  }
0x7b: {  	_ =	shalt  }
0x7c: {  	_ =	shalt  }
0x7d: {  	_ =	shalt  }
0x7e: {  	_ =	shalt  }
0x7f: {  	_ =	shalt  }
0x80: {  	_ =	shalt  }
0x81: {  	_ =	shalt  }
0x82: {  	_ =	shalt  }
0x83: {  	_ =	shalt  }
0x84: {  	_ =	shalt  }
0x85: {  	_ =	shalt  }
0x86: {  	_ =	shalt  }
0x87: {  	_ =	shalt  }
.Lfunc_end0:
.L_simem_size_0:
called_computation.1_lowered:
.L_overlay_start_0:
0x88: {  	s0 =	sld [smem:$0x3FD9]  }
0x89: {  	s1 =	sld [smem:$0x3FFE];
	_ =	sdelay $0x3  }
0x8a: {  	s0 =	sadd.s32 s1, s0  }
0x8b: {  	[smem:$0x3FBF] =	sst s0  }
0x8c: {  	_ = 	snop  }
0x8d: {  	s0 =	sld [smem:$0x3FC1]  }
0x8e: {  	s16 =	sld [smem:$0x3FD0];
	(tm) =	ssettm $0x1  }
0x8f: {  	s2 =	sld [smem:$0x3FFB];
	_ =	sdelay $0x3  }
0x90: {  	_ =	strace s2  }
0x91: {  	s2 =	sld [smem:$0x3FFC];
	_ =	sdelay $0x3  }
0x92: {  	_ =	strace s2  }
0x93: {  	s2 =	sld [smem:$0x3FFD];
	_ =	sdelay $0x3  }
0x94: {  	_ =	strace s2  }
0x95: {  	_ =	strace $0x8FFFFFFF  }
0x96: {  	s17 =	sld [smem:$0x3FDB];
	_ =	sdelay $0x1  }
0x97: {  	s3 =	simm.s32 $_scs_section_size  }
0x98: {  	s4 =	simm.s32 $_size__tile_overlayer_lowered;
	s5 =	simm.s32 $_tile_overlayer_lowered  }
0x99: {  	s20 =	simm.s32 $0x1BFF;
	s19 =	sshll.u32 s5, $0x1;
	s2 =	sadd.s32 s3, s17  }
0x9a: {  	s6 =	simm.s32 $0x0;
	s18 =	sshll.u32 s4, $0x1;
	s4 =	sadd.s32 s19, s2  }
0x9b: {  	[timem:s6], [sflag:s20] =	dma.local [hbm:s4], s18  }
0x9c: {  	_ =	swait.ge [sflag:s20], s18  }
0x9d: {  	s3 =	ssub.s32 $0x0, s18;
	[sflag:s20] =	ssyncset.done $0x0  }
0x9e: {  	[sflag:s20] =	ssyncadd.s32 s3;
	_ =	sdelay $0x1  }
0x9f: {  	s21 =	simm.s32 $0x1B8B  }
0xa0: {  	_ =	swait.ge [sflag:s21], $0x1  }
0xa1: {  	[sflag:s21] =	ssyncset.done $0x0  }
0xa2: {  	s23 =	simm.s32 $0x1B8E;
	s22 =	sld [smem:$0x3FFE];
	[sflag:s21] =	ssyncadd.s32 $0xFFFFFFFF  }
0xa3: {  	s24 =	simm.s32 $execute0_lowered;
	[smem:$0x3FD2] =	sst s23  }
0xa4: {  	s4 =	sshll.u32 s24, $0x1;
	_ =	strace $0x80000049;
	[dreg:$0x1] =	wrdreg $0xFFFFFFFF  }
0xa5: {  	s25 =	simm.s32 $_size_execute0_lowered;
	s2 =	sadd.s32 s2, s4;
	[dreg:$0x0] =	wrdreg $0x0  }
0xa6: {  	s4 =	sshll.u32 s25, $0x1;
	[dreg:$0x2] =	wrdreg s2  }
0xa7: {  	[dreg:$0x3] =	wrdreg s4  }
0xa8: {  	[dreg:$0x4] =	wrdreg $0xC0  }
0xa9: {  	_ =	task [dreg:s6], $0x5FFFF  }
0xaa: {  	[dreg:$0x1] =	wrdreg $0xFFFFFFFF  }
0xab: {  	[dreg:$0x0] =	wrdreg $0x60  }
0xac: {  	[dreg:$0x2] =	wrdreg s16  }
0xad: {  	[dreg:$0x3] =	wrdreg s22  }
0xae: {  	[dreg:$0x4] =	wrdreg s0  }
0xaf: {  	[dreg:$0x5] =	wrdreg $0x0  }
0xb0: {  	[dreg:$0x6] =	wrdreg $0x9  }
0xb1: {  	_ =	task.clear_ibuf [dreg:s6], $0x7FFFF;
	_ =	strace $0x90000049  }
0xb2: {  	s26 =	simm.s32 $0x9;
	_ =	strace $0x8000004B  }
0xb3: {  	_ =	swait.ge [sflag:s26], $0x1  }
0xb4: {  	[sflag:s26] =	ssyncadd.s32 $0xFFFFFFFF  }
0xb5: {  	_ =	strace $0x9000004B  }
0xb6: {  	_ =	sfence  }
0xb7: {  	s28 =	sld [smem:$0x0];
	_ =	sdelay $0x1  }
0xb8: {  	s29 =	srdreg.scid  }
0xb9: {  	s30 =	sshll.u32 s29, $0xD;
	s31 =	sshrl.u32 s29, $0x2  }
0xba: {  	s1 =	sand.u32 $0x1, s29;
	s2 =	sand.u32 $0x4000, s30;
	s0 =	sadd.s32 s31, s28  }
0xbb: {  	s1 =	sor.u32 s2, s1;
	s0 =	sshll.u32 s0, $0x11  }
0xbc: {  	s0 =	sor.u32 s0, s1  }
0xbd: {  	s0 =	sadd.s32 $0x8F2B, s0  }
0xbe: {  	[sflag:s0] =	ssyncadd.remote.s32 $0x1  }
0xbf: {  	_ =	sfence.sel $0xFFFF  }
0xc0: {  	[dreg:$0x0] =	wrdreg $0xFFFFFFFF;
	(pc) =	sbr.abs _section_cstart, $3  }
0xc1: {  	[dreg:$0x1] =	wrdreg $0xFFFFFFFF  }
0xc2: {  	_ =	task.clear_ibuf [dreg:s6], $0x2FFFF;
	_ =	strace $0x9FFFFFFF  }
0xc3: {  	(tm) =	ssettm $0x7FFFFFFF  }
tec
execute0_lowered:
.L_overlay_start_1:
0x0: {  	(tag) =	ssettag $0x1  }
0x1: {  	s0 =	rddreg [dreg:$0x0]  }
0x2: {  	s2 =	rddreg [dreg:$0x1]  }
0x3: {  	s4 =	rddreg [dreg:$0x2];
	s1 =	stileid.u32  }
0x4: {  	s3 =	rddreg [dreg:$0x3];
	s5 =	simm.s32 $0x0;
	s6 =	smul.u32 $0xC38, s1  }
0x5: {  	[smem:$0x7FF] =	sst s5;
	s8 =	sshll.u32 s1, $0x6  }
0x6: {  	_ =	strace $0x8000004A;
	s7 =	sadd.s32 s6, s3;
	s6 =	sshrl.u32 s6, $0x3  }
0x7: {  	s8 =	sor.u32 $0x1C02, s8;
	s6 =	sadd.s32 s0, s6;
	s7 =	sshrl.u32 s7, $0x3  }
0x8: {  	[spmem:s7], [sflag:s8] =	dma.local [hbm:s6], $0x187  }
0x9: {  	s6 =	simm.s32 $0x2  }
0xa: {  	_ =	swait.ge [sflag:s6], $0x187  }
0xb: {  	[sflag:s6] =	ssyncset.done $0x0  }
0xc: {  	s7 =	simm.s32 $0xC38;
	[sflag:s6] =	ssyncadd.s32 $0xFFFFFE79  }
0xd: {  	[tilespmem:s7], [sflag:$0x2] =	stream.linear.gather [hbm4b:s0+s5], $0xC380, $0x38;
	[tilespmem:$0xEC38] =	vst v63  }
0xe: {  	_ =	swait.ge [sflag:s6], $0xC380  }
0xf: {  	[sflag:s6] =	ssyncset.done $0x0  }
0x10: {  	s15 =	simm.s32 $0xEBB8;
	[sflag:s6] =	ssyncadd.s32 $0xFFFF3C80  }
0x11: {  	[tilespmem:s15], [sflag:$0x2] =	stream.linear.gather [hbm4b:s4+s5], $0x80, $0x38;
	[tilespmem:$0xEC38] =	vst v63  }
0x12: {  	s4 =	smul.u32 $0x1880, s1;
	_ =	swait.ge [sflag:s6], $0x80  }
0x13: {  	s17 =	simm.s32 $0xCFB8;
	s18 =	simm.s32 $0xDDB8;
	[sflag:s6] =	ssyncset.done $0x0  }
0x14: {  	s19 =	simm.s32 $0xD738;
	s16 =	sadd.s32 s4, s2;
	[sflag:s6] =	ssyncadd.s32 $0xFFFFFF80  }
0x15: {  	s20 =	simm.s32 $0xDE38;
	s0 =	sadd.s32 $0x7BC00, s16;
	[bflag:$0x0] =	sbarrier.arrive $0xFFFF  }
0x16: {  	s21 =	simm.s32 $0xD7B8;
	s22 =	simm.s32 $0xDEB8;
	[dreg:$0x5] =	wrdreg s0  }
0x17: {  	s23 =	simm.s32 $0xD838;
	s25 =	simm.s32 $0xDF38;
	[dreg:$0x6] =	wrdreg s17  }
0x18: {  	s26 =	simm.s32 $0xD8B8;
	s10 =	simm.s32 $0x80;
	[dreg:$0x7] =	wrdreg s18  }
0x19: {  	s11 =	simm.s32 $0xDFB8;
	s12 =	simm.s32 $0xD938;
	[dreg:$0x8] =	wrdreg s19  }
0x1a: {  	s13 =	simm.s32 $0xE038;
	s14 =	simm.s32 $0xD9B8;
	[dreg:$0x9] =	wrdreg s20  }
0x1b: {  	s28 =	simm.s32 $0xE3B8;
	s29 =	simm.s32 $0xDD38;
	[dreg:$0xa] =	wrdreg s21  }
0x1c: {  	s30 =	simm.s32 $0xE438;
	s24 =	sadd.s32 $0x1800, s2;
	[dreg:$0xb] =	wrdreg s22  }
0x1d: {  	s31 =	simm.s32 $0x1;
	s9 =	sadd.s32 $0x94400, s2;
	[dreg:$0xf] =	wrdreg s24  }
0x1e: {  	s15 =	simm.s32 $0xE0B8;
	s2 =	sadd.s32 s4, s9;
	[dreg:$0xc] =	wrdreg s23  }
0x1f: {  	s9 =	simm.s32 $0xD6B8;
	s16 =	simm.s32 $0xDA38;
	[dreg:$0xd] =	wrdreg s25  }
0x20: {  	[dreg:$0xe] =	wrdreg s26;
	s17 =	simm.s32 $0xE138;
	s18 =	simm.s32 $0xDAB8  }
0x21: {  	s19 =	simm.s32 $0xE1B8;
	s20 =	simm.s32 $0xDB38;
	s21 =	simm.s32 $0xE238  }
0x22: {  	s22 =	simm.s32 $0xDBB8;
	s23 =	simm.s32 $0xE2B8;
	s24 =	simm.s32 $0xDC38  }
0x23: {  	s25 =	simm.s32 $0xE338;
	s26 =	simm.s32 $0xDCB8;
	s0 =	simm.s32 $0x0  }
.LBB2_1:
0x24: {  	s1 =	rddreg [dreg:$0x5]  }
0x25: {  	s8 =	rddreg [dreg:$0x6];
	s1 =	sadd.s32 s0, s1  }
0x26: {  	[tilespmem:s8], [sflag:$0x2] =	stream.linear.gather [hbm4b:s1+s5], $0x700, $0x38;
	[tilespmem:$0xEC38] =	vst v63  }
0x27: {  	_ =	swait.ge [sflag:s6], $0x700  }
0x28: {  	[sflag:s6] =	ssyncset.done $0x0  }
0x29: {  	s8 =	sadd.s32 s0, s2;
	[sflag:s6] =	ssyncadd.s32 $0xFFFFF900  }
0x2a: {  	[tilespmem:s9], [sflag:$0x2] =	stream.linear.gather [hbm4b:s8+s5], $0x700, $0x38;
	[tilespmem:$0xEC38] =	vst v63  }
0x2b: {  	_ =	swait.ge [sflag:s6], $0x700  }
0x2c: {  	[sflag:s6] =	ssyncset.done $0x0  }
0x2d: {  	[sflag:s6] =	ssyncadd.s32 $0xFFFFF900  }
0x2e: {  	v0 =	vld [tilespmem:$0xCFB8];
	_ =	sdelay $0x5  }
0x2f: {  	v1 =	vld [tilespmem:$0xCFC8];
	_ =	sdelay $0x1  }
0x30: {  	v0 =	vld.idx.msk [tilespmem:v0+s7+$0x0], $0xffff;
	_ =	sdelay $0x3  }
0x31: {  	v2 =	vld [tilespmem:$0xCFD8]  }
0x32: {  	[tilespmem:$0xDDB8] =	vst v0  }
0x33: {  	v0 =	vld.idx.msk [tilespmem:v1+s7+$0x0], $0xffff;
	_ =	sdelay $0x3  }
0x34: {  	v15 =	vld [tilespmem:$0xCFE8]  }
0x35: {  	[tilespmem:$0xDDC8] =	vst v0  }
0x36: {  	v0 =	vld.idx.msk [tilespmem:v2+s7+$0x0], $0xffff;
	_ =	sdelay $0x3  }
0x37: {  	v16 =	vld [tilespmem:$0xCFF8]  }
0x38: {  	[tilespmem:$0xDDD8] =	vst v0  }
0x39: {  	v0 =	vld.idx.msk [tilespmem:v15+s7+$0x0], $0xffff;
	_ =	sdelay $0x3  }
0x3a: {  	v17 =	vld [tilespmem:$0xD008]  }
0x3b: {  	[tilespmem:$0xDDE8] =	vst v0  }
0x3c: {  	v0 =	vld.idx.msk [tilespmem:v16+s7+$0x0], $0xffff;
	_ =	sdelay $0x3  }
0x3d: {  	v18 =	vld [tilespmem:$0xD018]  }
0x3e: {  	[tilespmem:$0xDDF8] =	vst v0  }
0x3f: {  	v0 =	vld.idx.msk [tilespmem:v17+s7+$0x0], $0xffff;
	_ =	sdelay $0x3  }
0x40: {  	v19 =	vld [tilespmem:$0xD028]  }
0x41: {  	[tilespmem:$0xDE08] =	vst v0  }
0x42: {  	v0 =	vld.idx.msk [tilespmem:v18+s7+$0x0], $0xffff;
	_ =	sdelay $0x4  }
0x43: {  	[tilespmem:$0xDE18] =	vst v0  }
0x44: {  	v0 =	vld.idx.msk [tilespmem:v19+s7+$0x0], $0xffff;
	_ =	sdelay $0x4  }
0x45: {  	s8 =	rddreg [dreg:$0x7];
	[tilespmem:$0xDE28] =	vst v0  }
0x46: {  	[spmem:s3] =	stream.indirect.scatter.add.f32 [tilespmem:s8], [sflag:$0x1], $0x1, s9, s10, $0xb8;
	[tilespmem:$0xEC38] =	vst v63  }
0x47: {  	v20 =	vld [tilespmem:$0xD038];
	_ =	sdelay $0x5  }
0x48: {  	v21 =	vld [tilespmem:$0xD048];
	_ =	sdelay $0x1  }
0x49: {  	v0 =	vld.idx.msk [tilespmem:v20+s7+$0x0], $0xffff;
	_ =	sdelay $0x3  }
0x4a: {  	v22 =	vld [tilespmem:$0xD058]  }
0x4b: {  	[tilespmem:$0xDE38] =	vst v0  }
0x4c: {  	v0 =	vld.idx.msk [tilespmem:v21+s7+$0x0], $0xffff;
	_ =	sdelay $0x3  }
0x4d: {  	v23 =	vld [tilespmem:$0xD068]  }
0x4e: {  	[tilespmem:$0xDE48] =	vst v0  }
0x4f: {  	v0 =	vld.idx.msk [tilespmem:v22+s7+$0x0], $0xffff;
	_ =	sdelay $0x3  }
0x50: {  	v24 =	vld [tilespmem:$0xD078]  }
0x51: {  	[tilespmem:$0xDE58] =	vst v0  }
0x52: {  	v0 =	vld.idx.msk [tilespmem:v23+s7+$0x0], $0xffff;
	_ =	sdelay $0x3  }
0x53: {  	v25 =	vld [tilespmem:$0xD088]  }
0x54: {  	[tilespmem:$0xDE68] =	vst v0  }
0x55: {  	v0 =	vld.idx.msk [tilespmem:v24+s7+$0x0], $0xffff;
	_ =	sdelay $0x3  }
0x56: {  	v26 =	vld [tilespmem:$0xD098]  }
0x57: {  	[tilespmem:$0xDE78] =	vst v0  }
0x58: {  	v0 =	vld.idx.msk [tilespmem:v25+s7+$0x0], $0xffff;
	_ =	sdelay $0x3  }
0x59: {  	v27 =	vld [tilespmem:$0xD0A8]  }
0x5a: {  	[tilespmem:$0xDE88] =	vst v0  }
0x5b: {  	v0 =	vld.idx.msk [tilespmem:v26+s7+$0x0], $0xffff;
	_ =	sdelay $0x4  }
0x5c: {  	[tilespmem:$0xDE98] =	vst v0  }
0x5d: {  	v0 =	vld.idx.msk [tilespmem:v27+s7+$0x0], $0xffff;
	_ =	sdelay $0x3  }
0x5e: {  	s1 =	rddreg [dreg:$0x8]  }
0x5f: {  	s8 =	rddreg [dreg:$0x9];
	[tilespmem:$0xDEA8] =	vst v0  }
0x60: {  	[spmem:s3] =	stream.indirect.scatter.add.f32 [tilespmem:s8], [sflag:$0x1], $0x1, s1, s10, $0xb8;
	[tilespmem:$0xEC38] =	vst v63  }
0x61: {  	v28 =	vld [tilespmem:$0xD0B8];
	_ =	sdelay $0x5  }
0x62: {  	v29 =	vld [tilespmem:$0xD0C8];
	_ =	sdelay $0x1  }
0x63: {  	v0 =	vld.idx.msk [tilespmem:v28+s7+$0x0], $0xffff;
	_ =	sdelay $0x3  }
0x64: {  	v30 =	vld [tilespmem:$0xD0D8]  }
0x65: {  	[tilespmem:$0xDEB8] =	vst v0  }
0x66: {  	v0 =	vld.idx.msk [tilespmem:v29+s7+$0x0], $0xffff;
	_ =	sdelay $0x3  }
0x67: {  	v31 =	vld [tilespmem:$0xD0E8]  }
0x68: {  	[tilespmem:$0xDEC8] =	vst v0  }
0x69: {  	v0 =	vld.idx.msk [tilespmem:v30+s7+$0x0], $0xffff;
	_ =	sdelay $0x3  }
0x6a: {  	v32 =	vld [tilespmem:$0xD0F8]  }
0x6b: {  	[tilespmem:$0xDED8] =	vst v0  }
0x6c: {  	v0 =	vld.idx.msk [tilespmem:v31+s7+$0x0], $0xffff;
	_ =	sdelay $0x3  }
0x6d: {  	v33 =	vld [tilespmem:$0xD108]  }
0x6e: {  	[tilespmem:$0xDEE8] =	vst v0  }
0x6f: {  	v0 =	vld.idx.msk [tilespmem:v32+s7+$0x0], $0xffff;
	_ =	sdelay $0x3  }
0x70: {  	v34 =	vld [tilespmem:$0xD118]  }
0x71: {  	[tilespmem:$0xDEF8] =	vst v0  }
0x72: {  	v0 =	vld.idx.msk [tilespmem:v33+s7+$0x0], $0xffff;
	_ =	sdelay $0x3  }
0x73: {  	v35 =	vld [tilespmem:$0xD128]  }
0x74: {  	[tilespmem:$0xDF08] =	vst v0  }
0x75: {  	v0 =	vld.idx.msk [tilespmem:v34+s7+$0x0], $0xffff;
	_ =	sdelay $0x4  }
0x76: {  	[tilespmem:$0xDF18] =	vst v0  }
0x77: {  	v0 =	vld.idx.msk [tilespmem:v35+s7+$0x0], $0xffff;
	_ =	sdelay $0x3  }
0x78: {  	s1 =	rddreg [dreg:$0xa]  }
0x79: {  	s8 =	rddreg [dreg:$0xb];
	[tilespmem:$0xDF28] =	vst v0  }
0x7a: {  	[spmem:s3] =	stream.indirect.scatter.add.f32 [tilespmem:s8], [sflag:$0x1], $0x1, s1, s10, $0xb8;
	[tilespmem:$0xEC38] =	vst v63  }
0x7b: {  	v36 =	vld [tilespmem:$0xD138];
	_ =	sdelay $0x5  }
0x7c: {  	v37 =	vld [tilespmem:$0xD148];
	_ =	sdelay $0x1  }
0x7d: {  	v0 =	vld.idx.msk [tilespmem:v36+s7+$0x0], $0xffff;
	_ =	sdelay $0x3  }
0x7e: {  	v38 =	vld [tilespmem:$0xD158]  }
0x7f: {  	[tilespmem:$0xDF38] =	vst v0  }
0x80: {  	v0 =	vld.idx.msk [tilespmem:v37+s7+$0x0], $0xffff;
	_ =	sdelay $0x3  }
0x81: {  	v39 =	vld [tilespmem:$0xD168]  }
0x82: {  	[tilespmem:$0xDF48] =	vst v0  }
0x83: {  	v0 =	vld.idx.msk [tilespmem:v38+s7+$0x0], $0xffff;
	_ =	sdelay $0x3  }
0x84: {  	v40 =	vld [tilespmem:$0xD178]  }
0x85: {  	[tilespmem:$0xDF58] =	vst v0  }
0x86: {  	v0 =	vld.idx.msk [tilespmem:v39+s7+$0x0], $0xffff;
	_ =	sdelay $0x3  }
0x87: {  	v41 =	vld [tilespmem:$0xD188]  }
0x88: {  	[tilespmem:$0xDF68] =	vst v0  }
0x89: {  	v0 =	vld.idx.msk [tilespmem:v40+s7+$0x0], $0xffff;
	_ =	sdelay $0x3  }
0x8a: {  	v42 =	vld [tilespmem:$0xD198]  }
0x8b: {  	[tilespmem:$0xDF78] =	vst v0  }
0x8c: {  	v0 =	vld.idx.msk [tilespmem:v41+s7+$0x0], $0xffff;
	_ =	sdelay $0x3  }
0x8d: {  	v43 =	vld [tilespmem:$0xD1A8]  }
0x8e: {  	[tilespmem:$0xDF88] =	vst v0  }
0x8f: {  	v0 =	vld.idx.msk [tilespmem:v42+s7+$0x0], $0xffff;
	_ =	sdelay $0x4  }
0x90: {  	[tilespmem:$0xDF98] =	vst v0  }
0x91: {  	v0 =	vld.idx.msk [tilespmem:v43+s7+$0x0], $0xffff;
	_ =	sdelay $0x3  }
0x92: {  	s1 =	rddreg [dreg:$0xc]  }
0x93: {  	s8 =	rddreg [dreg:$0xd];
	[tilespmem:$0xDFA8] =	vst v0  }
0x94: {  	[spmem:s3] =	stream.indirect.scatter.add.f32 [tilespmem:s8], [sflag:$0x1], $0x1, s1, s10, $0xb8;
	[tilespmem:$0xEC38] =	vst v63  }
0x95: {  	v44 =	vld [tilespmem:$0xD1B8];
	_ =	sdelay $0x5  }
0x96: {  	v45 =	vld [tilespmem:$0xD1C8];
	_ =	sdelay $0x1  }
0x97: {  	v0 =	vld.idx.msk [tilespmem:v44+s7+$0x0], $0xffff;
	_ =	sdelay $0x3  }
0x98: {  	v46 =	vld [tilespmem:$0xD1D8]  }
0x99: {  	[tilespmem:$0xDFB8] =	vst v0  }
0x9a: {  	v0 =	vld.idx.msk [tilespmem:v45+s7+$0x0], $0xffff;
	_ =	sdelay $0x3  }
0x9b: {  	v47 =	vld [tilespmem:$0xD1E8]  }
0x9c: {  	[tilespmem:$0xDFC8] =	vst v0  }
0x9d: {  	v0 =	vld.idx.msk [tilespmem:v46+s7+$0x0], $0xffff;
	_ =	sdelay $0x3  }
0x9e: {  	v48 =	vld [tilespmem:$0xD1F8]  }
0x9f: {  	[tilespmem:$0xDFD8] =	vst v0  }
0xa0: {  	v0 =	vld.idx.msk [tilespmem:v47+s7+$0x0], $0xffff;
	_ =	sdelay $0x3  }
0xa1: {  	v49 =	vld [tilespmem:$0xD208]  }
0xa2: {  	[tilespmem:$0xDFE8] =	vst v0  }
0xa3: {  	v0 =	vld.idx.msk [tilespmem:v48+s7+$0x0], $0xffff;
	_ =	sdelay $0x3  }
0xa4: {  	v50 =	vld [tilespmem:$0xD218]  }
0xa5: {  	[tilespmem:$0xDFF8] =	vst v0  }
0xa6: {  	v0 =	vld.idx.msk [tilespmem:v49+s7+$0x0], $0xffff;
	_ =	sdelay $0x3  }
0xa7: {  	v51 =	vld [tilespmem:$0xD228]  }
0xa8: {  	[tilespmem:$0xE008] =	vst v0  }
0xa9: {  	v0 =	vld.idx.msk [tilespmem:v50+s7+$0x0], $0xffff;
	_ =	sdelay $0x4  }
0xaa: {  	[tilespmem:$0xE018] =	vst v0  }
0xab: {  	v0 =	vld.idx.msk [tilespmem:v51+s7+$0x0], $0xffff;
	_ =	sdelay $0x4  }
0xac: {  	s8 =	rddreg [dreg:$0xe];
	[tilespmem:$0xE028] =	vst v0  }
0xad: {  	[spmem:s3] =	stream.indirect.scatter.add.f32 [tilespmem:s11], [sflag:$0x1], $0x1, s8, s10, $0xb8;
	[tilespmem:$0xEC38] =	vst v63  }
0xae: {  	v52 =	vld [tilespmem:$0xD238];
	_ =	sdelay $0x5  }
0xaf: {  	v53 =	vld [tilespmem:$0xD248];
	_ =	sdelay $0x1  }
0xb0: {  	v0 =	vld.idx.msk [tilespmem:v52+s7+$0x0], $0xffff;
	_ =	sdelay $0x3  }
0xb1: {  	v54 =	vld [tilespmem:$0xD258]  }
0xb2: {  	[tilespmem:$0xE038] =	vst v0  }
0xb3: {  	v0 =	vld.idx.msk [tilespmem:v53+s7+$0x0], $0xffff;
	_ =	sdelay $0x3  }
0xb4: {  	v55 =	vld [tilespmem:$0xD268]  }
0xb5: {  	[tilespmem:$0xE048] =	vst v0  }
0xb6: {  	v0 =	vld.idx.msk [tilespmem:v54+s7+$0x0], $0xffff;
	_ =	sdelay $0x3  }
0xb7: {  	v56 =	vld [tilespmem:$0xD278]  }
0xb8: {  	[tilespmem:$0xE058] =	vst v0  }
0xb9: {  	v0 =	vld.idx.msk [tilespmem:v55+s7+$0x0], $0xffff;
	_ =	sdelay $0x3  }
0xba: {  	v57 =	vld [tilespmem:$0xD288]  }
0xbb: {  	[tilespmem:$0xE068] =	vst v0  }
0xbc: {  	v0 =	vld.idx.msk [tilespmem:v56+s7+$0x0], $0xffff;
	_ =	sdelay $0x3  }
0xbd: {  	v58 =	vld [tilespmem:$0xD298]  }
0xbe: {  	[tilespmem:$0xE078] =	vst v0  }
0xbf: {  	v0 =	vld.idx.msk [tilespmem:v57+s7+$0x0], $0xffff;
	_ =	sdelay $0x3  }
0xc0: {  	v59 =	vld [tilespmem:$0xD2A8]  }
0xc1: {  	[tilespmem:$0xE088] =	vst v0  }
0xc2: {  	v0 =	vld.idx.msk [tilespmem:v58+s7+$0x0], $0xffff;
	_ =	sdelay $0x4  }
0xc3: {  	[tilespmem:$0xE098] =	vst v0  }
0xc4: {  	v0 =	vld.idx.msk [tilespmem:v59+s7+$0x0], $0xffff;
	_ =	sdelay $0x4  }
0xc5: {  	[tilespmem:$0xE0A8] =	vst v0  }
0xc6: {  	[spmem:s3] =	stream.indirect.scatter.add.f32 [tilespmem:s13], [sflag:$0x1], $0x1, s12, s10, $0xb8;
	[tilespmem:$0xEC38] =	vst v63  }
0xc7: {  	v60 =	vld [tilespmem:$0xD2B8];
	_ =	sdelay $0x5  }
0xc8: {  	v61 =	vld [tilespmem:$0xD2C8];
	_ =	sdelay $0x1  }
0xc9: {  	v0 =	vld.idx.msk [tilespmem:v60+s7+$0x0], $0xffff;
	_ =	sdelay $0x3  }
0xca: {  	v62 =	vld [tilespmem:$0xD2D8]  }
0xcb: {  	[tilespmem:$0xE0B8] =	vst v0  }
0xcc: {  	v0 =	vld.idx.msk [tilespmem:v61+s7+$0x0], $0xffff;
	_ =	sdelay $0x3  }
0xcd: {  	v63 =	vld [tilespmem:$0xD2E8]  }
0xce: {  	[tilespmem:$0xE0C8] =	vst v0  }
0xcf: {  	v0 =	vld.idx.msk [tilespmem:v62+s7+$0x0], $0xffff;
	_ =	sdelay $0x3  }
0xd0: {  	v4 =	vld [tilespmem:$0xD2F8]  }
0xd1: {  	[tilespmem:$0xE0D8] =	vst v0  }
0xd2: {  	v0 =	vld.idx.msk [tilespmem:v63+s7+$0x0], $0xffff;
	_ =	sdelay $0x3  }
0xd3: {  	v5 =	vld [tilespmem:$0xD308]  }
0xd4: {  	[tilespmem:$0xE0E8] =	vst v0  }
0xd5: {  	v0 =	vld.idx.msk [tilespmem:v4+s7+$0x0], $0xffff;
	_ =	sdelay $0x3  }
0xd6: {  	v6 =	vld [tilespmem:$0xD318]  }
0xd7: {  	[tilespmem:$0xE0F8] =	vst v0  }
0xd8: {  	v0 =	vld.idx.msk [tilespmem:v5+s7+$0x0], $0xffff;
	_ =	sdelay $0x3  }
0xd9: {  	v7 =	vld [tilespmem:$0xD328]  }
0xda: {  	[tilespmem:$0xE108] =	vst v0  }
0xdb: {  	v0 =	vld.idx.msk [tilespmem:v6+s7+$0x0], $0xffff;
	_ =	sdelay $0x4  }
0xdc: {  	[tilespmem:$0xE118] =	vst v0  }
0xdd: {  	v0 =	vld.idx.msk [tilespmem:v7+s7+$0x0], $0xffff;
	_ =	sdelay $0x4  }
0xde: {  	[tilespmem:$0xE128] =	vst v0  }
0xdf: {  	[spmem:s3] =	stream.indirect.scatter.add.f32 [tilespmem:s15], [sflag:$0x1], $0x1, s14, s10, $0xb8;
	[tilespmem:$0xEC38] =	vst v63  }
0xe0: {  	v8 =	vld [tilespmem:$0xD338];
	_ =	sdelay $0x5  }
0xe1: {  	v9 =	vld [tilespmem:$0xD348];
	_ =	sdelay $0x1  }
0xe2: {  	v0 =	vld.idx.msk [tilespmem:v8+s7+$0x0], $0xffff;
	_ =	sdelay $0x3  }
0xe3: {  	v10 =	vld [tilespmem:$0xD358]  }
0xe4: {  	[tilespmem:$0xE138] =	vst v0  }
0xe5: {  	v0 =	vld.idx.msk [tilespmem:v9+s7+$0x0], $0xffff;
	_ =	sdelay $0x3  }
0xe6: {  	v11 =	vld [tilespmem:$0xD368]  }
0xe7: {  	[tilespmem:$0xE148] =	vst v0  }
0xe8: {  	v0 =	vld.idx.msk [tilespmem:v10+s7+$0x0], $0xffff;
	_ =	sdelay $0x3  }
0xe9: {  	v12 =	vld [tilespmem:$0xD378]  }
0xea: {  	[tilespmem:$0xE158] =	vst v0  }
0xeb: {  	v0 =	vld.idx.msk [tilespmem:v11+s7+$0x0], $0xffff;
	_ =	sdelay $0x3  }
0xec: {  	v13 =	vld [tilespmem:$0xD388]  }
0xed: {  	[tilespmem:$0xE168] =	vst v0  }
0xee: {  	v0 =	vld.idx.msk [tilespmem:v12+s7+$0x0], $0xffff;
	_ =	sdelay $0x3  }
0xef: {  	v14 =	vld [tilespmem:$0xD398]  }
0xf0: {  	[tilespmem:$0xE178] =	vst v0  }
0xf1: {  	v0 =	vld.idx.msk [tilespmem:v13+s7+$0x0], $0xffff;
	_ =	sdelay $0x3  }
0xf2: {  	v15 =	vld [tilespmem:$0xD3A8]  }
0xf3: {  	[tilespmem:$0xE188] =	vst v0  }
0xf4: {  	v0 =	vld.idx.msk [tilespmem:v14+s7+$0x0], $0xffff;
	_ =	sdelay $0x4  }
0xf5: {  	[tilespmem:$0xE198] =	vst v0  }
0xf6: {  	v0 =	vld.idx.msk [tilespmem:v15+s7+$0x0], $0xffff;
	_ =	sdelay $0x4  }
0xf7: {  	[tilespmem:$0xE1A8] =	vst v0  }
0xf8: {  	[spmem:s3] =	stream.indirect.scatter.add.f32 [tilespmem:s17], [sflag:$0x1], $0x1, s16, s10, $0xb8;
	[tilespmem:$0xEC38] =	vst v63  }
0xf9: {  	v16 =	vld [tilespmem:$0xD3B8];
	_ =	sdelay $0x5  }
0xfa: {  	v17 =	vld [tilespmem:$0xD3C8];
	_ =	sdelay $0x1  }
0xfb: {  	v0 =	vld.idx.msk [tilespmem:v16+s7+$0x0], $0xffff;
	_ =	sdelay $0x3  }
0xfc: {  	v18 =	vld [tilespmem:$0xD3D8]  }
0xfd: {  	[tilespmem:$0xE1B8] =	vst v0  }
0xfe: {  	v0 =	vld.idx.msk [tilespmem:v17+s7+$0x0], $0xffff;
	_ =	sdelay $0x3  }
0xff: {  	v19 =	vld [tilespmem:$0xD3E8]  }
0x100: {  	[tilespmem:$0xE1C8] =	vst v0  }
0x101: {  	v0 =	vld.idx.msk [tilespmem:v18+s7+$0x0], $0xffff;
	_ =	sdelay $0x3  }
0x102: {  	v20 =	vld [tilespmem:$0xD3F8]  }
0x103: {  	[tilespmem:$0xE1D8] =	vst v0  }
0x104: {  	v0 =	vld.idx.msk [tilespmem:v19+s7+$0x0], $0xffff;
	_ =	sdelay $0x3  }
0x105: {  	v21 =	vld [tilespmem:$0xD408]  }
0x106: {  	[tilespmem:$0xE1E8] =	vst v0  }
0x107: {  	v0 =	vld.idx.msk [tilespmem:v20+s7+$0x0], $0xffff;
	_ =	sdelay $0x3  }
0x108: {  	v22 =	vld [tilespmem:$0xD418]  }
0x109: {  	[tilespmem:$0xE1F8] =	vst v0  }
0x10a: {  	v0 =	vld.idx.msk [tilespmem:v21+s7+$0x0], $0xffff;
	_ =	sdelay $0x3  }
0x10b: {  	v23 =	vld [tilespmem:$0xD428]  }
0x10c: {  	[tilespmem:$0xE208] =	vst v0  }
0x10d: {  	v0 =	vld.idx.msk [tilespmem:v22+s7+$0x0], $0xffff;
	_ =	sdelay $0x4  }
0x10e: {  	[tilespmem:$0xE218] =	vst v0  }
0x10f: {  	v0 =	vld.idx.msk [tilespmem:v23+s7+$0x0], $0xffff;
	_ =	sdelay $0x4  }
0x110: {  	[tilespmem:$0xE228] =	vst v0  }
0x111: {  	[spmem:s3] =	stream.indirect.scatter.add.f32 [tilespmem:s19], [sflag:$0x1], $0x1, s18, s10, $0xb8;
	[tilespmem:$0xEC38] =	vst v63  }
0x112: {  	v24 =	vld [tilespmem:$0xD438];
	_ =	sdelay $0x5  }
0x113: {  	v25 =	vld [tilespmem:$0xD448];
	_ =	sdelay $0x1  }
0x114: {  	v0 =	vld.idx.msk [tilespmem:v24+s7+$0x0], $0xffff;
	_ =	sdelay $0x3  }
0x115: {  	v26 =	vld [tilespmem:$0xD458]  }
0x116: {  	[tilespmem:$0xE238] =	vst v0  }
0x117: {  	v0 =	vld.idx.msk [tilespmem:v25+s7+$0x0], $0xffff;
	_ =	sdelay $0x3  }
0x118: {  	v27 =	vld [tilespmem:$0xD468]  }
0x119: {  	[tilespmem:$0xE248] =	vst v0  }
0x11a: {  	v0 =	vld.idx.msk [tilespmem:v26+s7+$0x0], $0xffff;
	_ =	sdelay $0x3  }
0x11b: {  	v28 =	vld [tilespmem:$0xD478]  }
0x11c: {  	[tilespmem:$0xE258] =	vst v0  }
0x11d: {  	v0 =	vld.idx.msk [tilespmem:v27+s7+$0x0], $0xffff;
	_ =	sdelay $0x3  }
0x11e: {  	v29 =	vld [tilespmem:$0xD488]  }
0x11f: {  	[tilespmem:$0xE268] =	vst v0  }
0x120: {  	v0 =	vld.idx.msk [tilespmem:v28+s7+$0x0], $0xffff;
	_ =	sdelay $0x3  }
0x121: {  	v30 =	vld [tilespmem:$0xD498]  }
0x122: {  	[tilespmem:$0xE278] =	vst v0  }
0x123: {  	v0 =	vld.idx.msk [tilespmem:v29+s7+$0x0], $0xffff;
	_ =	sdelay $0x3  }
0x124: {  	v31 =	vld [tilespmem:$0xD4A8]  }
0x125: {  	[tilespmem:$0xE288] =	vst v0  }
0x126: {  	v0 =	vld.idx.msk [tilespmem:v30+s7+$0x0], $0xffff;
	_ =	sdelay $0x4  }
0x127: {  	[tilespmem:$0xE298] =	vst v0  }
0x128: {  	v0 =	vld.idx.msk [tilespmem:v31+s7+$0x0], $0xffff;
	_ =	sdelay $0x4  }
0x129: {  	[tilespmem:$0xE2A8] =	vst v0  }
0x12a: {  	[spmem:s3] =	stream.indirect.scatter.add.f32 [tilespmem:s21], [sflag:$0x1], $0x1, s20, s10, $0xb8;
	[tilespmem:$0xEC38] =	vst v63  }
0x12b: {  	v32 =	vld [tilespmem:$0xD4B8];
	_ =	sdelay $0x5  }
0x12c: {  	v33 =	vld [tilespmem:$0xD4C8];
	_ =	sdelay $0x1  }
0x12d: {  	v0 =	vld.idx.msk [tilespmem:v32+s7+$0x0], $0xffff;
	_ =	sdelay $0x3  }
0x12e: {  	v34 =	vld [tilespmem:$0xD4D8]  }
0x12f: {  	[tilespmem:$0xE2B8] =	vst v0  }
0x130: {  	v0 =	vld.idx.msk [tilespmem:v33+s7+$0x0], $0xffff;
	_ =	sdelay $0x3  }
0x131: {  	v35 =	vld [tilespmem:$0xD4E8]  }
0x132: {  	[tilespmem:$0xE2C8] =	vst v0  }
0x133: {  	v0 =	vld.idx.msk [tilespmem:v34+s7+$0x0], $0xffff;
	_ =	sdelay $0x3  }
0x134: {  	v36 =	vld [tilespmem:$0xD4F8]  }
0x135: {  	[tilespmem:$0xE2D8] =	vst v0  }
0x136: {  	v0 =	vld.idx.msk [tilespmem:v35+s7+$0x0], $0xffff;
	_ =	sdelay $0x3  }
0x137: {  	v37 =	vld [tilespmem:$0xD508]  }
0x138: {  	[tilespmem:$0xE2E8] =	vst v0  }
0x139: {  	v0 =	vld.idx.msk [tilespmem:v36+s7+$0x0], $0xffff;
	_ =	sdelay $0x3  }
0x13a: {  	v38 =	vld [tilespmem:$0xD518]  }
0x13b: {  	[tilespmem:$0xE2F8] =	vst v0  }
0x13c: {  	v0 =	vld.idx.msk [tilespmem:v37+s7+$0x0], $0xffff;
	_ =	sdelay $0x3  }
0x13d: {  	v39 =	vld [tilespmem:$0xD528]  }
0x13e: {  	[tilespmem:$0xE308] =	vst v0  }
0x13f: {  	v0 =	vld.idx.msk [tilespmem:v38+s7+$0x0], $0xffff;
	_ =	sdelay $0x4  }
0x140: {  	[tilespmem:$0xE318] =	vst v0  }
0x141: {  	v0 =	vld.idx.msk [tilespmem:v39+s7+$0x0], $0xffff;
	_ =	sdelay $0x4  }
0x142: {  	[tilespmem:$0xE328] =	vst v0  }
0x143: {  	[spmem:s3] =	stream.indirect.scatter.add.f32 [tilespmem:s23], [sflag:$0x1], $0x1, s22, s10, $0xb8;
	[tilespmem:$0xEC38] =	vst v63  }
0x144: {  	v40 =	vld [tilespmem:$0xD538];
	_ =	sdelay $0x5  }
0x145: {  	v41 =	vld [tilespmem:$0xD548];
	_ =	sdelay $0x1  }
0x146: {  	v0 =	vld.idx.msk [tilespmem:v40+s7+$0x0], $0xffff;
	_ =	sdelay $0x3  }
0x147: {  	v42 =	vld [tilespmem:$0xD558]  }
0x148: {  	[tilespmem:$0xE338] =	vst v0  }
0x149: {  	v0 =	vld.idx.msk [tilespmem:v41+s7+$0x0], $0xffff;
	_ =	sdelay $0x3  }
0x14a: {  	v43 =	vld [tilespmem:$0xD568]  }
0x14b: {  	[tilespmem:$0xE348] =	vst v0  }
0x14c: {  	v0 =	vld.idx.msk [tilespmem:v42+s7+$0x0], $0xffff;
	_ =	sdelay $0x3  }
0x14d: {  	v44 =	vld [tilespmem:$0xD578]  }
0x14e: {  	[tilespmem:$0xE358] =	vst v0  }
0x14f: {  	v0 =	vld.idx.msk [tilespmem:v43+s7+$0x0], $0xffff;
	_ =	sdelay $0x3  }
0x150: {  	v45 =	vld [tilespmem:$0xD588]  }
0x151: {  	[tilespmem:$0xE368] =	vst v0  }
0x152: {  	v0 =	vld.idx.msk [tilespmem:v44+s7+$0x0], $0xffff;
	_ =	sdelay $0x3  }
0x153: {  	v46 =	vld [tilespmem:$0xD598]  }
0x154: {  	[tilespmem:$0xE378] =	vst v0  }
0x155: {  	v0 =	vld.idx.msk [tilespmem:v45+s7+$0x0], $0xffff;
	_ =	sdelay $0x3  }
0x156: {  	v47 =	vld [tilespmem:$0xD5A8]  }
0x157: {  	[tilespmem:$0xE388] =	vst v0  }
0x158: {  	v0 =	vld.idx.msk [tilespmem:v46+s7+$0x0], $0xffff;
	_ =	sdelay $0x4  }
0x159: {  	[tilespmem:$0xE398] =	vst v0  }
0x15a: {  	v0 =	vld.idx.msk [tilespmem:v47+s7+$0x0], $0xffff;
	_ =	sdelay $0x4  }
0x15b: {  	[tilespmem:$0xE3A8] =	vst v0  }
0x15c: {  	[spmem:s3] =	stream.indirect.scatter.add.f32 [tilespmem:s25], [sflag:$0x1], $0x1, s24, s10, $0xb8;
	[tilespmem:$0xEC38] =	vst v63  }
0x15d: {  	v48 =	vld [tilespmem:$0xD5B8];
	_ =	sdelay $0x5  }
0x15e: {  	v49 =	vld [tilespmem:$0xD5C8];
	_ =	sdelay $0x1  }
0x15f: {  	v0 =	vld.idx.msk [tilespmem:v48+s7+$0x0], $0xffff;
	_ =	sdelay $0x3  }
0x160: {  	v50 =	vld [tilespmem:$0xD5D8]  }
0x161: {  	[tilespmem:$0xE3B8] =	vst v0  }
0x162: {  	v0 =	vld.idx.msk [tilespmem:v49+s7+$0x0], $0xffff;
	_ =	sdelay $0x3  }
0x163: {  	v51 =	vld [tilespmem:$0xD5E8]  }
0x164: {  	[tilespmem:$0xE3C8] =	vst v0  }
0x165: {  	v0 =	vld.idx.msk [tilespmem:v50+s7+$0x0], $0xffff;
	_ =	sdelay $0x3  }
0x166: {  	v52 =	vld [tilespmem:$0xD5F8]  }
0x167: {  	[tilespmem:$0xE3D8] =	vst v0  }
0x168: {  	v0 =	vld.idx.msk [tilespmem:v51+s7+$0x0], $0xffff;
	_ =	sdelay $0x3  }
0x169: {  	v53 =	vld [tilespmem:$0xD608]  }
0x16a: {  	[tilespmem:$0xE3E8] =	vst v0  }
0x16b: {  	v0 =	vld.idx.msk [tilespmem:v52+s7+$0x0], $0xffff;
	_ =	sdelay $0x3  }
0x16c: {  	v54 =	vld [tilespmem:$0xD618]  }
0x16d: {  	[tilespmem:$0xE3F8] =	vst v0  }
0x16e: {  	v0 =	vld.idx.msk [tilespmem:v53+s7+$0x0], $0xffff;
	_ =	sdelay $0x3  }
0x16f: {  	v55 =	vld [tilespmem:$0xD628]  }
0x170: {  	[tilespmem:$0xE408] =	vst v0  }
0x171: {  	v0 =	vld.idx.msk [tilespmem:v54+s7+$0x0], $0xffff;
	_ =	sdelay $0x4  }
0x172: {  	[tilespmem:$0xE418] =	vst v0  }
0x173: {  	v0 =	vld.idx.msk [tilespmem:v55+s7+$0x0], $0xffff;
	_ =	sdelay $0x4  }
0x174: {  	[tilespmem:$0xE428] =	vst v0  }
0x175: {  	[spmem:s3] =	stream.indirect.scatter.add.f32 [tilespmem:s28], [sflag:$0x1], $0x1, s26, s10, $0xb8;
	[tilespmem:$0xEC38] =	vst v63  }
0x176: {  	v56 =	vld [tilespmem:$0xD638];
	_ =	sdelay $0x5  }
0x177: {  	v57 =	vld [tilespmem:$0xD648];
	_ =	sdelay $0x1  }
0x178: {  	v0 =	vld.idx.msk [tilespmem:v56+s7+$0x0], $0xffff;
	_ =	sdelay $0x3  }
0x179: {  	v58 =	vld [tilespmem:$0xD658]  }
0x17a: {  	[tilespmem:$0xE438] =	vst v0  }
0x17b: {  	v0 =	vld.idx.msk [tilespmem:v57+s7+$0x0], $0xffff;
	_ =	sdelay $0x3  }
0x17c: {  	v59 =	vld [tilespmem:$0xD668]  }
0x17d: {  	[tilespmem:$0xE448] =	vst v0  }
0x17e: {  	v0 =	vld.idx.msk [tilespmem:v58+s7+$0x0], $0xffff;
	_ =	sdelay $0x3  }
0x17f: {  	v60 =	vld [tilespmem:$0xD678]  }
0x180: {  	[tilespmem:$0xE458] =	vst v0  }
0x181: {  	v0 =	vld.idx.msk [tilespmem:v59+s7+$0x0], $0xffff;
	_ =	sdelay $0x3  }
0x182: {  	v61 =	vld [tilespmem:$0xD688]  }
0x183: {  	[tilespmem:$0xE468] =	vst v0  }
0x184: {  	v0 =	vld.idx.msk [tilespmem:v60+s7+$0x0], $0xffff;
	_ =	sdelay $0x3  }
0x185: {  	v62 =	vld [tilespmem:$0xD698]  }
0x186: {  	[tilespmem:$0xE478] =	vst v0  }
0x187: {  	v0 =	vld.idx.msk [tilespmem:v61+s7+$0x0], $0xffff;
	_ =	sdelay $0x3  }
0x188: {  	v63 =	vld [tilespmem:$0xD6A8]  }
0x189: {  	[tilespmem:$0xE488] =	vst v0  }
0x18a: {  	v0 =	vld.idx.msk [tilespmem:v62+s7+$0x0], $0xffff;
	_ =	sdelay $0x4  }
0x18b: {  	[tilespmem:$0xE498] =	vst v0  }
0x18c: {  	v0 =	vld.idx.msk [tilespmem:v63+s7+$0x0], $0xffff;
	_ =	sdelay $0x4  }
0x18d: {  	[tilespmem:$0xE4A8] =	vst v0  }
0x18e: {  	[spmem:s3] =	stream.indirect.scatter.add.f32 [tilespmem:s30], [sflag:$0x1], $0x1, s29, s10, $0xb8;
	[tilespmem:$0xEC38] =	vst v63  }
0x18f: {  	_ =	swait.ge [sflag:s31], $0x80  }
0x190: {  	[sflag:s31] =	ssyncset.done $0x0  }
0x191: {  	[sflag:s31] =	ssyncadd.s32 $0xFFFFFF80  }
0x192: {  	_ =	swait.ge [sflag:s31], $0x80  }
0x193: {  	[sflag:s31] =	ssyncset.done $0x0  }
0x194: {  	[sflag:s31] =	ssyncadd.s32 $0xFFFFFF80  }
0x195: {  	_ =	swait.ge [sflag:s31], $0x80  }
0x196: {  	[sflag:s31] =	ssyncset.done $0x0  }
0x197: {  	[sflag:s31] =	ssyncadd.s32 $0xFFFFFF80  }
0x198: {  	_ =	swait.ge [sflag:s31], $0x80  }
0x199: {  	[sflag:s31] =	ssyncset.done $0x0  }
0x19a: {  	[sflag:s31] =	ssyncadd.s32 $0xFFFFFF80  }
0x19b: {  	_ =	swait.ge [sflag:s31], $0x80  }
0x19c: {  	[sflag:s31] =	ssyncset.done $0x0  }
0x19d: {  	[sflag:s31] =	ssyncadd.s32 $0xFFFFFF80  }
0x19e: {  	_ =	swait.ge [sflag:s31], $0x80  }
0x19f: {  	[sflag:s31] =	ssyncset.done $0x0  }
0x1a0: {  	[sflag:s31] =	ssyncadd.s32 $0xFFFFFF80  }
0x1a1: {  	_ =	swait.ge [sflag:s31], $0x80  }
0x1a2: {  	[sflag:s31] =	ssyncset.done $0x0  }
0x1a3: {  	[sflag:s31] =	ssyncadd.s32 $0xFFFFFF80  }
0x1a4: {  	_ =	swait.ge [sflag:s31], $0x80  }
0x1a5: {  	[sflag:s31] =	ssyncset.done $0x0  }
0x1a6: {  	[sflag:s31] =	ssyncadd.s32 $0xFFFFFF80  }
0x1a7: {  	_ =	swait.ge [sflag:s31], $0x80  }
0x1a8: {  	[sflag:s31] =	ssyncset.done $0x0  }
0x1a9: {  	[sflag:s31] =	ssyncadd.s32 $0xFFFFFF80  }
0x1aa: {  	_ =	swait.ge [sflag:s31], $0x80  }
0x1ab: {  	[sflag:s31] =	ssyncset.done $0x0  }
0x1ac: {  	[sflag:s31] =	ssyncadd.s32 $0xFFFFFF80  }
0x1ad: {  	_ =	swait.ge [sflag:s31], $0x80  }
0x1ae: {  	[sflag:s31] =	ssyncset.done $0x0  }
0x1af: {  	[sflag:s31] =	ssyncadd.s32 $0xFFFFFF80  }
0x1b0: {  	_ =	swait.ge [sflag:s31], $0x80  }
0x1b1: {  	[sflag:s31] =	ssyncset.done $0x0  }
0x1b2: {  	[sflag:s31] =	ssyncadd.s32 $0xFFFFFF80  }
0x1b3: {  	p0 =	sne.s32 s0, $0x17A0;
	_ =	swait.ge [sflag:s31], $0x80  }
.Ltmp0:
0x1b4: {  	[sflag:s31] =	ssyncset.done $0x0;
	(pc) =	sbr.rel @p0 .LBB2_1-.Ltmp0, $4  }
0x1b5: {  	[sflag:s31] =	ssyncadd.s32 $0xFFFFFF80  }
0x1b6: {  	_ =	swait.ge [sflag:s31], $0x80  }
0x1b7: {  	[sflag:s31] =	ssyncset.done $0x0  }
0x1b8: {  	s0 =	sadd.s32 $0xE0, s0;
	[sflag:s31] =	ssyncadd.s32 $0xFFFFFF80  }
0x1b9: {  	[bflag:$0x0] =	sbarrier.arrive $0xFFFF;
	s5 =	simm.s32 $0xC38  }
0x1ba: {  	[tilespmem:s5], [sflag:$0x2] =	stream.linear.gather [spmem:s3], $0xC380, $0x38;
	[tilespmem:$0xEC38] =	vst v63  }
0x1bb: {  	s3 =	simm.s32 $0x2  }
0x1bc: {  	_ =	swait.ge [sflag:s3], $0xC380  }
0x1bd: {  	[sflag:s3] =	ssyncset.done $0x0  }
0x1be: {  	[sflag:s3] =	ssyncadd.s32 $0xFFFF3C80  }
0x1bf: {  	v0 =	vld [tilespmem:$0xEBB8]  }
0x1c0: {  	v1 =	vld [tilespmem:$0xEBC8];
	_ =	sdelay $0x1  }
0x1c1: {  	v2 =	vld [tilespmem:$0xEBD8];
	_ =	sdelay $0x1  }
0x1c2: {  	v3 =	vld [tilespmem:$0xEBE8]  }
0x1c3: {  	v0 =	vadd.f32 v1, v0  }
0x1c4: {  	v1 =	vld [tilespmem:$0xEBF8]  }
0x1c5: {  	v0 =	vadd.f32 v2, v0  }
0x1c6: {  	v2 =	vld [tilespmem:$0xEC08]  }
0x1c7: {  	v0 =	vadd.f32 v3, v0  }
0x1c8: {  	v3 =	vld [tilespmem:$0xEC18]  }
0x1c9: {  	v0 =	vadd.f32 v1, v0  }
0x1ca: {  	v1 =	vld [tilespmem:$0xEC28]  }
0x1cb: {  	v0 =	vadd.f32 v2, v0;
	_ =	sdelay $0x1  }
0x1cc: {  	v0 =	vadd.f32 v3, v0;
	_ =	sdelay $0x1  }
0x1cd: {  	v0 =	vadd.f32 v1, v0;
	_ =	sdelay $0x1  }
0x1ce: {  	(xrf2) =	vadd.scan.msk.f32 $0xffff, v0;
	_ =	sdelay $0x9  }
0x1cf: {  	s6 =	simm.s32 $0x0;
	s7 =	simm.s32 $0xD6B8;
	s0 =	rddreg [dreg:$0xf];
	v0, _, _ =	vpop (xrf2)  }
0x1d0: {  	s8 =	simm.s32 $0xE4B8;
	s9 =	simm.s32 $0x0;
	s4 =	sadd.s32 s4, s0;
	v0 =	vbroadcast v0, $0xF  }
.LBB2_3:
0x1d1: {  	s0 =	sadd.s32 s9, s2  }
0x1d2: {  	[tilespmem:s7], [sflag:$0x2] =	stream.linear.gather [hbm4b:s0+s6], $0x700, $0x38;
	[tilespmem:$0xEC38] =	vst v63  }
0x1d3: {  	_ =	swait.ge [sflag:s3], $0x700  }
0x1d4: {  	[sflag:s3] =	ssyncset.done $0x0  }
0x1d5: {  	[sflag:s3] =	ssyncadd.s32 $0xFFFFF900  }
0x1d6: {  	v1 =	vld [tilespmem:$0xD6B8];
	_ =	sdelay $0x6  }
0x1d7: {  	v2 =	vld [tilespmem:$0xD6C8]  }
0x1d8: {  	v1 =	vld.idx.msk [tilespmem:v1+s5+$0x0], $0xffff;
	_ =	sdelay $0x4  }
0x1d9: {  	v1 =	vadd.f32 v1, v0;
	_ =	sdelay $0x1  }
0x1da: {  	[tilespmem:$0xE4B8] =	vst v1  }
0x1db: {  	v1 =	vld.idx.msk [tilespmem:v2+s5+$0x0], $0xffff  }
0x1dc: {  	v2 =	vld [tilespmem:$0xD6D8];
	_ =	sdelay $0x4  }
0x1dd: {  	v1 =	vadd.f32 v1, v0;
	_ =	sdelay $0x1  }
0x1de: {  	[tilespmem:$0xE4C8] =	vst v1  }
0x1df: {  	v1 =	vld.idx.msk [tilespmem:v2+s5+$0x0], $0xffff  }
0x1e0: {  	v2 =	vld [tilespmem:$0xD6E8];
	_ =	sdelay $0x4  }
0x1e1: {  	v1 =	vadd.f32 v1, v0;
	_ =	sdelay $0x1  }
0x1e2: {  	[tilespmem:$0xE4D8] =	vst v1  }
0x1e3: {  	v1 =	vld.idx.msk [tilespmem:v2+s5+$0x0], $0xffff  }
0x1e4: {  	v2 =	vld [tilespmem:$0xD6F8];
	_ =	sdelay $0x4  }
0x1e5: {  	v1 =	vadd.f32 v1, v0;
	_ =	sdelay $0x1  }
0x1e6: {  	[tilespmem:$0xE4E8] =	vst v1  }
0x1e7: {  	v1 =	vld.idx.msk [tilespmem:v2+s5+$0x0], $0xffff  }
0x1e8: {  	v2 =	vld [tilespmem:$0xD708];
	_ =	sdelay $0x4  }
0x1e9: {  	v1 =	vadd.f32 v1, v0;
	_ =	sdelay $0x1  }
0x1ea: {  	[tilespmem:$0xE4F8] =	vst v1  }
0x1eb: {  	v1 =	vld.idx.msk [tilespmem:v2+s5+$0x0], $0xffff  }
0x1ec: {  	v2 =	vld [tilespmem:$0xD718];
	_ =	sdelay $0x4  }
0x1ed: {  	v1 =	vadd.f32 v1, v0;
	_ =	sdelay $0x1  }
0x1ee: {  	[tilespmem:$0xE508] =	vst v1  }
0x1ef: {  	v1 =	vld.idx.msk [tilespmem:v2+s5+$0x0], $0xffff  }
0x1f0: {  	v2 =	vld [tilespmem:$0xD728];
	_ =	sdelay $0x4  }
0x1f1: {  	v1 =	vadd.f32 v1, v0;
	_ =	sdelay $0x1  }
0x1f2: {  	[tilespmem:$0xE518] =	vst v1  }
0x1f3: {  	v1 =	vld.idx.msk [tilespmem:v2+s5+$0x0], $0xffff  }
0x1f4: {  	v2 =	vld [tilespmem:$0xD738];
	_ =	sdelay $0x4  }
0x1f5: {  	v1 =	vadd.f32 v1, v0;
	_ =	sdelay $0x1  }
0x1f6: {  	[tilespmem:$0xE528] =	vst v1  }
0x1f7: {  	v1 =	vld.idx.msk [tilespmem:v2+s5+$0x0], $0xffff  }
0x1f8: {  	v2 =	vld [tilespmem:$0xD748];
	_ =	sdelay $0x4  }
0x1f9: {  	v1 =	vadd.f32 v1, v0;
	_ =	sdelay $0x1  }
0x1fa: {  	[tilespmem:$0xE538] =	vst v1  }
0x1fb: {  	v1 =	vld.idx.msk [tilespmem:v2+s5+$0x0], $0xffff  }
0x1fc: {  	v2 =	vld [tilespmem:$0xD758];
	_ =	sdelay $0x4  }
0x1fd: {  	v1 =	vadd.f32 v1, v0;
	_ =	sdelay $0x1  }
0x1fe: {  	[tilespmem:$0xE548] =	vst v1  }
0x1ff: {  	v1 =	vld.idx.msk [tilespmem:v2+s5+$0x0], $0xffff  }
0x200: {  	v2 =	vld [tilespmem:$0xD768];
	_ =	sdelay $0x4  }
0x201: {  	v1 =	vadd.f32 v1, v0;
	_ =	sdelay $0x1  }
0x202: {  	[tilespmem:$0xE558] =	vst v1  }
0x203: {  	v1 =	vld.idx.msk [tilespmem:v2+s5+$0x0], $0xffff  }
0x204: {  	v2 =	vld [tilespmem:$0xD778];
	_ =	sdelay $0x4  }
0x205: {  	v1 =	vadd.f32 v1, v0;
	_ =	sdelay $0x1  }
0x206: {  	[tilespmem:$0xE568] =	vst v1  }
0x207: {  	v1 =	vld.idx.msk [tilespmem:v2+s5+$0x0], $0xffff  }
0x208: {  	v2 =	vld [tilespmem:$0xD788];
	_ =	sdelay $0x4  }
0x209: {  	v1 =	vadd.f32 v1, v0;
	_ =	sdelay $0x1  }
0x20a: {  	[tilespmem:$0xE578] =	vst v1  }
0x20b: {  	v1 =	vld.idx.msk [tilespmem:v2+s5+$0x0], $0xffff  }
0x20c: {  	v2 =	vld [tilespmem:$0xD798];
	_ =	sdelay $0x4  }
0x20d: {  	v1 =	vadd.f32 v1, v0;
	_ =	sdelay $0x1  }
0x20e: {  	[tilespmem:$0xE588] =	vst v1  }
0x20f: {  	v1 =	vld.idx.msk [tilespmem:v2+s5+$0x0], $0xffff  }
0x210: {  	v2 =	vld [tilespmem:$0xD7A8];
	_ =	sdelay $0x4  }
0x211: {  	v1 =	vadd.f32 v1, v0;
	_ =	sdelay $0x1  }
0x212: {  	[tilespmem:$0xE598] =	vst v1  }
0x213: {  	v1 =	vld.idx.msk [tilespmem:v2+s5+$0x0], $0xffff  }
0x214: {  	v2 =	vld [tilespmem:$0xD7B8];
	_ =	sdelay $0x4  }
0x215: {  	v1 =	vadd.f32 v1, v0;
	_ =	sdelay $0x1  }
0x216: {  	[tilespmem:$0xE5A8] =	vst v1  }
0x217: {  	v1 =	vld.idx.msk [tilespmem:v2+s5+$0x0], $0xffff  }
0x218: {  	v2 =	vld [tilespmem:$0xD7C8];
	_ =	sdelay $0x4  }
0x219: {  	v1 =	vadd.f32 v1, v0;
	_ =	sdelay $0x1  }
0x21a: {  	[tilespmem:$0xE5B8] =	vst v1  }
0x21b: {  	v1 =	vld.idx.msk [tilespmem:v2+s5+$0x0], $0xffff  }
0x21c: {  	v2 =	vld [tilespmem:$0xD7D8];
	_ =	sdelay $0x4  }
0x21d: {  	v1 =	vadd.f32 v1, v0;
	_ =	sdelay $0x1  }
0x21e: {  	[tilespmem:$0xE5C8] =	vst v1  }
0x21f: {  	v1 =	vld.idx.msk [tilespmem:v2+s5+$0x0], $0xffff  }
0x220: {  	v2 =	vld [tilespmem:$0xD7E8];
	_ =	sdelay $0x4  }
0x221: {  	v1 =	vadd.f32 v1, v0;
	_ =	sdelay $0x1  }
0x222: {  	[tilespmem:$0xE5D8] =	vst v1  }
0x223: {  	v1 =	vld.idx.msk [tilespmem:v2+s5+$0x0], $0xffff  }
0x224: {  	v2 =	vld [tilespmem:$0xD7F8];
	_ =	sdelay $0x4  }
0x225: {  	v1 =	vadd.f32 v1, v0;
	_ =	sdelay $0x1  }
0x226: {  	[tilespmem:$0xE5E8] =	vst v1  }
0x227: {  	v1 =	vld.idx.msk [tilespmem:v2+s5+$0x0], $0xffff  }
0x228: {  	v2 =	vld [tilespmem:$0xD808];
	_ =	sdelay $0x4  }
0x229: {  	v1 =	vadd.f32 v1, v0;
	_ =	sdelay $0x1  }
0x22a: {  	[tilespmem:$0xE5F8] =	vst v1  }
0x22b: {  	v1 =	vld.idx.msk [tilespmem:v2+s5+$0x0], $0xffff  }
0x22c: {  	v2 =	vld [tilespmem:$0xD818];
	_ =	sdelay $0x4  }
0x22d: {  	v1 =	vadd.f32 v1, v0;
	_ =	sdelay $0x1  }
0x22e: {  	[tilespmem:$0xE608] =	vst v1  }
0x22f: {  	v1 =	vld.idx.msk [tilespmem:v2+s5+$0x0], $0xffff  }
0x230: {  	v2 =	vld [tilespmem:$0xD828];
	_ =	sdelay $0x4  }
0x231: {  	v1 =	vadd.f32 v1, v0;
	_ =	sdelay $0x1  }
0x232: {  	[tilespmem:$0xE618] =	vst v1  }
0x233: {  	v1 =	vld.idx.msk [tilespmem:v2+s5+$0x0], $0xffff  }
0x234: {  	v2 =	vld [tilespmem:$0xD838];
	_ =	sdelay $0x4  }
0x235: {  	v1 =	vadd.f32 v1, v0;
	_ =	sdelay $0x1  }
0x236: {  	[tilespmem:$0xE628] =	vst v1  }
0x237: {  	v1 =	vld.idx.msk [tilespmem:v2+s5+$0x0], $0xffff  }
0x238: {  	v2 =	vld [tilespmem:$0xD848];
	_ =	sdelay $0x4  }
0x239: {  	v1 =	vadd.f32 v1, v0;
	_ =	sdelay $0x1  }
0x23a: {  	[tilespmem:$0xE638] =	vst v1  }
0x23b: {  	v1 =	vld.idx.msk [tilespmem:v2+s5+$0x0], $0xffff  }
0x23c: {  	v2 =	vld [tilespmem:$0xD858];
	_ =	sdelay $0x4  }
0x23d: {  	v1 =	vadd.f32 v1, v0;
	_ =	sdelay $0x1  }
0x23e: {  	[tilespmem:$0xE648] =	vst v1  }
0x23f: {  	v1 =	vld.idx.msk [tilespmem:v2+s5+$0x0], $0xffff  }
0x240: {  	v2 =	vld [tilespmem:$0xD868];
	_ =	sdelay $0x4  }
0x241: {  	v1 =	vadd.f32 v1, v0;
	_ =	sdelay $0x1  }
0x242: {  	[tilespmem:$0xE658] =	vst v1  }
0x243: {  	v1 =	vld.idx.msk [tilespmem:v2+s5+$0x0], $0xffff  }
0x244: {  	v2 =	vld [tilespmem:$0xD878];
	_ =	sdelay $0x4  }
0x245: {  	v1 =	vadd.f32 v1, v0;
	_ =	sdelay $0x1  }
0x246: {  	[tilespmem:$0xE668] =	vst v1  }
0x247: {  	v1 =	vld.idx.msk [tilespmem:v2+s5+$0x0], $0xffff  }
0x248: {  	v2 =	vld [tilespmem:$0xD888];
	_ =	sdelay $0x4  }
0x249: {  	v1 =	vadd.f32 v1, v0;
	_ =	sdelay $0x1  }
0x24a: {  	[tilespmem:$0xE678] =	vst v1  }
0x24b: {  	v1 =	vld.idx.msk [tilespmem:v2+s5+$0x0], $0xffff  }
0x24c: {  	v2 =	vld [tilespmem:$0xD898];
	_ =	sdelay $0x4  }
0x24d: {  	v1 =	vadd.f32 v1, v0;
	_ =	sdelay $0x1  }
0x24e: {  	[tilespmem:$0xE688] =	vst v1  }
0x24f: {  	v1 =	vld.idx.msk [tilespmem:v2+s5+$0x0], $0xffff  }
0x250: {  	v2 =	vld [tilespmem:$0xD8A8];
	_ =	sdelay $0x4  }
0x251: {  	v1 =	vadd.f32 v1, v0;
	_ =	sdelay $0x1  }
0x252: {  	[tilespmem:$0xE698] =	vst v1  }
0x253: {  	v1 =	vld.idx.msk [tilespmem:v2+s5+$0x0], $0xffff  }
0x254: {  	v2 =	vld [tilespmem:$0xD8B8];
	_ =	sdelay $0x4  }
0x255: {  	v1 =	vadd.f32 v1, v0;
	_ =	sdelay $0x1  }
0x256: {  	[tilespmem:$0xE6A8] =	vst v1  }
0x257: {  	v1 =	vld.idx.msk [tilespmem:v2+s5+$0x0], $0xffff  }
0x258: {  	v2 =	vld [tilespmem:$0xD8C8];
	_ =	sdelay $0x4  }
0x259: {  	v1 =	vadd.f32 v1, v0;
	_ =	sdelay $0x1  }
0x25a: {  	[tilespmem:$0xE6B8] =	vst v1  }
0x25b: {  	v1 =	vld.idx.msk [tilespmem:v2+s5+$0x0], $0xffff  }
0x25c: {  	v2 =	vld [tilespmem:$0xD8D8];
	_ =	sdelay $0x4  }
0x25d: {  	v1 =	vadd.f32 v1, v0;
	_ =	sdelay $0x1  }
0x25e: {  	[tilespmem:$0xE6C8] =	vst v1  }
0x25f: {  	v1 =	vld.idx.msk [tilespmem:v2+s5+$0x0], $0xffff  }
0x260: {  	v2 =	vld [tilespmem:$0xD8E8];
	_ =	sdelay $0x4  }
0x261: {  	v1 =	vadd.f32 v1, v0;
	_ =	sdelay $0x1  }
0x262: {  	[tilespmem:$0xE6D8] =	vst v1  }
0x263: {  	v1 =	vld.idx.msk [tilespmem:v2+s5+$0x0], $0xffff  }
0x264: {  	v2 =	vld [tilespmem:$0xD8F8];
	_ =	sdelay $0x4  }
0x265: {  	v1 =	vadd.f32 v1, v0;
	_ =	sdelay $0x1  }
0x266: {  	[tilespmem:$0xE6E8] =	vst v1  }
0x267: {  	v1 =	vld.idx.msk [tilespmem:v2+s5+$0x0], $0xffff  }
0x268: {  	v2 =	vld [tilespmem:$0xD908];
	_ =	sdelay $0x4  }
0x269: {  	v1 =	vadd.f32 v1, v0;
	_ =	sdelay $0x1  }
0x26a: {  	[tilespmem:$0xE6F8] =	vst v1  }
0x26b: {  	v1 =	vld.idx.msk [tilespmem:v2+s5+$0x0], $0xffff  }
0x26c: {  	v2 =	vld [tilespmem:$0xD918];
	_ =	sdelay $0x4  }
0x26d: {  	v1 =	vadd.f32 v1, v0;
	_ =	sdelay $0x1  }
0x26e: {  	[tilespmem:$0xE708] =	vst v1  }
0x26f: {  	v1 =	vld.idx.msk [tilespmem:v2+s5+$0x0], $0xffff  }
0x270: {  	v2 =	vld [tilespmem:$0xD928];
	_ =	sdelay $0x4  }
0x271: {  	v1 =	vadd.f32 v1, v0;
	_ =	sdelay $0x1  }
0x272: {  	[tilespmem:$0xE718] =	vst v1  }
0x273: {  	v1 =	vld.idx.msk [tilespmem:v2+s5+$0x0], $0xffff  }
0x274: {  	v2 =	vld [tilespmem:$0xD938];
	_ =	sdelay $0x4  }
0x275: {  	v1 =	vadd.f32 v1, v0;
	_ =	sdelay $0x1  }
0x276: {  	[tilespmem:$0xE728] =	vst v1  }
0x277: {  	v1 =	vld.idx.msk [tilespmem:v2+s5+$0x0], $0xffff  }
0x278: {  	v2 =	vld [tilespmem:$0xD948];
	_ =	sdelay $0x4  }
0x279: {  	v1 =	vadd.f32 v1, v0;
	_ =	sdelay $0x1  }
0x27a: {  	[tilespmem:$0xE738] =	vst v1  }
0x27b: {  	v1 =	vld.idx.msk [tilespmem:v2+s5+$0x0], $0xffff  }
0x27c: {  	v2 =	vld [tilespmem:$0xD958];
	_ =	sdelay $0x4  }
0x27d: {  	v1 =	vadd.f32 v1, v0;
	_ =	sdelay $0x1  }
0x27e: {  	[tilespmem:$0xE748] =	vst v1  }
0x27f: {  	v1 =	vld.idx.msk [tilespmem:v2+s5+$0x0], $0xffff  }
0x280: {  	v2 =	vld [tilespmem:$0xD968];
	_ =	sdelay $0x4  }
0x281: {  	v1 =	vadd.f32 v1, v0;
	_ =	sdelay $0x1  }
0x282: {  	[tilespmem:$0xE758] =	vst v1  }
0x283: {  	v1 =	vld.idx.msk [tilespmem:v2+s5+$0x0], $0xffff  }
0x284: {  	v2 =	vld [tilespmem:$0xD978];
	_ =	sdelay $0x4  }
0x285: {  	v1 =	vadd.f32 v1, v0;
	_ =	sdelay $0x1  }
0x286: {  	[tilespmem:$0xE768] =	vst v1  }
0x287: {  	v1 =	vld.idx.msk [tilespmem:v2+s5+$0x0], $0xffff  }
0x288: {  	v2 =	vld [tilespmem:$0xD988];
	_ =	sdelay $0x4  }
0x289: {  	v1 =	vadd.f32 v1, v0;
	_ =	sdelay $0x1  }
0x28a: {  	[tilespmem:$0xE778] =	vst v1  }
0x28b: {  	v1 =	vld.idx.msk [tilespmem:v2+s5+$0x0], $0xffff  }
0x28c: {  	v2 =	vld [tilespmem:$0xD998];
	_ =	sdelay $0x4  }
0x28d: {  	v1 =	vadd.f32 v1, v0;
	_ =	sdelay $0x1  }
0x28e: {  	[tilespmem:$0xE788] =	vst v1  }
0x28f: {  	v1 =	vld.idx.msk [tilespmem:v2+s5+$0x0], $0xffff  }
0x290: {  	v2 =	vld [tilespmem:$0xD9A8];
	_ =	sdelay $0x4  }
0x291: {  	v1 =	vadd.f32 v1, v0;
	_ =	sdelay $0x1  }
0x292: {  	[tilespmem:$0xE798] =	vst v1  }
0x293: {  	v1 =	vld.idx.msk [tilespmem:v2+s5+$0x0], $0xffff  }
0x294: {  	v2 =	vld [tilespmem:$0xD9B8];
	_ =	sdelay $0x4  }
0x295: {  	v1 =	vadd.f32 v1, v0;
	_ =	sdelay $0x1  }
0x296: {  	[tilespmem:$0xE7A8] =	vst v1  }
0x297: {  	v1 =	vld.idx.msk [tilespmem:v2+s5+$0x0], $0xffff  }
0x298: {  	v2 =	vld [tilespmem:$0xD9C8];
	_ =	sdelay $0x4  }
0x299: {  	v1 =	vadd.f32 v1, v0;
	_ =	sdelay $0x1  }
0x29a: {  	[tilespmem:$0xE7B8] =	vst v1  }
0x29b: {  	v1 =	vld.idx.msk [tilespmem:v2+s5+$0x0], $0xffff  }
0x29c: {  	v2 =	vld [tilespmem:$0xD9D8];
	_ =	sdelay $0x4  }
0x29d: {  	v1 =	vadd.f32 v1, v0;
	_ =	sdelay $0x1  }
0x29e: {  	[tilespmem:$0xE7C8] =	vst v1  }
0x29f: {  	v1 =	vld.idx.msk [tilespmem:v2+s5+$0x0], $0xffff  }
0x2a0: {  	v2 =	vld [tilespmem:$0xD9E8];
	_ =	sdelay $0x4  }
0x2a1: {  	v1 =	vadd.f32 v1, v0;
	_ =	sdelay $0x1  }
0x2a2: {  	[tilespmem:$0xE7D8] =	vst v1  }
0x2a3: {  	v1 =	vld.idx.msk [tilespmem:v2+s5+$0x0], $0xffff  }
0x2a4: {  	v2 =	vld [tilespmem:$0xD9F8];
	_ =	sdelay $0x4  }
0x2a5: {  	v1 =	vadd.f32 v1, v0;
	_ =	sdelay $0x1  }
0x2a6: {  	[tilespmem:$0xE7E8] =	vst v1  }
0x2a7: {  	v1 =	vld.idx.msk [tilespmem:v2+s5+$0x0], $0xffff  }
0x2a8: {  	v2 =	vld [tilespmem:$0xDA08];
	_ =	sdelay $0x4  }
0x2a9: {  	v1 =	vadd.f32 v1, v0;
	_ =	sdelay $0x1  }
0x2aa: {  	[tilespmem:$0xE7F8] =	vst v1  }
0x2ab: {  	v1 =	vld.idx.msk [tilespmem:v2+s5+$0x0], $0xffff  }
0x2ac: {  	v2 =	vld [tilespmem:$0xDA18];
	_ =	sdelay $0x4  }
0x2ad: {  	v1 =	vadd.f32 v1, v0;
	_ =	sdelay $0x1  }
0x2ae: {  	[tilespmem:$0xE808] =	vst v1  }
0x2af: {  	v1 =	vld.idx.msk [tilespmem:v2+s5+$0x0], $0xffff  }
0x2b0: {  	v2 =	vld [tilespmem:$0xDA28];
	_ =	sdelay $0x4  }
0x2b1: {  	v1 =	vadd.f32 v1, v0;
	_ =	sdelay $0x1  }
0x2b2: {  	[tilespmem:$0xE818] =	vst v1  }
0x2b3: {  	v1 =	vld.idx.msk [tilespmem:v2+s5+$0x0], $0xffff  }
0x2b4: {  	v2 =	vld [tilespmem:$0xDA38];
	_ =	sdelay $0x4  }
0x2b5: {  	v1 =	vadd.f32 v1, v0;
	_ =	sdelay $0x1  }
0x2b6: {  	[tilespmem:$0xE828] =	vst v1  }
0x2b7: {  	v1 =	vld.idx.msk [tilespmem:v2+s5+$0x0], $0xffff  }
0x2b8: {  	v2 =	vld [tilespmem:$0xDA48];
	_ =	sdelay $0x4  }
0x2b9: {  	v1 =	vadd.f32 v1, v0;
	_ =	sdelay $0x1  }
0x2ba: {  	[tilespmem:$0xE838] =	vst v1  }
0x2bb: {  	v1 =	vld.idx.msk [tilespmem:v2+s5+$0x0], $0xffff  }
0x2bc: {  	v2 =	vld [tilespmem:$0xDA58];
	_ =	sdelay $0x4  }
0x2bd: {  	v1 =	vadd.f32 v1, v0;
	_ =	sdelay $0x1  }
0x2be: {  	[tilespmem:$0xE848] =	vst v1  }
0x2bf: {  	v1 =	vld.idx.msk [tilespmem:v2+s5+$0x0], $0xffff  }
0x2c0: {  	v2 =	vld [tilespmem:$0xDA68];
	_ =	sdelay $0x4  }
0x2c1: {  	v1 =	vadd.f32 v1, v0;
	_ =	sdelay $0x1  }
0x2c2: {  	[tilespmem:$0xE858] =	vst v1  }
0x2c3: {  	v1 =	vld.idx.msk [tilespmem:v2+s5+$0x0], $0xffff  }
0x2c4: {  	v2 =	vld [tilespmem:$0xDA78];
	_ =	sdelay $0x4  }
0x2c5: {  	v1 =	vadd.f32 v1, v0;
	_ =	sdelay $0x1  }
0x2c6: {  	[tilespmem:$0xE868] =	vst v1  }
0x2c7: {  	v1 =	vld.idx.msk [tilespmem:v2+s5+$0x0], $0xffff  }
0x2c8: {  	v2 =	vld [tilespmem:$0xDA88];
	_ =	sdelay $0x4  }
0x2c9: {  	v1 =	vadd.f32 v1, v0;
	_ =	sdelay $0x1  }
0x2ca: {  	[tilespmem:$0xE878] =	vst v1  }
0x2cb: {  	v1 =	vld.idx.msk [tilespmem:v2+s5+$0x0], $0xffff  }
0x2cc: {  	v2 =	vld [tilespmem:$0xDA98];
	_ =	sdelay $0x4  }
0x2cd: {  	v1 =	vadd.f32 v1, v0;
	_ =	sdelay $0x1  }
0x2ce: {  	[tilespmem:$0xE888] =	vst v1  }
0x2cf: {  	v1 =	vld.idx.msk [tilespmem:v2+s5+$0x0], $0xffff  }
0x2d0: {  	v2 =	vld [tilespmem:$0xDAA8];
	_ =	sdelay $0x4  }
0x2d1: {  	v1 =	vadd.f32 v1, v0;
	_ =	sdelay $0x1  }
0x2d2: {  	[tilespmem:$0xE898] =	vst v1  }
0x2d3: {  	v1 =	vld.idx.msk [tilespmem:v2+s5+$0x0], $0xffff  }
0x2d4: {  	v2 =	vld [tilespmem:$0xDAB8];
	_ =	sdelay $0x4  }
0x2d5: {  	v1 =	vadd.f32 v1, v0;
	_ =	sdelay $0x1  }
0x2d6: {  	[tilespmem:$0xE8A8] =	vst v1  }
0x2d7: {  	v1 =	vld.idx.msk [tilespmem:v2+s5+$0x0], $0xffff  }
0x2d8: {  	v2 =	vld [tilespmem:$0xDAC8];
	_ =	sdelay $0x4  }
0x2d9: {  	v1 =	vadd.f32 v1, v0;
	_ =	sdelay $0x1  }
0x2da: {  	[tilespmem:$0xE8B8] =	vst v1  }
0x2db: {  	v1 =	vld.idx.msk [tilespmem:v2+s5+$0x0], $0xffff  }
0x2dc: {  	v2 =	vld [tilespmem:$0xDAD8];
	_ =	sdelay $0x4  }
0x2dd: {  	v1 =	vadd.f32 v1, v0;
	_ =	sdelay $0x1  }
0x2de: {  	[tilespmem:$0xE8C8] =	vst v1  }
0x2df: {  	v1 =	vld.idx.msk [tilespmem:v2+s5+$0x0], $0xffff  }
0x2e0: {  	v2 =	vld [tilespmem:$0xDAE8];
	_ =	sdelay $0x4  }
0x2e1: {  	v1 =	vadd.f32 v1, v0;
	_ =	sdelay $0x1  }
0x2e2: {  	[tilespmem:$0xE8D8] =	vst v1  }
0x2e3: {  	v1 =	vld.idx.msk [tilespmem:v2+s5+$0x0], $0xffff  }
0x2e4: {  	v2 =	vld [tilespmem:$0xDAF8];
	_ =	sdelay $0x4  }
0x2e5: {  	v1 =	vadd.f32 v1, v0;
	_ =	sdelay $0x1  }
0x2e6: {  	[tilespmem:$0xE8E8] =	vst v1  }
0x2e7: {  	v1 =	vld.idx.msk [tilespmem:v2+s5+$0x0], $0xffff  }
0x2e8: {  	v2 =	vld [tilespmem:$0xDB08];
	_ =	sdelay $0x4  }
0x2e9: {  	v1 =	vadd.f32 v1, v0;
	_ =	sdelay $0x1  }
0x2ea: {  	[tilespmem:$0xE8F8] =	vst v1  }
0x2eb: {  	v1 =	vld.idx.msk [tilespmem:v2+s5+$0x0], $0xffff  }
0x2ec: {  	v2 =	vld [tilespmem:$0xDB18];
	_ =	sdelay $0x4  }
0x2ed: {  	v1 =	vadd.f32 v1, v0;
	_ =	sdelay $0x1  }
0x2ee: {  	[tilespmem:$0xE908] =	vst v1  }
0x2ef: {  	v1 =	vld.idx.msk [tilespmem:v2+s5+$0x0], $0xffff  }
0x2f0: {  	v2 =	vld [tilespmem:$0xDB28];
	_ =	sdelay $0x4  }
0x2f1: {  	v1 =	vadd.f32 v1, v0;
	_ =	sdelay $0x1  }
0x2f2: {  	[tilespmem:$0xE918] =	vst v1  }
0x2f3: {  	v1 =	vld.idx.msk [tilespmem:v2+s5+$0x0], $0xffff  }
0x2f4: {  	v2 =	vld [tilespmem:$0xDB38];
	_ =	sdelay $0x4  }
0x2f5: {  	v1 =	vadd.f32 v1, v0;
	_ =	sdelay $0x1  }
0x2f6: {  	[tilespmem:$0xE928] =	vst v1  }
0x2f7: {  	v1 =	vld.idx.msk [tilespmem:v2+s5+$0x0], $0xffff  }
0x2f8: {  	v2 =	vld [tilespmem:$0xDB48];
	_ =	sdelay $0x4  }
0x2f9: {  	v1 =	vadd.f32 v1, v0;
	_ =	sdelay $0x1  }
0x2fa: {  	[tilespmem:$0xE938] =	vst v1  }
0x2fb: {  	v1 =	vld.idx.msk [tilespmem:v2+s5+$0x0], $0xffff  }
0x2fc: {  	v2 =	vld [tilespmem:$0xDB58];
	_ =	sdelay $0x4  }
0x2fd: {  	v1 =	vadd.f32 v1, v0;
	_ =	sdelay $0x1  }
0x2fe: {  	[tilespmem:$0xE948] =	vst v1  }
0x2ff: {  	v1 =	vld.idx.msk [tilespmem:v2+s5+$0x0], $0xffff  }
0x300: {  	v2 =	vld [tilespmem:$0xDB68];
	_ =	sdelay $0x4  }
0x301: {  	v1 =	vadd.f32 v1, v0;
	_ =	sdelay $0x1  }
0x302: {  	[tilespmem:$0xE958] =	vst v1  }
0x303: {  	v1 =	vld.idx.msk [tilespmem:v2+s5+$0x0], $0xffff  }
0x304: {  	v2 =	vld [tilespmem:$0xDB78];
	_ =	sdelay $0x4  }
0x305: {  	v1 =	vadd.f32 v1, v0;
	_ =	sdelay $0x1  }
0x306: {  	[tilespmem:$0xE968] =	vst v1  }
0x307: {  	v1 =	vld.idx.msk [tilespmem:v2+s5+$0x0], $0xffff  }
0x308: {  	v2 =	vld [tilespmem:$0xDB88];
	_ =	sdelay $0x4  }
0x309: {  	v1 =	vadd.f32 v1, v0;
	_ =	sdelay $0x1  }
0x30a: {  	[tilespmem:$0xE978] =	vst v1  }
0x30b: {  	v1 =	vld.idx.msk [tilespmem:v2+s5+$0x0], $0xffff  }
0x30c: {  	v2 =	vld [tilespmem:$0xDB98];
	_ =	sdelay $0x4  }
0x30d: {  	v1 =	vadd.f32 v1, v0;
	_ =	sdelay $0x1  }
0x30e: {  	[tilespmem:$0xE988] =	vst v1  }
0x30f: {  	v1 =	vld.idx.msk [tilespmem:v2+s5+$0x0], $0xffff  }
0x310: {  	v2 =	vld [tilespmem:$0xDBA8];
	_ =	sdelay $0x4  }
0x311: {  	v1 =	vadd.f32 v1, v0;
	_ =	sdelay $0x1  }
0x312: {  	[tilespmem:$0xE998] =	vst v1  }
0x313: {  	v1 =	vld.idx.msk [tilespmem:v2+s5+$0x0], $0xffff  }
0x314: {  	v2 =	vld [tilespmem:$0xDBB8];
	_ =	sdelay $0x4  }
0x315: {  	v1 =	vadd.f32 v1, v0;
	_ =	sdelay $0x1  }
0x316: {  	[tilespmem:$0xE9A8] =	vst v1  }
0x317: {  	v1 =	vld.idx.msk [tilespmem:v2+s5+$0x0], $0xffff  }
0x318: {  	v2 =	vld [tilespmem:$0xDBC8];
	_ =	sdelay $0x4  }
0x319: {  	v1 =	vadd.f32 v1, v0;
	_ =	sdelay $0x1  }
0x31a: {  	[tilespmem:$0xE9B8] =	vst v1  }
0x31b: {  	v1 =	vld.idx.msk [tilespmem:v2+s5+$0x0], $0xffff  }
0x31c: {  	v2 =	vld [tilespmem:$0xDBD8];
	_ =	sdelay $0x4  }
0x31d: {  	v1 =	vadd.f32 v1, v0;
	_ =	sdelay $0x1  }
0x31e: {  	[tilespmem:$0xE9C8] =	vst v1  }
0x31f: {  	v1 =	vld.idx.msk [tilespmem:v2+s5+$0x0], $0xffff  }
0x320: {  	v2 =	vld [tilespmem:$0xDBE8];
	_ =	sdelay $0x4  }
0x321: {  	v1 =	vadd.f32 v1, v0;
	_ =	sdelay $0x1  }
0x322: {  	[tilespmem:$0xE9D8] =	vst v1  }
0x323: {  	v1 =	vld.idx.msk [tilespmem:v2+s5+$0x0], $0xffff  }
0x324: {  	v2 =	vld [tilespmem:$0xDBF8];
	_ =	sdelay $0x4  }
0x325: {  	v1 =	vadd.f32 v1, v0;
	_ =	sdelay $0x1  }
0x326: {  	[tilespmem:$0xE9E8] =	vst v1  }
0x327: {  	v1 =	vld.idx.msk [tilespmem:v2+s5+$0x0], $0xffff  }
0x328: {  	v2 =	vld [tilespmem:$0xDC08];
	_ =	sdelay $0x4  }
0x329: {  	v1 =	vadd.f32 v1, v0;
	_ =	sdelay $0x1  }
0x32a: {  	[tilespmem:$0xE9F8] =	vst v1  }
0x32b: {  	v1 =	vld.idx.msk [tilespmem:v2+s5+$0x0], $0xffff  }
0x32c: {  	v2 =	vld [tilespmem:$0xDC18];
	_ =	sdelay $0x4  }
0x32d: {  	v1 =	vadd.f32 v1, v0;
	_ =	sdelay $0x1  }
0x32e: {  	[tilespmem:$0xEA08] =	vst v1  }
0x32f: {  	v1 =	vld.idx.msk [tilespmem:v2+s5+$0x0], $0xffff  }
0x330: {  	v2 =	vld [tilespmem:$0xDC28];
	_ =	sdelay $0x4  }
0x331: {  	v1 =	vadd.f32 v1, v0;
	_ =	sdelay $0x1  }
0x332: {  	[tilespmem:$0xEA18] =	vst v1  }
0x333: {  	v1 =	vld.idx.msk [tilespmem:v2+s5+$0x0], $0xffff  }
0x334: {  	v2 =	vld [tilespmem:$0xDC38];
	_ =	sdelay $0x4  }
0x335: {  	v1 =	vadd.f32 v1, v0;
	_ =	sdelay $0x1  }
0x336: {  	[tilespmem:$0xEA28] =	vst v1  }
0x337: {  	v1 =	vld.idx.msk [tilespmem:v2+s5+$0x0], $0xffff  }
0x338: {  	v2 =	vld [tilespmem:$0xDC48];
	_ =	sdelay $0x4  }
0x339: {  	v1 =	vadd.f32 v1, v0;
	_ =	sdelay $0x1  }
0x33a: {  	[tilespmem:$0xEA38] =	vst v1  }
0x33b: {  	v1 =	vld.idx.msk [tilespmem:v2+s5+$0x0], $0xffff  }
0x33c: {  	v2 =	vld [tilespmem:$0xDC58];
	_ =	sdelay $0x4  }
0x33d: {  	v1 =	vadd.f32 v1, v0;
	_ =	sdelay $0x1  }
0x33e: {  	[tilespmem:$0xEA48] =	vst v1  }
0x33f: {  	v1 =	vld.idx.msk [tilespmem:v2+s5+$0x0], $0xffff  }
0x340: {  	v2 =	vld [tilespmem:$0xDC68];
	_ =	sdelay $0x4  }
0x341: {  	v1 =	vadd.f32 v1, v0;
	_ =	sdelay $0x1  }
0x342: {  	[tilespmem:$0xEA58] =	vst v1  }
0x343: {  	v1 =	vld.idx.msk [tilespmem:v2+s5+$0x0], $0xffff  }
0x344: {  	v2 =	vld [tilespmem:$0xDC78];
	_ =	sdelay $0x4  }
0x345: {  	v1 =	vadd.f32 v1, v0;
	_ =	sdelay $0x1  }
0x346: {  	[tilespmem:$0xEA68] =	vst v1  }
0x347: {  	v1 =	vld.idx.msk [tilespmem:v2+s5+$0x0], $0xffff  }
0x348: {  	v2 =	vld [tilespmem:$0xDC88];
	_ =	sdelay $0x4  }
0x349: {  	v1 =	vadd.f32 v1, v0;
	_ =	sdelay $0x1  }
0x34a: {  	[tilespmem:$0xEA78] =	vst v1  }
0x34b: {  	v1 =	vld.idx.msk [tilespmem:v2+s5+$0x0], $0xffff  }
0x34c: {  	v2 =	vld [tilespmem:$0xDC98];
	_ =	sdelay $0x4  }
0x34d: {  	v1 =	vadd.f32 v1, v0;
	_ =	sdelay $0x1  }
0x34e: {  	[tilespmem:$0xEA88] =	vst v1  }
0x34f: {  	v1 =	vld.idx.msk [tilespmem:v2+s5+$0x0], $0xffff  }
0x350: {  	v2 =	vld [tilespmem:$0xDCA8];
	_ =	sdelay $0x4  }
0x351: {  	v1 =	vadd.f32 v1, v0;
	_ =	sdelay $0x1  }
0x352: {  	[tilespmem:$0xEA98] =	vst v1  }
0x353: {  	v1 =	vld.idx.msk [tilespmem:v2+s5+$0x0], $0xffff  }
0x354: {  	v2 =	vld [tilespmem:$0xDCB8];
	_ =	sdelay $0x4  }
0x355: {  	v1 =	vadd.f32 v1, v0;
	_ =	sdelay $0x1  }
0x356: {  	[tilespmem:$0xEAA8] =	vst v1  }
0x357: {  	v1 =	vld.idx.msk [tilespmem:v2+s5+$0x0], $0xffff  }
0x358: {  	v2 =	vld [tilespmem:$0xDCC8];
	_ =	sdelay $0x4  }
0x359: {  	v1 =	vadd.f32 v1, v0;
	_ =	sdelay $0x1  }
0x35a: {  	[tilespmem:$0xEAB8] =	vst v1  }
0x35b: {  	v1 =	vld.idx.msk [tilespmem:v2+s5+$0x0], $0xffff  }
0x35c: {  	v2 =	vld [tilespmem:$0xDCD8];
	_ =	sdelay $0x4  }
0x35d: {  	v1 =	vadd.f32 v1, v0;
	_ =	sdelay $0x1  }
0x35e: {  	[tilespmem:$0xEAC8] =	vst v1  }
0x35f: {  	v1 =	vld.idx.msk [tilespmem:v2+s5+$0x0], $0xffff  }
0x360: {  	v2 =	vld [tilespmem:$0xDCE8];
	_ =	sdelay $0x4  }
0x361: {  	v1 =	vadd.f32 v1, v0;
	_ =	sdelay $0x1  }
0x362: {  	[tilespmem:$0xEAD8] =	vst v1  }
0x363: {  	v1 =	vld.idx.msk [tilespmem:v2+s5+$0x0], $0xffff  }
0x364: {  	v2 =	vld [tilespmem:$0xDCF8];
	_ =	sdelay $0x4  }
0x365: {  	v1 =	vadd.f32 v1, v0;
	_ =	sdelay $0x1  }
0x366: {  	[tilespmem:$0xEAE8] =	vst v1  }
0x367: {  	v1 =	vld.idx.msk [tilespmem:v2+s5+$0x0], $0xffff  }
0x368: {  	v2 =	vld [tilespmem:$0xDD08];
	_ =	sdelay $0x4  }
0x369: {  	v1 =	vadd.f32 v1, v0;
	_ =	sdelay $0x1  }
0x36a: {  	[tilespmem:$0xEAF8] =	vst v1  }
0x36b: {  	v1 =	vld.idx.msk [tilespmem:v2+s5+$0x0], $0xffff  }
0x36c: {  	v2 =	vld [tilespmem:$0xDD18];
	_ =	sdelay $0x4  }
0x36d: {  	v1 =	vadd.f32 v1, v0;
	_ =	sdelay $0x1  }
0x36e: {  	[tilespmem:$0xEB08] =	vst v1  }
0x36f: {  	v1 =	vld.idx.msk [tilespmem:v2+s5+$0x0], $0xffff  }
0x370: {  	v2 =	vld [tilespmem:$0xDD28];
	_ =	sdelay $0x4  }
0x371: {  	v1 =	vadd.f32 v1, v0;
	_ =	sdelay $0x1  }
0x372: {  	[tilespmem:$0xEB18] =	vst v1  }
0x373: {  	v1 =	vld.idx.msk [tilespmem:v2+s5+$0x0], $0xffff  }
0x374: {  	v2 =	vld [tilespmem:$0xDD38];
	_ =	sdelay $0x4  }
0x375: {  	v1 =	vadd.f32 v1, v0;
	_ =	sdelay $0x1  }
0x376: {  	[tilespmem:$0xEB28] =	vst v1  }
0x377: {  	v1 =	vld.idx.msk [tilespmem:v2+s5+$0x0], $0xffff  }
0x378: {  	v2 =	vld [tilespmem:$0xDD48];
	_ =	sdelay $0x4  }
0x379: {  	v1 =	vadd.f32 v1, v0;
	_ =	sdelay $0x1  }
0x37a: {  	[tilespmem:$0xEB38] =	vst v1  }
0x37b: {  	v1 =	vld.idx.msk [tilespmem:v2+s5+$0x0], $0xffff  }
0x37c: {  	v2 =	vld [tilespmem:$0xDD58];
	_ =	sdelay $0x4  }
0x37d: {  	v1 =	vadd.f32 v1, v0;
	_ =	sdelay $0x1  }
0x37e: {  	[tilespmem:$0xEB48] =	vst v1  }
0x37f: {  	v1 =	vld.idx.msk [tilespmem:v2+s5+$0x0], $0xffff  }
0x380: {  	v2 =	vld [tilespmem:$0xDD68];
	_ =	sdelay $0x4  }
0x381: {  	v1 =	vadd.f32 v1, v0;
	_ =	sdelay $0x1  }
0x382: {  	[tilespmem:$0xEB58] =	vst v1  }
0x383: {  	v1 =	vld.idx.msk [tilespmem:v2+s5+$0x0], $0xffff  }
0x384: {  	v2 =	vld [tilespmem:$0xDD78];
	_ =	sdelay $0x4  }
0x385: {  	v1 =	vadd.f32 v1, v0;
	_ =	sdelay $0x1  }
0x386: {  	[tilespmem:$0xEB68] =	vst v1  }
0x387: {  	v1 =	vld.idx.msk [tilespmem:v2+s5+$0x0], $0xffff  }
0x388: {  	v2 =	vld [tilespmem:$0xDD88];
	_ =	sdelay $0x4  }
0x389: {  	v1 =	vadd.f32 v1, v0;
	_ =	sdelay $0x1  }
0x38a: {  	[tilespmem:$0xEB78] =	vst v1  }
0x38b: {  	v1 =	vld.idx.msk [tilespmem:v2+s5+$0x0], $0xffff  }
0x38c: {  	v2 =	vld [tilespmem:$0xDD98];
	_ =	sdelay $0x4  }
0x38d: {  	v1 =	vadd.f32 v1, v0;
	_ =	sdelay $0x1  }
0x38e: {  	[tilespmem:$0xEB88] =	vst v1  }
0x38f: {  	v1 =	vld.idx.msk [tilespmem:v2+s5+$0x0], $0xffff  }
0x390: {  	v2 =	vld [tilespmem:$0xDDA8];
	_ =	sdelay $0x4  }
0x391: {  	v1 =	vadd.f32 v1, v0;
	_ =	sdelay $0x1  }
0x392: {  	[tilespmem:$0xEB98] =	vst v1  }
0x393: {  	v1 =	vld.idx.msk [tilespmem:v2+s5+$0x0], $0xffff;
	_ =	sdelay $0x4  }
0x394: {  	v1 =	vadd.f32 v1, v0  }
0x395: {  	p0 =	sne.s32 s9, $0x17A0  }
.Ltmp1:
0x396: {  	s31 =	sadd.s32 s9, s4;
	[tilespmem:$0xEBA8] =	vst v1;
	(pc) =	sbr.rel @p0 .LBB2_3-.Ltmp1, $4  }
0x397: {  	[hbm4b:s31+s6] =	stream.linear.scatter [tilespmem:s8], [sflag:$0x2], $0x700, $0x38;
	[tilespmem:$0xEC38] =	vst v63  }
0x398: {  	_ =	swait.ge [sflag:s3], $0x700  }
0x399: {  	[sflag:s3] =	ssyncset.done $0x0  }
0x39a: {  	s9 =	sadd.s32 $0xE0, s9;
	[sflag:s3] =	ssyncadd.s32 $0xFFFFF900  }
0x39b: {  	_ =	sfence.sel $0x180000  }
0x39c: {  	[bflag:$0x0] =	sbarrier.arrive $0xFFFF  }
0x39d: {  	_ =	strace $0x9000004A  }
0x39e: {  	s0 =	stileid.u32;
	[bflag:$0x2] =	sbarrier.arrive $0xFFFF  }
0x39f: {  	p0 =	sne.s32 s0, $0x0;
	s0 =	rddreg [dreg:$0x4]  }
0x3a0: {  	s0 =	sadd.s32 @!p0 $0x100000, s0  }
0x3a1: {  	[sflag:s0] =	ssyncadd.tile.s32 @!p0 $0x1;
	_ =	shalt  }
.Lfunc_end2:
_tile_overlayer_lowered:
.L_overlay_start_2:
0x3a2: {  	(tag) =	ssettag $0x2  }
0x3a3: {  	s0 =	rddreg [dreg:$0x0];
	s2 =	stileid.u32  }
0x3a4: {  	s1 =	rddreg [dreg:$0x1];
	p0 =	sne.s32 s2, $0x0  }
0x3a5: {  	s3 =	rddreg [dreg:$0x2];
	[bflag:$0x3] =	sbarrier.arrive $0xFFFF;
	s2 =	simm.s32 @!p0 $0x1C02  }
0x3a6: {  	[timem:s3], [sflag:s2] =	dma.local @!p0 [hbm:s0], s1  }
0x3a7: {  	s0 =	simm.s32 @!p0 $0x2  }
0x3a8: {  	_ =	swait.ge @!p0 [sflag:s0], s1  }
0x3a9: {  	s1 =	ssub.s32 @!p0 $0x0, s1;
	[sflag:s0] =	ssyncset.done @!p0 $0x0  }
0x3aa: {  	[sflag:s0] =	ssyncadd.s32 @!p0 s1  }
0x3ab: {  	[bflag:$0x3] =	sbarrier.arrive $0xFFFF  }
0x3ac: {  	_ =	shalt  }

</sc_bundles>
